<compile_context>
chip_gen: v7x
topology: tpu7x:2x2x1
jax: 0.10.2.dev20260603
libtpu: 0.0.44.dev20260713+nightly
codegen_flags: <defaults>
</compile_context>

<pallas_src>
import functools

import jax
import jax.numpy as jnp
from jax import lax
from jax.experimental import pallas as pl
from jax.experimental.pallas import tpu as pltpu
from jax.experimental.pallas import tpu_sc as plsc

TW = 2048


def _tp_body(in_ref, out_ref):
    out_ref[...] = in_ref[...].T


def _tc_transpose(tab_t, n):
    grid = (n + TW - 1) // TW
    return pl.pallas_call(
        _tp_body,
        grid=(grid,),
        in_specs=[pl.BlockSpec((64, TW), lambda i: (0, i))],
        out_specs=pl.BlockSpec((TW, 64), lambda i: (i, 0)),
        out_shape=jax.ShapeDtypeStruct((n, 64), jnp.float32),
    )(tab_t)

B = 16384
D = 64
N_AGE = 100
N_INCOME = 20
NC = 2
NS = 16
NW = NC * NS
BPW = B // NW
QR = BPW // 4
QB = QR // 16

A_PAD = 112
I_PAD = 32

_mesh = plsc.VectorSubcoreMesh(core_axis_name="c", subcore_axis_name="s")


@functools.partial(
    pl.kernel,
    mesh=_mesh,
    out_type=jax.ShapeDtypeStruct((B,), jnp.float32),
    compiler_params=pltpu.CompilerParams(needs_layout_passes=False),
    scratch_types=[
        pltpu.VMEM((BPW,), jnp.int32),
        pltpu.VMEM((BPW,), jnp.int32),
        pltpu.VMEM((BPW,), jnp.int32),
        pltpu.VMEM((BPW,), jnp.int32),
        pltpu.VMEM((264,), jnp.float32),
        pltpu.VMEM((QR, D), jnp.float32),
        pltpu.VMEM((QR, D), jnp.float32),
        pltpu.VMEM((QR, D), jnp.float32),
        pltpu.VMEM((QR, D), jnp.float32),
        pltpu.VMEM((A_PAD, D), jnp.float32),
        pltpu.VMEM((I_PAD, D), jnp.float32),
        pltpu.VMEM((A_PAD,), jnp.float32),
        pltpu.VMEM((I_PAD,), jnp.float32),
        pltpu.VMEM((BPW * 16,), jnp.float32),
        pltpu.VMEM((BPW,), jnp.float32),
        pltpu.SemaphoreType.DMA,
        pltpu.SemaphoreType.DMA,
        pltpu.SemaphoreType.DMA,
    ],
)
def _sc_recommender(user_hbm, item_hbm, age_hbm, inc_hbm,
                    utab_hbm, itab_hbm, atab_hbm, ntab_hbm, w_hbm,
                    out_hbm,
                    uidx_v, iidx_v, aidx_v, nidx_v, w_v,
                    ur_a, ur_b, ir_a, ir_b, atab_v, ntab_v,
                    proja_v, projn_v, part_v, out_v,
                    sem_t, sem_u, sem_i):
    wid = lax.axis_index("s") * NC + lax.axis_index("c")
    base = wid * BPW
    ri = lax.iota(jnp.int32, 16)

    pltpu.async_copy(atab_hbm, atab_v.at[pl.ds(0, N_AGE), :], sem_t)
    pltpu.async_copy(ntab_hbm, ntab_v.at[pl.ds(0, N_INCOME), :], sem_t)
    pltpu.sync_copy(user_hbm.at[pl.ds(base, BPW)], uidx_v)
    pltpu.sync_copy(item_hbm.at[pl.ds(base, BPW)], iidx_v)
    pltpu.sync_copy(age_hbm.at[pl.ds(base, BPW)], aidx_v)
    pltpu.sync_copy(inc_hbm.at[pl.ds(base, BPW)], nidx_v)
    pltpu.sync_copy(w_hbm, w_v)

    def issue_quarter(q, ubuf, ibuf):
        def blk(b, carry):
            gr = q * QR + b * 16
            uv = uidx_v[pl.ds(gr, 16)]
            iv = iidx_v[pl.ds(gr, 16)]
            for j in range(16):
                lr = b * 16 + j
                pltpu.async_copy(utab_hbm.at[pl.ds(uv[j], 1), :],
                                 ubuf.at[pl.ds(lr, 1), :], sem_u)
                pltpu.async_copy(itab_hbm.at[pl.ds(iv[j], 1), :],
                                 ibuf.at[pl.ds(lr, 1), :], sem_i)
            return carry

        lax.fori_loop(0, QB, blk, 0)

    def drain_quarter(ubuf, ibuf):
        def drow(r, carry):
            pltpu.make_async_copy(utab_hbm.at[pl.ds(0, 1), :],
                                  ubuf.at[pl.ds(r, 1), :], sem_u).wait()
            pltpu.make_async_copy(itab_hbm.at[pl.ds(0, 1), :],
                                  ibuf.at[pl.ds(r, 1), :], sem_i).wait()
            return carry

        lax.fori_loop(0, QR, drow, 0)

    wu = [w_v[pl.ds(16 * k, 16)] for k in range(4)]
    wi = [w_v[pl.ds(64 + 16 * k, 16)] for k in range(4)]

    def pass1_quarter(q, ubuf, ibuf):
        def p1(r, carry):
            p = ubuf[r, pl.ds(0, 16)] * wu[0]
            for k in range(1, 4):
                p = p + ubuf[r, pl.ds(16 * k, 16)] * wu[k]
            for k in range(4):
                p = p + ibuf[r, pl.ds(16 * k, 16)] * wi[k]
            part_v[pl.ds((q * QR + r) * 16, 16)] = p
            return carry

        lax.fori_loop(0, QR, p1, 0)

    issue_quarter(0, ur_a, ir_a)
    issue_quarter(1, ur_b, ir_b)

    pltpu.make_async_copy(atab_hbm, atab_v.at[pl.ds(0, N_AGE), :],
                          sem_t).wait()
    pltpu.make_async_copy(ntab_hbm, ntab_v.at[pl.ds(0, N_INCOME), :],
                          sem_t).wait()

    NGA = A_PAD // 16
    NGI = I_PAD // 16
    zero = jnp.zeros((16,), jnp.float32)

    def proj_body(d, accs):
        fd = jnp.full((16,), d, jnp.int32)
        wa = plsc.load_gather(w_v, [jnp.full((16,), 128 + d, jnp.int32)])
        wn = plsc.load_gather(w_v, [jnp.full((16,), 192 + d, jnp.int32)])
        out = []
        for g in range(NGA):
            col = plsc.load_gather(atab_v, [g * 16 + ri, fd])
            out.append(accs[g] + col * wa)
        for g in range(NGI):
            col = plsc.load_gather(ntab_v, [g * 16 + ri, fd])
            out.append(accs[NGA + g] + col * wn)
        return tuple(out)

    accs = lax.fori_loop(0, D, proj_body, (zero,) * (NGA + NGI))
    for g in range(NGA):
        proja_v[pl.ds(g * 16, 16)] = accs[g]
    for g in range(NGI):
        projn_v[pl.ds(g * 16, 16)] = accs[NGA + g]

    bufs = [(ur_a, ir_a), (ur_b, ir_b)]
    for q in range(4):
        ubuf, ibuf = bufs[q % 2]
        drain_quarter(ubuf, ibuf)
        pass1_quarter(q, ubuf, ibuf)
        if q + 2 < 4:
            issue_quarter(q + 2, ubuf, ibuf)

    bias = plsc.load_gather(w_v, [jnp.full((16,), 256, jnp.int32)])

    def p2_body(g, carry):
        rb = g * 16
        pidx = (rb + ri) * 16
        acc = bias
        for l in range(16):
            acc = acc + plsc.load_gather(part_v, [pidx + l])
        a_i = aidx_v[pl.ds(rb, 16)]
        n_i = nidx_v[pl.ds(rb, 16)]
        acc = acc + plsc.load_gather(proja_v, [a_i])
        acc = acc + plsc.load_gather(projn_v, [n_i])
        out_v[pl.ds(rb, 16)] = 1.0 / (1.0 + jnp.exp(-acc))
        return carry

    lax.fori_loop(0, BPW // 16, p2_body, 0)

    pltpu.sync_copy(out_v, out_hbm.at[pl.ds(base, BPW)])


def kernel(user, item, age, income, user_table, item_table,
           age_table, income_table, fc_w, fc_b):
    w = jnp.concatenate([
        fc_w.reshape(-1).astype(jnp.float32),
        fc_b.reshape(-1).astype(jnp.float32),
        jnp.zeros((7,), jnp.float32),
    ])
    ut = _tc_transpose(user_table.T, user_table.shape[0])
    it = _tc_transpose(item_table.T, item_table.shape[0])
    return _sc_recommender(
        user.astype(jnp.int32), item.astype(jnp.int32),
        age.astype(jnp.int32), income.astype(jnp.int32),
        ut, it, age_table, income_table, w)

# --- scband reference (transcript-rebuilt; emitter-appended) ---
"""Pipeline reference for scband-recommender-30288109371756 (READ-ONLY COPY).

The authoritative reference and input builder live on the scoring server;
editing this copy changes nothing except your own understanding.
"""

import jax, jax.numpy as jnp
import numpy as np

B = 16384
N_USERS = 1000000
N_ITEMS = 100000
N_AGE = 100
N_INCOME = 20
D = 64

def setup_inputs(seed: int = 0) -> dict:
    key = jax.random.key(seed)
    ks = jax.random.split(key, 10)
    user = jax.random.randint(ks[0], (B,), 0, N_USERS, dtype=jnp.int64 if jax.config.jax_enable_x64 else jnp.int32)
    item = jax.random.randint(ks[1], (B,), 0, N_ITEMS, dtype=jnp.int64 if jax.config.jax_enable_x64 else jnp.int32)
    age = jax.random.randint(ks[2], (B,), 0, N_AGE, dtype=jnp.int64 if jax.config.jax_enable_x64 else jnp.int32)
    income = jax.random.randint(ks[3], (B,), 0, N_INCOME, dtype=jnp.int64 if jax.config.jax_enable_x64 else jnp.int32)
    user_table = jax.random.normal(ks[4], (N_USERS, D), dtype=jnp.float32)
    item_table = jax.random.normal(ks[5], (N_ITEMS, D), dtype=jnp.float32)
    age_table = jax.random.normal(ks[6], (N_AGE, D), dtype=jnp.float32)
    income_table = jax.random.normal(ks[7], (N_INCOME, D), dtype=jnp.float32)
    fc_w = jax.random.normal(ks[8], (D * 4, 1), dtype=jnp.float32) * (1.0 / np.sqrt(D * 4))
    fc_b = jnp.zeros((1,), dtype=jnp.float32)
    return {"user": user, "item": item, "age": age, "income": income,
            "user_table": user_table, "item_table": item_table,
            "age_table": age_table, "income_table": income_table,
            "fc_w": fc_w, "fc_b": fc_b}

def reference(user, item, age, income, user_table, item_table, age_table, income_table, fc_w, fc_b):
    ue = jnp.take(user_table, user, axis=0)
    ie = jnp.take(item_table, item, axis=0)
    ae = jnp.take(age_table, age, axis=0)
    ne = jnp.take(income_table, income, axis=0)
    x = jnp.concatenate([ue, ie, ae, ne], axis=1)
    logits = x @ fc_w + fc_b
    return jnp.squeeze(jax.nn.sigmoid(logits))

if __name__ == "__main__":
    import jax
    _d = setup_inputs()
    print(jax.jit(kernel)(*tuple(_d.values())))

</pallas_src>

<mosaic_0001>
#map = affine_map<(d0, d1) -> (0)>
#map1 = affine_map<(d0, d1) -> (0, 0)>
module attributes {stable_mosaic.version = 14 : i64} {
  func.func @_sc_recommender(%arg0: i32, %arg1: i32, %arg2: memref<16384xi32, #tpu.memory_space<hbm>>, %arg3: memref<16384xi32, #tpu.memory_space<hbm>>, %arg4: memref<16384xi32, #tpu.memory_space<hbm>>, %arg5: memref<16384xi32, #tpu.memory_space<hbm>>, %arg6: memref<1000000x64xf32, #tpu.memory_space<hbm>>, %arg7: memref<100000x64xf32, #tpu.memory_space<hbm>>, %arg8: memref<100x64xf32, #tpu.memory_space<hbm>>, %arg9: memref<20x64xf32, #tpu.memory_space<hbm>>, %arg10: memref<264xf32, #tpu.memory_space<hbm>>, %arg11: memref<16384xf32, #tpu.memory_space<hbm>>, %arg12: memref<512xi32, #tpu.memory_space<vmem>>, %arg13: memref<512xi32, #tpu.memory_space<vmem>>, %arg14: memref<512xi32, #tpu.memory_space<vmem>>, %arg15: memref<512xi32, #tpu.memory_space<vmem>>, %arg16: memref<264xf32, #tpu.memory_space<vmem>>, %arg17: memref<128x64xf32, #tpu.memory_space<vmem>>, %arg18: memref<128x64xf32, #tpu.memory_space<vmem>>, %arg19: memref<128x64xf32, #tpu.memory_space<vmem>>, %arg20: memref<128x64xf32, #tpu.memory_space<vmem>>, %arg21: memref<112x64xf32, #tpu.memory_space<vmem>>, %arg22: memref<32x64xf32, #tpu.memory_space<vmem>>, %arg23: memref<112xf32, #tpu.memory_space<vmem>>, %arg24: memref<32xf32, #tpu.memory_space<vmem>>, %arg25: memref<8192xf32, #tpu.memory_space<vmem>>, %arg26: memref<512xf32, #tpu.memory_space<vmem>>, %arg27: memref<!tpu.dma_semaphore, #tpu.memory_space<semaphore_mem>>, %arg28: memref<!tpu.dma_semaphore, #tpu.memory_space<semaphore_mem>>, %arg29: memref<!tpu.dma_semaphore, #tpu.memory_space<semaphore_mem>>) attributes {dimension_semantics = [#tpu.dimension_semantics<core_parallel>, #tpu.dimension_semantics<subcore_parallel>], iteration_bounds = array<i64: 2, 16>, scalar_prefetch = 0 : i64, scratch_operands = 18 : i64, tpu.core_type = #tpu.core_type<sc_vector_subcore>, window_params = [{transform_indices = #map}, {transform_indices = #map}, {transform_indices = #map}, {transform_indices = #map}, {transform_indices = #map1}, {transform_indices = #map1}, {transform_indices = #map1}, {transform_indices = #map1}, {transform_indices = #map}, {transform_indices = #map}]} {
    %mul3A = arith.constant 2 : i32
    %mul3A_0 = arith.muli %arg1, %mul3A : i32
    %add3A = arith.addi %mul3A_0, %arg0 : i32
    %mul3A_1 = arith.constant 512 : i32
    %mul3A_2 = arith.muli %add3A, %mul3A_1 : i32
    %iota3A = tpu.iota {dimensions = array<i32: 0>} : vector<16xi32>
    %dma_start3A = arith.constant 0 : i32
    %dma_start3A_3 = arith.constant 0 : i32
    %dma_start3A_4 = tpu.memref_slice %arg21[%dma_start3A, %dma_start3A_3] : memref<112x64xf32, #tpu.memory_space<vmem>> -> memref<100x64xf32, #tpu.memory_space<vmem>>
    %dma_start3A_5 = arith.constant 0 : i32
    %dma_start3A_6 = arith.constant 0 : i32
    %dma_start3A_7 = tpu.memref_slice %arg21[%dma_start3A_5, %dma_start3A_6] : memref<112x64xf32, #tpu.memory_space<vmem>> -> memref<100x64xf32, #tpu.memory_space<vmem>>
    tpu.enqueue_dma source(%arg8 : memref<100x64xf32, #tpu.memory_space<hbm>>) target(%dma_start3A_7 : memref<100x64xf32, #tpu.memory_space<vmem>>) target_semaphore(%arg27 : memref<!tpu.dma_semaphore, #tpu.memory_space<semaphore_mem>>)
    %dma_start3A_8 = arith.constant 0 : i32
    %dma_start3A_9 = arith.constant 0 : i32
    %dma_start3A_10 = tpu.memref_slice %arg22[%dma_start3A_8, %dma_start3A_9] : memref<32x64xf32, #tpu.memory_space<vmem>> -> memref<20x64xf32, #tpu.memory_space<vmem>>
    %dma_start3A_11 = arith.constant 0 : i32
    %dma_start3A_12 = arith.constant 0 : i32
    %dma_start3A_13 = tpu.memref_slice %arg22[%dma_start3A_11, %dma_start3A_12] : memref<32x64xf32, #tpu.memory_space<vmem>> -> memref<20x64xf32, #tpu.memory_space<vmem>>
    tpu.enqueue_dma source(%arg9 : memref<20x64xf32, #tpu.memory_space<hbm>>) target(%dma_start3A_13 : memref<20x64xf32, #tpu.memory_space<vmem>>) target_semaphore(%arg27 : memref<!tpu.dma_semaphore, #tpu.memory_space<semaphore_mem>>)
    "tpu.region"() ({
      %run_scoped3A = tpu.sem_alloc : memref<!tpu.dma_semaphore, #tpu.memory_space<semaphore_mem>>
      %dma_start3A_143 = tpu.memref_slice %arg2[%mul3A_2] : memref<16384xi32, #tpu.memory_space<hbm>> -> memref<512xi32, #tpu.memory_space<hbm>>
      %dma_start3A_144 = tpu.memref_slice %arg2[%mul3A_2] : memref<16384xi32, #tpu.memory_space<hbm>> -> memref<512xi32, #tpu.memory_space<hbm>>
      tpu.enqueue_dma source(%dma_start3A_144 : memref<512xi32, #tpu.memory_space<hbm>>) target(%arg12 : memref<512xi32, #tpu.memory_space<vmem>>) target_semaphore(%run_scoped3A : memref<!tpu.dma_semaphore, #tpu.memory_space<semaphore_mem>>)
      %dma_wait3A_145 = tpu.memref_slice %arg2[%mul3A_2] : memref<16384xi32, #tpu.memory_space<hbm>> -> memref<512xi32, #tpu.memory_space<hbm>>
      %dma_wait3A_146 = tpu.memref_slice %arg2[%mul3A_2] : memref<16384xi32, #tpu.memory_space<hbm>> -> memref<512xi32, #tpu.memory_space<hbm>>
      tpu.wait_dma2 semaphore(%run_scoped3A : memref<!tpu.dma_semaphore, #tpu.memory_space<semaphore_mem>>) src(%dma_wait3A_146 : memref<512xi32, #tpu.memory_space<hbm>>) dst(%arg12 : memref<512xi32, #tpu.memory_space<vmem>>)
      tpu.yield
    }) : () -> ()
    "tpu.region"() ({
      %run_scoped3A = tpu.sem_alloc : memref<!tpu.dma_semaphore, #tpu.memory_space<semaphore_mem>>
      %dma_start3A_143 = tpu.memref_slice %arg3[%mul3A_2] : memref<16384xi32, #tpu.memory_space<hbm>> -> memref<512xi32, #tpu.memory_space<hbm>>
      %dma_start3A_144 = tpu.memref_slice %arg3[%mul3A_2] : memref<16384xi32, #tpu.memory_space<hbm>> -> memref<512xi32, #tpu.memory_space<hbm>>
      tpu.enqueue_dma source(%dma_start3A_144 : memref<512xi32, #tpu.memory_space<hbm>>) target(%arg13 : memref<512xi32, #tpu.memory_space<vmem>>) target_semaphore(%run_scoped3A : memref<!tpu.dma_semaphore, #tpu.memory_space<semaphore_mem>>)
      %dma_wait3A_145 = tpu.memref_slice %arg3[%mul3A_2] : memref<16384xi32, #tpu.memory_space<hbm>> -> memref<512xi32, #tpu.memory_space<hbm>>
      %dma_wait3A_146 = tpu.memref_slice %arg3[%mul3A_2] : memref<16384xi32, #tpu.memory_space<hbm>> -> memref<512xi32, #tpu.memory_space<hbm>>
      tpu.wait_dma2 semaphore(%run_scoped3A : memref<!tpu.dma_semaphore, #tpu.memory_space<semaphore_mem>>) src(%dma_wait3A_146 : memref<512xi32, #tpu.memory_space<hbm>>) dst(%arg13 : memref<512xi32, #tpu.memory_space<vmem>>)
      tpu.yield
    }) : () -> ()
    "tpu.region"() ({
      %run_scoped3A = tpu.sem_alloc : memref<!tpu.dma_semaphore, #tpu.memory_space<semaphore_mem>>
      %dma_start3A_143 = tpu.memref_slice %arg4[%mul3A_2] : memref<16384xi32, #tpu.memory_space<hbm>> -> memref<512xi32, #tpu.memory_space<hbm>>
      %dma_start3A_144 = tpu.memref_slice %arg4[%mul3A_2] : memref<16384xi32, #tpu.memory_space<hbm>> -> memref<512xi32, #tpu.memory_space<hbm>>
      tpu.enqueue_dma source(%dma_start3A_144 : memref<512xi32, #tpu.memory_space<hbm>>) target(%arg14 : memref<512xi32, #tpu.memory_space<vmem>>) target_semaphore(%run_scoped3A : memref<!tpu.dma_semaphore, #tpu.memory_space<semaphore_mem>>)
      %dma_wait3A_145 = tpu.memref_slice %arg4[%mul3A_2] : memref<16384xi32, #tpu.memory_space<hbm>> -> memref<512xi32, #tpu.memory_space<hbm>>
      %dma_wait3A_146 = tpu.memref_slice %arg4[%mul3A_2] : memref<16384xi32, #tpu.memory_space<hbm>> -> memref<512xi32, #tpu.memory_space<hbm>>
      tpu.wait_dma2 semaphore(%run_scoped3A : memref<!tpu.dma_semaphore, #tpu.memory_space<semaphore_mem>>) src(%dma_wait3A_146 : memref<512xi32, #tpu.memory_space<hbm>>) dst(%arg14 : memref<512xi32, #tpu.memory_space<vmem>>)
      tpu.yield
    }) : () -> ()
    "tpu.region"() ({
      %run_scoped3A = tpu.sem_alloc : memref<!tpu.dma_semaphore, #tpu.memory_space<semaphore_mem>>
      %dma_start3A_143 = tpu.memref_slice %arg5[%mul3A_2] : memref<16384xi32, #tpu.memory_space<hbm>> -> memref<512xi32, #tpu.memory_space<hbm>>
      %dma_start3A_144 = tpu.memref_slice %arg5[%mul3A_2] : memref<16384xi32, #tpu.memory_space<hbm>> -> memref<512xi32, #tpu.memory_space<hbm>>
      tpu.enqueue_dma source(%dma_start3A_144 : memref<512xi32, #tpu.memory_space<hbm>>) target(%arg15 : memref<512xi32, #tpu.memory_space<vmem>>) target_semaphore(%run_scoped3A : memref<!tpu.dma_semaphore, #tpu.memory_space<semaphore_mem>>)
      %dma_wait3A_145 = tpu.memref_slice %arg5[%mul3A_2] : memref<16384xi32, #tpu.memory_space<hbm>> -> memref<512xi32, #tpu.memory_space<hbm>>
      %dma_wait3A_146 = tpu.memref_slice %arg5[%mul3A_2] : memref<16384xi32, #tpu.memory_space<hbm>> -> memref<512xi32, #tpu.memory_space<hbm>>
      tpu.wait_dma2 semaphore(%run_scoped3A : memref<!tpu.dma_semaphore, #tpu.memory_space<semaphore_mem>>) src(%dma_wait3A_146 : memref<512xi32, #tpu.memory_space<hbm>>) dst(%arg15 : memref<512xi32, #tpu.memory_space<vmem>>)
      tpu.yield
    }) : () -> ()
    "tpu.region"() ({
      %run_scoped3A = tpu.sem_alloc : memref<!tpu.dma_semaphore, #tpu.memory_space<semaphore_mem>>
      tpu.enqueue_dma source(%arg10 : memref<264xf32, #tpu.memory_space<hbm>>) target(%arg16 : memref<264xf32, #tpu.memory_space<vmem>>) target_semaphore(%run_scoped3A : memref<!tpu.dma_semaphore, #tpu.memory_space<semaphore_mem>>)
      tpu.wait_dma2 semaphore(%run_scoped3A : memref<!tpu.dma_semaphore, #tpu.memory_space<semaphore_mem>>) src(%arg10 : memref<264xf32, #tpu.memory_space<hbm>>) dst(%arg16 : memref<264xf32, #tpu.memory_space<vmem>>)
      tpu.yield
    }) : () -> ()
    %get3A = arith.constant 0 : index
    %get3A_14 = tpu.vector_load %arg16[%get3A] {strides = array<i32>} : memref<264xf32, #tpu.memory_space<vmem>>, vector<16xf32>,
    %get3A_15 = arith.constant 16 : index
    %get3A_16 = tpu.vector_load %arg16[%get3A_15] {strides = array<i32>} : memref<264xf32, #tpu.memory_space<vmem>>, vector<16xf32>,
    %get3A_17 = arith.constant 32 : index
    %get3A_18 = tpu.vector_load %arg16[%get3A_17] {strides = array<i32>} : memref<264xf32, #tpu.memory_space<vmem>>, vector<16xf32>,
    %get3A_19 = arith.constant 48 : index
    %get3A_20 = tpu.vector_load %arg16[%get3A_19] {strides = array<i32>} : memref<264xf32, #tpu.memory_space<vmem>>, vector<16xf32>,
    %get3A_21 = arith.constant 64 : index
    %get3A_22 = tpu.vector_load %arg16[%get3A_21] {strides = array<i32>} : memref<264xf32, #tpu.memory_space<vmem>>, vector<16xf32>,
    %get3A_23 = arith.constant 80 : index
    %get3A_24 = tpu.vector_load %arg16[%get3A_23] {strides = array<i32>} : memref<264xf32, #tpu.memory_space<vmem>>, vector<16xf32>,
    %get3A_25 = arith.constant 96 : index
    %get3A_26 = tpu.vector_load %arg16[%get3A_25] {strides = array<i32>} : memref<264xf32, #tpu.memory_space<vmem>>, vector<16xf32>,
    %get3A_27 = arith.constant 112 : index
    %get3A_28 = tpu.vector_load %arg16[%get3A_27] {strides = array<i32>} : memref<264xf32, #tpu.memory_space<vmem>>, vector<16xf32>,
    %scan3A = arith.constant 0 : i32
    %scan3A_29 = arith.constant 0 : i32
    %scan3A_30 = arith.constant 8 : i32
    %scan3A_31 = arith.addi %scan3A_29, %scan3A_30 : i32
    %scan3A_32 = arith.constant 1 : i32
    scf.for %scan3A_143 = %scan3A_29 to %scan3A_31 step %scan3A_32  : i32 {
      %mul3A_144 = arith.constant 16 : i32
      %mul3A_145 = arith.muli %scan3A_143, %mul3A_144 : i32
      %add3A_146 = arith.constant 0 : i32
      %add3A_147 = arith.addi %add3A_146, %mul3A_145 : i32
      %get3A_148 = arith.index_cast %add3A_147 : i32 to index
      %get3A_149 = tpu.vector_load %arg12[%get3A_148] {strides = array<i32>} : memref<512xi32, #tpu.memory_space<vmem>>, vector<16xi32>,
      %get3A_150 = arith.index_cast %add3A_147 : i32 to index
      %get3A_151 = tpu.vector_load %arg13[%get3A_150] {strides = array<i32>} : memref<512xi32, #tpu.memory_space<vmem>>, vector<16xi32>,
      %mul3A_152 = arith.constant 16 : i32
      %mul3A_153 = arith.muli %scan3A_143, %mul3A_152 : i32
      %add3A_154 = arith.constant 0 : i32
      %add3A_155 = arith.addi %mul3A_153, %add3A_154 : i32
      %slice3A = vector.extract_strided_slice %get3A_149 {offsets = [0], sizes = [1], strides = [1]} : vector<16xi32> to vector<1xi32>
      %squeeze3A = vector.extract %slice3A[0] : i32 from vector<1xi32>
      %dma_start3A_156 = arith.constant 0 : i32
      %dma_start3A_157 = tpu.memref_slice %arg17[%add3A_155, %dma_start3A_156] : memref<128x64xf32, #tpu.memory_space<vmem>> -> memref<1x64xf32, #tpu.memory_space<vmem>>
      %dma_start3A_158 = arith.constant 0 : i32
      %dma_start3A_159 = tpu.memref_slice %arg6[%squeeze3A, %dma_start3A_158] : memref<1000000x64xf32, #tpu.memory_space<hbm>> -> memref<1x64xf32, #tpu.memory_space<hbm>>
      %dma_start3A_160 = arith.constant 0 : i32
      %dma_start3A_161 = tpu.memref_slice %arg17[%add3A_155, %dma_start3A_160] : memref<128x64xf32, #tpu.memory_space<vmem>> -> memref<1x64xf32, #tpu.memory_space<vmem>>
      %dma_start3A_162 = arith.constant 0 : i32
      %dma_start3A_163 = tpu.memref_slice %arg6[%squeeze3A, %dma_start3A_162] : memref<1000000x64xf32, #tpu.memory_space<hbm>> -> memref<1x64xf32, #tpu.memory_space<hbm>>
      tpu.enqueue_dma source(%dma_start3A_163 : memref<1x64xf32, #tpu.memory_space<hbm>>) target(%dma_start3A_161 : memref<1x64xf32, #tpu.memory_space<vmem>>) target_semaphore(%arg28 : memref<!tpu.dma_semaphore, #tpu.memory_space<semaphore_mem>>)
      %slice3A_164 = vector.extract_strided_slice %get3A_151 {offsets = [0], sizes = [1], strides = [1]} : vector<16xi32> to vector<1xi32>
      %squeeze3A_165 = vector.extract %slice3A_164[0] : i32 from vector<1xi32>
      %dma_start3A_166 = arith.constant 0 : i32
      %dma_start3A_167 = tpu.memref_slice %arg19[%add3A_155, %dma_start3A_166] : memref<128x64xf32, #tpu.memory_space<vmem>> -> memref<1x64xf32, #tpu.memory_space<vmem>>
      %dma_start3A_168 = arith.constant 0 : i32
      %dma_start3A_169 = tpu.memref_slice %arg7[%squeeze3A_165, %dma_start3A_168] : memref<100000x64xf32, #tpu.memory_space<hbm>> -> memref<1x64xf32, #tpu.memory_space<hbm>>
      %dma_start3A_170 = arith.constant 0 : i32
      %dma_start3A_171 = tpu.memref_slice %arg19[%add3A_155, %dma_start3A_170] : memref<128x64xf32, #tpu.memory_space<vmem>> -> memref<1x64xf32, #tpu.memory_space<vmem>>
      %dma_start3A_172 = arith.constant 0 : i32
      %dma_start3A_173 = tpu.memref_slice %arg7[%squeeze3A_165, %dma_start3A_172] : memref<100000x64xf32, #tpu.memory_space<hbm>> -> memref<1x64xf32, #tpu.memory_space<hbm>>
      tpu.enqueue_dma source(%dma_start3A_173 : memref<1x64xf32, #tpu.memory_space<hbm>>) target(%dma_start3A_171 : memref<1x64xf32, #tpu.memory_space<vmem>>) target_semaphore(%arg29 : memref<!tpu.dma_semaphore, #tpu.memory_space<semaphore_mem>>)
      %mul3A_174 = arith.constant 16 : i32
      %mul3A_175 = arith.muli %scan3A_143, %mul3A_174 : i32
      %add3A_176 = arith.constant 1 : i32
      %add3A_177 = arith.addi %mul3A_175, %add3A_176 : i32
      %slice3A_178 = vector.extract_strided_slice %get3A_149 {offsets = [1], sizes = [1], strides = [1]} : vector<16xi32> to vector<1xi32>
      %squeeze3A_179 = vector.extract %slice3A_178[0] : i32 from vector<1xi32>
      %dma_start3A_180 = arith.constant 0 : i32
      %dma_start3A_181 = tpu.memref_slice %arg17[%add3A_177, %dma_start3A_180] : memref<128x64xf32, #tpu.memory_space<vmem>> -> memref<1x64xf32, #tpu.memory_space<vmem>>
      %dma_start3A_182 = arith.constant 0 : i32
      %dma_start3A_183 = tpu.memref_slice %arg6[%squeeze3A_179, %dma_start3A_182] : memref<1000000x64xf32, #tpu.memory_space<hbm>> -> memref<1x64xf32, #tpu.memory_space<hbm>>
      %dma_start3A_184 = arith.constant 0 : i32
      %dma_start3A_185 = tpu.memref_slice %arg17[%add3A_177, %dma_start3A_184] : memref<128x64xf32, #tpu.memory_space<vmem>> -> memref<1x64xf32, #tpu.memory_space<vmem>>
      %dma_start3A_186 = arith.constant 0 : i32
      %dma_start3A_187 = tpu.memref_slice %arg6[%squeeze3A_179, %dma_start3A_186] : memref<1000000x64xf32, #tpu.memory_space<hbm>> -> memref<1x64xf32, #tpu.memory_space<hbm>>
      tpu.enqueue_dma source(%dma_start3A_187 : memref<1x64xf32, #tpu.memory_space<hbm>>) target(%dma_start3A_185 : memref<1x64xf32, #tpu.memory_space<vmem>>) target_semaphore(%arg28 : memref<!tpu.dma_semaphore, #tpu.memory_space<semaphore_mem>>)
      %slice3A_188 = vector.extract_strided_slice %get3A_151 {offsets = [1], sizes = [1], strides = [1]} : vector<16xi32> to vector<1xi32>
      %squeeze3A_189 = vector.extract %slice3A_188[0] : i32 from vector<1xi32>
      %dma_start3A_190 = arith.constant 0 : i32
      %dma_start3A_191 = tpu.memref_slice %arg19[%add3A_177, %dma_start3A_190] : memref<128x64xf32, #tpu.memory_space<vmem>> -> memref<1x64xf32, #tpu.memory_space<vmem>>
      %dma_start3A_192 = arith.constant 0 : i32
      %dma_start3A_193 = tpu.memref_slice %arg7[%squeeze3A_189, %dma_start3A_192] : memref<100000x64xf32, #tpu.memory_space<hbm>> -> memref<1x64xf32, #tpu.memory_space<hbm>>
      %dma_start3A_194 = arith.constant 0 : i32
      %dma_start3A_195 = tpu.memref_slice %arg19[%add3A_177, %dma_start3A_194] : memref<128x64xf32, #tpu.memory_space<vmem>> -> memref<1x64xf32, #tpu.memory_space<vmem>>
      %dma_start3A_196 = arith.constant 0 : i32
      %dma_start3A_197 = tpu.memref_slice %arg7[%squeeze3A_189, %dma_start3A_196] : memref<100000x64xf32, #tpu.memory_space<hbm>> -> memref<1x64xf32, #tpu.memory_space<hbm>>
      tpu.enqueue_dma source(%dma_start3A_197 : memref<1x64xf32, #tpu.memory_space<hbm>>) target(%dma_start3A_195 : memref<1x64xf32, #tpu.memory_space<vmem>>) target_semaphore(%arg29 : memref<!tpu.dma_semaphore, #tpu.memory_space<semaphore_mem>>)
      %mul3A_198 = arith.constant 16 : i32
      %mul3A_199 = arith.muli %scan3A_143, %mul3A_198 : i32
      %add3A_200 = arith.constant 2 : i32
      %add3A_201 = arith.addi %mul3A_199, %add3A_200 : i32
      %slice3A_202 = vector.extract_strided_slice %get3A_149 {offsets = [2], sizes = [1], strides = [1]} : vector<16xi32> to vector<1xi32>
      %squeeze3A_203 = vector.extract %slice3A_202[0] : i32 from vector<1xi32>
      %dma_start3A_204 = arith.constant 0 : i32
      %dma_start3A_205 = tpu.memref_slice %arg17[%add3A_201, %dma_start3A_204] : memref<128x64xf32, #tpu.memory_space<vmem>> -> memref<1x64xf32, #tpu.memory_space<vmem>>
      %dma_start3A_206 = arith.constant 0 : i32
      %dma_start3A_207 = tpu.memref_slice %arg6[%squeeze3A_203, %dma_start3A_206] : memref<1000000x64xf32, #tpu.memory_space<hbm>> -> memref<1x64xf32, #tpu.memory_space<hbm>>
      %dma_start3A_208 = arith.constant 0 : i32
      %dma_start3A_209 = tpu.memref_slice %arg17[%add3A_201, %dma_start3A_208] : memref<128x64xf32, #tpu.memory_space<vmem>> -> memref<1x64xf32, #tpu.memory_space<vmem>>
      %dma_start3A_210 = arith.constant 0 : i32
      %dma_start3A_211 = tpu.memref_slice %arg6[%squeeze3A_203, %dma_start3A_210] : memref<1000000x64xf32, #tpu.memory_space<hbm>> -> memref<1x64xf32, #tpu.memory_space<hbm>>
      tpu.enqueue_dma source(%dma_start3A_211 : memref<1x64xf32, #tpu.memory_space<hbm>>) target(%dma_start3A_209 : memref<1x64xf32, #tpu.memory_space<vmem>>) target_semaphore(%arg28 : memref<!tpu.dma_semaphore, #tpu.memory_space<semaphore_mem>>)
      %slice3A_212 = vector.extract_strided_slice %get3A_151 {offsets = [2], sizes = [1], strides = [1]} : vector<16xi32> to vector<1xi32>
      %squeeze3A_213 = vector.extract %slice3A_212[0] : i32 from vector<1xi32>
      %dma_start3A_214 = arith.constant 0 : i32
      %dma_start3A_215 = tpu.memref_slice %arg19[%add3A_201, %dma_start3A_214] : memref<128x64xf32, #tpu.memory_space<vmem>> -> memref<1x64xf32, #tpu.memory_space<vmem>>
      %dma_start3A_216 = arith.constant 0 : i32
      %dma_start3A_217 = tpu.memref_slice %arg7[%squeeze3A_213, %dma_start3A_216] : memref<100000x64xf32, #tpu.memory_space<hbm>> -> memref<1x64xf32, #tpu.memory_space<hbm>>
      %dma_start3A_218 = arith.constant 0 : i32
      %dma_start3A_219 = tpu.memref_slice %arg19[%add3A_201, %dma_start3A_218] : memref<128x64xf32, #tpu.memory_space<vmem>> -> memref<1x64xf32, #tpu.memory_space<vmem>>
      %dma_start3A_220 = arith.constant 0 : i32
      %dma_start3A_221 = tpu.memref_slice %arg7[%squeeze3A_213, %dma_start3A_220] : memref<100000x64xf32, #tpu.memory_space<hbm>> -> memref<1x64xf32, #tpu.memory_space<hbm>>
      tpu.enqueue_dma source(%dma_start3A_221 : memref<1x64xf32, #tpu.memory_space<hbm>>) target(%dma_start3A_219 : memref<1x64xf32, #tpu.memory_space<vmem>>) target_semaphore(%arg29 : memref<!tpu.dma_semaphore, #tpu.memory_space<semaphore_mem>>)
      %mul3A_222 = arith.constant 16 : i32
      %mul3A_223 = arith.muli %scan3A_143, %mul3A_222 : i32
      %add3A_224 = arith.constant 3 : i32
      %add3A_225 = arith.addi %mul3A_223, %add3A_224 : i32
      %slice3A_226 = vector.extract_strided_slice %get3A_149 {offsets = [3], sizes = [1], strides = [1]} : vector<16xi32> to vector<1xi32>
      %squeeze3A_227 = vector.extract %slice3A_226[0] : i32 from vector<1xi32>
      %dma_start3A_228 = arith.constant 0 : i32
      %dma_start3A_229 = tpu.memref_slice %arg17[%add3A_225, %dma_start3A_228] : memref<128x64xf32, #tpu.memory_space<vmem>> -> memref<1x64xf32, #tpu.memory_space<vmem>>
      %dma_start3A_230 = arith.constant 0 : i32
      %dma_start3A_231 = tpu.memref_slice %arg6[%squeeze3A_227, %dma_start3A_230] : memref<1000000x64xf32, #tpu.memory_space<hbm>> -> memref<1x64xf32, #tpu.memory_space<hbm>>
      %dma_start3A_232 = arith.constant 0 : i32
      %dma_start3A_233 = tpu.memref_slice %arg17[%add3A_225, %dma_start3A_232] : memref<128x64xf32, #tpu.memory_space<vmem>> -> memref<1x64xf32, #tpu.memory_space<vmem>>
      %dma_start3A_234 = arith.constant 0 : i32
      %dma_start3A_235 = tpu.memref_slice %arg6[%squeeze3A_227, %dma_start3A_234] : memref<1000000x64xf32, #tpu.memory_space<hbm>> -> memref<1x64xf32, #tpu.memory_space<hbm>>
      tpu.enqueue_dma source(%dma_start3A_235 : memref<1x64xf32, #tpu.memory_space<hbm>>) target(%dma_start3A_233 : memref<1x64xf32, #tpu.memory_space<vmem>>) target_semaphore(%arg28 : memref<!tpu.dma_semaphore, #tpu.memory_space<semaphore_mem>>)
      %slice3A_236 = vector.extract_strided_slice %get3A_151 {offsets = [3], sizes = [1], strides = [1]} : vector<16xi32> to vector<1xi32>
      %squeeze3A_237 = vector.extract %slice3A_236[0] : i32 from vector<1xi32>
      %dma_start3A_238 = arith.constant 0 : i32
      %dma_start3A_239 = tpu.memref_slice %arg19[%add3A_225, %dma_start3A_238] : memref<128x64xf32, #tpu.memory_space<vmem>> -> memref<1x64xf32, #tpu.memory_space<vmem>>
      %dma_start3A_240 = arith.constant 0 : i32
      %dma_start3A_241 = tpu.memref_slice %arg7[%squeeze3A_237, %dma_start3A_240] : memref<100000x64xf32, #tpu.memory_space<hbm>> -> memref<1x64xf32, #tpu.memory_space<hbm>>
      %dma_start3A_242 = arith.constant 0 : i32
      %dma_start3A_243 = tpu.memref_slice %arg19[%add3A_225, %dma_start3A_242] : memref<128x64xf32, #tpu.memory_space<vmem>> -> memref<1x64xf32, #tpu.memory_space<vmem>>
      %dma_start3A_244 = arith.constant 0 : i32
      %dma_start3A_245 = tpu.memref_slice %arg7[%squeeze3A_237, %dma_start3A_244] : memref<100000x64xf32, #tpu.memory_space<hbm>> -> memref<1x64xf32, #tpu.memory_space<hbm>>
      tpu.enqueue_dma source(%dma_start3A_245 : memref<1x64xf32, #tpu.memory_space<hbm>>) target(%dma_start3A_243 : memref<1x64xf32, #tpu.memory_space<vmem>>) target_semaphore(%arg29 : memref<!tpu.dma_semaphore, #tpu.memory_space<semaphore_mem>>)
      %mul3A_246 = arith.constant 16 : i32
      %mul3A_247 = arith.muli %scan3A_143, %mul3A_246 : i32
      %add3A_248 = arith.constant 4 : i32
      %add3A_249 = arith.addi %mul3A_247, %add3A_248 : i32
      %slice3A_250 = vector.extract_strided_slice %get3A_149 {offsets = [4], sizes = [1], strides = [1]} : vector<16xi32> to vector<1xi32>
      %squeeze3A_251 = vector.extract %slice3A_250[0] : i32 from vector<1xi32>
      %dma_start3A_252 = arith.constant 0 : i32
      %dma_start3A_253 = tpu.memref_slice %arg17[%add3A_249, %dma_start3A_252] : memref<128x64xf32, #tpu.memory_space<vmem>> -> memref<1x64xf32, #tpu.memory_space<vmem>>
      %dma_start3A_254 = arith.constant 0 : i32
      %dma_start3A_255 = tpu.memref_slice %arg6[%squeeze3A_251, %dma_start3A_254] : memref<1000000x64xf32, #tpu.memory_space<hbm>> -> memref<1x64xf32, #tpu.memory_space<hbm>>
      %dma_start3A_256 = arith.constant 0 : i32
      %dma_start3A_257 = tpu.memref_slice %arg17[%add3A_249, %dma_start3A_256] : memref<128x64xf32, #tpu.memory_space<vmem>> -> memref<1x64xf32, #tpu.memory_space<vmem>>
      %dma_start3A_258 = arith.constant 0 : i32
      %dma_start3A_259 = tpu.memref_slice %arg6[%squeeze3A_251, %dma_start3A_258] : memref<1000000x64xf32, #tpu.memory_space<hbm>> -> memref<1x64xf32, #tpu.memory_space<hbm>>
      tpu.enqueue_dma source(%dma_start3A_259 : memref<1x64xf32, #tpu.memory_space<hbm>>) target(%dma_start3A_257 : memref<1x64xf32, #tpu.memory_space<vmem>>) target_semaphore(%arg28 : memref<!tpu.dma_semaphore, #tpu.memory_space<semaphore_mem>>)
      %slice3A_260 = vector.extract_strided_slice %get3A_151 {offsets = [4], sizes = [1], strides = [1]} : vector<16xi32> to vector<1xi32>
      %squeeze3A_261 = vector.extract %slice3A_260[0] : i32 from vector<1xi32>
      %dma_start3A_262 = arith.constant 0 : i32
      %dma_start3A_263 = tpu.memref_slice %arg19[%add3A_249, %dma_start3A_262] : memref<128x64xf32, #tpu.memory_space<vmem>> -> memref<1x64xf32, #tpu.memory_space<vmem>>
      %dma_start3A_264 = arith.constant 0 : i32
      %dma_start3A_265 = tpu.memref_slice %arg7[%squeeze3A_261, %dma_start3A_264] : memref<100000x64xf32, #tpu.memory_space<hbm>> -> memref<1x64xf32, #tpu.memory_space<hbm>>
      %dma_start3A_266 = arith.constant 0 : i32
      %dma_start3A_267 = tpu.memref_slice %arg19[%add3A_249, %dma_start3A_266] : memref<128x64xf32, #tpu.memory_space<vmem>> -> memref<1x64xf32, #tpu.memory_space<vmem>>
      %dma_start3A_268 = arith.constant 0 : i32
      %dma_start3A_269 = tpu.memref_slice %arg7[%squeeze3A_261, %dma_start3A_268] : memref<100000x64xf32, #tpu.memory_space<hbm>> -> memref<1x64xf32, #tpu.memory_space<hbm>>
      tpu.enqueue_dma source(%dma_start3A_269 : memref<1x64xf32, #tpu.memory_space<hbm>>) target(%dma_start3A_267 : memref<1x64xf32, #tpu.memory_space<vmem>>) target_semaphore(%arg29 : memref<!tpu.dma_semaphore, #tpu.memory_space<semaphore_mem>>)
      %mul3A_270 = arith.constant 16 : i32
      %mul3A_271 = arith.muli %scan3A_143, %mul3A_270 : i32
      %add3A_272 = arith.constant 5 : i32
      %add3A_273 = arith.addi %mul3A_271, %add3A_272 : i32
      %slice3A_274 = vector.extract_strided_slice %get3A_149 {offsets = [5], sizes = [1], strides = [1]} : vector<16xi32> to vector<1xi32>
      %squeeze3A_275 = vector.extract %slice3A_274[0] : i32 from vector<1xi32>
      %dma_start3A_276 = arith.constant 0 : i32
      %dma_start3A_277 = tpu.memref_slice %arg17[%add3A_273, %dma_start3A_276] : memref<128x64xf32, #tpu.memory_space<vmem>> -> memref<1x64xf32, #tpu.memory_space<vmem>>
      %dma_start3A_278 = arith.constant 0 : i32
      %dma_start3A_279 = tpu.memref_slice %arg6[%squeeze3A_275, %dma_start3A_278] : memref<1000000x64xf32, #tpu.memory_space<hbm>> -> memref<1x64xf32, #tpu.memory_space<hbm>>
      %dma_start3A_280 = arith.constant 0 : i32
      %dma_start3A_281 = tpu.memref_slice %arg17[%add3A_273, %dma_start3A_280] : memref<128x64xf32, #tpu.memory_space<vmem>> -> memref<1x64xf32, #tpu.memory_space<vmem>>
      %dma_start3A_282 = arith.constant 0 : i32
      %dma_start3A_283 = tpu.memref_slice %arg6[%squeeze3A_275, %dma_start3A_282] : memref<1000000x64xf32, #tpu.memory_space<hbm>> -> memref<1x64xf32, #tpu.memory_space<hbm>>
      tpu.enqueue_dma source(%dma_start3A_283 : memref<1x64xf32, #tpu.memory_space<hbm>>) target(%dma_start3A_281 : memref<1x64xf32, #tpu.memory_space<vmem>>) target_semaphore(%arg28 : memref<!tpu.dma_semaphore, #tpu.memory_space<semaphore_mem>>)
      %slice3A_284 = vector.extract_strided_slice %get3A_151 {offsets = [5], sizes = [1], strides = [1]} : vector<16xi32> to vector<1xi32>
      %squeeze3A_285 = vector.extract %slice3A_284[0] : i32 from vector<1xi32>
      %dma_start3A_286 = arith.constant 0 : i32
      %dma_start3A_287 = tpu.memref_slice %arg19[%add3A_273, %dma_start3A_286] : memref<128x64xf32, #tpu.memory_space<vmem>> -> memref<1x64xf32, #tpu.memory_space<vmem>>
      %dma_start3A_288 = arith.constant 0 : i32
      %dma_start3A_289 = tpu.memref_slice %arg7[%squeeze3A_285, %dma_start3A_288] : memref<100000x64xf32, #tpu.memory_space<hbm>> -> memref<1x64xf32, #tpu.memory_space<hbm>>
      %dma_start3A_290 = arith.constant 0 : i32
      %dma_start3A_291 = tpu.memref_slice %arg19[%add3A_273, %dma_start3A_290] : memref<128x64xf32, #tpu.memory_space<vmem>> -> memref<1x64xf32, #tpu.memory_space<vmem>>
      %dma_start3A_292 = arith.constant 0 : i32
      %dma_start3A_293 = tpu.memref_slice %arg7[%squeeze3A_285, %dma_start3A_292] : memref<100000x64xf32, #tpu.memory_space<hbm>> -> memref<1x64xf32, #tpu.memory_space<hbm>>
      tpu.enqueue_dma source(%dma_start3A_293 : memref<1x64xf32, #tpu.memory_space<hbm>>) target(%dma_start3A_291 : memref<1x64xf32, #tpu.memory_space<vmem>>) target_semaphore(%arg29 : memref<!tpu.dma_semaphore, #tpu.memory_space<semaphore_mem>>)
      %mul3A_294 = arith.constant 16 : i32
      %mul3A_295 = arith.muli %scan3A_143, %mul3A_294 : i32
      %add3A_296 = arith.constant 6 : i32
      %add3A_297 = arith.addi %mul3A_295, %add3A_296 : i32
      %slice3A_298 = vector.extract_strided_slice %get3A_149 {offsets = [6], sizes = [1], strides = [1]} : vector<16xi32> to vector<1xi32>
      %squeeze3A_299 = vector.extract %slice3A_298[0] : i32 from vector<1xi32>
      %dma_start3A_300 = arith.constant 0 : i32
      %dma_start3A_301 = tpu.memref_slice %arg17[%add3A_297, %dma_start3A_300] : memref<128x64xf32, #tpu.memory_space<vmem>> -> memref<1x64xf32, #tpu.memory_space<vmem>>
      %dma_start3A_302 = arith.constant 0 : i32
      %dma_start3A_303 = tpu.memref_slice %arg6[%squeeze3A_299, %dma_start3A_302] : memref<1000000x64xf32, #tpu.memory_space<hbm>> -> memref<1x64xf32, #tpu.memory_space<hbm>>
      %dma_start3A_304 = arith.constant 0 : i32
      %dma_start3A_305 = tpu.memref_slice %arg17[%add3A_297, %dma_start3A_304] : memref<128x64xf32, #tpu.memory_space<vmem>> -> memref<1x64xf32, #tpu.memory_space<vmem>>
      %dma_start3A_306 = arith.constant 0 : i32
      %dma_start3A_307 = tpu.memref_slice %arg6[%squeeze3A_299, %dma_start3A_306] : memref<1000000x64xf32, #tpu.memory_space<hbm>> -> memref<1x64xf32, #tpu.memory_space<hbm>>
      tpu.enqueue_dma source(%dma_start3A_307 : memref<1x64xf32, #tpu.memory_space<hbm>>) target(%dma_start3A_305 : memref<1x64xf32, #tpu.memory_space<vmem>>) target_semaphore(%arg28 : memref<!tpu.dma_semaphore, #tpu.memory_space<semaphore_mem>>)
      %slice3A_308 = vector.extract_strided_slice %get3A_151 {offsets = [6], sizes = [1], strides = [1]} : vector<16xi32> to vector<1xi32>
      %squeeze3A_309 = vector.extract %slice3A_308[0] : i32 from vector<1xi32>
      %dma_start3A_310 = arith.constant 0 : i32
      %dma_start3A_311 = tpu.memref_slice %arg19[%add3A_297, %dma_start3A_310] : memref<128x64xf32, #tpu.memory_space<vmem>> -> memref<1x64xf32, #tpu.memory_space<vmem>>
      %dma_start3A_312 = arith.constant 0 : i32
      %dma_start3A_313 = tpu.memref_slice %arg7[%squeeze3A_309, %dma_start3A_312] : memref<100000x64xf32, #tpu.memory_space<hbm>> -> memref<1x64xf32, #tpu.memory_space<hbm>>
      %dma_start3A_314 = arith.constant 0 : i32
      %dma_start3A_315 = tpu.memref_slice %arg19[%add3A_297, %dma_start3A_314] : memref<128x64xf32, #tpu.memory_space<vmem>> -> memref<1x64xf32, #tpu.memory_space<vmem>>
      %dma_start3A_316 = arith.constant 0 : i32
      %dma_start3A_317 = tpu.memref_slice %arg7[%squeeze3A_309, %dma_start3A_316] : memref<100000x64xf32, #tpu.memory_space<hbm>> -> memref<1x64xf32, #tpu.memory_space<hbm>>
      tpu.enqueue_dma source(%dma_start3A_317 : memref<1x64xf32, #tpu.memory_space<hbm>>) target(%dma_start3A_315 : memref<1x64xf32, #tpu.memory_space<vmem>>) target_semaphore(%arg29 : memref<!tpu.dma_semaphore, #tpu.memory_space<semaphore_mem>>)
      %mul3A_318 = arith.constant 16 : i32
      %mul3A_319 = arith.muli %scan3A_143, %mul3A_318 : i32
      %add3A_320 = arith.constant 7 : i32
      %add3A_321 = arith.addi %mul3A_319, %add3A_320 : i32
      %slice3A_322 = vector.extract_strided_slice %get3A_149 {offsets = [7], sizes = [1], strides = [1]} : vector<16xi32> to vector<1xi32>
      %squeeze3A_323 = vector.extract %slice3A_322[0] : i32 from vector<1xi32>
      %dma_start3A_324 = arith.constant 0 : i32
      %dma_start3A_325 = tpu.memref_slice %arg17[%add3A_321, %dma_start3A_324] : memref<128x64xf32, #tpu.memory_space<vmem>> -> memref<1x64xf32, #tpu.memory_space<vmem>>
      %dma_start3A_326 = arith.constant 0 : i32
      %dma_start3A_327 = tpu.memref_slice %arg6[%squeeze3A_323, %dma_start3A_326] : memref<1000000x64xf32, #tpu.memory_space<hbm>> -> memref<1x64xf32, #tpu.memory_space<hbm>>
      %dma_start3A_328 = arith.constant 0 : i32
      %dma_start3A_329 = tpu.memref_slice %arg17[%add3A_321, %dma_start3A_328] : memref<128x64xf32, #tpu.memory_space<vmem>> -> memref<1x64xf32, #tpu.memory_space<vmem>>
      %dma_start3A_330 = arith.constant 0 : i32
      %dma_start3A_331 = tpu.memref_slice %arg6[%squeeze3A_323, %dma_start3A_330] : memref<1000000x64xf32, #tpu.memory_space<hbm>> -> memref<1x64xf32, #tpu.memory_space<hbm>>
      tpu.enqueue_dma source(%dma_start3A_331 : memref<1x64xf32, #tpu.memory_space<hbm>>) target(%dma_start3A_329 : memref<1x64xf32, #tpu.memory_space<vmem>>) target_semaphore(%arg28 : memref<!tpu.dma_semaphore, #tpu.memory_space<semaphore_mem>>)
      %slice3A_332 = vector.extract_strided_slice %get3A_151 {offsets = [7], sizes = [1], strides = [1]} : vector<16xi32> to vector<1xi32>
      %squeeze3A_333 = vector.extract %slice3A_332[0] : i32 from vector<1xi32>
      %dma_start3A_334 = arith.constant 0 : i32
      %dma_start3A_335 = tpu.memref_slice %arg19[%add3A_321, %dma_start3A_334] : memref<128x64xf32, #tpu.memory_space<vmem>> -> memref<1x64xf32, #tpu.memory_space<vmem>>
      %dma_start3A_336 = arith.constant 0 : i32
      %dma_start3A_337 = tpu.memref_slice %arg7[%squeeze3A_333, %dma_start3A_336] : memref<100000x64xf32, #tpu.memory_space<hbm>> -> memref<1x64xf32, #tpu.memory_space<hbm>>
      %dma_start3A_338 = arith.constant 0 : i32
      %dma_start3A_339 = tpu.memref_slice %arg19[%add3A_321, %dma_start3A_338] : memref<128x64xf32, #tpu.memory_space<vmem>> -> memref<1x64xf32, #tpu.memory_space<vmem>>
      %dma_start3A_340 = arith.constant 0 : i32
      %dma_start3A_341 = tpu.memref_slice %arg7[%squeeze3A_333, %dma_start3A_340] : memref<100000x64xf32, #tpu.memory_space<hbm>> -> memref<1x64xf32, #tpu.memory_space<hbm>>
      tpu.enqueue_dma source(%dma_start3A_341 : memref<1x64xf32, #tpu.memory_space<hbm>>) target(%dma_start3A_339 : memref<1x64xf32, #tpu.memory_space<vmem>>) target_semaphore(%arg29 : memref<!tpu.dma_semaphore, #tpu.memory_space<semaphore_mem>>)
      %mul3A_342 = arith.constant 16 : i32
      %mul3A_343 = arith.muli %scan3A_143, %mul3A_342 : i32
      %add3A_344 = arith.constant 8 : i32
      %add3A_345 = arith.addi %mul3A_343, %add3A_344 : i32
      %slice3A_346 = vector.extract_strided_slice %get3A_149 {offsets = [8], sizes = [1], strides = [1]} : vector<16xi32> to vector<1xi32>
      %squeeze3A_347 = vector.extract %slice3A_346[0] : i32 from vector<1xi32>
      %dma_start3A_348 = arith.constant 0 : i32
      %dma_start3A_349 = tpu.memref_slice %arg17[%add3A_345, %dma_start3A_348] : memref<128x64xf32, #tpu.memory_space<vmem>> -> memref<1x64xf32, #tpu.memory_space<vmem>>
      %dma_start3A_350 = arith.constant 0 : i32
      %dma_start3A_351 = tpu.memref_slice %arg6[%squeeze3A_347, %dma_start3A_350] : memref<1000000x64xf32, #tpu.memory_space<hbm>> -> memref<1x64xf32, #tpu.memory_space<hbm>>
      %dma_start3A_352 = arith.constant 0 : i32
      %dma_start3A_353 = tpu.memref_slice %arg17[%add3A_345, %dma_start3A_352] : memref<128x64xf32, #tpu.memory_space<vmem>> -> memref<1x64xf32, #tpu.memory_space<vmem>>
      %dma_start3A_354 = arith.constant 0 : i32
      %dma_start3A_355 = tpu.memref_slice %arg6[%squeeze3A_347, %dma_start3A_354] : memref<1000000x64xf32, #tpu.memory_space<hbm>> -> memref<1x64xf32, #tpu.memory_space<hbm>>
      tpu.enqueue_dma source(%dma_start3A_355 : memref<1x64xf32, #tpu.memory_space<hbm>>) target(%dma_start3A_353 : memref<1x64xf32, #tpu.memory_space<vmem>>) target_semaphore(%arg28 : memref<!tpu.dma_semaphore, #tpu.memory_space<semaphore_mem>>)
      %slice3A_356 = vector.extract_strided_slice %get3A_151 {offsets = [8], sizes = [1], strides = [1]} : vector<16xi32> to vector<1xi32>
      %squeeze3A_357 = vector.extract %slice3A_356[0] : i32 from vector<1xi32>
      %dma_start3A_358 = arith.constant 0 : i32
      %dma_start3A_359 = tpu.memref_slice %arg19[%add3A_345, %dma_start3A_358] : memref<128x64xf32, #tpu.memory_space<vmem>> -> memref<1x64xf32, #tpu.memory_space<vmem>>
      %dma_start3A_360 = arith.constant 0 : i32
      %dma_start3A_361 = tpu.memref_slice %arg7[%squeeze3A_357, %dma_start3A_360] : memref<100000x64xf32, #tpu.memory_space<hbm>> -> memref<1x64xf32, #tpu.memory_space<hbm>>
      %dma_start3A_362 = arith.constant 0 : i32
      %dma_start3A_363 = tpu.memref_slice %arg19[%add3A_345, %dma_start3A_362] : memref<128x64xf32, #tpu.memory_space<vmem>> -> memref<1x64xf32, #tpu.memory_space<vmem>>
      %dma_start3A_364 = arith.constant 0 : i32
      %dma_start3A_365 = tpu.memref_slice %arg7[%squeeze3A_357, %dma_start3A_364] : memref<100000x64xf32, #tpu.memory_space<hbm>> -> memref<1x64xf32, #tpu.memory_space<hbm>>
      tpu.enqueue_dma source(%dma_start3A_365 : memref<1x64xf32, #tpu.memory_space<hbm>>) target(%dma_start3A_363 : memref<1x64xf32, #tpu.memory_space<vmem>>) target_semaphore(%arg29 : memref<!tpu.dma_semaphore, #tpu.memory_space<semaphore_mem>>)
      %mul3A_366 = arith.constant 16 : i32
      %mul3A_367 = arith.muli %scan3A_143, %mul3A_366 : i32
      %add3A_368 = arith.constant 9 : i32
      %add3A_369 = arith.addi %mul3A_367, %add3A_368 : i32
      %slice3A_370 = vector.extract_strided_slice %get3A_149 {offsets = [9], sizes = [1], strides = [1]} : vector<16xi32> to vector<1xi32>
      %squeeze3A_371 = vector.extract %slice3A_370[0] : i32 from vector<1xi32>
      %dma_start3A_372 = arith.constant 0 : i32
      %dma_start3A_373 = tpu.memref_slice %arg17[%add3A_369, %dma_start3A_372] : memref<128x64xf32, #tpu.memory_space<vmem>> -> memref<1x64xf32, #tpu.memory_space<vmem>>
      %dma_start3A_374 = arith.constant 0 : i32
      %dma_start3A_375 = tpu.memref_slice %arg6[%squeeze3A_371, %dma_start3A_374] : memref<1000000x64xf32, #tpu.memory_space<hbm>> -> memref<1x64xf32, #tpu.memory_space<hbm>>
      %dma_start3A_376 = arith.constant 0 : i32
      %dma_start3A_377 = tpu.memref_slice %arg17[%add3A_369, %dma_start3A_376] : memref<128x64xf32, #tpu.memory_space<vmem>> -> memref<1x64xf32, #tpu.memory_space<vmem>>
      %dma_start3A_378 = arith.constant 0 : i32
      %dma_start3A_379 = tpu.memref_slice %arg6[%squeeze3A_371, %dma_start3A_378] : memref<1000000x64xf32, #tpu.memory_space<hbm>> -> memref<1x64xf32, #tpu.memory_space<hbm>>
      tpu.enqueue_dma source(%dma_start3A_379 : memref<1x64xf32, #tpu.memory_space<hbm>>) target(%dma_start3A_377 : memref<1x64xf32, #tpu.memory_space<vmem>>) target_semaphore(%arg28 : memref<!tpu.dma_semaphore, #tpu.memory_space<semaphore_mem>>)
      %slice3A_380 = vector.extract_strided_slice %get3A_151 {offsets = [9], sizes = [1], strides = [1]} : vector<16xi32> to vector<1xi32>
      %squeeze3A_381 = vector.extract %slice3A_380[0] : i32 from vector<1xi32>
      %dma_start3A_382 = arith.constant 0 : i32
      %dma_start3A_383 = tpu.memref_slice %arg19[%add3A_369, %dma_start3A_382] : memref<128x64xf32, #tpu.memory_space<vmem>> -> memref<1x64xf32, #tpu.memory_space<vmem>>
      %dma_start3A_384 = arith.constant 0 : i32
      %dma_start3A_385 = tpu.memref_slice %arg7[%squeeze3A_381, %dma_start3A_384] : memref<100000x64xf32, #tpu.memory_space<hbm>> -> memref<1x64xf32, #tpu.memory_space<hbm>>
      %dma_start3A_386 = arith.constant 0 : i32
      %dma_start3A_387 = tpu.memref_slice %arg19[%add3A_369, %dma_start3A_386] : memref<128x64xf32, #tpu.memory_space<vmem>> -> memref<1x64xf32, #tpu.memory_space<vmem>>
      %dma_start3A_388 = arith.constant 0 : i32
      %dma_start3A_389 = tpu.memref_slice %arg7[%squeeze3A_381, %dma_start3A_388] : memref<100000x64xf32, #tpu.memory_space<hbm>> -> memref<1x64xf32, #tpu.memory_space<hbm>>
      tpu.enqueue_dma source(%dma_start3A_389 : memref<1x64xf32, #tpu.memory_space<hbm>>) target(%dma_start3A_387 : memref<1x64xf32, #tpu.memory_space<vmem>>) target_semaphore(%arg29 : memref<!tpu.dma_semaphore, #tpu.memory_space<semaphore_mem>>)
      %mul3A_390 = arith.constant 16 : i32
      %mul3A_391 = arith.muli %scan3A_143, %mul3A_390 : i32
      %add3A_392 = arith.constant 10 : i32
      %add3A_393 = arith.addi %mul3A_391, %add3A_392 : i32
      %slice3A_394 = vector.extract_strided_slice %get3A_149 {offsets = [10], sizes = [1], strides = [1]} : vector<16xi32> to vector<1xi32>
      %squeeze3A_395 = vector.extract %slice3A_394[0] : i32 from vector<1xi32>
      %dma_start3A_396 = arith.constant 0 : i32
      %dma_start3A_397 = tpu.memref_slice %arg17[%add3A_393, %dma_start3A_396] : memref<128x64xf32, #tpu.memory_space<vmem>> -> memref<1x64xf32, #tpu.memory_space<vmem>>
      %dma_start3A_398 = arith.constant 0 : i32
      %dma_start3A_399 = tpu.memref_slice %arg6[%squeeze3A_395, %dma_start3A_398] : memref<1000000x64xf32, #tpu.memory_space<hbm>> -> memref<1x64xf32, #tpu.memory_space<hbm>>
      %dma_start3A_400 = arith.constant 0 : i32
      %dma_start3A_401 = tpu.memref_slice %arg17[%add3A_393, %dma_start3A_400] : memref<128x64xf32, #tpu.memory_space<vmem>> -> memref<1x64xf32, #tpu.memory_space<vmem>>
      %dma_start3A_402 = arith.constant 0 : i32
      %dma_start3A_403 = tpu.memref_slice %arg6[%squeeze3A_395, %dma_start3A_402] : memref<1000000x64xf32, #tpu.memory_space<hbm>> -> memref<1x64xf32, #tpu.memory_space<hbm>>
      tpu.enqueue_dma source(%dma_start3A_403 : memref<1x64xf32, #tpu.memory_space<hbm>>) target(%dma_start3A_401 : memref<1x64xf32, #tpu.memory_space<vmem>>) target_semaphore(%arg28 : memref<!tpu.dma_semaphore, #tpu.memory_space<semaphore_mem>>)
      %slice3A_404 = vector.extract_strided_slice %get3A_151 {offsets = [10], sizes = [1], strides = [1]} : vector<16xi32> to vector<1xi32>
      %squeeze3A_405 = vector.extract %slice3A_404[0] : i32 from vector<1xi32>
      %dma_start3A_406 = arith.constant 0 : i32
      %dma_start3A_407 = tpu.memref_slice %arg19[%add3A_393, %dma_start3A_406] : memref<128x64xf32, #tpu.memory_space<vmem>> -> memref<1x64xf32, #tpu.memory_space<vmem>>
      %dma_start3A_408 = arith.constant 0 : i32
      %dma_start3A_409 = tpu.memref_slice %arg7[%squeeze3A_405, %dma_start3A_408] : memref<100000x64xf32, #tpu.memory_space<hbm>> -> memref<1x64xf32, #tpu.memory_space<hbm>>
      %dma_start3A_410 = arith.constant 0 : i32
      %dma_start3A_411 = tpu.memref_slice %arg19[%add3A_393, %dma_start3A_410] : memref<128x64xf32, #tpu.memory_space<vmem>> -> memref<1x64xf32, #tpu.memory_space<vmem>>
      %dma_start3A_412 = arith.constant 0 : i32
      %dma_start3A_413 = tpu.memref_slice %arg7[%squeeze3A_405, %dma_start3A_412] : memref<100000x64xf32, #tpu.memory_space<hbm>> -> memref<1x64xf32, #tpu.memory_space<hbm>>
      tpu.enqueue_dma source(%dma_start3A_413 : memref<1x64xf32, #tpu.memory_space<hbm>>) target(%dma_start3A_411 : memref<1x64xf32, #tpu.memory_space<vmem>>) target_semaphore(%arg29 : memref<!tpu.dma_semaphore, #tpu.memory_space<semaphore_mem>>)
      %mul3A_414 = arith.constant 16 : i32
      %mul3A_415 = arith.muli %scan3A_143, %mul3A_414 : i32
      %add3A_416 = arith.constant 11 : i32
      %add3A_417 = arith.addi %mul3A_415, %add3A_416 : i32
      %slice3A_418 = vector.extract_strided_slice %get3A_149 {offsets = [11], sizes = [1], strides = [1]} : vector<16xi32> to vector<1xi32>
      %squeeze3A_419 = vector.extract %slice3A_418[0] : i32 from vector<1xi32>
      %dma_start3A_420 = arith.constant 0 : i32
      %dma_start3A_421 = tpu.memref_slice %arg17[%add3A_417, %dma_start3A_420] : memref<128x64xf32, #tpu.memory_space<vmem>> -> memref<1x64xf32, #tpu.memory_space<vmem>>
      %dma_start3A_422 = arith.constant 0 : i32
      %dma_start3A_423 = tpu.memref_slice %arg6[%squeeze3A_419, %dma_start3A_422] : memref<1000000x64xf32, #tpu.memory_space<hbm>> -> memref<1x64xf32, #tpu.memory_space<hbm>>
      %dma_start3A_424 = arith.constant 0 : i32
      %dma_start3A_425 = tpu.memref_slice %arg17[%add3A_417, %dma_start3A_424] : memref<128x64xf32, #tpu.memory_space<vmem>> -> memref<1x64xf32, #tpu.memory_space<vmem>>
      %dma_start3A_426 = arith.constant 0 : i32
      %dma_start3A_427 = tpu.memref_slice %arg6[%squeeze3A_419, %dma_start3A_426] : memref<1000000x64xf32, #tpu.memory_space<hbm>> -> memref<1x64xf32, #tpu.memory_space<hbm>>
      tpu.enqueue_dma source(%dma_start3A_427 : memref<1x64xf32, #tpu.memory_space<hbm>>) target(%dma_start3A_425 : memref<1x64xf32, #tpu.memory_space<vmem>>) target_semaphore(%arg28 : memref<!tpu.dma_semaphore, #tpu.memory_space<semaphore_mem>>)
      %slice3A_428 = vector.extract_strided_slice %get3A_151 {offsets = [11], sizes = [1], strides = [1]} : vector<16xi32> to vector<1xi32>
      %squeeze3A_429 = vector.extract %slice3A_428[0] : i32 from vector<1xi32>
      %dma_start3A_430 = arith.constant 0 : i32
      %dma_start3A_431 = tpu.memref_slice %arg19[%add3A_417, %dma_start3A_430] : memref<128x64xf32, #tpu.memory_space<vmem>> -> memref<1x64xf32, #tpu.memory_space<vmem>>
      %dma_start3A_432 = arith.constant 0 : i32
      %dma_start3A_433 = tpu.memref_slice %arg7[%squeeze3A_429, %dma_start3A_432] : memref<100000x64xf32, #tpu.memory_space<hbm>> -> memref<1x64xf32, #tpu.memory_space<hbm>>
      %dma_start3A_434 = arith.constant 0 : i32
      %dma_start3A_435 = tpu.memref_slice %arg19[%add3A_417, %dma_start3A_434] : memref<128x64xf32, #tpu.memory_space<vmem>> -> memref<1x64xf32, #tpu.memory_space<vmem>>
      %dma_start3A_436 = arith.constant 0 : i32
      %dma_start3A_437 = tpu.memref_slice %arg7[%squeeze3A_429, %dma_start3A_436] : memref<100000x64xf32, #tpu.memory_space<hbm>> -> memref<1x64xf32, #tpu.memory_space<hbm>>
      tpu.enqueue_dma source(%dma_start3A_437 : memref<1x64xf32, #tpu.memory_space<hbm>>) target(%dma_start3A_435 : memref<1x64xf32, #tpu.memory_space<vmem>>) target_semaphore(%arg29 : memref<!tpu.dma_semaphore, #tpu.memory_space<semaphore_mem>>)
      %mul3A_438 = arith.constant 16 : i32
      %mul3A_439 = arith.muli %scan3A_143, %mul3A_438 : i32
      %add3A_440 = arith.constant 12 : i32
      %add3A_441 = arith.addi %mul3A_439, %add3A_440 : i32
      %slice3A_442 = vector.extract_strided_slice %get3A_149 {offsets = [12], sizes = [1], strides = [1]} : vector<16xi32> to vector<1xi32>
      %squeeze3A_443 = vector.extract %slice3A_442[0] : i32 from vector<1xi32>
      %dma_start3A_444 = arith.constant 0 : i32
      %dma_start3A_445 = tpu.memref_slice %arg17[%add3A_441, %dma_start3A_444] : memref<128x64xf32, #tpu.memory_space<vmem>> -> memref<1x64xf32, #tpu.memory_space<vmem>>
      %dma_start3A_446 = arith.constant 0 : i32
      %dma_start3A_447 = tpu.memref_slice %arg6[%squeeze3A_443, %dma_start3A_446] : memref<1000000x64xf32, #tpu.memory_space<hbm>> -> memref<1x64xf32, #tpu.memory_space<hbm>>
      %dma_start3A_448 = arith.constant 0 : i32
      %dma_start3A_449 = tpu.memref_slice %arg17[%add3A_441, %dma_start3A_448] : memref<128x64xf32, #tpu.memory_space<vmem>> -> memref<1x64xf32, #tpu.memory_space<vmem>>
      %dma_start3A_450 = arith.constant 0 : i32
      %dma_start3A_451 = tpu.memref_slice %arg6[%squeeze3A_443, %dma_start3A_450] : memref<1000000x64xf32, #tpu.memory_space<hbm>> -> memref<1x64xf32, #tpu.memory_space<hbm>>
      tpu.enqueue_dma source(%dma_start3A_451 : memref<1x64xf32, #tpu.memory_space<hbm>>) target(%dma_start3A_449 : memref<1x64xf32, #tpu.memory_space<vmem>>) target_semaphore(%arg28 : memref<!tpu.dma_semaphore, #tpu.memory_space<semaphore_mem>>)
      %slice3A_452 = vector.extract_strided_slice %get3A_151 {offsets = [12], sizes = [1], strides = [1]} : vector<16xi32> to vector<1xi32>
      %squeeze3A_453 = vector.extract %slice3A_452[0] : i32 from vector<1xi32>
      %dma_start3A_454 = arith.constant 0 : i32
      %dma_start3A_455 = tpu.memref_slice %arg19[%add3A_441, %dma_start3A_454] : memref<128x64xf32, #tpu.memory_space<vmem>> -> memref<1x64xf32, #tpu.memory_space<vmem>>
      %dma_start3A_456 = arith.constant 0 : i32
      %dma_start3A_457 = tpu.memref_slice %arg7[%squeeze3A_453, %dma_start3A_456] : memref<100000x64xf32, #tpu.memory_space<hbm>> -> memref<1x64xf32, #tpu.memory_space<hbm>>
      %dma_start3A_458 = arith.constant 0 : i32
      %dma_start3A_459 = tpu.memref_slice %arg19[%add3A_441, %dma_start3A_458] : memref<128x64xf32, #tpu.memory_space<vmem>> -> memref<1x64xf32, #tpu.memory_space<vmem>>
      %dma_start3A_460 = arith.constant 0 : i32
      %dma_start3A_461 = tpu.memref_slice %arg7[%squeeze3A_453, %dma_start3A_460] : memref<100000x64xf32, #tpu.memory_space<hbm>> -> memref<1x64xf32, #tpu.memory_space<hbm>>
      tpu.enqueue_dma source(%dma_start3A_461 : memref<1x64xf32, #tpu.memory_space<hbm>>) target(%dma_start3A_459 : memref<1x64xf32, #tpu.memory_space<vmem>>) target_semaphore(%arg29 : memref<!tpu.dma_semaphore, #tpu.memory_space<semaphore_mem>>)
      %mul3A_462 = arith.constant 16 : i32
      %mul3A_463 = arith.muli %scan3A_143, %mul3A_462 : i32
      %add3A_464 = arith.constant 13 : i32
      %add3A_465 = arith.addi %mul3A_463, %add3A_464 : i32
      %slice3A_466 = vector.extract_strided_slice %get3A_149 {offsets = [13], sizes = [1], strides = [1]} : vector<16xi32> to vector<1xi32>
      %squeeze3A_467 = vector.extract %slice3A_466[0] : i32 from vector<1xi32>
      %dma_start3A_468 = arith.constant 0 : i32
      %dma_start3A_469 = tpu.memref_slice %arg17[%add3A_465, %dma_start3A_468] : memref<128x64xf32, #tpu.memory_space<vmem>> -> memref<1x64xf32, #tpu.memory_space<vmem>>
      %dma_start3A_470 = arith.constant 0 : i32
      %dma_start3A_471 = tpu.memref_slice %arg6[%squeeze3A_467, %dma_start3A_470] : memref<1000000x64xf32, #tpu.memory_space<hbm>> -> memref<1x64xf32, #tpu.memory_space<hbm>>
      %dma_start3A_472 = arith.constant 0 : i32
      %dma_start3A_473 = tpu.memref_slice %arg17[%add3A_465, %dma_start3A_472] : memref<128x64xf32, #tpu.memory_space<vmem>> -> memref<1x64xf32, #tpu.memory_space<vmem>>
      %dma_start3A_474 = arith.constant 0 : i32
      %dma_start3A_475 = tpu.memref_slice %arg6[%squeeze3A_467, %dma_start3A_474] : memref<1000000x64xf32, #tpu.memory_space<hbm>> -> memref<1x64xf32, #tpu.memory_space<hbm>>
      tpu.enqueue_dma source(%dma_start3A_475 : memref<1x64xf32, #tpu.memory_space<hbm>>) target(%dma_start3A_473 : memref<1x64xf32, #tpu.memory_space<vmem>>) target_semaphore(%arg28 : memref<!tpu.dma_semaphore, #tpu.memory_space<semaphore_mem>>)
      %slice3A_476 = vector.extract_strided_slice %get3A_151 {offsets = [13], sizes = [1], strides = [1]} : vector<16xi32> to vector<1xi32>
      %squeeze3A_477 = vector.extract %slice3A_476[0] : i32 from vector<1xi32>
      %dma_start3A_478 = arith.constant 0 : i32
      %dma_start3A_479 = tpu.memref_slice %arg19[%add3A_465, %dma_start3A_478] : memref<128x64xf32, #tpu.memory_space<vmem>> -> memref<1x64xf32, #tpu.memory_space<vmem>>
      %dma_start3A_480 = arith.constant 0 : i32
      %dma_start3A_481 = tpu.memref_slice %arg7[%squeeze3A_477, %dma_start3A_480] : memref<100000x64xf32, #tpu.memory_space<hbm>> -> memref<1x64xf32, #tpu.memory_space<hbm>>
      %dma_start3A_482 = arith.constant 0 : i32
      %dma_start3A_483 = tpu.memref_slice %arg19[%add3A_465, %dma_start3A_482] : memref<128x64xf32, #tpu.memory_space<vmem>> -> memref<1x64xf32, #tpu.memory_space<vmem>>
      %dma_start3A_484 = arith.constant 0 : i32
      %dma_start3A_485 = tpu.memref_slice %arg7[%squeeze3A_477, %dma_start3A_484] : memref<100000x64xf32, #tpu.memory_space<hbm>> -> memref<1x64xf32, #tpu.memory_space<hbm>>
      tpu.enqueue_dma source(%dma_start3A_485 : memref<1x64xf32, #tpu.memory_space<hbm>>) target(%dma_start3A_483 : memref<1x64xf32, #tpu.memory_space<vmem>>) target_semaphore(%arg29 : memref<!tpu.dma_semaphore, #tpu.memory_space<semaphore_mem>>)
      %mul3A_486 = arith.constant 16 : i32
      %mul3A_487 = arith.muli %scan3A_143, %mul3A_486 : i32
      %add3A_488 = arith.constant 14 : i32
      %add3A_489 = arith.addi %mul3A_487, %add3A_488 : i32
      %slice3A_490 = vector.extract_strided_slice %get3A_149 {offsets = [14], sizes = [1], strides = [1]} : vector<16xi32> to vector<1xi32>
      %squeeze3A_491 = vector.extract %slice3A_490[0] : i32 from vector<1xi32>
      %dma_start3A_492 = arith.constant 0 : i32
      %dma_start3A_493 = tpu.memref_slice %arg17[%add3A_489, %dma_start3A_492] : memref<128x64xf32, #tpu.memory_space<vmem>> -> memref<1x64xf32, #tpu.memory_space<vmem>>
      %dma_start3A_494 = arith.constant 0 : i32
      %dma_start3A_495 = tpu.memref_slice %arg6[%squeeze3A_491, %dma_start3A_494] : memref<1000000x64xf32, #tpu.memory_space<hbm>> -> memref<1x64xf32, #tpu.memory_space<hbm>>
      %dma_start3A_496 = arith.constant 0 : i32
      %dma_start3A_497 = tpu.memref_slice %arg17[%add3A_489, %dma_start3A_496] : memref<128x64xf32, #tpu.memory_space<vmem>> -> memref<1x64xf32, #tpu.memory_space<vmem>>
      %dma_start3A_498 = arith.constant 0 : i32
      %dma_start3A_499 = tpu.memref_slice %arg6[%squeeze3A_491, %dma_start3A_498] : memref<1000000x64xf32, #tpu.memory_space<hbm>> -> memref<1x64xf32, #tpu.memory_space<hbm>>
      tpu.enqueue_dma source(%dma_start3A_499 : memref<1x64xf32, #tpu.memory_space<hbm>>) target(%dma_start3A_497 : memref<1x64xf32, #tpu.memory_space<vmem>>) target_semaphore(%arg28 : memref<!tpu.dma_semaphore, #tpu.memory_space<semaphore_mem>>)
      %slice3A_500 = vector.extract_strided_slice %get3A_151 {offsets = [14], sizes = [1], strides = [1]} : vector<16xi32> to vector<1xi32>
      %squeeze3A_501 = vector.extract %slice3A_500[0] : i32 from vector<1xi32>
      %dma_start3A_502 = arith.constant 0 : i32
      %dma_start3A_503 = tpu.memref_slice %arg19[%add3A_489, %dma_start3A_502] : memref<128x64xf32, #tpu.memory_space<vmem>> -> memref<1x64xf32, #tpu.memory_space<vmem>>
      %dma_start3A_504 = arith.constant 0 : i32
      %dma_start3A_505 = tpu.memref_slice %arg7[%squeeze3A_501, %dma_start3A_504] : memref<100000x64xf32, #tpu.memory_space<hbm>> -> memref<1x64xf32, #tpu.memory_space<hbm>>
      %dma_start3A_506 = arith.constant 0 : i32
      %dma_start3A_507 = tpu.memref_slice %arg19[%add3A_489, %dma_start3A_506] : memref<128x64xf32, #tpu.memory_space<vmem>> -> memref<1x64xf32, #tpu.memory_space<vmem>>
      %dma_start3A_508 = arith.constant 0 : i32
      %dma_start3A_509 = tpu.memref_slice %arg7[%squeeze3A_501, %dma_start3A_508] : memref<100000x64xf32, #tpu.memory_space<hbm>> -> memref<1x64xf32, #tpu.memory_space<hbm>>
      tpu.enqueue_dma source(%dma_start3A_509 : memref<1x64xf32, #tpu.memory_space<hbm>>) target(%dma_start3A_507 : memref<1x64xf32, #tpu.memory_space<vmem>>) target_semaphore(%arg29 : memref<!tpu.dma_semaphore, #tpu.memory_space<semaphore_mem>>)
      %mul3A_510 = arith.constant 16 : i32
      %mul3A_511 = arith.muli %scan3A_143, %mul3A_510 : i32
      %add3A_512 = arith.constant 15 : i32
      %add3A_513 = arith.addi %mul3A_511, %add3A_512 : i32
      %slice3A_514 = vector.extract_strided_slice %get3A_149 {offsets = [15], sizes = [1], strides = [1]} : vector<16xi32> to vector<1xi32>
      %squeeze3A_515 = vector.extract %slice3A_514[0] : i32 from vector<1xi32>
      %dma_start3A_516 = arith.constant 0 : i32
      %dma_start3A_517 = tpu.memref_slice %arg17[%add3A_513, %dma_start3A_516] : memref<128x64xf32, #tpu.memory_space<vmem>> -> memref<1x64xf32, #tpu.memory_space<vmem>>
      %dma_start3A_518 = arith.constant 0 : i32
      %dma_start3A_519 = tpu.memref_slice %arg6[%squeeze3A_515, %dma_start3A_518] : memref<1000000x64xf32, #tpu.memory_space<hbm>> -> memref<1x64xf32, #tpu.memory_space<hbm>>
      %dma_start3A_520 = arith.constant 0 : i32
      %dma_start3A_521 = tpu.memref_slice %arg17[%add3A_513, %dma_start3A_520] : memref<128x64xf32, #tpu.memory_space<vmem>> -> memref<1x64xf32, #tpu.memory_space<vmem>>
      %dma_start3A_522 = arith.constant 0 : i32
      %dma_start3A_523 = tpu.memref_slice %arg6[%squeeze3A_515, %dma_start3A_522] : memref<1000000x64xf32, #tpu.memory_space<hbm>> -> memref<1x64xf32, #tpu.memory_space<hbm>>
      tpu.enqueue_dma source(%dma_start3A_523 : memref<1x64xf32, #tpu.memory_space<hbm>>) target(%dma_start3A_521 : memref<1x64xf32, #tpu.memory_space<vmem>>) target_semaphore(%arg28 : memref<!tpu.dma_semaphore, #tpu.memory_space<semaphore_mem>>)
      %slice3A_524 = vector.extract_strided_slice %get3A_151 {offsets = [15], sizes = [1], strides = [1]} : vector<16xi32> to vector<1xi32>
      %squeeze3A_525 = vector.extract %slice3A_524[0] : i32 from vector<1xi32>
      %dma_start3A_526 = arith.constant 0 : i32
      %dma_start3A_527 = tpu.memref_slice %arg19[%add3A_513, %dma_start3A_526] : memref<128x64xf32, #tpu.memory_space<vmem>> -> memref<1x64xf32, #tpu.memory_space<vmem>>
      %dma_start3A_528 = arith.constant 0 : i32
      %dma_start3A_529 = tpu.memref_slice %arg7[%squeeze3A_525, %dma_start3A_528] : memref<100000x64xf32, #tpu.memory_space<hbm>> -> memref<1x64xf32, #tpu.memory_space<hbm>>
      %dma_start3A_530 = arith.constant 0 : i32
      %dma_start3A_531 = tpu.memref_slice %arg19[%add3A_513, %dma_start3A_530] : memref<128x64xf32, #tpu.memory_space<vmem>> -> memref<1x64xf32, #tpu.memory_space<vmem>>
      %dma_start3A_532 = arith.constant 0 : i32
      %dma_start3A_533 = tpu.memref_slice %arg7[%squeeze3A_525, %dma_start3A_532] : memref<100000x64xf32, #tpu.memory_space<hbm>> -> memref<1x64xf32, #tpu.memory_space<hbm>>
      tpu.enqueue_dma source(%dma_start3A_533 : memref<1x64xf32, #tpu.memory_space<hbm>>) target(%dma_start3A_531 : memref<1x64xf32, #tpu.memory_space<vmem>>) target_semaphore(%arg29 : memref<!tpu.dma_semaphore, #tpu.memory_space<semaphore_mem>>)
    }
    %scan3A_33 = arith.constant 8 : i32
    %scan3A_34 = arith.constant 0 : i32
    %scan3A_35 = arith.constant 0 : i32
    %scan3A_36 = arith.constant 8 : i32
    %scan3A_37 = arith.addi %scan3A_35, %scan3A_36 : i32
    %scan3A_38 = arith.constant 1 : i32
    scf.for %scan3A_143 = %scan3A_35 to %scan3A_37 step %scan3A_38  : i32 {
      %mul3A_144 = arith.constant 16 : i32
      %mul3A_145 = arith.muli %scan3A_143, %mul3A_144 : i32
      %add3A_146 = arith.constant 128 : i32
      %add3A_147 = arith.addi %add3A_146, %mul3A_145 : i32
      %get3A_148 = arith.index_cast %add3A_147 : i32 to index
      %get3A_149 = tpu.vector_load %arg12[%get3A_148] {strides = array<i32>} : memref<512xi32, #tpu.memory_space<vmem>>, vector<16xi32>,
      %get3A_150 = arith.index_cast %add3A_147 : i32 to index
      %get3A_151 = tpu.vector_load %arg13[%get3A_150] {strides = array<i32>} : memref<512xi32, #tpu.memory_space<vmem>>, vector<16xi32>,
      %mul3A_152 = arith.constant 16 : i32
      %mul3A_153 = arith.muli %scan3A_143, %mul3A_152 : i32
      %add3A_154 = arith.constant 0 : i32
      %add3A_155 = arith.addi %mul3A_153, %add3A_154 : i32
      %slice3A = vector.extract_strided_slice %get3A_149 {offsets = [0], sizes = [1], strides = [1]} : vector<16xi32> to vector<1xi32>
      %squeeze3A = vector.extract %slice3A[0] : i32 from vector<1xi32>
      %dma_start3A_156 = arith.constant 0 : i32
      %dma_start3A_157 = tpu.memref_slice %arg18[%add3A_155, %dma_start3A_156] : memref<128x64xf32, #tpu.memory_space<vmem>> -> memref<1x64xf32, #tpu.memory_space<vmem>>
      %dma_start3A_158 = arith.constant 0 : i32
      %dma_start3A_159 = tpu.memref_slice %arg6[%squeeze3A, %dma_start3A_158] : memref<1000000x64xf32, #tpu.memory_space<hbm>> -> memref<1x64xf32, #tpu.memory_space<hbm>>
      %dma_start3A_160 = arith.constant 0 : i32
      %dma_start3A_161 = tpu.memref_slice %arg18[%add3A_155, %dma_start3A_160] : memref<128x64xf32, #tpu.memory_space<vmem>> -> memref<1x64xf32, #tpu.memory_space<vmem>>
      %dma_start3A_162 = arith.constant 0 : i32
      %dma_start3A_163 = tpu.memref_slice %arg6[%squeeze3A, %dma_start3A_162] : memref<1000000x64xf32, #tpu.memory_space<hbm>> -> memref<1x64xf32, #tpu.memory_space<hbm>>
      tpu.enqueue_dma source(%dma_start3A_163 : memref<1x64xf32, #tpu.memory_space<hbm>>) target(%dma_start3A_161 : memref<1x64xf32, #tpu.memory_space<vmem>>) target_semaphore(%arg28 : memref<!tpu.dma_semaphore, #tpu.memory_space<semaphore_mem>>)
      %slice3A_164 = vector.extract_strided_slice %get3A_151 {offsets = [0], sizes = [1], strides = [1]} : vector<16xi32> to vector<1xi32>
      %squeeze3A_165 = vector.extract %slice3A_164[0] : i32 from vector<1xi32>
      %dma_start3A_166 = arith.constant 0 : i32
      %dma_start3A_167 = tpu.memref_slice %arg20[%add3A_155, %dma_start3A_166] : memref<128x64xf32, #tpu.memory_space<vmem>> -> memref<1x64xf32, #tpu.memory_space<vmem>>
      %dma_start3A_168 = arith.constant 0 : i32
      %dma_start3A_169 = tpu.memref_slice %arg7[%squeeze3A_165, %dma_start3A_168] : memref<100000x64xf32, #tpu.memory_space<hbm>> -> memref<1x64xf32, #tpu.memory_space<hbm>>
      %dma_start3A_170 = arith.constant 0 : i32
      %dma_start3A_171 = tpu.memref_slice %arg20[%add3A_155, %dma_start3A_170] : memref<128x64xf32, #tpu.memory_space<vmem>> -> memref<1x64xf32, #tpu.memory_space<vmem>>
      %dma_start3A_172 = arith.constant 0 : i32
      %dma_start3A_173 = tpu.memref_slice %arg7[%squeeze3A_165, %dma_start3A_172] : memref<100000x64xf32, #tpu.memory_space<hbm>> -> memref<1x64xf32, #tpu.memory_space<hbm>>
      tpu.enqueue_dma source(%dma_start3A_173 : memref<1x64xf32, #tpu.memory_space<hbm>>) target(%dma_start3A_171 : memref<1x64xf32, #tpu.memory_space<vmem>>) target_semaphore(%arg29 : memref<!tpu.dma_semaphore, #tpu.memory_space<semaphore_mem>>)
      %mul3A_174 = arith.constant 16 : i32
      %mul3A_175 = arith.muli %scan3A_143, %mul3A_174 : i32
      %add3A_176 = arith.constant 1 : i32
      %add3A_177 = arith.addi %mul3A_175, %add3A_176 : i32
      %slice3A_178 = vector.extract_strided_slice %get3A_149 {offsets = [1], sizes = [1], strides = [1]} : vector<16xi32> to vector<1xi32>
      %squeeze3A_179 = vector.extract %slice3A_178[0] : i32 from vector<1xi32>
      %dma_start3A_180 = arith.constant 0 : i32
      %dma_start3A_181 = tpu.memref_slice %arg18[%add3A_177, %dma_start3A_180] : memref<128x64xf32, #tpu.memory_space<vmem>> -> memref<1x64xf32, #tpu.memory_space<vmem>>
      %dma_start3A_182 = arith.constant 0 : i32
      %dma_start3A_183 = tpu.memref_slice %arg6[%squeeze3A_179, %dma_start3A_182] : memref<1000000x64xf32, #tpu.memory_space<hbm>> -> memref<1x64xf32, #tpu.memory_space<hbm>>
      %dma_start3A_184 = arith.constant 0 : i32
      %dma_start3A_185 = tpu.memref_slice %arg18[%add3A_177, %dma_start3A_184] : memref<128x64xf32, #tpu.memory_space<vmem>> -> memref<1x64xf32, #tpu.memory_space<vmem>>
      %dma_start3A_186 = arith.constant 0 : i32
      %dma_start3A_187 = tpu.memref_slice %arg6[%squeeze3A_179, %dma_start3A_186] : memref<1000000x64xf32, #tpu.memory_space<hbm>> -> memref<1x64xf32, #tpu.memory_space<hbm>>
      tpu.enqueue_dma source(%dma_start3A_187 : memref<1x64xf32, #tpu.memory_space<hbm>>) target(%dma_start3A_185 : memref<1x64xf32, #tpu.memory_space<vmem>>) target_semaphore(%arg28 : memref<!tpu.dma_semaphore, #tpu.memory_space<semaphore_mem>>)
      %slice3A_188 = vector.extract_strided_slice %get3A_151 {offsets = [1], sizes = [1], strides = [1]} : vector<16xi32> to vector<1xi32>
      %squeeze3A_189 = vector.extract %slice3A_188[0] : i32 from vector<1xi32>
      %dma_start3A_190 = arith.constant 0 : i32
      %dma_start3A_191 = tpu.memref_slice %arg20[%add3A_177, %dma_start3A_190] : memref<128x64xf32, #tpu.memory_space<vmem>> -> memref<1x64xf32, #tpu.memory_space<vmem>>
      %dma_start3A_192 = arith.constant 0 : i32
      %dma_start3A_193 = tpu.memref_slice %arg7[%squeeze3A_189, %dma_start3A_192] : memref<100000x64xf32, #tpu.memory_space<hbm>> -> memref<1x64xf32, #tpu.memory_space<hbm>>
      %dma_start3A_194 = arith.constant 0 : i32
      %dma_start3A_195 = tpu.memref_slice %arg20[%add3A_177, %dma_start3A_194] : memref<128x64xf32, #tpu.memory_space<vmem>> -> memref<1x64xf32, #tpu.memory_space<vmem>>
      %dma_start3A_196 = arith.constant 0 : i32
      %dma_start3A_197 = tpu.memref_slice %arg7[%squeeze3A_189, %dma_start3A_196] : memref<100000x64xf32, #tpu.memory_space<hbm>> -> memref<1x64xf32, #tpu.memory_space<hbm>>
      tpu.enqueue_dma source(%dma_start3A_197 : memref<1x64xf32, #tpu.memory_space<hbm>>) target(%dma_start3A_195 : memref<1x64xf32, #tpu.memory_space<vmem>>) target_semaphore(%arg29 : memref<!tpu.dma_semaphore, #tpu.memory_space<semaphore_mem>>)
      %mul3A_198 = arith.constant 16 : i32
      %mul3A_199 = arith.muli %scan3A_143, %mul3A_198 : i32
      %add3A_200 = arith.constant 2 : i32
      %add3A_201 = arith.addi %mul3A_199, %add3A_200 : i32
      %slice3A_202 = vector.extract_strided_slice %get3A_149 {offsets = [2], sizes = [1], strides = [1]} : vector<16xi32> to vector<1xi32>
      %squeeze3A_203 = vector.extract %slice3A_202[0] : i32 from vector<1xi32>
      %dma_start3A_204 = arith.constant 0 : i32
      %dma_start3A_205 = tpu.memref_slice %arg18[%add3A_201, %dma_start3A_204] : memref<128x64xf32, #tpu.memory_space<vmem>> -> memref<1x64xf32, #tpu.memory_space<vmem>>
      %dma_start3A_206 = arith.constant 0 : i32
      %dma_start3A_207 = tpu.memref_slice %arg6[%squeeze3A_203, %dma_start3A_206] : memref<1000000x64xf32, #tpu.memory_space<hbm>> -> memref<1x64xf32, #tpu.memory_space<hbm>>
      %dma_start3A_208 = arith.constant 0 : i32
      %dma_start3A_209 = tpu.memref_slice %arg18[%add3A_201, %dma_start3A_208] : memref<128x64xf32, #tpu.memory_space<vmem>> -> memref<1x64xf32, #tpu.memory_space<vmem>>
      %dma_start3A_210 = arith.constant 0 : i32
      %dma_start3A_211 = tpu.memref_slice %arg6[%squeeze3A_203, %dma_start3A_210] : memref<1000000x64xf32, #tpu.memory_space<hbm>> -> memref<1x64xf32, #tpu.memory_space<hbm>>
      tpu.enqueue_dma source(%dma_start3A_211 : memref<1x64xf32, #tpu.memory_space<hbm>>) target(%dma_start3A_209 : memref<1x64xf32, #tpu.memory_space<vmem>>) target_semaphore(%arg28 : memref<!tpu.dma_semaphore, #tpu.memory_space<semaphore_mem>>)
      %slice3A_212 = vector.extract_strided_slice %get3A_151 {offsets = [2], sizes = [1], strides = [1]} : vector<16xi32> to vector<1xi32>
      %squeeze3A_213 = vector.extract %slice3A_212[0] : i32 from vector<1xi32>
      %dma_start3A_214 = arith.constant 0 : i32
      %dma_start3A_215 = tpu.memref_slice %arg20[%add3A_201, %dma_start3A_214] : memref<128x64xf32, #tpu.memory_space<vmem>> -> memref<1x64xf32, #tpu.memory_space<vmem>>
      %dma_start3A_216 = arith.constant 0 : i32
      %dma_start3A_217 = tpu.memref_slice %arg7[%squeeze3A_213, %dma_start3A_216] : memref<100000x64xf32, #tpu.memory_space<hbm>> -> memref<1x64xf32, #tpu.memory_space<hbm>>
      %dma_start3A_218 = arith.constant 0 : i32
      %dma_start3A_219 = tpu.memref_slice %arg20[%add3A_201, %dma_start3A_218] : memref<128x64xf32, #tpu.memory_space<vmem>> -> memref<1x64xf32, #tpu.memory_space<vmem>>
      %dma_start3A_220 = arith.constant 0 : i32
      %dma_start3A_221 = tpu.memref_slice %arg7[%squeeze3A_213, %dma_start3A_220] : memref<100000x64xf32, #tpu.memory_space<hbm>> -> memref<1x64xf32, #tpu.memory_space<hbm>>
      tpu.enqueue_dma source(%dma_start3A_221 : memref<1x64xf32, #tpu.memory_space<hbm>>) target(%dma_start3A_219 : memref<1x64xf32, #tpu.memory_space<vmem>>) target_semaphore(%arg29 : memref<!tpu.dma_semaphore, #tpu.memory_space<semaphore_mem>>)
      %mul3A_222 = arith.constant 16 : i32
      %mul3A_223 = arith.muli %scan3A_143, %mul3A_222 : i32
      %add3A_224 = arith.constant 3 : i32
      %add3A_225 = arith.addi %mul3A_223, %add3A_224 : i32
      %slice3A_226 = vector.extract_strided_slice %get3A_149 {offsets = [3], sizes = [1], strides = [1]} : vector<16xi32> to vector<1xi32>
      %squeeze3A_227 = vector.extract %slice3A_226[0] : i32 from vector<1xi32>
      %dma_start3A_228 = arith.constant 0 : i32
      %dma_start3A_229 = tpu.memref_slice %arg18[%add3A_225, %dma_start3A_228] : memref<128x64xf32, #tpu.memory_space<vmem>> -> memref<1x64xf32, #tpu.memory_space<vmem>>
      %dma_start3A_230 = arith.constant 0 : i32
      %dma_start3A_231 = tpu.memref_slice %arg6[%squeeze3A_227, %dma_start3A_230] : memref<1000000x64xf32, #tpu.memory_space<hbm>> -> memref<1x64xf32, #tpu.memory_space<hbm>>
      %dma_start3A_232 = arith.constant 0 : i32
      %dma_start3A_233 = tpu.memref_slice %arg18[%add3A_225, %dma_start3A_232] : memref<128x64xf32, #tpu.memory_space<vmem>> -> memref<1x64xf32, #tpu.memory_space<vmem>>
      %dma_start3A_234 = arith.constant 0 : i32
      %dma_start3A_235 = tpu.memref_slice %arg6[%squeeze3A_227, %dma_start3A_234] : memref<1000000x64xf32, #tpu.memory_space<hbm>> -> memref<1x64xf32, #tpu.memory_space<hbm>>
      tpu.enqueue_dma source(%dma_start3A_235 : memref<1x64xf32, #tpu.memory_space<hbm>>) target(%dma_start3A_233 : memref<1x64xf32, #tpu.memory_space<vmem>>) target_semaphore(%arg28 : memref<!tpu.dma_semaphore, #tpu.memory_space<semaphore_mem>>)
      %slice3A_236 = vector.extract_strided_slice %get3A_151 {offsets = [3], sizes = [1], strides = [1]} : vector<16xi32> to vector<1xi32>
      %squeeze3A_237 = vector.extract %slice3A_236[0] : i32 from vector<1xi32>
      %dma_start3A_238 = arith.constant 0 : i32
      %dma_start3A_239 = tpu.memref_slice %arg20[%add3A_225, %dma_start3A_238] : memref<128x64xf32, #tpu.memory_space<vmem>> -> memref<1x64xf32, #tpu.memory_space<vmem>>
      %dma_start3A_240 = arith.constant 0 : i32
      %dma_start3A_241 = tpu.memref_slice %arg7[%squeeze3A_237, %dma_start3A_240] : memref<100000x64xf32, #tpu.memory_space<hbm>> -> memref<1x64xf32, #tpu.memory_space<hbm>>
      %dma_start3A_242 = arith.constant 0 : i32
      %dma_start3A_243 = tpu.memref_slice %arg20[%add3A_225, %dma_start3A_242] : memref<128x64xf32, #tpu.memory_space<vmem>> -> memref<1x64xf32, #tpu.memory_space<vmem>>
      %dma_start3A_244 = arith.constant 0 : i32
      %dma_start3A_245 = tpu.memref_slice %arg7[%squeeze3A_237, %dma_start3A_244] : memref<100000x64xf32, #tpu.memory_space<hbm>> -> memref<1x64xf32, #tpu.memory_space<hbm>>
      tpu.enqueue_dma source(%dma_start3A_245 : memref<1x64xf32, #tpu.memory_space<hbm>>) target(%dma_start3A_243 : memref<1x64xf32, #tpu.memory_space<vmem>>) target_semaphore(%arg29 : memref<!tpu.dma_semaphore, #tpu.memory_space<semaphore_mem>>)
      %mul3A_246 = arith.constant 16 : i32
      %mul3A_247 = arith.muli %scan3A_143, %mul3A_246 : i32
      %add3A_248 = arith.constant 4 : i32
      %add3A_249 = arith.addi %mul3A_247, %add3A_248 : i32
      %slice3A_250 = vector.extract_strided_slice %get3A_149 {offsets = [4], sizes = [1], strides = [1]} : vector<16xi32> to vector<1xi32>
      %squeeze3A_251 = vector.extract %slice3A_250[0] : i32 from vector<1xi32>
      %dma_start3A_252 = arith.constant 0 : i32
      %dma_start3A_253 = tpu.memref_slice %arg18[%add3A_249, %dma_start3A_252] : memref<128x64xf32, #tpu.memory_space<vmem>> -> memref<1x64xf32, #tpu.memory_space<vmem>>
      %dma_start3A_254 = arith.constant 0 : i32
      %dma_start3A_255 = tpu.memref_slice %arg6[%squeeze3A_251, %dma_start3A_254] : memref<1000000x64xf32, #tpu.memory_space<hbm>> -> memref<1x64xf32, #tpu.memory_space<hbm>>
      %dma_start3A_256 = arith.constant 0 : i32
      %dma_start3A_257 = tpu.memref_slice %arg18[%add3A_249, %dma_start3A_256] : memref<128x64xf32, #tpu.memory_space<vmem>> -> memref<1x64xf32, #tpu.memory_space<vmem>>
      %dma_start3A_258 = arith.constant 0 : i32
      %dma_start3A_259 = tpu.memref_slice %arg6[%squeeze3A_251, %dma_start3A_258] : memref<1000000x64xf32, #tpu.memory_space<hbm>> -> memref<1x64xf32, #tpu.memory_space<hbm>>
      tpu.enqueue_dma source(%dma_start3A_259 : memref<1x64xf32, #tpu.memory_space<hbm>>) target(%dma_start3A_257 : memref<1x64xf32, #tpu.memory_space<vmem>>) target_semaphore(%arg28 : memref<!tpu.dma_semaphore, #tpu.memory_space<semaphore_mem>>)
      %slice3A_260 = vector.extract_strided_slice %get3A_151 {offsets = [4], sizes = [1], strides = [1]} : vector<16xi32> to vector<1xi32>
      %squeeze3A_261 = vector.extract %slice3A_260[0] : i32 from vector<1xi32>
      %dma_start3A_262 = arith.constant 0 : i32
      %dma_start3A_263 = tpu.memref_slice %arg20[%add3A_249, %dma_start3A_262] : memref<128x64xf32, #tpu.memory_space<vmem>> -> memref<1x64xf32, #tpu.memory_space<vmem>>
      %dma_start3A_264 = arith.constant 0 : i32
      %dma_start3A_265 = tpu.memref_slice %arg7[%squeeze3A_261, %dma_start3A_264] : memref<100000x64xf32, #tpu.memory_space<hbm>> -> memref<1x64xf32, #tpu.memory_space<hbm>>
      %dma_start3A_266 = arith.constant 0 : i32
      %dma_start3A_267 = tpu.memref_slice %arg20[%add3A_249, %dma_start3A_266] : memref<128x64xf32, #tpu.memory_space<vmem>> -> memref<1x64xf32, #tpu.memory_space<vmem>>
      %dma_start3A_268 = arith.constant 0 : i32
      %dma_start3A_269 = tpu.memref_slice %arg7[%squeeze3A_261, %dma_start3A_268] : memref<100000x64xf32, #tpu.memory_space<hbm>> -> memref<1x64xf32, #tpu.memory_space<hbm>>
      tpu.enqueue_dma source(%dma_start3A_269 : memref<1x64xf32, #tpu.memory_space<hbm>>) target(%dma_start3A_267 : memref<1x64xf32, #tpu.memory_space<vmem>>) target_semaphore(%arg29 : memref<!tpu.dma_semaphore, #tpu.memory_space<semaphore_mem>>)
      %mul3A_270 = arith.constant 16 : i32
      %mul3A_271 = arith.muli %scan3A_143, %mul3A_270 : i32
      %add3A_272 = arith.constant 5 : i32
      %add3A_273 = arith.addi %mul3A_271, %add3A_272 : i32
      %slice3A_274 = vector.extract_strided_slice %get3A_149 {offsets = [5], sizes = [1], strides = [1]} : vector<16xi32> to vector<1xi32>
      %squeeze3A_275 = vector.extract %slice3A_274[0] : i32 from vector<1xi32>
      %dma_start3A_276 = arith.constant 0 : i32
      %dma_start3A_277 = tpu.memref_slice %arg18[%add3A_273, %dma_start3A_276] : memref<128x64xf32, #tpu.memory_space<vmem>> -> memref<1x64xf32, #tpu.memory_space<vmem>>
      %dma_start3A_278 = arith.constant 0 : i32
      %dma_start3A_279 = tpu.memref_slice %arg6[%squeeze3A_275, %dma_start3A_278] : memref<1000000x64xf32, #tpu.memory_space<hbm>> -> memref<1x64xf32, #tpu.memory_space<hbm>>
      %dma_start3A_280 = arith.constant 0 : i32
      %dma_start3A_281 = tpu.memref_slice %arg18[%add3A_273, %dma_start3A_280] : memref<128x64xf32, #tpu.memory_space<vmem>> -> memref<1x64xf32, #tpu.memory_space<vmem>>
      %dma_start3A_282 = arith.constant 0 : i32
      %dma_start3A_283 = tpu.memref_slice %arg6[%squeeze3A_275, %dma_start3A_282] : memref<1000000x64xf32, #tpu.memory_space<hbm>> -> memref<1x64xf32, #tpu.memory_space<hbm>>
      tpu.enqueue_dma source(%dma_start3A_283 : memref<1x64xf32, #tpu.memory_space<hbm>>) target(%dma_start3A_281 : memref<1x64xf32, #tpu.memory_space<vmem>>) target_semaphore(%arg28 : memref<!tpu.dma_semaphore, #tpu.memory_space<semaphore_mem>>)
      %slice3A_284 = vector.extract_strided_slice %get3A_151 {offsets = [5], sizes = [1], strides = [1]} : vector<16xi32> to vector<1xi32>
      %squeeze3A_285 = vector.extract %slice3A_284[0] : i32 from vector<1xi32>
      %dma_start3A_286 = arith.constant 0 : i32
      %dma_start3A_287 = tpu.memref_slice %arg20[%add3A_273, %dma_start3A_286] : memref<128x64xf32, #tpu.memory_space<vmem>> -> memref<1x64xf32, #tpu.memory_space<vmem>>
      %dma_start3A_288 = arith.constant 0 : i32
      %dma_start3A_289 = tpu.memref_slice %arg7[%squeeze3A_285, %dma_start3A_288] : memref<100000x64xf32, #tpu.memory_space<hbm>> -> memref<1x64xf32, #tpu.memory_space<hbm>>
      %dma_start3A_290 = arith.constant 0 : i32
      %dma_start3A_291 = tpu.memref_slice %arg20[%add3A_273, %dma_start3A_290] : memref<128x64xf32, #tpu.memory_space<vmem>> -> memref<1x64xf32, #tpu.memory_space<vmem>>
      %dma_start3A_292 = arith.constant 0 : i32
      %dma_start3A_293 = tpu.memref_slice %arg7[%squeeze3A_285, %dma_start3A_292] : memref<100000x64xf32, #tpu.memory_space<hbm>> -> memref<1x64xf32, #tpu.memory_space<hbm>>
      tpu.enqueue_dma source(%dma_start3A_293 : memref<1x64xf32, #tpu.memory_space<hbm>>) target(%dma_start3A_291 : memref<1x64xf32, #tpu.memory_space<vmem>>) target_semaphore(%arg29 : memref<!tpu.dma_semaphore, #tpu.memory_space<semaphore_mem>>)
      %mul3A_294 = arith.constant 16 : i32
      %mul3A_295 = arith.muli %scan3A_143, %mul3A_294 : i32
      %add3A_296 = arith.constant 6 : i32
      %add3A_297 = arith.addi %mul3A_295, %add3A_296 : i32
      %slice3A_298 = vector.extract_strided_slice %get3A_149 {offsets = [6], sizes = [1], strides = [1]} : vector<16xi32> to vector<1xi32>
      %squeeze3A_299 = vector.extract %slice3A_298[0] : i32 from vector<1xi32>
      %dma_start3A_300 = arith.constant 0 : i32
      %dma_start3A_301 = tpu.memref_slice %arg18[%add3A_297, %dma_start3A_300] : memref<128x64xf32, #tpu.memory_space<vmem>> -> memref<1x64xf32, #tpu.memory_space<vmem>>
      %dma_start3A_302 = arith.constant 0 : i32
      %dma_start3A_303 = tpu.memref_slice %arg6[%squeeze3A_299, %dma_start3A_302] : memref<1000000x64xf32, #tpu.memory_space<hbm>> -> memref<1x64xf32, #tpu.memory_space<hbm>>
      %dma_start3A_304 = arith.constant 0 : i32
      %dma_start3A_305 = tpu.memref_slice %arg18[%add3A_297, %dma_start3A_304] : memref<128x64xf32, #tpu.memory_space<vmem>> -> memref<1x64xf32, #tpu.memory_space<vmem>>
      %dma_start3A_306 = arith.constant 0 : i32
      %dma_start3A_307 = tpu.memref_slice %arg6[%squeeze3A_299, %dma_start3A_306] : memref<1000000x64xf32, #tpu.memory_space<hbm>> -> memref<1x64xf32, #tpu.memory_space<hbm>>
      tpu.enqueue_dma source(%dma_start3A_307 : memref<1x64xf32, #tpu.memory_space<hbm>>) target(%dma_start3A_305 : memref<1x64xf32, #tpu.memory_space<vmem>>) target_semaphore(%arg28 : memref<!tpu.dma_semaphore, #tpu.memory_space<semaphore_mem>>)
      %slice3A_308 = vector.extract_strided_slice %get3A_151 {offsets = [6], sizes = [1], strides = [1]} : vector<16xi32> to vector<1xi32>
      %squeeze3A_309 = vector.extract %slice3A_308[0] : i32 from vector<1xi32>
      %dma_start3A_310 = arith.constant 0 : i32
      %dma_start3A_311 = tpu.memref_slice %arg20[%add3A_297, %dma_start3A_310] : memref<128x64xf32, #tpu.memory_space<vmem>> -> memref<1x64xf32, #tpu.memory_space<vmem>>
      %dma_start3A_312 = arith.constant 0 : i32
      %dma_start3A_313 = tpu.memref_slice %arg7[%squeeze3A_309, %dma_start3A_312] : memref<100000x64xf32, #tpu.memory_space<hbm>> -> memref<1x64xf32, #tpu.memory_space<hbm>>
      %dma_start3A_314 = arith.constant 0 : i32
      %dma_start3A_315 = tpu.memref_slice %arg20[%add3A_297, %dma_start3A_314] : memref<128x64xf32, #tpu.memory_space<vmem>> -> memref<1x64xf32, #tpu.memory_space<vmem>>
      %dma_start3A_316 = arith.constant 0 : i32
      %dma_start3A_317 = tpu.memref_slice %arg7[%squeeze3A_309, %dma_start3A_316] : memref<100000x64xf32, #tpu.memory_space<hbm>> -> memref<1x64xf32, #tpu.memory_space<hbm>>
      tpu.enqueue_dma source(%dma_start3A_317 : memref<1x64xf32, #tpu.memory_space<hbm>>) target(%dma_start3A_315 : memref<1x64xf32, #tpu.memory_space<vmem>>) target_semaphore(%arg29 : memref<!tpu.dma_semaphore, #tpu.memory_space<semaphore_mem>>)
      %mul3A_318 = arith.constant 16 : i32
      %mul3A_319 = arith.muli %scan3A_143, %mul3A_318 : i32
      %add3A_320 = arith.constant 7 : i32
      %add3A_321 = arith.addi %mul3A_319, %add3A_320 : i32
      %slice3A_322 = vector.extract_strided_slice %get3A_149 {offsets = [7], sizes = [1], strides = [1]} : vector<16xi32> to vector<1xi32>
      %squeeze3A_323 = vector.extract %slice3A_322[0] : i32 from vector<1xi32>
      %dma_start3A_324 = arith.constant 0 : i32
      %dma_start3A_325 = tpu.memref_slice %arg18[%add3A_321, %dma_start3A_324] : memref<128x64xf32, #tpu.memory_space<vmem>> -> memref<1x64xf32, #tpu.memory_space<vmem>>
      %dma_start3A_326 = arith.constant 0 : i32
      %dma_start3A_327 = tpu.memref_slice %arg6[%squeeze3A_323, %dma_start3A_326] : memref<1000000x64xf32, #tpu.memory_space<hbm>> -> memref<1x64xf32, #tpu.memory_space<hbm>>
      %dma_start3A_328 = arith.constant 0 : i32
      %dma_start3A_329 = tpu.memref_slice %arg18[%add3A_321, %dma_start3A_328] : memref<128x64xf32, #tpu.memory_space<vmem>> -> memref<1x64xf32, #tpu.memory_space<vmem>>
      %dma_start3A_330 = arith.constant 0 : i32
      %dma_start3A_331 = tpu.memref_slice %arg6[%squeeze3A_323, %dma_start3A_330] : memref<1000000x64xf32, #tpu.memory_space<hbm>> -> memref<1x64xf32, #tpu.memory_space<hbm>>
      tpu.enqueue_dma source(%dma_start3A_331 : memref<1x64xf32, #tpu.memory_space<hbm>>) target(%dma_start3A_329 : memref<1x64xf32, #tpu.memory_space<vmem>>) target_semaphore(%arg28 : memref<!tpu.dma_semaphore, #tpu.memory_space<semaphore_mem>>)
      %slice3A_332 = vector.extract_strided_slice %get3A_151 {offsets = [7], sizes = [1], strides = [1]} : vector<16xi32> to vector<1xi32>
      %squeeze3A_333 = vector.extract %slice3A_332[0] : i32 from vector<1xi32>
      %dma_start3A_334 = arith.constant 0 : i32
      %dma_start3A_335 = tpu.memref_slice %arg20[%add3A_321, %dma_start3A_334] : memref<128x64xf32, #tpu.memory_space<vmem>> -> memref<1x64xf32, #tpu.memory_space<vmem>>
      %dma_start3A_336 = arith.constant 0 : i32
      %dma_start3A_337 = tpu.memref_slice %arg7[%squeeze3A_333, %dma_start3A_336] : memref<100000x64xf32, #tpu.memory_space<hbm>> -> memref<1x64xf32, #tpu.memory_space<hbm>>
      %dma_start3A_338 = arith.constant 0 : i32
      %dma_start3A_339 = tpu.memref_slice %arg20[%add3A_321, %dma_start3A_338] : memref<128x64xf32, #tpu.memory_space<vmem>> -> memref<1x64xf32, #tpu.memory_space<vmem>>
      %dma_start3A_340 = arith.constant 0 : i32
      %dma_start3A_341 = tpu.memref_slice %arg7[%squeeze3A_333, %dma_start3A_340] : memref<100000x64xf32, #tpu.memory_space<hbm>> -> memref<1x64xf32, #tpu.memory_space<hbm>>
      tpu.enqueue_dma source(%dma_start3A_341 : memref<1x64xf32, #tpu.memory_space<hbm>>) target(%dma_start3A_339 : memref<1x64xf32, #tpu.memory_space<vmem>>) target_semaphore(%arg29 : memref<!tpu.dma_semaphore, #tpu.memory_space<semaphore_mem>>)
      %mul3A_342 = arith.constant 16 : i32
      %mul3A_343 = arith.muli %scan3A_143, %mul3A_342 : i32
      %add3A_344 = arith.constant 8 : i32
      %add3A_345 = arith.addi %mul3A_343, %add3A_344 : i32
      %slice3A_346 = vector.extract_strided_slice %get3A_149 {offsets = [8], sizes = [1], strides = [1]} : vector<16xi32> to vector<1xi32>
      %squeeze3A_347 = vector.extract %slice3A_346[0] : i32 from vector<1xi32>
      %dma_start3A_348 = arith.constant 0 : i32
      %dma_start3A_349 = tpu.memref_slice %arg18[%add3A_345, %dma_start3A_348] : memref<128x64xf32, #tpu.memory_space<vmem>> -> memref<1x64xf32, #tpu.memory_space<vmem>>
      %dma_start3A_350 = arith.constant 0 : i32
      %dma_start3A_351 = tpu.memref_slice %arg6[%squeeze3A_347, %dma_start3A_350] : memref<1000000x64xf32, #tpu.memory_space<hbm>> -> memref<1x64xf32, #tpu.memory_space<hbm>>
      %dma_start3A_352 = arith.constant 0 : i32
      %dma_start3A_353 = tpu.memref_slice %arg18[%add3A_345, %dma_start3A_352] : memref<128x64xf32, #tpu.memory_space<vmem>> -> memref<1x64xf32, #tpu.memory_space<vmem>>
      %dma_start3A_354 = arith.constant 0 : i32
      %dma_start3A_355 = tpu.memref_slice %arg6[%squeeze3A_347, %dma_start3A_354] : memref<1000000x64xf32, #tpu.memory_space<hbm>> -> memref<1x64xf32, #tpu.memory_space<hbm>>
      tpu.enqueue_dma source(%dma_start3A_355 : memref<1x64xf32, #tpu.memory_space<hbm>>) target(%dma_start3A_353 : memref<1x64xf32, #tpu.memory_space<vmem>>) target_semaphore(%arg28 : memref<!tpu.dma_semaphore, #tpu.memory_space<semaphore_mem>>)
      %slice3A_356 = vector.extract_strided_slice %get3A_151 {offsets = [8], sizes = [1], strides = [1]} : vector<16xi32> to vector<1xi32>
      %squeeze3A_357 = vector.extract %slice3A_356[0] : i32 from vector<1xi32>
      %dma_start3A_358 = arith.constant 0 : i32
      %dma_start3A_359 = tpu.memref_slice %arg20[%add3A_345, %dma_start3A_358] : memref<128x64xf32, #tpu.memory_space<vmem>> -> memref<1x64xf32, #tpu.memory_space<vmem>>
      %dma_start3A_360 = arith.constant 0 : i32
      %dma_start3A_361 = tpu.memref_slice %arg7[%squeeze3A_357, %dma_start3A_360] : memref<100000x64xf32, #tpu.memory_space<hbm>> -> memref<1x64xf32, #tpu.memory_space<hbm>>
      %dma_start3A_362 = arith.constant 0 : i32
      %dma_start3A_363 = tpu.memref_slice %arg20[%add3A_345, %dma_start3A_362] : memref<128x64xf32, #tpu.memory_space<vmem>> -> memref<1x64xf32, #tpu.memory_space<vmem>>
      %dma_start3A_364 = arith.constant 0 : i32
      %dma_start3A_365 = tpu.memref_slice %arg7[%squeeze3A_357, %dma_start3A_364] : memref<100000x64xf32, #tpu.memory_space<hbm>> -> memref<1x64xf32, #tpu.memory_space<hbm>>
      tpu.enqueue_dma source(%dma_start3A_365 : memref<1x64xf32, #tpu.memory_space<hbm>>) target(%dma_start3A_363 : memref<1x64xf32, #tpu.memory_space<vmem>>) target_semaphore(%arg29 : memref<!tpu.dma_semaphore, #tpu.memory_space<semaphore_mem>>)
      %mul3A_366 = arith.constant 16 : i32
      %mul3A_367 = arith.muli %scan3A_143, %mul3A_366 : i32
      %add3A_368 = arith.constant 9 : i32
      %add3A_369 = arith.addi %mul3A_367, %add3A_368 : i32
      %slice3A_370 = vector.extract_strided_slice %get3A_149 {offsets = [9], sizes = [1], strides = [1]} : vector<16xi32> to vector<1xi32>
      %squeeze3A_371 = vector.extract %slice3A_370[0] : i32 from vector<1xi32>
      %dma_start3A_372 = arith.constant 0 : i32
      %dma_start3A_373 = tpu.memref_slice %arg18[%add3A_369, %dma_start3A_372] : memref<128x64xf32, #tpu.memory_space<vmem>> -> memref<1x64xf32, #tpu.memory_space<vmem>>
      %dma_start3A_374 = arith.constant 0 : i32
      %dma_start3A_375 = tpu.memref_slice %arg6[%squeeze3A_371, %dma_start3A_374] : memref<1000000x64xf32, #tpu.memory_space<hbm>> -> memref<1x64xf32, #tpu.memory_space<hbm>>
      %dma_start3A_376 = arith.constant 0 : i32
      %dma_start3A_377 = tpu.memref_slice %arg18[%add3A_369, %dma_start3A_376] : memref<128x64xf32, #tpu.memory_space<vmem>> -> memref<1x64xf32, #tpu.memory_space<vmem>>
      %dma_start3A_378 = arith.constant 0 : i32
      %dma_start3A_379 = tpu.memref_slice %arg6[%squeeze3A_371, %dma_start3A_378] : memref<1000000x64xf32, #tpu.memory_space<hbm>> -> memref<1x64xf32, #tpu.memory_space<hbm>>
      tpu.enqueue_dma source(%dma_start3A_379 : memref<1x64xf32, #tpu.memory_space<hbm>>) target(%dma_start3A_377 : memref<1x64xf32, #tpu.memory_space<vmem>>) target_semaphore(%arg28 : memref<!tpu.dma_semaphore, #tpu.memory_space<semaphore_mem>>)
      %slice3A_380 = vector.extract_strided_slice %get3A_151 {offsets = [9], sizes = [1], strides = [1]} : vector<16xi32> to vector<1xi32>
      %squeeze3A_381 = vector.extract %slice3A_380[0] : i32 from vector<1xi32>
      %dma_start3A_382 = arith.constant 0 : i32
      %dma_start3A_383 = tpu.memref_slice %arg20[%add3A_369, %dma_start3A_382] : memref<128x64xf32, #tpu.memory_space<vmem>> -> memref<1x64xf32, #tpu.memory_space<vmem>>
      %dma_start3A_384 = arith.constant 0 : i32
      %dma_start3A_385 = tpu.memref_slice %arg7[%squeeze3A_381, %dma_start3A_384] : memref<100000x64xf32, #tpu.memory_space<hbm>> -> memref<1x64xf32, #tpu.memory_space<hbm>>
      %dma_start3A_386 = arith.constant 0 : i32
      %dma_start3A_387 = tpu.memref_slice %arg20[%add3A_369, %dma_start3A_386] : memref<128x64xf32, #tpu.memory_space<vmem>> -> memref<1x64xf32, #tpu.memory_space<vmem>>
      %dma_start3A_388 = arith.constant 0 : i32
      %dma_start3A_389 = tpu.memref_slice %arg7[%squeeze3A_381, %dma_start3A_388] : memref<100000x64xf32, #tpu.memory_space<hbm>> -> memref<1x64xf32, #tpu.memory_space<hbm>>
      tpu.enqueue_dma source(%dma_start3A_389 : memref<1x64xf32, #tpu.memory_space<hbm>>) target(%dma_start3A_387 : memref<1x64xf32, #tpu.memory_space<vmem>>) target_semaphore(%arg29 : memref<!tpu.dma_semaphore, #tpu.memory_space<semaphore_mem>>)
      %mul3A_390 = arith.constant 16 : i32
      %mul3A_391 = arith.muli %scan3A_143, %mul3A_390 : i32
      %add3A_392 = arith.constant 10 : i32
      %add3A_393 = arith.addi %mul3A_391, %add3A_392 : i32
      %slice3A_394 = vector.extract_strided_slice %get3A_149 {offsets = [10], sizes = [1], strides = [1]} : vector<16xi32> to vector<1xi32>
      %squeeze3A_395 = vector.extract %slice3A_394[0] : i32 from vector<1xi32>
      %dma_start3A_396 = arith.constant 0 : i32
      %dma_start3A_397 = tpu.memref_slice %arg18[%add3A_393, %dma_start3A_396] : memref<128x64xf32, #tpu.memory_space<vmem>> -> memref<1x64xf32, #tpu.memory_space<vmem>>
      %dma_start3A_398 = arith.constant 0 : i32
      %dma_start3A_399 = tpu.memref_slice %arg6[%squeeze3A_395, %dma_start3A_398] : memref<1000000x64xf32, #tpu.memory_space<hbm>> -> memref<1x64xf32, #tpu.memory_space<hbm>>
      %dma_start3A_400 = arith.constant 0 : i32
      %dma_start3A_401 = tpu.memref_slice %arg18[%add3A_393, %dma_start3A_400] : memref<128x64xf32, #tpu.memory_space<vmem>> -> memref<1x64xf32, #tpu.memory_space<vmem>>
      %dma_start3A_402 = arith.constant 0 : i32
      %dma_start3A_403 = tpu.memref_slice %arg6[%squeeze3A_395, %dma_start3A_402] : memref<1000000x64xf32, #tpu.memory_space<hbm>> -> memref<1x64xf32, #tpu.memory_space<hbm>>
      tpu.enqueue_dma source(%dma_start3A_403 : memref<1x64xf32, #tpu.memory_space<hbm>>) target(%dma_start3A_401 : memref<1x64xf32, #tpu.memory_space<vmem>>) target_semaphore(%arg28 : memref<!tpu.dma_semaphore, #tpu.memory_space<semaphore_mem>>)
      %slice3A_404 = vector.extract_strided_slice %get3A_151 {offsets = [10], sizes = [1], strides = [1]} : vector<16xi32> to vector<1xi32>
      %squeeze3A_405 = vector.extract %slice3A_404[0] : i32 from vector<1xi32>
      %dma_start3A_406 = arith.constant 0 : i32
      %dma_start3A_407 = tpu.memref_slice %arg20[%add3A_393, %dma_start3A_406] : memref<128x64xf32, #tpu.memory_space<vmem>> -> memref<1x64xf32, #tpu.memory_space<vmem>>
      %dma_start3A_408 = arith.constant 0 : i32
      %dma_start3A_409 = tpu.memref_slice %arg7[%squeeze3A_405, %dma_start3A_408] : memref<100000x64xf32, #tpu.memory_space<hbm>> -> memref<1x64xf32, #tpu.memory_space<hbm>>
      %dma_start3A_410 = arith.constant 0 : i32
      %dma_start3A_411 = tpu.memref_slice %arg20[%add3A_393, %dma_start3A_410] : memref<128x64xf32, #tpu.memory_space<vmem>> -> memref<1x64xf32, #tpu.memory_space<vmem>>
      %dma_start3A_412 = arith.constant 0 : i32
      %dma_start3A_413 = tpu.memref_slice %arg7[%squeeze3A_405, %dma_start3A_412] : memref<100000x64xf32, #tpu.memory_space<hbm>> -> memref<1x64xf32, #tpu.memory_space<hbm>>
      tpu.enqueue_dma source(%dma_start3A_413 : memref<1x64xf32, #tpu.memory_space<hbm>>) target(%dma_start3A_411 : memref<1x64xf32, #tpu.memory_space<vmem>>) target_semaphore(%arg29 : memref<!tpu.dma_semaphore, #tpu.memory_space<semaphore_mem>>)
      %mul3A_414 = arith.constant 16 : i32
      %mul3A_415 = arith.muli %scan3A_143, %mul3A_414 : i32
      %add3A_416 = arith.constant 11 : i32
      %add3A_417 = arith.addi %mul3A_415, %add3A_416 : i32
      %slice3A_418 = vector.extract_strided_slice %get3A_149 {offsets = [11], sizes = [1], strides = [1]} : vector<16xi32> to vector<1xi32>
      %squeeze3A_419 = vector.extract %slice3A_418[0] : i32 from vector<1xi32>
      %dma_start3A_420 = arith.constant 0 : i32
      %dma_start3A_421 = tpu.memref_slice %arg18[%add3A_417, %dma_start3A_420] : memref<128x64xf32, #tpu.memory_space<vmem>> -> memref<1x64xf32, #tpu.memory_space<vmem>>
      %dma_start3A_422 = arith.constant 0 : i32
      %dma_start3A_423 = tpu.memref_slice %arg6[%squeeze3A_419, %dma_start3A_422] : memref<1000000x64xf32, #tpu.memory_space<hbm>> -> memref<1x64xf32, #tpu.memory_space<hbm>>
      %dma_start3A_424 = arith.constant 0 : i32
      %dma_start3A_425 = tpu.memref_slice %arg18[%add3A_417, %dma_start3A_424] : memref<128x64xf32, #tpu.memory_space<vmem>> -> memref<1x64xf32, #tpu.memory_space<vmem>>
      %dma_start3A_426 = arith.constant 0 : i32
      %dma_start3A_427 = tpu.memref_slice %arg6[%squeeze3A_419, %dma_start3A_426] : memref<1000000x64xf32, #tpu.memory_space<hbm>> -> memref<1x64xf32, #tpu.memory_space<hbm>>
      tpu.enqueue_dma source(%dma_start3A_427 : memref<1x64xf32, #tpu.memory_space<hbm>>) target(%dma_start3A_425 : memref<1x64xf32, #tpu.memory_space<vmem>>) target_semaphore(%arg28 : memref<!tpu.dma_semaphore, #tpu.memory_space<semaphore_mem>>)
      %slice3A_428 = vector.extract_strided_slice %get3A_151 {offsets = [11], sizes = [1], strides = [1]} : vector<16xi32> to vector<1xi32>
      %squeeze3A_429 = vector.extract %slice3A_428[0] : i32 from vector<1xi32>
      %dma_start3A_430 = arith.constant 0 : i32
      %dma_start3A_431 = tpu.memref_slice %arg20[%add3A_417, %dma_start3A_430] : memref<128x64xf32, #tpu.memory_space<vmem>> -> memref<1x64xf32, #tpu.memory_space<vmem>>
      %dma_start3A_432 = arith.constant 0 : i32
      %dma_start3A_433 = tpu.memref_slice %arg7[%squeeze3A_429, %dma_start3A_432] : memref<100000x64xf32, #tpu.memory_space<hbm>> -> memref<1x64xf32, #tpu.memory_space<hbm>>
      %dma_start3A_434 = arith.constant 0 : i32
      %dma_start3A_435 = tpu.memref_slice %arg20[%add3A_417, %dma_start3A_434] : memref<128x64xf32, #tpu.memory_space<vmem>> -> memref<1x64xf32, #tpu.memory_space<vmem>>
      %dma_start3A_436 = arith.constant 0 : i32
      %dma_start3A_437 = tpu.memref_slice %arg7[%squeeze3A_429, %dma_start3A_436] : memref<100000x64xf32, #tpu.memory_space<hbm>> -> memref<1x64xf32, #tpu.memory_space<hbm>>
      tpu.enqueue_dma source(%dma_start3A_437 : memref<1x64xf32, #tpu.memory_space<hbm>>) target(%dma_start3A_435 : memref<1x64xf32, #tpu.memory_space<vmem>>) target_semaphore(%arg29 : memref<!tpu.dma_semaphore, #tpu.memory_space<semaphore_mem>>)
      %mul3A_438 = arith.constant 16 : i32
      %mul3A_439 = arith.muli %scan3A_143, %mul3A_438 : i32
      %add3A_440 = arith.constant 12 : i32
      %add3A_441 = arith.addi %mul3A_439, %add3A_440 : i32
      %slice3A_442 = vector.extract_strided_slice %get3A_149 {offsets = [12], sizes = [1], strides = [1]} : vector<16xi32> to vector<1xi32>
      %squeeze3A_443 = vector.extract %slice3A_442[0] : i32 from vector<1xi32>
      %dma_start3A_444 = arith.constant 0 : i32
      %dma_start3A_445 = tpu.memref_slice %arg18[%add3A_441, %dma_start3A_444] : memref<128x64xf32, #tpu.memory_space<vmem>> -> memref<1x64xf32, #tpu.memory_space<vmem>>
      %dma_start3A_446 = arith.constant 0 : i32
      %dma_start3A_447 = tpu.memref_slice %arg6[%squeeze3A_443, %dma_start3A_446] : memref<1000000x64xf32, #tpu.memory_space<hbm>> -> memref<1x64xf32, #tpu.memory_space<hbm>>
      %dma_start3A_448 = arith.constant 0 : i32
      %dma_start3A_449 = tpu.memref_slice %arg18[%add3A_441, %dma_start3A_448] : memref<128x64xf32, #tpu.memory_space<vmem>> -> memref<1x64xf32, #tpu.memory_space<vmem>>
      %dma_start3A_450 = arith.constant 0 : i32
      %dma_start3A_451 = tpu.memref_slice %arg6[%squeeze3A_443, %dma_start3A_450] : memref<1000000x64xf32, #tpu.memory_space<hbm>> -> memref<1x64xf32, #tpu.memory_space<hbm>>
      tpu.enqueue_dma source(%dma_start3A_451 : memref<1x64xf32, #tpu.memory_space<hbm>>) target(%dma_start3A_449 : memref<1x64xf32, #tpu.memory_space<vmem>>) target_semaphore(%arg28 : memref<!tpu.dma_semaphore, #tpu.memory_space<semaphore_mem>>)
      %slice3A_452 = vector.extract_strided_slice %get3A_151 {offsets = [12], sizes = [1], strides = [1]} : vector<16xi32> to vector<1xi32>
      %squeeze3A_453 = vector.extract %slice3A_452[0] : i32 from vector<1xi32>
      %dma_start3A_454 = arith.constant 0 : i32
      %dma_start3A_455 = tpu.memref_slice %arg20[%add3A_441, %dma_start3A_454] : memref<128x64xf32, #tpu.memory_space<vmem>> -> memref<1x64xf32, #tpu.memory_space<vmem>>
      %dma_start3A_456 = arith.constant 0 : i32
      %dma_start3A_457 = tpu.memref_slice %arg7[%squeeze3A_453, %dma_start3A_456] : memref<100000x64xf32, #tpu.memory_space<hbm>> -> memref<1x64xf32, #tpu.memory_space<hbm>>
      %dma_start3A_458 = arith.constant 0 : i32
      %dma_start3A_459 = tpu.memref_slice %arg20[%add3A_441, %dma_start3A_458] : memref<128x64xf32, #tpu.memory_space<vmem>> -> memref<1x64xf32, #tpu.memory_space<vmem>>
      %dma_start3A_460 = arith.constant 0 : i32
      %dma_start3A_461 = tpu.memref_slice %arg7[%squeeze3A_453, %dma_start3A_460] : memref<100000x64xf32, #tpu.memory_space<hbm>> -> memref<1x64xf32, #tpu.memory_space<hbm>>
      tpu.enqueue_dma source(%dma_start3A_461 : memref<1x64xf32, #tpu.memory_space<hbm>>) target(%dma_start3A_459 : memref<1x64xf32, #tpu.memory_space<vmem>>) target_semaphore(%arg29 : memref<!tpu.dma_semaphore, #tpu.memory_space<semaphore_mem>>)
      %mul3A_462 = arith.constant 16 : i32
      %mul3A_463 = arith.muli %scan3A_143, %mul3A_462 : i32
      %add3A_464 = arith.constant 13 : i32
      %add3A_465 = arith.addi %mul3A_463, %add3A_464 : i32
      %slice3A_466 = vector.extract_strided_slice %get3A_149 {offsets = [13], sizes = [1], strides = [1]} : vector<16xi32> to vector<1xi32>
      %squeeze3A_467 = vector.extract %slice3A_466[0] : i32 from vector<1xi32>
      %dma_start3A_468 = arith.constant 0 : i32
      %dma_start3A_469 = tpu.memref_slice %arg18[%add3A_465, %dma_start3A_468] : memref<128x64xf32, #tpu.memory_space<vmem>> -> memref<1x64xf32, #tpu.memory_space<vmem>>
      %dma_start3A_470 = arith.constant 0 : i32
      %dma_start3A_471 = tpu.memref_slice %arg6[%squeeze3A_467, %dma_start3A_470] : memref<1000000x64xf32, #tpu.memory_space<hbm>> -> memref<1x64xf32, #tpu.memory_space<hbm>>
      %dma_start3A_472 = arith.constant 0 : i32
      %dma_start3A_473 = tpu.memref_slice %arg18[%add3A_465, %dma_start3A_472] : memref<128x64xf32, #tpu.memory_space<vmem>> -> memref<1x64xf32, #tpu.memory_space<vmem>>
      %dma_start3A_474 = arith.constant 0 : i32
      %dma_start3A_475 = tpu.memref_slice %arg6[%squeeze3A_467, %dma_start3A_474] : memref<1000000x64xf32, #tpu.memory_space<hbm>> -> memref<1x64xf32, #tpu.memory_space<hbm>>
      tpu.enqueue_dma source(%dma_start3A_475 : memref<1x64xf32, #tpu.memory_space<hbm>>) target(%dma_start3A_473 : memref<1x64xf32, #tpu.memory_space<vmem>>) target_semaphore(%arg28 : memref<!tpu.dma_semaphore, #tpu.memory_space<semaphore_mem>>)
      %slice3A_476 = vector.extract_strided_slice %get3A_151 {offsets = [13], sizes = [1], strides = [1]} : vector<16xi32> to vector<1xi32>
      %squeeze3A_477 = vector.extract %slice3A_476[0] : i32 from vector<1xi32>
      %dma_start3A_478 = arith.constant 0 : i32
      %dma_start3A_479 = tpu.memref_slice %arg20[%add3A_465, %dma_start3A_478] : memref<128x64xf32, #tpu.memory_space<vmem>> -> memref<1x64xf32, #tpu.memory_space<vmem>>
      %dma_start3A_480 = arith.constant 0 : i32
      %dma_start3A_481 = tpu.memref_slice %arg7[%squeeze3A_477, %dma_start3A_480] : memref<100000x64xf32, #tpu.memory_space<hbm>> -> memref<1x64xf32, #tpu.memory_space<hbm>>
      %dma_start3A_482 = arith.constant 0 : i32
      %dma_start3A_483 = tpu.memref_slice %arg20[%add3A_465, %dma_start3A_482] : memref<128x64xf32, #tpu.memory_space<vmem>> -> memref<1x64xf32, #tpu.memory_space<vmem>>
      %dma_start3A_484 = arith.constant 0 : i32
      %dma_start3A_485 = tpu.memref_slice %arg7[%squeeze3A_477, %dma_start3A_484] : memref<100000x64xf32, #tpu.memory_space<hbm>> -> memref<1x64xf32, #tpu.memory_space<hbm>>
      tpu.enqueue_dma source(%dma_start3A_485 : memref<1x64xf32, #tpu.memory_space<hbm>>) target(%dma_start3A_483 : memref<1x64xf32, #tpu.memory_space<vmem>>) target_semaphore(%arg29 : memref<!tpu.dma_semaphore, #tpu.memory_space<semaphore_mem>>)
      %mul3A_486 = arith.constant 16 : i32
      %mul3A_487 = arith.muli %scan3A_143, %mul3A_486 : i32
      %add3A_488 = arith.constant 14 : i32
      %add3A_489 = arith.addi %mul3A_487, %add3A_488 : i32
      %slice3A_490 = vector.extract_strided_slice %get3A_149 {offsets = [14], sizes = [1], strides = [1]} : vector<16xi32> to vector<1xi32>
      %squeeze3A_491 = vector.extract %slice3A_490[0] : i32 from vector<1xi32>
      %dma_start3A_492 = arith.constant 0 : i32
      %dma_start3A_493 = tpu.memref_slice %arg18[%add3A_489, %dma_start3A_492] : memref<128x64xf32, #tpu.memory_space<vmem>> -> memref<1x64xf32, #tpu.memory_space<vmem>>
      %dma_start3A_494 = arith.constant 0 : i32
      %dma_start3A_495 = tpu.memref_slice %arg6[%squeeze3A_491, %dma_start3A_494] : memref<1000000x64xf32, #tpu.memory_space<hbm>> -> memref<1x64xf32, #tpu.memory_space<hbm>>
      %dma_start3A_496 = arith.constant 0 : i32
      %dma_start3A_497 = tpu.memref_slice %arg18[%add3A_489, %dma_start3A_496] : memref<128x64xf32, #tpu.memory_space<vmem>> -> memref<1x64xf32, #tpu.memory_space<vmem>>
      %dma_start3A_498 = arith.constant 0 : i32
      %dma_start3A_499 = tpu.memref_slice %arg6[%squeeze3A_491, %dma_start3A_498] : memref<1000000x64xf32, #tpu.memory_space<hbm>> -> memref<1x64xf32, #tpu.memory_space<hbm>>
      tpu.enqueue_dma source(%dma_start3A_499 : memref<1x64xf32, #tpu.memory_space<hbm>>) target(%dma_start3A_497 : memref<1x64xf32, #tpu.memory_space<vmem>>) target_semaphore(%arg28 : memref<!tpu.dma_semaphore, #tpu.memory_space<semaphore_mem>>)
      %slice3A_500 = vector.extract_strided_slice %get3A_151 {offsets = [14], sizes = [1], strides = [1]} : vector<16xi32> to vector<1xi32>
      %squeeze3A_501 = vector.extract %slice3A_500[0] : i32 from vector<1xi32>
      %dma_start3A_502 = arith.constant 0 : i32
      %dma_start3A_503 = tpu.memref_slice %arg20[%add3A_489, %dma_start3A_502] : memref<128x64xf32, #tpu.memory_space<vmem>> -> memref<1x64xf32, #tpu.memory_space<vmem>>
      %dma_start3A_504 = arith.constant 0 : i32
      %dma_start3A_505 = tpu.memref_slice %arg7[%squeeze3A_501, %dma_start3A_504] : memref<100000x64xf32, #tpu.memory_space<hbm>> -> memref<1x64xf32, #tpu.memory_space<hbm>>
      %dma_start3A_506 = arith.constant 0 : i32
      %dma_start3A_507 = tpu.memref_slice %arg20[%add3A_489, %dma_start3A_506] : memref<128x64xf32, #tpu.memory_space<vmem>> -> memref<1x64xf32, #tpu.memory_space<vmem>>
      %dma_start3A_508 = arith.constant 0 : i32
      %dma_start3A_509 = tpu.memref_slice %arg7[%squeeze3A_501, %dma_start3A_508] : memref<100000x64xf32, #tpu.memory_space<hbm>> -> memref<1x64xf32, #tpu.memory_space<hbm>>
      tpu.enqueue_dma source(%dma_start3A_509 : memref<1x64xf32, #tpu.memory_space<hbm>>) target(%dma_start3A_507 : memref<1x64xf32, #tpu.memory_space<vmem>>) target_semaphore(%arg29 : memref<!tpu.dma_semaphore, #tpu.memory_space<semaphore_mem>>)
      %mul3A_510 = arith.constant 16 : i32
      %mul3A_511 = arith.muli %scan3A_143, %mul3A_510 : i32
      %add3A_512 = arith.constant 15 : i32
      %add3A_513 = arith.addi %mul3A_511, %add3A_512 : i32
      %slice3A_514 = vector.extract_strided_slice %get3A_149 {offsets = [15], sizes = [1], strides = [1]} : vector<16xi32> to vector<1xi32>
      %squeeze3A_515 = vector.extract %slice3A_514[0] : i32 from vector<1xi32>
      %dma_start3A_516 = arith.constant 0 : i32
      %dma_start3A_517 = tpu.memref_slice %arg18[%add3A_513, %dma_start3A_516] : memref<128x64xf32, #tpu.memory_space<vmem>> -> memref<1x64xf32, #tpu.memory_space<vmem>>
      %dma_start3A_518 = arith.constant 0 : i32
      %dma_start3A_519 = tpu.memref_slice %arg6[%squeeze3A_515, %dma_start3A_518] : memref<1000000x64xf32, #tpu.memory_space<hbm>> -> memref<1x64xf32, #tpu.memory_space<hbm>>
      %dma_start3A_520 = arith.constant 0 : i32
      %dma_start3A_521 = tpu.memref_slice %arg18[%add3A_513, %dma_start3A_520] : memref<128x64xf32, #tpu.memory_space<vmem>> -> memref<1x64xf32, #tpu.memory_space<vmem>>
      %dma_start3A_522 = arith.constant 0 : i32
      %dma_start3A_523 = tpu.memref_slice %arg6[%squeeze3A_515, %dma_start3A_522] : memref<1000000x64xf32, #tpu.memory_space<hbm>> -> memref<1x64xf32, #tpu.memory_space<hbm>>
      tpu.enqueue_dma source(%dma_start3A_523 : memref<1x64xf32, #tpu.memory_space<hbm>>) target(%dma_start3A_521 : memref<1x64xf32, #tpu.memory_space<vmem>>) target_semaphore(%arg28 : memref<!tpu.dma_semaphore, #tpu.memory_space<semaphore_mem>>)
      %slice3A_524 = vector.extract_strided_slice %get3A_151 {offsets = [15], sizes = [1], strides = [1]} : vector<16xi32> to vector<1xi32>
      %squeeze3A_525 = vector.extract %slice3A_524[0] : i32 from vector<1xi32>
      %dma_start3A_526 = arith.constant 0 : i32
      %dma_start3A_527 = tpu.memref_slice %arg20[%add3A_513, %dma_start3A_526] : memref<128x64xf32, #tpu.memory_space<vmem>> -> memref<1x64xf32, #tpu.memory_space<vmem>>
      %dma_start3A_528 = arith.constant 0 : i32
      %dma_start3A_529 = tpu.memref_slice %arg7[%squeeze3A_525, %dma_start3A_528] : memref<100000x64xf32, #tpu.memory_space<hbm>> -> memref<1x64xf32, #tpu.memory_space<hbm>>
      %dma_start3A_530 = arith.constant 0 : i32
      %dma_start3A_531 = tpu.memref_slice %arg20[%add3A_513, %dma_start3A_530] : memref<128x64xf32, #tpu.memory_space<vmem>> -> memref<1x64xf32, #tpu.memory_space<vmem>>
      %dma_start3A_532 = arith.constant 0 : i32
      %dma_start3A_533 = tpu.memref_slice %arg7[%squeeze3A_525, %dma_start3A_532] : memref<100000x64xf32, #tpu.memory_space<hbm>> -> memref<1x64xf32, #tpu.memory_space<hbm>>
      tpu.enqueue_dma source(%dma_start3A_533 : memref<1x64xf32, #tpu.memory_space<hbm>>) target(%dma_start3A_531 : memref<1x64xf32, #tpu.memory_space<vmem>>) target_semaphore(%arg29 : memref<!tpu.dma_semaphore, #tpu.memory_space<semaphore_mem>>)
    }
    %scan3A_39 = arith.constant 8 : i32
    %dma_wait3A = arith.constant 0 : i32
    %dma_wait3A_40 = arith.constant 0 : i32
    %dma_wait3A_41 = tpu.memref_slice %arg21[%dma_wait3A, %dma_wait3A_40] : memref<112x64xf32, #tpu.memory_space<vmem>> -> memref<100x64xf32, #tpu.memory_space<vmem>>
    %dma_wait3A_42 = arith.constant 0 : i32
    %dma_wait3A_43 = arith.constant 0 : i32
    %dma_wait3A_44 = tpu.memref_slice %arg21[%dma_wait3A_42, %dma_wait3A_43] : memref<112x64xf32, #tpu.memory_space<vmem>> -> memref<100x64xf32, #tpu.memory_space<vmem>>
    tpu.wait_dma2 semaphore(%arg27 : memref<!tpu.dma_semaphore, #tpu.memory_space<semaphore_mem>>) src(%arg8 : memref<100x64xf32, #tpu.memory_space<hbm>>) dst(%dma_wait3A_44 : memref<100x64xf32, #tpu.memory_space<vmem>>)
    %dma_wait3A_45 = arith.constant 0 : i32
    %dma_wait3A_46 = arith.constant 0 : i32
    %dma_wait3A_47 = tpu.memref_slice %arg22[%dma_wait3A_45, %dma_wait3A_46] : memref<32x64xf32, #tpu.memory_space<vmem>> -> memref<20x64xf32, #tpu.memory_space<vmem>>
    %dma_wait3A_48 = arith.constant 0 : i32
    %dma_wait3A_49 = arith.constant 0 : i32
    %dma_wait3A_50 = tpu.memref_slice %arg22[%dma_wait3A_48, %dma_wait3A_49] : memref<32x64xf32, #tpu.memory_space<vmem>> -> memref<20x64xf32, #tpu.memory_space<vmem>>
    tpu.wait_dma2 semaphore(%arg27 : memref<!tpu.dma_semaphore, #tpu.memory_space<semaphore_mem>>) src(%arg9 : memref<20x64xf32, #tpu.memory_space<hbm>>) dst(%dma_wait3A_50 : memref<20x64xf32, #tpu.memory_space<vmem>>)
    %broadcast_in_dim3A = arith.constant 0.000000e+00 : f32
    %broadcast_in_dim3A_51 = vector.broadcast %broadcast_in_dim3A : f32 to vector<16xf32>
    %scan3A_52 = arith.constant 0 : i32
    %scan3A_53 = arith.constant 64 : i32
    %scan3A_54 = arith.addi %scan3A_52, %scan3A_53 : i32
    %scan3A_55 = arith.constant 1 : i32
    %scan3A_56:9 = scf.for %scan3A_143 = %scan3A_52 to %scan3A_54 step %scan3A_55 iter_args(%scan3A_144 = %broadcast_in_dim3A_51, %scan3A_145 = %broadcast_in_dim3A_51, %scan3A_146 = %broadcast_in_dim3A_51, %scan3A_147 = %broadcast_in_dim3A_51, %scan3A_148 = %broadcast_in_dim3A_51, %scan3A_149 = %broadcast_in_dim3A_51, %scan3A_150 = %broadcast_in_dim3A_51, %scan3A_151 = %broadcast_in_dim3A_51, %scan3A_152 = %broadcast_in_dim3A_51) -> (vector<16xf32>, vector<16xf32>, vector<16xf32>, vector<16xf32>, vector<16xf32>, vector<16xf32>, vector<16xf32>, vector<16xf32>, vector<16xf32>)  : i32 {
      %broadcast_in_dim3A_153 = vector.broadcast %scan3A_143 : i32 to vector<16xi32>
      %add3A_154 = arith.constant 128 : i32
      %add3A_155 = arith.addi %add3A_154, %scan3A_143 : i32
      %broadcast_in_dim3A_156 = vector.broadcast %add3A_155 : i32 to vector<16xi32>
      %gather3A_157 = tpu.vector_load_idx %arg16[%broadcast_in_dim3A_156] : memref<264xf32, #tpu.memory_space<vmem>>[vector<16xi32>], vector<16xf32>,
      %add3A_158 = arith.constant 192 : i32
      %add3A_159 = arith.addi %add3A_158, %scan3A_143 : i32
      %broadcast_in_dim3A_160 = vector.broadcast %add3A_159 : i32 to vector<16xi32>
      %gather3A_161 = tpu.vector_load_idx %arg16[%broadcast_in_dim3A_160] : memref<264xf32, #tpu.memory_space<vmem>>[vector<16xi32>], vector<16xf32>,
      %add3A_162 = arith.constant 0 : i32
      %add3A_163 = vector.broadcast %add3A_162 : i32 to vector<16xi32>
      %add3A_164 = arith.addi %add3A_163, %iota3A : vector<16xi32>
      %gather3A_165 = tpu.vector_load_idx %arg21[%add3A_164, %broadcast_in_dim3A_153] : memref<112x64xf32, #tpu.memory_space<vmem>>[vector<16xi32>, vector<16xi32>], vector<16xf32>,
      %mul3A_166 = arith.mulf %gather3A_165, %gather3A_157 : vector<16xf32>
      %add3A_167 = arith.addf %scan3A_144, %mul3A_166 : vector<16xf32>
      %add3A_168 = arith.constant 16 : i32
      %add3A_169 = vector.broadcast %add3A_168 : i32 to vector<16xi32>
      %add3A_170 = arith.addi %add3A_169, %iota3A : vector<16xi32>
      %gather3A_171 = tpu.vector_load_idx %arg21[%add3A_170, %broadcast_in_dim3A_153] : memref<112x64xf32, #tpu.memory_space<vmem>>[vector<16xi32>, vector<16xi32>], vector<16xf32>,
      %mul3A_172 = arith.mulf %gather3A_171, %gather3A_157 : vector<16xf32>
      %add3A_173 = arith.addf %scan3A_145, %mul3A_172 : vector<16xf32>
      %add3A_174 = arith.constant 32 : i32
      %add3A_175 = vector.broadcast %add3A_174 : i32 to vector<16xi32>
      %add3A_176 = arith.addi %add3A_175, %iota3A : vector<16xi32>
      %gather3A_177 = tpu.vector_load_idx %arg21[%add3A_176, %broadcast_in_dim3A_153] : memref<112x64xf32, #tpu.memory_space<vmem>>[vector<16xi32>, vector<16xi32>], vector<16xf32>,
      %mul3A_178 = arith.mulf %gather3A_177, %gather3A_157 : vector<16xf32>
      %add3A_179 = arith.addf %scan3A_146, %mul3A_178 : vector<16xf32>
      %add3A_180 = arith.constant 48 : i32
      %add3A_181 = vector.broadcast %add3A_180 : i32 to vector<16xi32>
      %add3A_182 = arith.addi %add3A_181, %iota3A : vector<16xi32>
      %gather3A_183 = tpu.vector_load_idx %arg21[%add3A_182, %broadcast_in_dim3A_153] : memref<112x64xf32, #tpu.memory_space<vmem>>[vector<16xi32>, vector<16xi32>], vector<16xf32>,
      %mul3A_184 = arith.mulf %gather3A_183, %gather3A_157 : vector<16xf32>
      %add3A_185 = arith.addf %scan3A_147, %mul3A_184 : vector<16xf32>
      %add3A_186 = arith.constant 64 : i32
      %add3A_187 = vector.broadcast %add3A_186 : i32 to vector<16xi32>
      %add3A_188 = arith.addi %add3A_187, %iota3A : vector<16xi32>
      %gather3A_189 = tpu.vector_load_idx %arg21[%add3A_188, %broadcast_in_dim3A_153] : memref<112x64xf32, #tpu.memory_space<vmem>>[vector<16xi32>, vector<16xi32>], vector<16xf32>,
      %mul3A_190 = arith.mulf %gather3A_189, %gather3A_157 : vector<16xf32>
      %add3A_191 = arith.addf %scan3A_148, %mul3A_190 : vector<16xf32>
      %add3A_192 = arith.constant 80 : i32
      %add3A_193 = vector.broadcast %add3A_192 : i32 to vector<16xi32>
      %add3A_194 = arith.addi %add3A_193, %iota3A : vector<16xi32>
      %gather3A_195 = tpu.vector_load_idx %arg21[%add3A_194, %broadcast_in_dim3A_153] : memref<112x64xf32, #tpu.memory_space<vmem>>[vector<16xi32>, vector<16xi32>], vector<16xf32>,
      %mul3A_196 = arith.mulf %gather3A_195, %gather3A_157 : vector<16xf32>
      %add3A_197 = arith.addf %scan3A_149, %mul3A_196 : vector<16xf32>
      %add3A_198 = arith.constant 96 : i32
      %add3A_199 = vector.broadcast %add3A_198 : i32 to vector<16xi32>
      %add3A_200 = arith.addi %add3A_199, %iota3A : vector<16xi32>
      %gather3A_201 = tpu.vector_load_idx %arg21[%add3A_200, %broadcast_in_dim3A_153] : memref<112x64xf32, #tpu.memory_space<vmem>>[vector<16xi32>, vector<16xi32>], vector<16xf32>,
      %mul3A_202 = arith.mulf %gather3A_201, %gather3A_157 : vector<16xf32>
      %add3A_203 = arith.addf %scan3A_150, %mul3A_202 : vector<16xf32>
      %add3A_204 = arith.constant 0 : i32
      %add3A_205 = vector.broadcast %add3A_204 : i32 to vector<16xi32>
      %add3A_206 = arith.addi %add3A_205, %iota3A : vector<16xi32>
      %gather3A_207 = tpu.vector_load_idx %arg22[%add3A_206, %broadcast_in_dim3A_153] : memref<32x64xf32, #tpu.memory_space<vmem>>[vector<16xi32>, vector<16xi32>], vector<16xf32>,
      %mul3A_208 = arith.mulf %gather3A_207, %gather3A_161 : vector<16xf32>
      %add3A_209 = arith.addf %scan3A_151, %mul3A_208 : vector<16xf32>
      %add3A_210 = arith.constant 16 : i32
      %add3A_211 = vector.broadcast %add3A_210 : i32 to vector<16xi32>
      %add3A_212 = arith.addi %add3A_211, %iota3A : vector<16xi32>
      %gather3A_213 = tpu.vector_load_idx %arg22[%add3A_212, %broadcast_in_dim3A_153] : memref<32x64xf32, #tpu.memory_space<vmem>>[vector<16xi32>, vector<16xi32>], vector<16xf32>,
      %mul3A_214 = arith.mulf %gather3A_213, %gather3A_161 : vector<16xf32>
      %add3A_215 = arith.addf %scan3A_152, %mul3A_214 : vector<16xf32>
      scf.yield %add3A_167, %add3A_173, %add3A_179, %add3A_185, %add3A_191, %add3A_197, %add3A_203, %add3A_209, %add3A_215 : vector<16xf32>, vector<16xf32>, vector<16xf32>, vector<16xf32>, vector<16xf32>, vector<16xf32>, vector<16xf32>, vector<16xf32>, vector<16xf32>
    }
    %scan3A_57 = arith.constant 64 : i32
    %swap3A = arith.constant 0 : index
    %swap3A_58 = tpu.vector_load %arg23[%swap3A] {strides = array<i32>} : memref<112xf32, #tpu.memory_space<vmem>>, vector<16xf32>,
    tpu.vector_store %arg23[%swap3A], %scan3A_56#0 {strides = array<i32>} : memref<112xf32, #tpu.memory_space<vmem>>, vector<16xf32>,
    %swap3A_59 = arith.constant 16 : index
    %swap3A_60 = tpu.vector_load %arg23[%swap3A_59] {strides = array<i32>} : memref<112xf32, #tpu.memory_space<vmem>>, vector<16xf32>,
    tpu.vector_store %arg23[%swap3A_59], %scan3A_56#1 {strides = array<i32>} : memref<112xf32, #tpu.memory_space<vmem>>, vector<16xf32>,
    %swap3A_61 = arith.constant 32 : index
    %swap3A_62 = tpu.vector_load %arg23[%swap3A_61] {strides = array<i32>} : memref<112xf32, #tpu.memory_space<vmem>>, vector<16xf32>,
    tpu.vector_store %arg23[%swap3A_61], %scan3A_56#2 {strides = array<i32>} : memref<112xf32, #tpu.memory_space<vmem>>, vector<16xf32>,
    %swap3A_63 = arith.constant 48 : index
    %swap3A_64 = tpu.vector_load %arg23[%swap3A_63] {strides = array<i32>} : memref<112xf32, #tpu.memory_space<vmem>>, vector<16xf32>,
    tpu.vector_store %arg23[%swap3A_63], %scan3A_56#3 {strides = array<i32>} : memref<112xf32, #tpu.memory_space<vmem>>, vector<16xf32>,
    %swap3A_65 = arith.constant 64 : index
    %swap3A_66 = tpu.vector_load %arg23[%swap3A_65] {strides = array<i32>} : memref<112xf32, #tpu.memory_space<vmem>>, vector<16xf32>,
    tpu.vector_store %arg23[%swap3A_65], %scan3A_56#4 {strides = array<i32>} : memref<112xf32, #tpu.memory_space<vmem>>, vector<16xf32>,
    %swap3A_67 = arith.constant 80 : index
    %swap3A_68 = tpu.vector_load %arg23[%swap3A_67] {strides = array<i32>} : memref<112xf32, #tpu.memory_space<vmem>>, vector<16xf32>,
    tpu.vector_store %arg23[%swap3A_67], %scan3A_56#5 {strides = array<i32>} : memref<112xf32, #tpu.memory_space<vmem>>, vector<16xf32>,
    %swap3A_69 = arith.constant 96 : index
    %swap3A_70 = tpu.vector_load %arg23[%swap3A_69] {strides = array<i32>} : memref<112xf32, #tpu.memory_space<vmem>>, vector<16xf32>,
    tpu.vector_store %arg23[%swap3A_69], %scan3A_56#6 {strides = array<i32>} : memref<112xf32, #tpu.memory_space<vmem>>, vector<16xf32>,
    %swap3A_71 = arith.constant 0 : index
    %swap3A_72 = tpu.vector_load %arg24[%swap3A_71] {strides = array<i32>} : memref<32xf32, #tpu.memory_space<vmem>>, vector<16xf32>,
    tpu.vector_store %arg24[%swap3A_71], %scan3A_56#7 {strides = array<i32>} : memref<32xf32, #tpu.memory_space<vmem>>, vector<16xf32>,
    %swap3A_73 = arith.constant 16 : index
    %swap3A_74 = tpu.vector_load %arg24[%swap3A_73] {strides = array<i32>} : memref<32xf32, #tpu.memory_space<vmem>>, vector<16xf32>,
    tpu.vector_store %arg24[%swap3A_73], %scan3A_56#8 {strides = array<i32>} : memref<32xf32, #tpu.memory_space<vmem>>, vector<16xf32>,
    %scan3A_75 = arith.constant 0 : i32
    %scan3A_76 = arith.constant 0 : i32
    %scan3A_77 = arith.constant 128 : i32
    %scan3A_78 = arith.addi %scan3A_76, %scan3A_77 : i32
    %scan3A_79 = arith.constant 1 : i32
    scf.for %scan3A_143 = %scan3A_76 to %scan3A_78 step %scan3A_79  : i32 {
      %dma_wait3A_144 = arith.constant 0 : i32
      %dma_wait3A_145 = tpu.memref_slice %arg17[%scan3A_143, %dma_wait3A_144] : memref<128x64xf32, #tpu.memory_space<vmem>> -> memref<1x64xf32, #tpu.memory_space<vmem>>
      %dma_wait3A_146 = arith.constant 0 : i32
      %dma_wait3A_147 = arith.constant 0 : i32
      %dma_wait3A_148 = tpu.memref_slice %arg6[%dma_wait3A_146, %dma_wait3A_147] : memref<1000000x64xf32, #tpu.memory_space<hbm>> -> memref<1x64xf32, #tpu.memory_space<hbm>>
      %dma_wait3A_149 = arith.constant 0 : i32
      %dma_wait3A_150 = tpu.memref_slice %arg17[%scan3A_143, %dma_wait3A_149] : memref<128x64xf32, #tpu.memory_space<vmem>> -> memref<1x64xf32, #tpu.memory_space<vmem>>
      %dma_wait3A_151 = arith.constant 0 : i32
      %dma_wait3A_152 = arith.constant 0 : i32
      %dma_wait3A_153 = tpu.memref_slice %arg6[%dma_wait3A_151, %dma_wait3A_152] : memref<1000000x64xf32, #tpu.memory_space<hbm>> -> memref<1x64xf32, #tpu.memory_space<hbm>>
      tpu.wait_dma2 semaphore(%arg28 : memref<!tpu.dma_semaphore, #tpu.memory_space<semaphore_mem>>) src(%dma_wait3A_153 : memref<1x64xf32, #tpu.memory_space<hbm>>) dst(%dma_wait3A_150 : memref<1x64xf32, #tpu.memory_space<vmem>>)
      %dma_wait3A_154 = arith.constant 0 : i32
      %dma_wait3A_155 = tpu.memref_slice %arg19[%scan3A_143, %dma_wait3A_154] : memref<128x64xf32, #tpu.memory_space<vmem>> -> memref<1x64xf32, #tpu.memory_space<vmem>>
      %dma_wait3A_156 = arith.constant 0 : i32
      %dma_wait3A_157 = arith.constant 0 : i32
      %dma_wait3A_158 = tpu.memref_slice %arg7[%dma_wait3A_156, %dma_wait3A_157] : memref<100000x64xf32, #tpu.memory_space<hbm>> -> memref<1x64xf32, #tpu.memory_space<hbm>>
      %dma_wait3A_159 = arith.constant 0 : i32
      %dma_wait3A_160 = tpu.memref_slice %arg19[%scan3A_143, %dma_wait3A_159] : memref<128x64xf32, #tpu.memory_space<vmem>> -> memref<1x64xf32, #tpu.memory_space<vmem>>
      %dma_wait3A_161 = arith.constant 0 : i32
      %dma_wait3A_162 = arith.constant 0 : i32
      %dma_wait3A_163 = tpu.memref_slice %arg7[%dma_wait3A_161, %dma_wait3A_162] : memref<100000x64xf32, #tpu.memory_space<hbm>> -> memref<1x64xf32, #tpu.memory_space<hbm>>
      tpu.wait_dma2 semaphore(%arg29 : memref<!tpu.dma_semaphore, #tpu.memory_space<semaphore_mem>>) src(%dma_wait3A_163 : memref<1x64xf32, #tpu.memory_space<hbm>>) dst(%dma_wait3A_160 : memref<1x64xf32, #tpu.memory_space<vmem>>)
    }
    %scan3A_80 = arith.constant 128 : i32
    %scan3A_81 = arith.constant 0 : i32
    %scan3A_82 = arith.constant 0 : i32
    %scan3A_83 = arith.constant 128 : i32
    %scan3A_84 = arith.addi %scan3A_82, %scan3A_83 : i32
    %scan3A_85 = arith.constant 1 : i32
    scf.for %scan3A_143 = %scan3A_82 to %scan3A_84 step %scan3A_85  : i32 {
      %get3A_144 = arith.index_cast %scan3A_143 : i32 to index
      %get3A_145 = arith.constant 0 : index
      %get3A_146 = tpu.vector_load %arg17[%get3A_144, %get3A_145] {strides = array<i32>} : memref<128x64xf32, #tpu.memory_space<vmem>>, vector<16xf32>,
      %mul3A_147 = arith.mulf %get3A_146, %get3A_14 : vector<16xf32>
      %get3A_148 = arith.index_cast %scan3A_143 : i32 to index
      %get3A_149 = arith.constant 16 : index
      %get3A_150 = tpu.vector_load %arg17[%get3A_148, %get3A_149] {strides = array<i32>} : memref<128x64xf32, #tpu.memory_space<vmem>>, vector<16xf32>,
      %mul3A_151 = arith.mulf %get3A_150, %get3A_16 : vector<16xf32>
      %add3A_152 = arith.addf %mul3A_147, %mul3A_151 : vector<16xf32>
      %get3A_153 = arith.index_cast %scan3A_143 : i32 to index
      %get3A_154 = arith.constant 32 : index
      %get3A_155 = tpu.vector_load %arg17[%get3A_153, %get3A_154] {strides = array<i32>} : memref<128x64xf32, #tpu.memory_space<vmem>>, vector<16xf32>,
      %mul3A_156 = arith.mulf %get3A_155, %get3A_18 : vector<16xf32>
      %add3A_157 = arith.addf %add3A_152, %mul3A_156 : vector<16xf32>
      %get3A_158 = arith.index_cast %scan3A_143 : i32 to index
      %get3A_159 = arith.constant 48 : index
      %get3A_160 = tpu.vector_load %arg17[%get3A_158, %get3A_159] {strides = array<i32>} : memref<128x64xf32, #tpu.memory_space<vmem>>, vector<16xf32>,
      %mul3A_161 = arith.mulf %get3A_160, %get3A_20 : vector<16xf32>
      %add3A_162 = arith.addf %add3A_157, %mul3A_161 : vector<16xf32>
      %get3A_163 = arith.index_cast %scan3A_143 : i32 to index
      %get3A_164 = arith.constant 0 : index
      %get3A_165 = tpu.vector_load %arg19[%get3A_163, %get3A_164] {strides = array<i32>} : memref<128x64xf32, #tpu.memory_space<vmem>>, vector<16xf32>,
      %mul3A_166 = arith.mulf %get3A_165, %get3A_22 : vector<16xf32>
      %add3A_167 = arith.addf %add3A_162, %mul3A_166 : vector<16xf32>
      %get3A_168 = arith.index_cast %scan3A_143 : i32 to index
      %get3A_169 = arith.constant 16 : index
      %get3A_170 = tpu.vector_load %arg19[%get3A_168, %get3A_169] {strides = array<i32>} : memref<128x64xf32, #tpu.memory_space<vmem>>, vector<16xf32>,
      %mul3A_171 = arith.mulf %get3A_170, %get3A_24 : vector<16xf32>
      %add3A_172 = arith.addf %add3A_167, %mul3A_171 : vector<16xf32>
      %get3A_173 = arith.index_cast %scan3A_143 : i32 to index
      %get3A_174 = arith.constant 32 : index
      %get3A_175 = tpu.vector_load %arg19[%get3A_173, %get3A_174] {strides = array<i32>} : memref<128x64xf32, #tpu.memory_space<vmem>>, vector<16xf32>,
      %mul3A_176 = arith.mulf %get3A_175, %get3A_26 : vector<16xf32>
      %add3A_177 = arith.addf %add3A_172, %mul3A_176 : vector<16xf32>
      %get3A_178 = arith.index_cast %scan3A_143 : i32 to index
      %get3A_179 = arith.constant 48 : index
      %get3A_180 = tpu.vector_load %arg19[%get3A_178, %get3A_179] {strides = array<i32>} : memref<128x64xf32, #tpu.memory_space<vmem>>, vector<16xf32>,
      %mul3A_181 = arith.mulf %get3A_180, %get3A_28 : vector<16xf32>
      %add3A_182 = arith.addf %add3A_177, %mul3A_181 : vector<16xf32>
      %add3A_183 = arith.constant 0 : i32
      %add3A_184 = arith.addi %add3A_183, %scan3A_143 : i32
      %mul3A_185 = arith.constant 16 : i32
      %mul3A_186 = arith.muli %add3A_184, %mul3A_185 : i32
      %swap3A_187 = arith.index_cast %mul3A_186 : i32 to index
      %swap3A_188 = tpu.vector_load %arg25[%swap3A_187] {strides = array<i32>} : memref<8192xf32, #tpu.memory_space<vmem>>, vector<16xf32>,
      tpu.vector_store %arg25[%swap3A_187], %add3A_182 {strides = array<i32>} : memref<8192xf32, #tpu.memory_space<vmem>>, vector<16xf32>,
    }
    %scan3A_86 = arith.constant 128 : i32
    %scan3A_87 = arith.constant 0 : i32
    %scan3A_88 = arith.constant 0 : i32
    %scan3A_89 = arith.constant 8 : i32
    %scan3A_90 = arith.addi %scan3A_88, %scan3A_89 : i32
    %scan3A_91 = arith.constant 1 : i32
    scf.for %scan3A_143 = %scan3A_88 to %scan3A_90 step %scan3A_91  : i32 {
      %mul3A_144 = arith.constant 16 : i32
      %mul3A_145 = arith.muli %scan3A_143, %mul3A_144 : i32
      %add3A_146 = arith.constant 256 : i32
      %add3A_147 = arith.addi %add3A_146, %mul3A_145 : i32
      %get3A_148 = arith.index_cast %add3A_147 : i32 to index
      %get3A_149 = tpu.vector_load %arg12[%get3A_148] {strides = array<i32>} : memref<512xi32, #tpu.memory_space<vmem>>, vector<16xi32>,
      %get3A_150 = arith.index_cast %add3A_147 : i32 to index
      %get3A_151 = tpu.vector_load %arg13[%get3A_150] {strides = array<i32>} : memref<512xi32, #tpu.memory_space<vmem>>, vector<16xi32>,
      %mul3A_152 = arith.constant 16 : i32
      %mul3A_153 = arith.muli %scan3A_143, %mul3A_152 : i32
      %add3A_154 = arith.constant 0 : i32
      %add3A_155 = arith.addi %mul3A_153, %add3A_154 : i32
      %slice3A = vector.extract_strided_slice %get3A_149 {offsets = [0], sizes = [1], strides = [1]} : vector<16xi32> to vector<1xi32>
      %squeeze3A = vector.extract %slice3A[0] : i32 from vector<1xi32>
      %dma_start3A_156 = arith.constant 0 : i32
      %dma_start3A_157 = tpu.memref_slice %arg17[%add3A_155, %dma_start3A_156] : memref<128x64xf32, #tpu.memory_space<vmem>> -> memref<1x64xf32, #tpu.memory_space<vmem>>
      %dma_start3A_158 = arith.constant 0 : i32
      %dma_start3A_159 = tpu.memref_slice %arg6[%squeeze3A, %dma_start3A_158] : memref<1000000x64xf32, #tpu.memory_space<hbm>> -> memref<1x64xf32, #tpu.memory_space<hbm>>
      %dma_start3A_160 = arith.constant 0 : i32
      %dma_start3A_161 = tpu.memref_slice %arg17[%add3A_155, %dma_start3A_160] : memref<128x64xf32, #tpu.memory_space<vmem>> -> memref<1x64xf32, #tpu.memory_space<vmem>>
      %dma_start3A_162 = arith.constant 0 : i32
      %dma_start3A_163 = tpu.memref_slice %arg6[%squeeze3A, %dma_start3A_162] : memref<1000000x64xf32, #tpu.memory_space<hbm>> -> memref<1x64xf32, #tpu.memory_space<hbm>>
      tpu.enqueue_dma source(%dma_start3A_163 : memref<1x64xf32, #tpu.memory_space<hbm>>) target(%dma_start3A_161 : memref<1x64xf32, #tpu.memory_space<vmem>>) target_semaphore(%arg28 : memref<!tpu.dma_semaphore, #tpu.memory_space<semaphore_mem>>)
      %slice3A_164 = vector.extract_strided_slice %get3A_151 {offsets = [0], sizes = [1], strides = [1]} : vector<16xi32> to vector<1xi32>
      %squeeze3A_165 = vector.extract %slice3A_164[0] : i32 from vector<1xi32>
      %dma_start3A_166 = arith.constant 0 : i32
      %dma_start3A_167 = tpu.memref_slice %arg19[%add3A_155, %dma_start3A_166] : memref<128x64xf32, #tpu.memory_space<vmem>> -> memref<1x64xf32, #tpu.memory_space<vmem>>
      %dma_start3A_168 = arith.constant 0 : i32
      %dma_start3A_169 = tpu.memref_slice %arg7[%squeeze3A_165, %dma_start3A_168] : memref<100000x64xf32, #tpu.memory_space<hbm>> -> memref<1x64xf32, #tpu.memory_space<hbm>>
      %dma_start3A_170 = arith.constant 0 : i32
      %dma_start3A_171 = tpu.memref_slice %arg19[%add3A_155, %dma_start3A_170] : memref<128x64xf32, #tpu.memory_space<vmem>> -> memref<1x64xf32, #tpu.memory_space<vmem>>
      %dma_start3A_172 = arith.constant 0 : i32
      %dma_start3A_173 = tpu.memref_slice %arg7[%squeeze3A_165, %dma_start3A_172] : memref<100000x64xf32, #tpu.memory_space<hbm>> -> memref<1x64xf32, #tpu.memory_space<hbm>>
      tpu.enqueue_dma source(%dma_start3A_173 : memref<1x64xf32, #tpu.memory_space<hbm>>) target(%dma_start3A_171 : memref<1x64xf32, #tpu.memory_space<vmem>>) target_semaphore(%arg29 : memref<!tpu.dma_semaphore, #tpu.memory_space<semaphore_mem>>)
      %mul3A_174 = arith.constant 16 : i32
      %mul3A_175 = arith.muli %scan3A_143, %mul3A_174 : i32
      %add3A_176 = arith.constant 1 : i32
      %add3A_177 = arith.addi %mul3A_175, %add3A_176 : i32
      %slice3A_178 = vector.extract_strided_slice %get3A_149 {offsets = [1], sizes = [1], strides = [1]} : vector<16xi32> to vector<1xi32>
      %squeeze3A_179 = vector.extract %slice3A_178[0] : i32 from vector<1xi32>
      %dma_start3A_180 = arith.constant 0 : i32
      %dma_start3A_181 = tpu.memref_slice %arg17[%add3A_177, %dma_start3A_180] : memref<128x64xf32, #tpu.memory_space<vmem>> -> memref<1x64xf32, #tpu.memory_space<vmem>>
      %dma_start3A_182 = arith.constant 0 : i32
      %dma_start3A_183 = tpu.memref_slice %arg6[%squeeze3A_179, %dma_start3A_182] : memref<1000000x64xf32, #tpu.memory_space<hbm>> -> memref<1x64xf32, #tpu.memory_space<hbm>>
      %dma_start3A_184 = arith.constant 0 : i32
      %dma_start3A_185 = tpu.memref_slice %arg17[%add3A_177, %dma_start3A_184] : memref<128x64xf32, #tpu.memory_space<vmem>> -> memref<1x64xf32, #tpu.memory_space<vmem>>
      %dma_start3A_186 = arith.constant 0 : i32
      %dma_start3A_187 = tpu.memref_slice %arg6[%squeeze3A_179, %dma_start3A_186] : memref<1000000x64xf32, #tpu.memory_space<hbm>> -> memref<1x64xf32, #tpu.memory_space<hbm>>
      tpu.enqueue_dma source(%dma_start3A_187 : memref<1x64xf32, #tpu.memory_space<hbm>>) target(%dma_start3A_185 : memref<1x64xf32, #tpu.memory_space<vmem>>) target_semaphore(%arg28 : memref<!tpu.dma_semaphore, #tpu.memory_space<semaphore_mem>>)
      %slice3A_188 = vector.extract_strided_slice %get3A_151 {offsets = [1], sizes = [1], strides = [1]} : vector<16xi32> to vector<1xi32>
      %squeeze3A_189 = vector.extract %slice3A_188[0] : i32 from vector<1xi32>
      %dma_start3A_190 = arith.constant 0 : i32
      %dma_start3A_191 = tpu.memref_slice %arg19[%add3A_177, %dma_start3A_190] : memref<128x64xf32, #tpu.memory_space<vmem>> -> memref<1x64xf32, #tpu.memory_space<vmem>>
      %dma_start3A_192 = arith.constant 0 : i32
      %dma_start3A_193 = tpu.memref_slice %arg7[%squeeze3A_189, %dma_start3A_192] : memref<100000x64xf32, #tpu.memory_space<hbm>> -> memref<1x64xf32, #tpu.memory_space<hbm>>
      %dma_start3A_194 = arith.constant 0 : i32
      %dma_start3A_195 = tpu.memref_slice %arg19[%add3A_177, %dma_start3A_194] : memref<128x64xf32, #tpu.memory_space<vmem>> -> memref<1x64xf32, #tpu.memory_space<vmem>>
      %dma_start3A_196 = arith.constant 0 : i32
      %dma_start3A_197 = tpu.memref_slice %arg7[%squeeze3A_189, %dma_start3A_196] : memref<100000x64xf32, #tpu.memory_space<hbm>> -> memref<1x64xf32, #tpu.memory_space<hbm>>
      tpu.enqueue_dma source(%dma_start3A_197 : memref<1x64xf32, #tpu.memory_space<hbm>>) target(%dma_start3A_195 : memref<1x64xf32, #tpu.memory_space<vmem>>) target_semaphore(%arg29 : memref<!tpu.dma_semaphore, #tpu.memory_space<semaphore_mem>>)
      %mul3A_198 = arith.constant 16 : i32
      %mul3A_199 = arith.muli %scan3A_143, %mul3A_198 : i32
      %add3A_200 = arith.constant 2 : i32
      %add3A_201 = arith.addi %mul3A_199, %add3A_200 : i32
      %slice3A_202 = vector.extract_strided_slice %get3A_149 {offsets = [2], sizes = [1], strides = [1]} : vector<16xi32> to vector<1xi32>
      %squeeze3A_203 = vector.extract %slice3A_202[0] : i32 from vector<1xi32>
      %dma_start3A_204 = arith.constant 0 : i32
      %dma_start3A_205 = tpu.memref_slice %arg17[%add3A_201, %dma_start3A_204] : memref<128x64xf32, #tpu.memory_space<vmem>> -> memref<1x64xf32, #tpu.memory_space<vmem>>
      %dma_start3A_206 = arith.constant 0 : i32
      %dma_start3A_207 = tpu.memref_slice %arg6[%squeeze3A_203, %dma_start3A_206] : memref<1000000x64xf32, #tpu.memory_space<hbm>> -> memref<1x64xf32, #tpu.memory_space<hbm>>
      %dma_start3A_208 = arith.constant 0 : i32
      %dma_start3A_209 = tpu.memref_slice %arg17[%add3A_201, %dma_start3A_208] : memref<128x64xf32, #tpu.memory_space<vmem>> -> memref<1x64xf32, #tpu.memory_space<vmem>>
      %dma_start3A_210 = arith.constant 0 : i32
      %dma_start3A_211 = tpu.memref_slice %arg6[%squeeze3A_203, %dma_start3A_210] : memref<1000000x64xf32, #tpu.memory_space<hbm>> -> memref<1x64xf32, #tpu.memory_space<hbm>>
      tpu.enqueue_dma source(%dma_start3A_211 : memref<1x64xf32, #tpu.memory_space<hbm>>) target(%dma_start3A_209 : memref<1x64xf32, #tpu.memory_space<vmem>>) target_semaphore(%arg28 : memref<!tpu.dma_semaphore, #tpu.memory_space<semaphore_mem>>)
      %slice3A_212 = vector.extract_strided_slice %get3A_151 {offsets = [2], sizes = [1], strides = [1]} : vector<16xi32> to vector<1xi32>
      %squeeze3A_213 = vector.extract %slice3A_212[0] : i32 from vector<1xi32>
      %dma_start3A_214 = arith.constant 0 : i32
      %dma_start3A_215 = tpu.memref_slice %arg19[%add3A_201, %dma_start3A_214] : memref<128x64xf32, #tpu.memory_space<vmem>> -> memref<1x64xf32, #tpu.memory_space<vmem>>
      %dma_start3A_216 = arith.constant 0 : i32
      %dma_start3A_217 = tpu.memref_slice %arg7[%squeeze3A_213, %dma_start3A_216] : memref<100000x64xf32, #tpu.memory_space<hbm>> -> memref<1x64xf32, #tpu.memory_space<hbm>>
      %dma_start3A_218 = arith.constant 0 : i32
      %dma_start3A_219 = tpu.memref_slice %arg19[%add3A_201, %dma_start3A_218] : memref<128x64xf32, #tpu.memory_space<vmem>> -> memref<1x64xf32, #tpu.memory_space<vmem>>
      %dma_start3A_220 = arith.constant 0 : i32
      %dma_start3A_221 = tpu.memref_slice %arg7[%squeeze3A_213, %dma_start3A_220] : memref<100000x64xf32, #tpu.memory_space<hbm>> -> memref<1x64xf32, #tpu.memory_space<hbm>>
      tpu.enqueue_dma source(%dma_start3A_221 : memref<1x64xf32, #tpu.memory_space<hbm>>) target(%dma_start3A_219 : memref<1x64xf32, #tpu.memory_space<vmem>>) target_semaphore(%arg29 : memref<!tpu.dma_semaphore, #tpu.memory_space<semaphore_mem>>)
      %mul3A_222 = arith.constant 16 : i32
      %mul3A_223 = arith.muli %scan3A_143, %mul3A_222 : i32
      %add3A_224 = arith.constant 3 : i32
      %add3A_225 = arith.addi %mul3A_223, %add3A_224 : i32
      %slice3A_226 = vector.extract_strided_slice %get3A_149 {offsets = [3], sizes = [1], strides = [1]} : vector<16xi32> to vector<1xi32>
      %squeeze3A_227 = vector.extract %slice3A_226[0] : i32 from vector<1xi32>
      %dma_start3A_228 = arith.constant 0 : i32
      %dma_start3A_229 = tpu.memref_slice %arg17[%add3A_225, %dma_start3A_228] : memref<128x64xf32, #tpu.memory_space<vmem>> -> memref<1x64xf32, #tpu.memory_space<vmem>>
      %dma_start3A_230 = arith.constant 0 : i32
      %dma_start3A_231 = tpu.memref_slice %arg6[%squeeze3A_227, %dma_start3A_230] : memref<1000000x64xf32, #tpu.memory_space<hbm>> -> memref<1x64xf32, #tpu.memory_space<hbm>>
      %dma_start3A_232 = arith.constant 0 : i32
      %dma_start3A_233 = tpu.memref_slice %arg17[%add3A_225, %dma_start3A_232] : memref<128x64xf32, #tpu.memory_space<vmem>> -> memref<1x64xf32, #tpu.memory_space<vmem>>
      %dma_start3A_234 = arith.constant 0 : i32
      %dma_start3A_235 = tpu.memref_slice %arg6[%squeeze3A_227, %dma_start3A_234] : memref<1000000x64xf32, #tpu.memory_space<hbm>> -> memref<1x64xf32, #tpu.memory_space<hbm>>
      tpu.enqueue_dma source(%dma_start3A_235 : memref<1x64xf32, #tpu.memory_space<hbm>>) target(%dma_start3A_233 : memref<1x64xf32, #tpu.memory_space<vmem>>) target_semaphore(%arg28 : memref<!tpu.dma_semaphore, #tpu.memory_space<semaphore_mem>>)
      %slice3A_236 = vector.extract_strided_slice %get3A_151 {offsets = [3], sizes = [1], strides = [1]} : vector<16xi32> to vector<1xi32>
      %squeeze3A_237 = vector.extract %slice3A_236[0] : i32 from vector<1xi32>
      %dma_start3A_238 = arith.constant 0 : i32
      %dma_start3A_239 = tpu.memref_slice %arg19[%add3A_225, %dma_start3A_238] : memref<128x64xf32, #tpu.memory_space<vmem>> -> memref<1x64xf32, #tpu.memory_space<vmem>>
      %dma_start3A_240 = arith.constant 0 : i32
      %dma_start3A_241 = tpu.memref_slice %arg7[%squeeze3A_237, %dma_start3A_240] : memref<100000x64xf32, #tpu.memory_space<hbm>> -> memref<1x64xf32, #tpu.memory_space<hbm>>
      %dma_start3A_242 = arith.constant 0 : i32
      %dma_start3A_243 = tpu.memref_slice %arg19[%add3A_225, %dma_start3A_242] : memref<128x64xf32, #tpu.memory_space<vmem>> -> memref<1x64xf32, #tpu.memory_space<vmem>>
      %dma_start3A_244 = arith.constant 0 : i32
      %dma_start3A_245 = tpu.memref_slice %arg7[%squeeze3A_237, %dma_start3A_244] : memref<100000x64xf32, #tpu.memory_space<hbm>> -> memref<1x64xf32, #tpu.memory_space<hbm>>
      tpu.enqueue_dma source(%dma_start3A_245 : memref<1x64xf32, #tpu.memory_space<hbm>>) target(%dma_start3A_243 : memref<1x64xf32, #tpu.memory_space<vmem>>) target_semaphore(%arg29 : memref<!tpu.dma_semaphore, #tpu.memory_space<semaphore_mem>>)
      %mul3A_246 = arith.constant 16 : i32
      %mul3A_247 = arith.muli %scan3A_143, %mul3A_246 : i32
      %add3A_248 = arith.constant 4 : i32
      %add3A_249 = arith.addi %mul3A_247, %add3A_248 : i32
      %slice3A_250 = vector.extract_strided_slice %get3A_149 {offsets = [4], sizes = [1], strides = [1]} : vector<16xi32> to vector<1xi32>
      %squeeze3A_251 = vector.extract %slice3A_250[0] : i32 from vector<1xi32>
      %dma_start3A_252 = arith.constant 0 : i32
      %dma_start3A_253 = tpu.memref_slice %arg17[%add3A_249, %dma_start3A_252] : memref<128x64xf32, #tpu.memory_space<vmem>> -> memref<1x64xf32, #tpu.memory_space<vmem>>
      %dma_start3A_254 = arith.constant 0 : i32
      %dma_start3A_255 = tpu.memref_slice %arg6[%squeeze3A_251, %dma_start3A_254] : memref<1000000x64xf32, #tpu.memory_space<hbm>> -> memref<1x64xf32, #tpu.memory_space<hbm>>
      %dma_start3A_256 = arith.constant 0 : i32
      %dma_start3A_257 = tpu.memref_slice %arg17[%add3A_249, %dma_start3A_256] : memref<128x64xf32, #tpu.memory_space<vmem>> -> memref<1x64xf32, #tpu.memory_space<vmem>>
      %dma_start3A_258 = arith.constant 0 : i32
      %dma_start3A_259 = tpu.memref_slice %arg6[%squeeze3A_251, %dma_start3A_258] : memref<1000000x64xf32, #tpu.memory_space<hbm>> -> memref<1x64xf32, #tpu.memory_space<hbm>>
      tpu.enqueue_dma source(%dma_start3A_259 : memref<1x64xf32, #tpu.memory_space<hbm>>) target(%dma_start3A_257 : memref<1x64xf32, #tpu.memory_space<vmem>>) target_semaphore(%arg28 : memref<!tpu.dma_semaphore, #tpu.memory_space<semaphore_mem>>)
      %slice3A_260 = vector.extract_strided_slice %get3A_151 {offsets = [4], sizes = [1], strides = [1]} : vector<16xi32> to vector<1xi32>
      %squeeze3A_261 = vector.extract %slice3A_260[0] : i32 from vector<1xi32>
      %dma_start3A_262 = arith.constant 0 : i32
      %dma_start3A_263 = tpu.memref_slice %arg19[%add3A_249, %dma_start3A_262] : memref<128x64xf32, #tpu.memory_space<vmem>> -> memref<1x64xf32, #tpu.memory_space<vmem>>
      %dma_start3A_264 = arith.constant 0 : i32
      %dma_start3A_265 = tpu.memref_slice %arg7[%squeeze3A_261, %dma_start3A_264] : memref<100000x64xf32, #tpu.memory_space<hbm>> -> memref<1x64xf32, #tpu.memory_space<hbm>>
      %dma_start3A_266 = arith.constant 0 : i32
      %dma_start3A_267 = tpu.memref_slice %arg19[%add3A_249, %dma_start3A_266] : memref<128x64xf32, #tpu.memory_space<vmem>> -> memref<1x64xf32, #tpu.memory_space<vmem>>
      %dma_start3A_268 = arith.constant 0 : i32
      %dma_start3A_269 = tpu.memref_slice %arg7[%squeeze3A_261, %dma_start3A_268] : memref<100000x64xf32, #tpu.memory_space<hbm>> -> memref<1x64xf32, #tpu.memory_space<hbm>>
      tpu.enqueue_dma source(%dma_start3A_269 : memref<1x64xf32, #tpu.memory_space<hbm>>) target(%dma_start3A_267 : memref<1x64xf32, #tpu.memory_space<vmem>>) target_semaphore(%arg29 : memref<!tpu.dma_semaphore, #tpu.memory_space<semaphore_mem>>)
      %mul3A_270 = arith.constant 16 : i32
      %mul3A_271 = arith.muli %scan3A_143, %mul3A_270 : i32
      %add3A_272 = arith.constant 5 : i32
      %add3A_273 = arith.addi %mul3A_271, %add3A_272 : i32
      %slice3A_274 = vector.extract_strided_slice %get3A_149 {offsets = [5], sizes = [1], strides = [1]} : vector<16xi32> to vector<1xi32>
      %squeeze3A_275 = vector.extract %slice3A_274[0] : i32 from vector<1xi32>
      %dma_start3A_276 = arith.constant 0 : i32
      %dma_start3A_277 = tpu.memref_slice %arg17[%add3A_273, %dma_start3A_276] : memref<128x64xf32, #tpu.memory_space<vmem>> -> memref<1x64xf32, #tpu.memory_space<vmem>>
      %dma_start3A_278 = arith.constant 0 : i32
      %dma_start3A_279 = tpu.memref_slice %arg6[%squeeze3A_275, %dma_start3A_278] : memref<1000000x64xf32, #tpu.memory_space<hbm>> -> memref<1x64xf32, #tpu.memory_space<hbm>>
      %dma_start3A_280 = arith.constant 0 : i32
      %dma_start3A_281 = tpu.memref_slice %arg17[%add3A_273, %dma_start3A_280] : memref<128x64xf32, #tpu.memory_space<vmem>> -> memref<1x64xf32, #tpu.memory_space<vmem>>
      %dma_start3A_282 = arith.constant 0 : i32
      %dma_start3A_283 = tpu.memref_slice %arg6[%squeeze3A_275, %dma_start3A_282] : memref<1000000x64xf32, #tpu.memory_space<hbm>> -> memref<1x64xf32, #tpu.memory_space<hbm>>
      tpu.enqueue_dma source(%dma_start3A_283 : memref<1x64xf32, #tpu.memory_space<hbm>>) target(%dma_start3A_281 : memref<1x64xf32, #tpu.memory_space<vmem>>) target_semaphore(%arg28 : memref<!tpu.dma_semaphore, #tpu.memory_space<semaphore_mem>>)
      %slice3A_284 = vector.extract_strided_slice %get3A_151 {offsets = [5], sizes = [1], strides = [1]} : vector<16xi32> to vector<1xi32>
      %squeeze3A_285 = vector.extract %slice3A_284[0] : i32 from vector<1xi32>
      %dma_start3A_286 = arith.constant 0 : i32
      %dma_start3A_287 = tpu.memref_slice %arg19[%add3A_273, %dma_start3A_286] : memref<128x64xf32, #tpu.memory_space<vmem>> -> memref<1x64xf32, #tpu.memory_space<vmem>>
      %dma_start3A_288 = arith.constant 0 : i32
      %dma_start3A_289 = tpu.memref_slice %arg7[%squeeze3A_285, %dma_start3A_288] : memref<100000x64xf32, #tpu.memory_space<hbm>> -> memref<1x64xf32, #tpu.memory_space<hbm>>
      %dma_start3A_290 = arith.constant 0 : i32
      %dma_start3A_291 = tpu.memref_slice %arg19[%add3A_273, %dma_start3A_290] : memref<128x64xf32, #tpu.memory_space<vmem>> -> memref<1x64xf32, #tpu.memory_space<vmem>>
      %dma_start3A_292 = arith.constant 0 : i32
      %dma_start3A_293 = tpu.memref_slice %arg7[%squeeze3A_285, %dma_start3A_292] : memref<100000x64xf32, #tpu.memory_space<hbm>> -> memref<1x64xf32, #tpu.memory_space<hbm>>
      tpu.enqueue_dma source(%dma_start3A_293 : memref<1x64xf32, #tpu.memory_space<hbm>>) target(%dma_start3A_291 : memref<1x64xf32, #tpu.memory_space<vmem>>) target_semaphore(%arg29 : memref<!tpu.dma_semaphore, #tpu.memory_space<semaphore_mem>>)
      %mul3A_294 = arith.constant 16 : i32
      %mul3A_295 = arith.muli %scan3A_143, %mul3A_294 : i32
      %add3A_296 = arith.constant 6 : i32
      %add3A_297 = arith.addi %mul3A_295, %add3A_296 : i32
      %slice3A_298 = vector.extract_strided_slice %get3A_149 {offsets = [6], sizes = [1], strides = [1]} : vector<16xi32> to vector<1xi32>
      %squeeze3A_299 = vector.extract %slice3A_298[0] : i32 from vector<1xi32>
      %dma_start3A_300 = arith.constant 0 : i32
      %dma_start3A_301 = tpu.memref_slice %arg17[%add3A_297, %dma_start3A_300] : memref<128x64xf32, #tpu.memory_space<vmem>> -> memref<1x64xf32, #tpu.memory_space<vmem>>
      %dma_start3A_302 = arith.constant 0 : i32
      %dma_start3A_303 = tpu.memref_slice %arg6[%squeeze3A_299, %dma_start3A_302] : memref<1000000x64xf32, #tpu.memory_space<hbm>> -> memref<1x64xf32, #tpu.memory_space<hbm>>
      %dma_start3A_304 = arith.constant 0 : i32
      %dma_start3A_305 = tpu.memref_slice %arg17[%add3A_297, %dma_start3A_304] : memref<128x64xf32, #tpu.memory_space<vmem>> -> memref<1x64xf32, #tpu.memory_space<vmem>>
      %dma_start3A_306 = arith.constant 0 : i32
      %dma_start3A_307 = tpu.memref_slice %arg6[%squeeze3A_299, %dma_start3A_306] : memref<1000000x64xf32, #tpu.memory_space<hbm>> -> memref<1x64xf32, #tpu.memory_space<hbm>>
      tpu.enqueue_dma source(%dma_start3A_307 : memref<1x64xf32, #tpu.memory_space<hbm>>) target(%dma_start3A_305 : memref<1x64xf32, #tpu.memory_space<vmem>>) target_semaphore(%arg28 : memref<!tpu.dma_semaphore, #tpu.memory_space<semaphore_mem>>)
      %slice3A_308 = vector.extract_strided_slice %get3A_151 {offsets = [6], sizes = [1], strides = [1]} : vector<16xi32> to vector<1xi32>
      %squeeze3A_309 = vector.extract %slice3A_308[0] : i32 from vector<1xi32>
      %dma_start3A_310 = arith.constant 0 : i32
      %dma_start3A_311 = tpu.memref_slice %arg19[%add3A_297, %dma_start3A_310] : memref<128x64xf32, #tpu.memory_space<vmem>> -> memref<1x64xf32, #tpu.memory_space<vmem>>
      %dma_start3A_312 = arith.constant 0 : i32
      %dma_start3A_313 = tpu.memref_slice %arg7[%squeeze3A_309, %dma_start3A_312] : memref<100000x64xf32, #tpu.memory_space<hbm>> -> memref<1x64xf32, #tpu.memory_space<hbm>>
      %dma_start3A_314 = arith.constant 0 : i32
      %dma_start3A_315 = tpu.memref_slice %arg19[%add3A_297, %dma_start3A_314] : memref<128x64xf32, #tpu.memory_space<vmem>> -> memref<1x64xf32, #tpu.memory_space<vmem>>
      %dma_start3A_316 = arith.constant 0 : i32
      %dma_start3A_317 = tpu.memref_slice %arg7[%squeeze3A_309, %dma_start3A_316] : memref<100000x64xf32, #tpu.memory_space<hbm>> -> memref<1x64xf32, #tpu.memory_space<hbm>>
      tpu.enqueue_dma source(%dma_start3A_317 : memref<1x64xf32, #tpu.memory_space<hbm>>) target(%dma_start3A_315 : memref<1x64xf32, #tpu.memory_space<vmem>>) target_semaphore(%arg29 : memref<!tpu.dma_semaphore, #tpu.memory_space<semaphore_mem>>)
      %mul3A_318 = arith.constant 16 : i32
      %mul3A_319 = arith.muli %scan3A_143, %mul3A_318 : i32
      %add3A_320 = arith.constant 7 : i32
      %add3A_321 = arith.addi %mul3A_319, %add3A_320 : i32
      %slice3A_322 = vector.extract_strided_slice %get3A_149 {offsets = [7], sizes = [1], strides = [1]} : vector<16xi32> to vector<1xi32>
      %squeeze3A_323 = vector.extract %slice3A_322[0] : i32 from vector<1xi32>
      %dma_start3A_324 = arith.constant 0 : i32
      %dma_start3A_325 = tpu.memref_slice %arg17[%add3A_321, %dma_start3A_324] : memref<128x64xf32, #tpu.memory_space<vmem>> -> memref<1x64xf32, #tpu.memory_space<vmem>>
      %dma_start3A_326 = arith.constant 0 : i32
      %dma_start3A_327 = tpu.memref_slice %arg6[%squeeze3A_323, %dma_start3A_326] : memref<1000000x64xf32, #tpu.memory_space<hbm>> -> memref<1x64xf32, #tpu.memory_space<hbm>>
      %dma_start3A_328 = arith.constant 0 : i32
      %dma_start3A_329 = tpu.memref_slice %arg17[%add3A_321, %dma_start3A_328] : memref<128x64xf32, #tpu.memory_space<vmem>> -> memref<1x64xf32, #tpu.memory_space<vmem>>
      %dma_start3A_330 = arith.constant 0 : i32
      %dma_start3A_331 = tpu.memref_slice %arg6[%squeeze3A_323, %dma_start3A_330] : memref<1000000x64xf32, #tpu.memory_space<hbm>> -> memref<1x64xf32, #tpu.memory_space<hbm>>
      tpu.enqueue_dma source(%dma_start3A_331 : memref<1x64xf32, #tpu.memory_space<hbm>>) target(%dma_start3A_329 : memref<1x64xf32, #tpu.memory_space<vmem>>) target_semaphore(%arg28 : memref<!tpu.dma_semaphore, #tpu.memory_space<semaphore_mem>>)
      %slice3A_332 = vector.extract_strided_slice %get3A_151 {offsets = [7], sizes = [1], strides = [1]} : vector<16xi32> to vector<1xi32>
      %squeeze3A_333 = vector.extract %slice3A_332[0] : i32 from vector<1xi32>
      %dma_start3A_334 = arith.constant 0 : i32
      %dma_start3A_335 = tpu.memref_slice %arg19[%add3A_321, %dma_start3A_334] : memref<128x64xf32, #tpu.memory_space<vmem>> -> memref<1x64xf32, #tpu.memory_space<vmem>>
      %dma_start3A_336 = arith.constant 0 : i32
      %dma_start3A_337 = tpu.memref_slice %arg7[%squeeze3A_333, %dma_start3A_336] : memref<100000x64xf32, #tpu.memory_space<hbm>> -> memref<1x64xf32, #tpu.memory_space<hbm>>
      %dma_start3A_338 = arith.constant 0 : i32
      %dma_start3A_339 = tpu.memref_slice %arg19[%add3A_321, %dma_start3A_338] : memref<128x64xf32, #tpu.memory_space<vmem>> -> memref<1x64xf32, #tpu.memory_space<vmem>>
      %dma_start3A_340 = arith.constant 0 : i32
      %dma_start3A_341 = tpu.memref_slice %arg7[%squeeze3A_333, %dma_start3A_340] : memref<100000x64xf32, #tpu.memory_space<hbm>> -> memref<1x64xf32, #tpu.memory_space<hbm>>
      tpu.enqueue_dma source(%dma_start3A_341 : memref<1x64xf32, #tpu.memory_space<hbm>>) target(%dma_start3A_339 : memref<1x64xf32, #tpu.memory_space<vmem>>) target_semaphore(%arg29 : memref<!tpu.dma_semaphore, #tpu.memory_space<semaphore_mem>>)
      %mul3A_342 = arith.constant 16 : i32
      %mul3A_343 = arith.muli %scan3A_143, %mul3A_342 : i32
      %add3A_344 = arith.constant 8 : i32
      %add3A_345 = arith.addi %mul3A_343, %add3A_344 : i32
      %slice3A_346 = vector.extract_strided_slice %get3A_149 {offsets = [8], sizes = [1], strides = [1]} : vector<16xi32> to vector<1xi32>
      %squeeze3A_347 = vector.extract %slice3A_346[0] : i32 from vector<1xi32>
      %dma_start3A_348 = arith.constant 0 : i32
      %dma_start3A_349 = tpu.memref_slice %arg17[%add3A_345, %dma_start3A_348] : memref<128x64xf32, #tpu.memory_space<vmem>> -> memref<1x64xf32, #tpu.memory_space<vmem>>
      %dma_start3A_350 = arith.constant 0 : i32
      %dma_start3A_351 = tpu.memref_slice %arg6[%squeeze3A_347, %dma_start3A_350] : memref<1000000x64xf32, #tpu.memory_space<hbm>> -> memref<1x64xf32, #tpu.memory_space<hbm>>
      %dma_start3A_352 = arith.constant 0 : i32
      %dma_start3A_353 = tpu.memref_slice %arg17[%add3A_345, %dma_start3A_352] : memref<128x64xf32, #tpu.memory_space<vmem>> -> memref<1x64xf32, #tpu.memory_space<vmem>>
      %dma_start3A_354 = arith.constant 0 : i32
      %dma_start3A_355 = tpu.memref_slice %arg6[%squeeze3A_347, %dma_start3A_354] : memref<1000000x64xf32, #tpu.memory_space<hbm>> -> memref<1x64xf32, #tpu.memory_space<hbm>>
      tpu.enqueue_dma source(%dma_start3A_355 : memref<1x64xf32, #tpu.memory_space<hbm>>) target(%dma_start3A_353 : memref<1x64xf32, #tpu.memory_space<vmem>>) target_semaphore(%arg28 : memref<!tpu.dma_semaphore, #tpu.memory_space<semaphore_mem>>)
      %slice3A_356 = vector.extract_strided_slice %get3A_151 {offsets = [8], sizes = [1], strides = [1]} : vector<16xi32> to vector<1xi32>
      %squeeze3A_357 = vector.extract %slice3A_356[0] : i32 from vector<1xi32>
      %dma_start3A_358 = arith.constant 0 : i32
      %dma_start3A_359 = tpu.memref_slice %arg19[%add3A_345, %dma_start3A_358] : memref<128x64xf32, #tpu.memory_space<vmem>> -> memref<1x64xf32, #tpu.memory_space<vmem>>
      %dma_start3A_360 = arith.constant 0 : i32
      %dma_start3A_361 = tpu.memref_slice %arg7[%squeeze3A_357, %dma_start3A_360] : memref<100000x64xf32, #tpu.memory_space<hbm>> -> memref<1x64xf32, #tpu.memory_space<hbm>>
      %dma_start3A_362 = arith.constant 0 : i32
      %dma_start3A_363 = tpu.memref_slice %arg19[%add3A_345, %dma_start3A_362] : memref<128x64xf32, #tpu.memory_space<vmem>> -> memref<1x64xf32, #tpu.memory_space<vmem>>
      %dma_start3A_364 = arith.constant 0 : i32
      %dma_start3A_365 = tpu.memref_slice %arg7[%squeeze3A_357, %dma_start3A_364] : memref<100000x64xf32, #tpu.memory_space<hbm>> -> memref<1x64xf32, #tpu.memory_space<hbm>>
      tpu.enqueue_dma source(%dma_start3A_365 : memref<1x64xf32, #tpu.memory_space<hbm>>) target(%dma_start3A_363 : memref<1x64xf32, #tpu.memory_space<vmem>>) target_semaphore(%arg29 : memref<!tpu.dma_semaphore, #tpu.memory_space<semaphore_mem>>)
      %mul3A_366 = arith.constant 16 : i32
      %mul3A_367 = arith.muli %scan3A_143, %mul3A_366 : i32
      %add3A_368 = arith.constant 9 : i32
      %add3A_369 = arith.addi %mul3A_367, %add3A_368 : i32
      %slice3A_370 = vector.extract_strided_slice %get3A_149 {offsets = [9], sizes = [1], strides = [1]} : vector<16xi32> to vector<1xi32>
      %squeeze3A_371 = vector.extract %slice3A_370[0] : i32 from vector<1xi32>
      %dma_start3A_372 = arith.constant 0 : i32
      %dma_start3A_373 = tpu.memref_slice %arg17[%add3A_369, %dma_start3A_372] : memref<128x64xf32, #tpu.memory_space<vmem>> -> memref<1x64xf32, #tpu.memory_space<vmem>>
      %dma_start3A_374 = arith.constant 0 : i32
      %dma_start3A_375 = tpu.memref_slice %arg6[%squeeze3A_371, %dma_start3A_374] : memref<1000000x64xf32, #tpu.memory_space<hbm>> -> memref<1x64xf32, #tpu.memory_space<hbm>>
      %dma_start3A_376 = arith.constant 0 : i32
      %dma_start3A_377 = tpu.memref_slice %arg17[%add3A_369, %dma_start3A_376] : memref<128x64xf32, #tpu.memory_space<vmem>> -> memref<1x64xf32, #tpu.memory_space<vmem>>
      %dma_start3A_378 = arith.constant 0 : i32
      %dma_start3A_379 = tpu.memref_slice %arg6[%squeeze3A_371, %dma_start3A_378] : memref<1000000x64xf32, #tpu.memory_space<hbm>> -> memref<1x64xf32, #tpu.memory_space<hbm>>
      tpu.enqueue_dma source(%dma_start3A_379 : memref<1x64xf32, #tpu.memory_space<hbm>>) target(%dma_start3A_377 : memref<1x64xf32, #tpu.memory_space<vmem>>) target_semaphore(%arg28 : memref<!tpu.dma_semaphore, #tpu.memory_space<semaphore_mem>>)
      %slice3A_380 = vector.extract_strided_slice %get3A_151 {offsets = [9], sizes = [1], strides = [1]} : vector<16xi32> to vector<1xi32>
      %squeeze3A_381 = vector.extract %slice3A_380[0] : i32 from vector<1xi32>
      %dma_start3A_382 = arith.constant 0 : i32
      %dma_start3A_383 = tpu.memref_slice %arg19[%add3A_369, %dma_start3A_382] : memref<128x64xf32, #tpu.memory_space<vmem>> -> memref<1x64xf32, #tpu.memory_space<vmem>>
      %dma_start3A_384 = arith.constant 0 : i32
      %dma_start3A_385 = tpu.memref_slice %arg7[%squeeze3A_381, %dma_start3A_384] : memref<100000x64xf32, #tpu.memory_space<hbm>> -> memref<1x64xf32, #tpu.memory_space<hbm>>
      %dma_start3A_386 = arith.constant 0 : i32
      %dma_start3A_387 = tpu.memref_slice %arg19[%add3A_369, %dma_start3A_386] : memref<128x64xf32, #tpu.memory_space<vmem>> -> memref<1x64xf32, #tpu.memory_space<vmem>>
      %dma_start3A_388 = arith.constant 0 : i32
      %dma_start3A_389 = tpu.memref_slice %arg7[%squeeze3A_381, %dma_start3A_388] : memref<100000x64xf32, #tpu.memory_space<hbm>> -> memref<1x64xf32, #tpu.memory_space<hbm>>
      tpu.enqueue_dma source(%dma_start3A_389 : memref<1x64xf32, #tpu.memory_space<hbm>>) target(%dma_start3A_387 : memref<1x64xf32, #tpu.memory_space<vmem>>) target_semaphore(%arg29 : memref<!tpu.dma_semaphore, #tpu.memory_space<semaphore_mem>>)
      %mul3A_390 = arith.constant 16 : i32
      %mul3A_391 = arith.muli %scan3A_143, %mul3A_390 : i32
      %add3A_392 = arith.constant 10 : i32
      %add3A_393 = arith.addi %mul3A_391, %add3A_392 : i32
      %slice3A_394 = vector.extract_strided_slice %get3A_149 {offsets = [10], sizes = [1], strides = [1]} : vector<16xi32> to vector<1xi32>
      %squeeze3A_395 = vector.extract %slice3A_394[0] : i32 from vector<1xi32>
      %dma_start3A_396 = arith.constant 0 : i32
      %dma_start3A_397 = tpu.memref_slice %arg17[%add3A_393, %dma_start3A_396] : memref<128x64xf32, #tpu.memory_space<vmem>> -> memref<1x64xf32, #tpu.memory_space<vmem>>
      %dma_start3A_398 = arith.constant 0 : i32
      %dma_start3A_399 = tpu.memref_slice %arg6[%squeeze3A_395, %dma_start3A_398] : memref<1000000x64xf32, #tpu.memory_space<hbm>> -> memref<1x64xf32, #tpu.memory_space<hbm>>
      %dma_start3A_400 = arith.constant 0 : i32
      %dma_start3A_401 = tpu.memref_slice %arg17[%add3A_393, %dma_start3A_400] : memref<128x64xf32, #tpu.memory_space<vmem>> -> memref<1x64xf32, #tpu.memory_space<vmem>>
      %dma_start3A_402 = arith.constant 0 : i32
      %dma_start3A_403 = tpu.memref_slice %arg6[%squeeze3A_395, %dma_start3A_402] : memref<1000000x64xf32, #tpu.memory_space<hbm>> -> memref<1x64xf32, #tpu.memory_space<hbm>>
      tpu.enqueue_dma source(%dma_start3A_403 : memref<1x64xf32, #tpu.memory_space<hbm>>) target(%dma_start3A_401 : memref<1x64xf32, #tpu.memory_space<vmem>>) target_semaphore(%arg28 : memref<!tpu.dma_semaphore, #tpu.memory_space<semaphore_mem>>)
      %slice3A_404 = vector.extract_strided_slice %get3A_151 {offsets = [10], sizes = [1], strides = [1]} : vector<16xi32> to vector<1xi32>
      %squeeze3A_405 = vector.extract %slice3A_404[0] : i32 from vector<1xi32>
      %dma_start3A_406 = arith.constant 0 : i32
      %dma_start3A_407 = tpu.memref_slice %arg19[%add3A_393, %dma_start3A_406] : memref<128x64xf32, #tpu.memory_space<vmem>> -> memref<1x64xf32, #tpu.memory_space<vmem>>
      %dma_start3A_408 = arith.constant 0 : i32
      %dma_start3A_409 = tpu.memref_slice %arg7[%squeeze3A_405, %dma_start3A_408] : memref<100000x64xf32, #tpu.memory_space<hbm>> -> memref<1x64xf32, #tpu.memory_space<hbm>>
      %dma_start3A_410 = arith.constant 0 : i32
      %dma_start3A_411 = tpu.memref_slice %arg19[%add3A_393, %dma_start3A_410] : memref<128x64xf32, #tpu.memory_space<vmem>> -> memref<1x64xf32, #tpu.memory_space<vmem>>
      %dma_start3A_412 = arith.constant 0 : i32
      %dma_start3A_413 = tpu.memref_slice %arg7[%squeeze3A_405, %dma_start3A_412] : memref<100000x64xf32, #tpu.memory_space<hbm>> -> memref<1x64xf32, #tpu.memory_space<hbm>>
      tpu.enqueue_dma source(%dma_start3A_413 : memref<1x64xf32, #tpu.memory_space<hbm>>) target(%dma_start3A_411 : memref<1x64xf32, #tpu.memory_space<vmem>>) target_semaphore(%arg29 : memref<!tpu.dma_semaphore, #tpu.memory_space<semaphore_mem>>)
      %mul3A_414 = arith.constant 16 : i32
      %mul3A_415 = arith.muli %scan3A_143, %mul3A_414 : i32
      %add3A_416 = arith.constant 11 : i32
      %add3A_417 = arith.addi %mul3A_415, %add3A_416 : i32
      %slice3A_418 = vector.extract_strided_slice %get3A_149 {offsets = [11], sizes = [1], strides = [1]} : vector<16xi32> to vector<1xi32>
      %squeeze3A_419 = vector.extract %slice3A_418[0] : i32 from vector<1xi32>
      %dma_start3A_420 = arith.constant 0 : i32
      %dma_start3A_421 = tpu.memref_slice %arg17[%add3A_417, %dma_start3A_420] : memref<128x64xf32, #tpu.memory_space<vmem>> -> memref<1x64xf32, #tpu.memory_space<vmem>>
      %dma_start3A_422 = arith.constant 0 : i32
      %dma_start3A_423 = tpu.memref_slice %arg6[%squeeze3A_419, %dma_start3A_422] : memref<1000000x64xf32, #tpu.memory_space<hbm>> -> memref<1x64xf32, #tpu.memory_space<hbm>>
      %dma_start3A_424 = arith.constant 0 : i32
      %dma_start3A_425 = tpu.memref_slice %arg17[%add3A_417, %dma_start3A_424] : memref<128x64xf32, #tpu.memory_space<vmem>> -> memref<1x64xf32, #tpu.memory_space<vmem>>
      %dma_start3A_426 = arith.constant 0 : i32
      %dma_start3A_427 = tpu.memref_slice %arg6[%squeeze3A_419, %dma_start3A_426] : memref<1000000x64xf32, #tpu.memory_space<hbm>> -> memref<1x64xf32, #tpu.memory_space<hbm>>
      tpu.enqueue_dma source(%dma_start3A_427 : memref<1x64xf32, #tpu.memory_space<hbm>>) target(%dma_start3A_425 : memref<1x64xf32, #tpu.memory_space<vmem>>) target_semaphore(%arg28 : memref<!tpu.dma_semaphore, #tpu.memory_space<semaphore_mem>>)
      %slice3A_428 = vector.extract_strided_slice %get3A_151 {offsets = [11], sizes = [1], strides = [1]} : vector<16xi32> to vector<1xi32>
      %squeeze3A_429 = vector.extract %slice3A_428[0] : i32 from vector<1xi32>
      %dma_start3A_430 = arith.constant 0 : i32
      %dma_start3A_431 = tpu.memref_slice %arg19[%add3A_417, %dma_start3A_430] : memref<128x64xf32, #tpu.memory_space<vmem>> -> memref<1x64xf32, #tpu.memory_space<vmem>>
      %dma_start3A_432 = arith.constant 0 : i32
      %dma_start3A_433 = tpu.memref_slice %arg7[%squeeze3A_429, %dma_start3A_432] : memref<100000x64xf32, #tpu.memory_space<hbm>> -> memref<1x64xf32, #tpu.memory_space<hbm>>
      %dma_start3A_434 = arith.constant 0 : i32
      %dma_start3A_435 = tpu.memref_slice %arg19[%add3A_417, %dma_start3A_434] : memref<128x64xf32, #tpu.memory_space<vmem>> -> memref<1x64xf32, #tpu.memory_space<vmem>>
      %dma_start3A_436 = arith.constant 0 : i32
      %dma_start3A_437 = tpu.memref_slice %arg7[%squeeze3A_429, %dma_start3A_436] : memref<100000x64xf32, #tpu.memory_space<hbm>> -> memref<1x64xf32, #tpu.memory_space<hbm>>
      tpu.enqueue_dma source(%dma_start3A_437 : memref<1x64xf32, #tpu.memory_space<hbm>>) target(%dma_start3A_435 : memref<1x64xf32, #tpu.memory_space<vmem>>) target_semaphore(%arg29 : memref<!tpu.dma_semaphore, #tpu.memory_space<semaphore_mem>>)
      %mul3A_438 = arith.constant 16 : i32
      %mul3A_439 = arith.muli %scan3A_143, %mul3A_438 : i32
      %add3A_440 = arith.constant 12 : i32
      %add3A_441 = arith.addi %mul3A_439, %add3A_440 : i32
      %slice3A_442 = vector.extract_strided_slice %get3A_149 {offsets = [12], sizes = [1], strides = [1]} : vector<16xi32> to vector<1xi32>
      %squeeze3A_443 = vector.extract %slice3A_442[0] : i32 from vector<1xi32>
      %dma_start3A_444 = arith.constant 0 : i32
      %dma_start3A_445 = tpu.memref_slice %arg17[%add3A_441, %dma_start3A_444] : memref<128x64xf32, #tpu.memory_space<vmem>> -> memref<1x64xf32, #tpu.memory_space<vmem>>
      %dma_start3A_446 = arith.constant 0 : i32
      %dma_start3A_447 = tpu.memref_slice %arg6[%squeeze3A_443, %dma_start3A_446] : memref<1000000x64xf32, #tpu.memory_space<hbm>> -> memref<1x64xf32, #tpu.memory_space<hbm>>
      %dma_start3A_448 = arith.constant 0 : i32
      %dma_start3A_449 = tpu.memref_slice %arg17[%add3A_441, %dma_start3A_448] : memref<128x64xf32, #tpu.memory_space<vmem>> -> memref<1x64xf32, #tpu.memory_space<vmem>>
      %dma_start3A_450 = arith.constant 0 : i32
      %dma_start3A_451 = tpu.memref_slice %arg6[%squeeze3A_443, %dma_start3A_450] : memref<1000000x64xf32, #tpu.memory_space<hbm>> -> memref<1x64xf32, #tpu.memory_space<hbm>>
      tpu.enqueue_dma source(%dma_start3A_451 : memref<1x64xf32, #tpu.memory_space<hbm>>) target(%dma_start3A_449 : memref<1x64xf32, #tpu.memory_space<vmem>>) target_semaphore(%arg28 : memref<!tpu.dma_semaphore, #tpu.memory_space<semaphore_mem>>)
      %slice3A_452 = vector.extract_strided_slice %get3A_151 {offsets = [12], sizes = [1], strides = [1]} : vector<16xi32> to vector<1xi32>
      %squeeze3A_453 = vector.extract %slice3A_452[0] : i32 from vector<1xi32>
      %dma_start3A_454 = arith.constant 0 : i32
      %dma_start3A_455 = tpu.memref_slice %arg19[%add3A_441, %dma_start3A_454] : memref<128x64xf32, #tpu.memory_space<vmem>> -> memref<1x64xf32, #tpu.memory_space<vmem>>
      %dma_start3A_456 = arith.constant 0 : i32
      %dma_start3A_457 = tpu.memref_slice %arg7[%squeeze3A_453, %dma_start3A_456] : memref<100000x64xf32, #tpu.memory_space<hbm>> -> memref<1x64xf32, #tpu.memory_space<hbm>>
      %dma_start3A_458 = arith.constant 0 : i32
      %dma_start3A_459 = tpu.memref_slice %arg19[%add3A_441, %dma_start3A_458] : memref<128x64xf32, #tpu.memory_space<vmem>> -> memref<1x64xf32, #tpu.memory_space<vmem>>
      %dma_start3A_460 = arith.constant 0 : i32
      %dma_start3A_461 = tpu.memref_slice %arg7[%squeeze3A_453, %dma_start3A_460] : memref<100000x64xf32, #tpu.memory_space<hbm>> -> memref<1x64xf32, #tpu.memory_space<hbm>>
      tpu.enqueue_dma source(%dma_start3A_461 : memref<1x64xf32, #tpu.memory_space<hbm>>) target(%dma_start3A_459 : memref<1x64xf32, #tpu.memory_space<vmem>>) target_semaphore(%arg29 : memref<!tpu.dma_semaphore, #tpu.memory_space<semaphore_mem>>)
      %mul3A_462 = arith.constant 16 : i32
      %mul3A_463 = arith.muli %scan3A_143, %mul3A_462 : i32
      %add3A_464 = arith.constant 13 : i32
      %add3A_465 = arith.addi %mul3A_463, %add3A_464 : i32
      %slice3A_466 = vector.extract_strided_slice %get3A_149 {offsets = [13], sizes = [1], strides = [1]} : vector<16xi32> to vector<1xi32>
      %squeeze3A_467 = vector.extract %slice3A_466[0] : i32 from vector<1xi32>
      %dma_start3A_468 = arith.constant 0 : i32
      %dma_start3A_469 = tpu.memref_slice %arg17[%add3A_465, %dma_start3A_468] : memref<128x64xf32, #tpu.memory_space<vmem>> -> memref<1x64xf32, #tpu.memory_space<vmem>>
      %dma_start3A_470 = arith.constant 0 : i32
      %dma_start3A_471 = tpu.memref_slice %arg6[%squeeze3A_467, %dma_start3A_470] : memref<1000000x64xf32, #tpu.memory_space<hbm>> -> memref<1x64xf32, #tpu.memory_space<hbm>>
      %dma_start3A_472 = arith.constant 0 : i32
      %dma_start3A_473 = tpu.memref_slice %arg17[%add3A_465, %dma_start3A_472] : memref<128x64xf32, #tpu.memory_space<vmem>> -> memref<1x64xf32, #tpu.memory_space<vmem>>
      %dma_start3A_474 = arith.constant 0 : i32
      %dma_start3A_475 = tpu.memref_slice %arg6[%squeeze3A_467, %dma_start3A_474] : memref<1000000x64xf32, #tpu.memory_space<hbm>> -> memref<1x64xf32, #tpu.memory_space<hbm>>
      tpu.enqueue_dma source(%dma_start3A_475 : memref<1x64xf32, #tpu.memory_space<hbm>>) target(%dma_start3A_473 : memref<1x64xf32, #tpu.memory_space<vmem>>) target_semaphore(%arg28 : memref<!tpu.dma_semaphore, #tpu.memory_space<semaphore_mem>>)
      %slice3A_476 = vector.extract_strided_slice %get3A_151 {offsets = [13], sizes = [1], strides = [1]} : vector<16xi32> to vector<1xi32>
      %squeeze3A_477 = vector.extract %slice3A_476[0] : i32 from vector<1xi32>
      %dma_start3A_478 = arith.constant 0 : i32
      %dma_start3A_479 = tpu.memref_slice %arg19[%add3A_465, %dma_start3A_478] : memref<128x64xf32, #tpu.memory_space<vmem>> -> memref<1x64xf32, #tpu.memory_space<vmem>>
      %dma_start3A_480 = arith.constant 0 : i32
      %dma_start3A_481 = tpu.memref_slice %arg7[%squeeze3A_477, %dma_start3A_480] : memref<100000x64xf32, #tpu.memory_space<hbm>> -> memref<1x64xf32, #tpu.memory_space<hbm>>
      %dma_start3A_482 = arith.constant 0 : i32
      %dma_start3A_483 = tpu.memref_slice %arg19[%add3A_465, %dma_start3A_482] : memref<128x64xf32, #tpu.memory_space<vmem>> -> memref<1x64xf32, #tpu.memory_space<vmem>>
      %dma_start3A_484 = arith.constant 0 : i32
      %dma_start3A_485 = tpu.memref_slice %arg7[%squeeze3A_477, %dma_start3A_484] : memref<100000x64xf32, #tpu.memory_space<hbm>> -> memref<1x64xf32, #tpu.memory_space<hbm>>
      tpu.enqueue_dma source(%dma_start3A_485 : memref<1x64xf32, #tpu.memory_space<hbm>>) target(%dma_start3A_483 : memref<1x64xf32, #tpu.memory_space<vmem>>) target_semaphore(%arg29 : memref<!tpu.dma_semaphore, #tpu.memory_space<semaphore_mem>>)
      %mul3A_486 = arith.constant 16 : i32
      %mul3A_487 = arith.muli %scan3A_143, %mul3A_486 : i32
      %add3A_488 = arith.constant 14 : i32
      %add3A_489 = arith.addi %mul3A_487, %add3A_488 : i32
      %slice3A_490 = vector.extract_strided_slice %get3A_149 {offsets = [14], sizes = [1], strides = [1]} : vector<16xi32> to vector<1xi32>
      %squeeze3A_491 = vector.extract %slice3A_490[0] : i32 from vector<1xi32>
      %dma_start3A_492 = arith.constant 0 : i32
      %dma_start3A_493 = tpu.memref_slice %arg17[%add3A_489, %dma_start3A_492] : memref<128x64xf32, #tpu.memory_space<vmem>> -> memref<1x64xf32, #tpu.memory_space<vmem>>
      %dma_start3A_494 = arith.constant 0 : i32
      %dma_start3A_495 = tpu.memref_slice %arg6[%squeeze3A_491, %dma_start3A_494] : memref<1000000x64xf32, #tpu.memory_space<hbm>> -> memref<1x64xf32, #tpu.memory_space<hbm>>
      %dma_start3A_496 = arith.constant 0 : i32
      %dma_start3A_497 = tpu.memref_slice %arg17[%add3A_489, %dma_start3A_496] : memref<128x64xf32, #tpu.memory_space<vmem>> -> memref<1x64xf32, #tpu.memory_space<vmem>>
      %dma_start3A_498 = arith.constant 0 : i32
      %dma_start3A_499 = tpu.memref_slice %arg6[%squeeze3A_491, %dma_start3A_498] : memref<1000000x64xf32, #tpu.memory_space<hbm>> -> memref<1x64xf32, #tpu.memory_space<hbm>>
      tpu.enqueue_dma source(%dma_start3A_499 : memref<1x64xf32, #tpu.memory_space<hbm>>) target(%dma_start3A_497 : memref<1x64xf32, #tpu.memory_space<vmem>>) target_semaphore(%arg28 : memref<!tpu.dma_semaphore, #tpu.memory_space<semaphore_mem>>)
      %slice3A_500 = vector.extract_strided_slice %get3A_151 {offsets = [14], sizes = [1], strides = [1]} : vector<16xi32> to vector<1xi32>
      %squeeze3A_501 = vector.extract %slice3A_500[0] : i32 from vector<1xi32>
      %dma_start3A_502 = arith.constant 0 : i32
      %dma_start3A_503 = tpu.memref_slice %arg19[%add3A_489, %dma_start3A_502] : memref<128x64xf32, #tpu.memory_space<vmem>> -> memref<1x64xf32, #tpu.memory_space<vmem>>
      %dma_start3A_504 = arith.constant 0 : i32
      %dma_start3A_505 = tpu.memref_slice %arg7[%squeeze3A_501, %dma_start3A_504] : memref<100000x64xf32, #tpu.memory_space<hbm>> -> memref<1x64xf32, #tpu.memory_space<hbm>>
      %dma_start3A_506 = arith.constant 0 : i32
      %dma_start3A_507 = tpu.memref_slice %arg19[%add3A_489, %dma_start3A_506] : memref<128x64xf32, #tpu.memory_space<vmem>> -> memref<1x64xf32, #tpu.memory_space<vmem>>
      %dma_start3A_508 = arith.constant 0 : i32
      %dma_start3A_509 = tpu.memref_slice %arg7[%squeeze3A_501, %dma_start3A_508] : memref<100000x64xf32, #tpu.memory_space<hbm>> -> memref<1x64xf32, #tpu.memory_space<hbm>>
      tpu.enqueue_dma source(%dma_start3A_509 : memref<1x64xf32, #tpu.memory_space<hbm>>) target(%dma_start3A_507 : memref<1x64xf32, #tpu.memory_space<vmem>>) target_semaphore(%arg29 : memref<!tpu.dma_semaphore, #tpu.memory_space<semaphore_mem>>)
      %mul3A_510 = arith.constant 16 : i32
      %mul3A_511 = arith.muli %scan3A_143, %mul3A_510 : i32
      %add3A_512 = arith.constant 15 : i32
      %add3A_513 = arith.addi %mul3A_511, %add3A_512 : i32
      %slice3A_514 = vector.extract_strided_slice %get3A_149 {offsets = [15], sizes = [1], strides = [1]} : vector<16xi32> to vector<1xi32>
      %squeeze3A_515 = vector.extract %slice3A_514[0] : i32 from vector<1xi32>
      %dma_start3A_516 = arith.constant 0 : i32
      %dma_start3A_517 = tpu.memref_slice %arg17[%add3A_513, %dma_start3A_516] : memref<128x64xf32, #tpu.memory_space<vmem>> -> memref<1x64xf32, #tpu.memory_space<vmem>>
      %dma_start3A_518 = arith.constant 0 : i32
      %dma_start3A_519 = tpu.memref_slice %arg6[%squeeze3A_515, %dma_start3A_518] : memref<1000000x64xf32, #tpu.memory_space<hbm>> -> memref<1x64xf32, #tpu.memory_space<hbm>>
      %dma_start3A_520 = arith.constant 0 : i32
      %dma_start3A_521 = tpu.memref_slice %arg17[%add3A_513, %dma_start3A_520] : memref<128x64xf32, #tpu.memory_space<vmem>> -> memref<1x64xf32, #tpu.memory_space<vmem>>
      %dma_start3A_522 = arith.constant 0 : i32
      %dma_start3A_523 = tpu.memref_slice %arg6[%squeeze3A_515, %dma_start3A_522] : memref<1000000x64xf32, #tpu.memory_space<hbm>> -> memref<1x64xf32, #tpu.memory_space<hbm>>
      tpu.enqueue_dma source(%dma_start3A_523 : memref<1x64xf32, #tpu.memory_space<hbm>>) target(%dma_start3A_521 : memref<1x64xf32, #tpu.memory_space<vmem>>) target_semaphore(%arg28 : memref<!tpu.dma_semaphore, #tpu.memory_space<semaphore_mem>>)
      %slice3A_524 = vector.extract_strided_slice %get3A_151 {offsets = [15], sizes = [1], strides = [1]} : vector<16xi32> to vector<1xi32>
      %squeeze3A_525 = vector.extract %slice3A_524[0] : i32 from vector<1xi32>
      %dma_start3A_526 = arith.constant 0 : i32
      %dma_start3A_527 = tpu.memref_slice %arg19[%add3A_513, %dma_start3A_526] : memref<128x64xf32, #tpu.memory_space<vmem>> -> memref<1x64xf32, #tpu.memory_space<vmem>>
      %dma_start3A_528 = arith.constant 0 : i32
      %dma_start3A_529 = tpu.memref_slice %arg7[%squeeze3A_525, %dma_start3A_528] : memref<100000x64xf32, #tpu.memory_space<hbm>> -> memref<1x64xf32, #tpu.memory_space<hbm>>
      %dma_start3A_530 = arith.constant 0 : i32
      %dma_start3A_531 = tpu.memref_slice %arg19[%add3A_513, %dma_start3A_530] : memref<128x64xf32, #tpu.memory_space<vmem>> -> memref<1x64xf32, #tpu.memory_space<vmem>>
      %dma_start3A_532 = arith.constant 0 : i32
      %dma_start3A_533 = tpu.memref_slice %arg7[%squeeze3A_525, %dma_start3A_532] : memref<100000x64xf32, #tpu.memory_space<hbm>> -> memref<1x64xf32, #tpu.memory_space<hbm>>
      tpu.enqueue_dma source(%dma_start3A_533 : memref<1x64xf32, #tpu.memory_space<hbm>>) target(%dma_start3A_531 : memref<1x64xf32, #tpu.memory_space<vmem>>) target_semaphore(%arg29 : memref<!tpu.dma_semaphore, #tpu.memory_space<semaphore_mem>>)
    }
    %scan3A_92 = arith.constant 8 : i32
    %scan3A_93 = arith.constant 0 : i32
    %scan3A_94 = arith.constant 0 : i32
    %scan3A_95 = arith.constant 128 : i32
    %scan3A_96 = arith.addi %scan3A_94, %scan3A_95 : i32
    %scan3A_97 = arith.constant 1 : i32
    scf.for %scan3A_143 = %scan3A_94 to %scan3A_96 step %scan3A_97  : i32 {
      %dma_wait3A_144 = arith.constant 0 : i32
      %dma_wait3A_145 = tpu.memref_slice %arg18[%scan3A_143, %dma_wait3A_144] : memref<128x64xf32, #tpu.memory_space<vmem>> -> memref<1x64xf32, #tpu.memory_space<vmem>>
      %dma_wait3A_146 = arith.constant 0 : i32
      %dma_wait3A_147 = arith.constant 0 : i32
      %dma_wait3A_148 = tpu.memref_slice %arg6[%dma_wait3A_146, %dma_wait3A_147] : memref<1000000x64xf32, #tpu.memory_space<hbm>> -> memref<1x64xf32, #tpu.memory_space<hbm>>
      %dma_wait3A_149 = arith.constant 0 : i32
      %dma_wait3A_150 = tpu.memref_slice %arg18[%scan3A_143, %dma_wait3A_149] : memref<128x64xf32, #tpu.memory_space<vmem>> -> memref<1x64xf32, #tpu.memory_space<vmem>>
      %dma_wait3A_151 = arith.constant 0 : i32
      %dma_wait3A_152 = arith.constant 0 : i32
      %dma_wait3A_153 = tpu.memref_slice %arg6[%dma_wait3A_151, %dma_wait3A_152] : memref<1000000x64xf32, #tpu.memory_space<hbm>> -> memref<1x64xf32, #tpu.memory_space<hbm>>
      tpu.wait_dma2 semaphore(%arg28 : memref<!tpu.dma_semaphore, #tpu.memory_space<semaphore_mem>>) src(%dma_wait3A_153 : memref<1x64xf32, #tpu.memory_space<hbm>>) dst(%dma_wait3A_150 : memref<1x64xf32, #tpu.memory_space<vmem>>)
      %dma_wait3A_154 = arith.constant 0 : i32
      %dma_wait3A_155 = tpu.memref_slice %arg20[%scan3A_143, %dma_wait3A_154] : memref<128x64xf32, #tpu.memory_space<vmem>> -> memref<1x64xf32, #tpu.memory_space<vmem>>
      %dma_wait3A_156 = arith.constant 0 : i32
      %dma_wait3A_157 = arith.constant 0 : i32
      %dma_wait3A_158 = tpu.memref_slice %arg7[%dma_wait3A_156, %dma_wait3A_157] : memref<100000x64xf32, #tpu.memory_space<hbm>> -> memref<1x64xf32, #tpu.memory_space<hbm>>
      %dma_wait3A_159 = arith.constant 0 : i32
      %dma_wait3A_160 = tpu.memref_slice %arg20[%scan3A_143, %dma_wait3A_159] : memref<128x64xf32, #tpu.memory_space<vmem>> -> memref<1x64xf32, #tpu.memory_space<vmem>>
      %dma_wait3A_161 = arith.constant 0 : i32
      %dma_wait3A_162 = arith.constant 0 : i32
      %dma_wait3A_163 = tpu.memref_slice %arg7[%dma_wait3A_161, %dma_wait3A_162] : memref<100000x64xf32, #tpu.memory_space<hbm>> -> memref<1x64xf32, #tpu.memory_space<hbm>>
      tpu.wait_dma2 semaphore(%arg29 : memref<!tpu.dma_semaphore, #tpu.memory_space<semaphore_mem>>) src(%dma_wait3A_163 : memref<1x64xf32, #tpu.memory_space<hbm>>) dst(%dma_wait3A_160 : memref<1x64xf32, #tpu.memory_space<vmem>>)
    }
    %scan3A_98 = arith.constant 128 : i32
    %scan3A_99 = arith.constant 0 : i32
    %scan3A_100 = arith.constant 0 : i32
    %scan3A_101 = arith.constant 128 : i32
    %scan3A_102 = arith.addi %scan3A_100, %scan3A_101 : i32
    %scan3A_103 = arith.constant 1 : i32
    scf.for %scan3A_143 = %scan3A_100 to %scan3A_102 step %scan3A_103  : i32 {
      %get3A_144 = arith.index_cast %scan3A_143 : i32 to index
      %get3A_145 = arith.constant 0 : index
      %get3A_146 = tpu.vector_load %arg18[%get3A_144, %get3A_145] {strides = array<i32>} : memref<128x64xf32, #tpu.memory_space<vmem>>, vector<16xf32>,
      %mul3A_147 = arith.mulf %get3A_146, %get3A_14 : vector<16xf32>
      %get3A_148 = arith.index_cast %scan3A_143 : i32 to index
      %get3A_149 = arith.constant 16 : index
      %get3A_150 = tpu.vector_load %arg18[%get3A_148, %get3A_149] {strides = array<i32>} : memref<128x64xf32, #tpu.memory_space<vmem>>, vector<16xf32>,
      %mul3A_151 = arith.mulf %get3A_150, %get3A_16 : vector<16xf32>
      %add3A_152 = arith.addf %mul3A_147, %mul3A_151 : vector<16xf32>
      %get3A_153 = arith.index_cast %scan3A_143 : i32 to index
      %get3A_154 = arith.constant 32 : index
      %get3A_155 = tpu.vector_load %arg18[%get3A_153, %get3A_154] {strides = array<i32>} : memref<128x64xf32, #tpu.memory_space<vmem>>, vector<16xf32>,
      %mul3A_156 = arith.mulf %get3A_155, %get3A_18 : vector<16xf32>
      %add3A_157 = arith.addf %add3A_152, %mul3A_156 : vector<16xf32>
      %get3A_158 = arith.index_cast %scan3A_143 : i32 to index
      %get3A_159 = arith.constant 48 : index
      %get3A_160 = tpu.vector_load %arg18[%get3A_158, %get3A_159] {strides = array<i32>} : memref<128x64xf32, #tpu.memory_space<vmem>>, vector<16xf32>,
      %mul3A_161 = arith.mulf %get3A_160, %get3A_20 : vector<16xf32>
      %add3A_162 = arith.addf %add3A_157, %mul3A_161 : vector<16xf32>
      %get3A_163 = arith.index_cast %scan3A_143 : i32 to index
      %get3A_164 = arith.constant 0 : index
      %get3A_165 = tpu.vector_load %arg20[%get3A_163, %get3A_164] {strides = array<i32>} : memref<128x64xf32, #tpu.memory_space<vmem>>, vector<16xf32>,
      %mul3A_166 = arith.mulf %get3A_165, %get3A_22 : vector<16xf32>
      %add3A_167 = arith.addf %add3A_162, %mul3A_166 : vector<16xf32>
      %get3A_168 = arith.index_cast %scan3A_143 : i32 to index
      %get3A_169 = arith.constant 16 : index
      %get3A_170 = tpu.vector_load %arg20[%get3A_168, %get3A_169] {strides = array<i32>} : memref<128x64xf32, #tpu.memory_space<vmem>>, vector<16xf32>,
      %mul3A_171 = arith.mulf %get3A_170, %get3A_24 : vector<16xf32>
      %add3A_172 = arith.addf %add3A_167, %mul3A_171 : vector<16xf32>
      %get3A_173 = arith.index_cast %scan3A_143 : i32 to index
      %get3A_174 = arith.constant 32 : index
      %get3A_175 = tpu.vector_load %arg20[%get3A_173, %get3A_174] {strides = array<i32>} : memref<128x64xf32, #tpu.memory_space<vmem>>, vector<16xf32>,
      %mul3A_176 = arith.mulf %get3A_175, %get3A_26 : vector<16xf32>
      %add3A_177 = arith.addf %add3A_172, %mul3A_176 : vector<16xf32>
      %get3A_178 = arith.index_cast %scan3A_143 : i32 to index
      %get3A_179 = arith.constant 48 : index
      %get3A_180 = tpu.vector_load %arg20[%get3A_178, %get3A_179] {strides = array<i32>} : memref<128x64xf32, #tpu.memory_space<vmem>>, vector<16xf32>,
      %mul3A_181 = arith.mulf %get3A_180, %get3A_28 : vector<16xf32>
      %add3A_182 = arith.addf %add3A_177, %mul3A_181 : vector<16xf32>
      %add3A_183 = arith.constant 128 : i32
      %add3A_184 = arith.addi %add3A_183, %scan3A_143 : i32
      %mul3A_185 = arith.constant 16 : i32
      %mul3A_186 = arith.muli %add3A_184, %mul3A_185 : i32
      %swap3A_187 = arith.index_cast %mul3A_186 : i32 to index
      %swap3A_188 = tpu.vector_load %arg25[%swap3A_187] {strides = array<i32>} : memref<8192xf32, #tpu.memory_space<vmem>>, vector<16xf32>,
      tpu.vector_store %arg25[%swap3A_187], %add3A_182 {strides = array<i32>} : memref<8192xf32, #tpu.memory_space<vmem>>, vector<16xf32>,
    }
    %scan3A_104 = arith.constant 128 : i32
    %scan3A_105 = arith.constant 0 : i32
    %scan3A_106 = arith.constant 0 : i32
    %scan3A_107 = arith.constant 8 : i32
    %scan3A_108 = arith.addi %scan3A_106, %scan3A_107 : i32
    %scan3A_109 = arith.constant 1 : i32
    scf.for %scan3A_143 = %scan3A_106 to %scan3A_108 step %scan3A_109  : i32 {
      %mul3A_144 = arith.constant 16 : i32
      %mul3A_145 = arith.muli %scan3A_143, %mul3A_144 : i32
      %add3A_146 = arith.constant 384 : i32
      %add3A_147 = arith.addi %add3A_146, %mul3A_145 : i32
      %get3A_148 = arith.index_cast %add3A_147 : i32 to index
      %get3A_149 = tpu.vector_load %arg12[%get3A_148] {strides = array<i32>} : memref<512xi32, #tpu.memory_space<vmem>>, vector<16xi32>,
      %get3A_150 = arith.index_cast %add3A_147 : i32 to index
      %get3A_151 = tpu.vector_load %arg13[%get3A_150] {strides = array<i32>} : memref<512xi32, #tpu.memory_space<vmem>>, vector<16xi32>,
      %mul3A_152 = arith.constant 16 : i32
      %mul3A_153 = arith.muli %scan3A_143, %mul3A_152 : i32
      %add3A_154 = arith.constant 0 : i32
      %add3A_155 = arith.addi %mul3A_153, %add3A_154 : i32
      %slice3A = vector.extract_strided_slice %get3A_149 {offsets = [0], sizes = [1], strides = [1]} : vector<16xi32> to vector<1xi32>
      %squeeze3A = vector.extract %slice3A[0] : i32 from vector<1xi32>
      %dma_start3A_156 = arith.constant 0 : i32
      %dma_start3A_157 = tpu.memref_slice %arg18[%add3A_155, %dma_start3A_156] : memref<128x64xf32, #tpu.memory_space<vmem>> -> memref<1x64xf32, #tpu.memory_space<vmem>>
      %dma_start3A_158 = arith.constant 0 : i32
      %dma_start3A_159 = tpu.memref_slice %arg6[%squeeze3A, %dma_start3A_158] : memref<1000000x64xf32, #tpu.memory_space<hbm>> -> memref<1x64xf32, #tpu.memory_space<hbm>>
      %dma_start3A_160 = arith.constant 0 : i32
      %dma_start3A_161 = tpu.memref_slice %arg18[%add3A_155, %dma_start3A_160] : memref<128x64xf32, #tpu.memory_space<vmem>> -> memref<1x64xf32, #tpu.memory_space<vmem>>
      %dma_start3A_162 = arith.constant 0 : i32
      %dma_start3A_163 = tpu.memref_slice %arg6[%squeeze3A, %dma_start3A_162] : memref<1000000x64xf32, #tpu.memory_space<hbm>> -> memref<1x64xf32, #tpu.memory_space<hbm>>
      tpu.enqueue_dma source(%dma_start3A_163 : memref<1x64xf32, #tpu.memory_space<hbm>>) target(%dma_start3A_161 : memref<1x64xf32, #tpu.memory_space<vmem>>) target_semaphore(%arg28 : memref<!tpu.dma_semaphore, #tpu.memory_space<semaphore_mem>>)
      %slice3A_164 = vector.extract_strided_slice %get3A_151 {offsets = [0], sizes = [1], strides = [1]} : vector<16xi32> to vector<1xi32>
      %squeeze3A_165 = vector.extract %slice3A_164[0] : i32 from vector<1xi32>
      %dma_start3A_166 = arith.constant 0 : i32
      %dma_start3A_167 = tpu.memref_slice %arg20[%add3A_155, %dma_start3A_166] : memref<128x64xf32, #tpu.memory_space<vmem>> -> memref<1x64xf32, #tpu.memory_space<vmem>>
      %dma_start3A_168 = arith.constant 0 : i32
      %dma_start3A_169 = tpu.memref_slice %arg7[%squeeze3A_165, %dma_start3A_168] : memref<100000x64xf32, #tpu.memory_space<hbm>> -> memref<1x64xf32, #tpu.memory_space<hbm>>
      %dma_start3A_170 = arith.constant 0 : i32
      %dma_start3A_171 = tpu.memref_slice %arg20[%add3A_155, %dma_start3A_170] : memref<128x64xf32, #tpu.memory_space<vmem>> -> memref<1x64xf32, #tpu.memory_space<vmem>>
      %dma_start3A_172 = arith.constant 0 : i32
      %dma_start3A_173 = tpu.memref_slice %arg7[%squeeze3A_165, %dma_start3A_172] : memref<100000x64xf32, #tpu.memory_space<hbm>> -> memref<1x64xf32, #tpu.memory_space<hbm>>
      tpu.enqueue_dma source(%dma_start3A_173 : memref<1x64xf32, #tpu.memory_space<hbm>>) target(%dma_start3A_171 : memref<1x64xf32, #tpu.memory_space<vmem>>) target_semaphore(%arg29 : memref<!tpu.dma_semaphore, #tpu.memory_space<semaphore_mem>>)
      %mul3A_174 = arith.constant 16 : i32
      %mul3A_175 = arith.muli %scan3A_143, %mul3A_174 : i32
      %add3A_176 = arith.constant 1 : i32
      %add3A_177 = arith.addi %mul3A_175, %add3A_176 : i32
      %slice3A_178 = vector.extract_strided_slice %get3A_149 {offsets = [1], sizes = [1], strides = [1]} : vector<16xi32> to vector<1xi32>
      %squeeze3A_179 = vector.extract %slice3A_178[0] : i32 from vector<1xi32>
      %dma_start3A_180 = arith.constant 0 : i32
      %dma_start3A_181 = tpu.memref_slice %arg18[%add3A_177, %dma_start3A_180] : memref<128x64xf32, #tpu.memory_space<vmem>> -> memref<1x64xf32, #tpu.memory_space<vmem>>
      %dma_start3A_182 = arith.constant 0 : i32
      %dma_start3A_183 = tpu.memref_slice %arg6[%squeeze3A_179, %dma_start3A_182] : memref<1000000x64xf32, #tpu.memory_space<hbm>> -> memref<1x64xf32, #tpu.memory_space<hbm>>
      %dma_start3A_184 = arith.constant 0 : i32
      %dma_start3A_185 = tpu.memref_slice %arg18[%add3A_177, %dma_start3A_184] : memref<128x64xf32, #tpu.memory_space<vmem>> -> memref<1x64xf32, #tpu.memory_space<vmem>>
      %dma_start3A_186 = arith.constant 0 : i32
      %dma_start3A_187 = tpu.memref_slice %arg6[%squeeze3A_179, %dma_start3A_186] : memref<1000000x64xf32, #tpu.memory_space<hbm>> -> memref<1x64xf32, #tpu.memory_space<hbm>>
      tpu.enqueue_dma source(%dma_start3A_187 : memref<1x64xf32, #tpu.memory_space<hbm>>) target(%dma_start3A_185 : memref<1x64xf32, #tpu.memory_space<vmem>>) target_semaphore(%arg28 : memref<!tpu.dma_semaphore, #tpu.memory_space<semaphore_mem>>)
      %slice3A_188 = vector.extract_strided_slice %get3A_151 {offsets = [1], sizes = [1], strides = [1]} : vector<16xi32> to vector<1xi32>
      %squeeze3A_189 = vector.extract %slice3A_188[0] : i32 from vector<1xi32>
      %dma_start3A_190 = arith.constant 0 : i32
      %dma_start3A_191 = tpu.memref_slice %arg20[%add3A_177, %dma_start3A_190] : memref<128x64xf32, #tpu.memory_space<vmem>> -> memref<1x64xf32, #tpu.memory_space<vmem>>
      %dma_start3A_192 = arith.constant 0 : i32
      %dma_start3A_193 = tpu.memref_slice %arg7[%squeeze3A_189, %dma_start3A_192] : memref<100000x64xf32, #tpu.memory_space<hbm>> -> memref<1x64xf32, #tpu.memory_space<hbm>>
      %dma_start3A_194 = arith.constant 0 : i32
      %dma_start3A_195 = tpu.memref_slice %arg20[%add3A_177, %dma_start3A_194] : memref<128x64xf32, #tpu.memory_space<vmem>> -> memref<1x64xf32, #tpu.memory_space<vmem>>
      %dma_start3A_196 = arith.constant 0 : i32
      %dma_start3A_197 = tpu.memref_slice %arg7[%squeeze3A_189, %dma_start3A_196] : memref<100000x64xf32, #tpu.memory_space<hbm>> -> memref<1x64xf32, #tpu.memory_space<hbm>>
      tpu.enqueue_dma source(%dma_start3A_197 : memref<1x64xf32, #tpu.memory_space<hbm>>) target(%dma_start3A_195 : memref<1x64xf32, #tpu.memory_space<vmem>>) target_semaphore(%arg29 : memref<!tpu.dma_semaphore, #tpu.memory_space<semaphore_mem>>)
      %mul3A_198 = arith.constant 16 : i32
      %mul3A_199 = arith.muli %scan3A_143, %mul3A_198 : i32
      %add3A_200 = arith.constant 2 : i32
      %add3A_201 = arith.addi %mul3A_199, %add3A_200 : i32
      %slice3A_202 = vector.extract_strided_slice %get3A_149 {offsets = [2], sizes = [1], strides = [1]} : vector<16xi32> to vector<1xi32>
      %squeeze3A_203 = vector.extract %slice3A_202[0] : i32 from vector<1xi32>
      %dma_start3A_204 = arith.constant 0 : i32
      %dma_start3A_205 = tpu.memref_slice %arg18[%add3A_201, %dma_start3A_204] : memref<128x64xf32, #tpu.memory_space<vmem>> -> memref<1x64xf32, #tpu.memory_space<vmem>>
      %dma_start3A_206 = arith.constant 0 : i32
      %dma_start3A_207 = tpu.memref_slice %arg6[%squeeze3A_203, %dma_start3A_206] : memref<1000000x64xf32, #tpu.memory_space<hbm>> -> memref<1x64xf32, #tpu.memory_space<hbm>>
      %dma_start3A_208 = arith.constant 0 : i32
      %dma_start3A_209 = tpu.memref_slice %arg18[%add3A_201, %dma_start3A_208] : memref<128x64xf32, #tpu.memory_space<vmem>> -> memref<1x64xf32, #tpu.memory_space<vmem>>
      %dma_start3A_210 = arith.constant 0 : i32
      %dma_start3A_211 = tpu.memref_slice %arg6[%squeeze3A_203, %dma_start3A_210] : memref<1000000x64xf32, #tpu.memory_space<hbm>> -> memref<1x64xf32, #tpu.memory_space<hbm>>
      tpu.enqueue_dma source(%dma_start3A_211 : memref<1x64xf32, #tpu.memory_space<hbm>>) target(%dma_start3A_209 : memref<1x64xf32, #tpu.memory_space<vmem>>) target_semaphore(%arg28 : memref<!tpu.dma_semaphore, #tpu.memory_space<semaphore_mem>>)
      %slice3A_212 = vector.extract_strided_slice %get3A_151 {offsets = [2], sizes = [1], strides = [1]} : vector<16xi32> to vector<1xi32>
      %squeeze3A_213 = vector.extract %slice3A_212[0] : i32 from vector<1xi32>
      %dma_start3A_214 = arith.constant 0 : i32
      %dma_start3A_215 = tpu.memref_slice %arg20[%add3A_201, %dma_start3A_214] : memref<128x64xf32, #tpu.memory_space<vmem>> -> memref<1x64xf32, #tpu.memory_space<vmem>>
      %dma_start3A_216 = arith.constant 0 : i32
      %dma_start3A_217 = tpu.memref_slice %arg7[%squeeze3A_213, %dma_start3A_216] : memref<100000x64xf32, #tpu.memory_space<hbm>> -> memref<1x64xf32, #tpu.memory_space<hbm>>
      %dma_start3A_218 = arith.constant 0 : i32
      %dma_start3A_219 = tpu.memref_slice %arg20[%add3A_201, %dma_start3A_218] : memref<128x64xf32, #tpu.memory_space<vmem>> -> memref<1x64xf32, #tpu.memory_space<vmem>>
      %dma_start3A_220 = arith.constant 0 : i32
      %dma_start3A_221 = tpu.memref_slice %arg7[%squeeze3A_213, %dma_start3A_220] : memref<100000x64xf32, #tpu.memory_space<hbm>> -> memref<1x64xf32, #tpu.memory_space<hbm>>
      tpu.enqueue_dma source(%dma_start3A_221 : memref<1x64xf32, #tpu.memory_space<hbm>>) target(%dma_start3A_219 : memref<1x64xf32, #tpu.memory_space<vmem>>) target_semaphore(%arg29 : memref<!tpu.dma_semaphore, #tpu.memory_space<semaphore_mem>>)
      %mul3A_222 = arith.constant 16 : i32
      %mul3A_223 = arith.muli %scan3A_143, %mul3A_222 : i32
      %add3A_224 = arith.constant 3 : i32
      %add3A_225 = arith.addi %mul3A_223, %add3A_224 : i32
      %slice3A_226 = vector.extract_strided_slice %get3A_149 {offsets = [3], sizes = [1], strides = [1]} : vector<16xi32> to vector<1xi32>
      %squeeze3A_227 = vector.extract %slice3A_226[0] : i32 from vector<1xi32>
      %dma_start3A_228 = arith.constant 0 : i32
      %dma_start3A_229 = tpu.memref_slice %arg18[%add3A_225, %dma_start3A_228] : memref<128x64xf32, #tpu.memory_space<vmem>> -> memref<1x64xf32, #tpu.memory_space<vmem>>
      %dma_start3A_230 = arith.constant 0 : i32
      %dma_start3A_231 = tpu.memref_slice %arg6[%squeeze3A_227, %dma_start3A_230] : memref<1000000x64xf32, #tpu.memory_space<hbm>> -> memref<1x64xf32, #tpu.memory_space<hbm>>
      %dma_start3A_232 = arith.constant 0 : i32
      %dma_start3A_233 = tpu.memref_slice %arg18[%add3A_225, %dma_start3A_232] : memref<128x64xf32, #tpu.memory_space<vmem>> -> memref<1x64xf32, #tpu.memory_space<vmem>>
      %dma_start3A_234 = arith.constant 0 : i32
      %dma_start3A_235 = tpu.memref_slice %arg6[%squeeze3A_227, %dma_start3A_234] : memref<1000000x64xf32, #tpu.memory_space<hbm>> -> memref<1x64xf32, #tpu.memory_space<hbm>>
      tpu.enqueue_dma source(%dma_start3A_235 : memref<1x64xf32, #tpu.memory_space<hbm>>) target(%dma_start3A_233 : memref<1x64xf32, #tpu.memory_space<vmem>>) target_semaphore(%arg28 : memref<!tpu.dma_semaphore, #tpu.memory_space<semaphore_mem>>)
      %slice3A_236 = vector.extract_strided_slice %get3A_151 {offsets = [3], sizes = [1], strides = [1]} : vector<16xi32> to vector<1xi32>
      %squeeze3A_237 = vector.extract %slice3A_236[0] : i32 from vector<1xi32>
      %dma_start3A_238 = arith.constant 0 : i32
      %dma_start3A_239 = tpu.memref_slice %arg20[%add3A_225, %dma_start3A_238] : memref<128x64xf32, #tpu.memory_space<vmem>> -> memref<1x64xf32, #tpu.memory_space<vmem>>
      %dma_start3A_240 = arith.constant 0 : i32
      %dma_start3A_241 = tpu.memref_slice %arg7[%squeeze3A_237, %dma_start3A_240] : memref<100000x64xf32, #tpu.memory_space<hbm>> -> memref<1x64xf32, #tpu.memory_space<hbm>>
      %dma_start3A_242 = arith.constant 0 : i32
      %dma_start3A_243 = tpu.memref_slice %arg20[%add3A_225, %dma_start3A_242] : memref<128x64xf32, #tpu.memory_space<vmem>> -> memref<1x64xf32, #tpu.memory_space<vmem>>
      %dma_start3A_244 = arith.constant 0 : i32
      %dma_start3A_245 = tpu.memref_slice %arg7[%squeeze3A_237, %dma_start3A_244] : memref<100000x64xf32, #tpu.memory_space<hbm>> -> memref<1x64xf32, #tpu.memory_space<hbm>>
      tpu.enqueue_dma source(%dma_start3A_245 : memref<1x64xf32, #tpu.memory_space<hbm>>) target(%dma_start3A_243 : memref<1x64xf32, #tpu.memory_space<vmem>>) target_semaphore(%arg29 : memref<!tpu.dma_semaphore, #tpu.memory_space<semaphore_mem>>)
      %mul3A_246 = arith.constant 16 : i32
      %mul3A_247 = arith.muli %scan3A_143, %mul3A_246 : i32
      %add3A_248 = arith.constant 4 : i32
      %add3A_249 = arith.addi %mul3A_247, %add3A_248 : i32
      %slice3A_250 = vector.extract_strided_slice %get3A_149 {offsets = [4], sizes = [1], strides = [1]} : vector<16xi32> to vector<1xi32>
      %squeeze3A_251 = vector.extract %slice3A_250[0] : i32 from vector<1xi32>
      %dma_start3A_252 = arith.constant 0 : i32
      %dma_start3A_253 = tpu.memref_slice %arg18[%add3A_249, %dma_start3A_252] : memref<128x64xf32, #tpu.memory_space<vmem>> -> memref<1x64xf32, #tpu.memory_space<vmem>>
      %dma_start3A_254 = arith.constant 0 : i32
      %dma_start3A_255 = tpu.memref_slice %arg6[%squeeze3A_251, %dma_start3A_254] : memref<1000000x64xf32, #tpu.memory_space<hbm>> -> memref<1x64xf32, #tpu.memory_space<hbm>>
      %dma_start3A_256 = arith.constant 0 : i32
      %dma_start3A_257 = tpu.memref_slice %arg18[%add3A_249, %dma_start3A_256] : memref<128x64xf32, #tpu.memory_space<vmem>> -> memref<1x64xf32, #tpu.memory_space<vmem>>
      %dma_start3A_258 = arith.constant 0 : i32
      %dma_start3A_259 = tpu.memref_slice %arg6[%squeeze3A_251, %dma_start3A_258] : memref<1000000x64xf32, #tpu.memory_space<hbm>> -> memref<1x64xf32, #tpu.memory_space<hbm>>
      tpu.enqueue_dma source(%dma_start3A_259 : memref<1x64xf32, #tpu.memory_space<hbm>>) target(%dma_start3A_257 : memref<1x64xf32, #tpu.memory_space<vmem>>) target_semaphore(%arg28 : memref<!tpu.dma_semaphore, #tpu.memory_space<semaphore_mem>>)
      %slice3A_260 = vector.extract_strided_slice %get3A_151 {offsets = [4], sizes = [1], strides = [1]} : vector<16xi32> to vector<1xi32>
      %squeeze3A_261 = vector.extract %slice3A_260[0] : i32 from vector<1xi32>
      %dma_start3A_262 = arith.constant 0 : i32
      %dma_start3A_263 = tpu.memref_slice %arg20[%add3A_249, %dma_start3A_262] : memref<128x64xf32, #tpu.memory_space<vmem>> -> memref<1x64xf32, #tpu.memory_space<vmem>>
      %dma_start3A_264 = arith.constant 0 : i32
      %dma_start3A_265 = tpu.memref_slice %arg7[%squeeze3A_261, %dma_start3A_264] : memref<100000x64xf32, #tpu.memory_space<hbm>> -> memref<1x64xf32, #tpu.memory_space<hbm>>
      %dma_start3A_266 = arith.constant 0 : i32
      %dma_start3A_267 = tpu.memref_slice %arg20[%add3A_249, %dma_start3A_266] : memref<128x64xf32, #tpu.memory_space<vmem>> -> memref<1x64xf32, #tpu.memory_space<vmem>>
      %dma_start3A_268 = arith.constant 0 : i32
      %dma_start3A_269 = tpu.memref_slice %arg7[%squeeze3A_261, %dma_start3A_268] : memref<100000x64xf32, #tpu.memory_space<hbm>> -> memref<1x64xf32, #tpu.memory_space<hbm>>
      tpu.enqueue_dma source(%dma_start3A_269 : memref<1x64xf32, #tpu.memory_space<hbm>>) target(%dma_start3A_267 : memref<1x64xf32, #tpu.memory_space<vmem>>) target_semaphore(%arg29 : memref<!tpu.dma_semaphore, #tpu.memory_space<semaphore_mem>>)
      %mul3A_270 = arith.constant 16 : i32
      %mul3A_271 = arith.muli %scan3A_143, %mul3A_270 : i32
      %add3A_272 = arith.constant 5 : i32
      %add3A_273 = arith.addi %mul3A_271, %add3A_272 : i32
      %slice3A_274 = vector.extract_strided_slice %get3A_149 {offsets = [5], sizes = [1], strides = [1]} : vector<16xi32> to vector<1xi32>
      %squeeze3A_275 = vector.extract %slice3A_274[0] : i32 from vector<1xi32>
      %dma_start3A_276 = arith.constant 0 : i32
      %dma_start3A_277 = tpu.memref_slice %arg18[%add3A_273, %dma_start3A_276] : memref<128x64xf32, #tpu.memory_space<vmem>> -> memref<1x64xf32, #tpu.memory_space<vmem>>
      %dma_start3A_278 = arith.constant 0 : i32
      %dma_start3A_279 = tpu.memref_slice %arg6[%squeeze3A_275, %dma_start3A_278] : memref<1000000x64xf32, #tpu.memory_space<hbm>> -> memref<1x64xf32, #tpu.memory_space<hbm>>
      %dma_start3A_280 = arith.constant 0 : i32
      %dma_start3A_281 = tpu.memref_slice %arg18[%add3A_273, %dma_start3A_280] : memref<128x64xf32, #tpu.memory_space<vmem>> -> memref<1x64xf32, #tpu.memory_space<vmem>>
      %dma_start3A_282 = arith.constant 0 : i32
      %dma_start3A_283 = tpu.memref_slice %arg6[%squeeze3A_275, %dma_start3A_282] : memref<1000000x64xf32, #tpu.memory_space<hbm>> -> memref<1x64xf32, #tpu.memory_space<hbm>>
      tpu.enqueue_dma source(%dma_start3A_283 : memref<1x64xf32, #tpu.memory_space<hbm>>) target(%dma_start3A_281 : memref<1x64xf32, #tpu.memory_space<vmem>>) target_semaphore(%arg28 : memref<!tpu.dma_semaphore, #tpu.memory_space<semaphore_mem>>)
      %slice3A_284 = vector.extract_strided_slice %get3A_151 {offsets = [5], sizes = [1], strides = [1]} : vector<16xi32> to vector<1xi32>
      %squeeze3A_285 = vector.extract %slice3A_284[0] : i32 from vector<1xi32>
      %dma_start3A_286 = arith.constant 0 : i32
      %dma_start3A_287 = tpu.memref_slice %arg20[%add3A_273, %dma_start3A_286] : memref<128x64xf32, #tpu.memory_space<vmem>> -> memref<1x64xf32, #tpu.memory_space<vmem>>
      %dma_start3A_288 = arith.constant 0 : i32
      %dma_start3A_289 = tpu.memref_slice %arg7[%squeeze3A_285, %dma_start3A_288] : memref<100000x64xf32, #tpu.memory_space<hbm>> -> memref<1x64xf32, #tpu.memory_space<hbm>>
      %dma_start3A_290 = arith.constant 0 : i32
      %dma_start3A_291 = tpu.memref_slice %arg20[%add3A_273, %dma_start3A_290] : memref<128x64xf32, #tpu.memory_space<vmem>> -> memref<1x64xf32, #tpu.memory_space<vmem>>
      %dma_start3A_292 = arith.constant 0 : i32
      %dma_start3A_293 = tpu.memref_slice %arg7[%squeeze3A_285, %dma_start3A_292] : memref<100000x64xf32, #tpu.memory_space<hbm>> -> memref<1x64xf32, #tpu.memory_space<hbm>>
      tpu.enqueue_dma source(%dma_start3A_293 : memref<1x64xf32, #tpu.memory_space<hbm>>) target(%dma_start3A_291 : memref<1x64xf32, #tpu.memory_space<vmem>>) target_semaphore(%arg29 : memref<!tpu.dma_semaphore, #tpu.memory_space<semaphore_mem>>)
      %mul3A_294 = arith.constant 16 : i32
      %mul3A_295 = arith.muli %scan3A_143, %mul3A_294 : i32
      %add3A_296 = arith.constant 6 : i32
      %add3A_297 = arith.addi %mul3A_295, %add3A_296 : i32
      %slice3A_298 = vector.extract_strided_slice %get3A_149 {offsets = [6], sizes = [1], strides = [1]} : vector<16xi32> to vector<1xi32>
      %squeeze3A_299 = vector.extract %slice3A_298[0] : i32 from vector<1xi32>
      %dma_start3A_300 = arith.constant 0 : i32
      %dma_start3A_301 = tpu.memref_slice %arg18[%add3A_297, %dma_start3A_300] : memref<128x64xf32, #tpu.memory_space<vmem>> -> memref<1x64xf32, #tpu.memory_space<vmem>>
      %dma_start3A_302 = arith.constant 0 : i32
      %dma_start3A_303 = tpu.memref_slice %arg6[%squeeze3A_299, %dma_start3A_302] : memref<1000000x64xf32, #tpu.memory_space<hbm>> -> memref<1x64xf32, #tpu.memory_space<hbm>>
      %dma_start3A_304 = arith.constant 0 : i32
      %dma_start3A_305 = tpu.memref_slice %arg18[%add3A_297, %dma_start3A_304] : memref<128x64xf32, #tpu.memory_space<vmem>> -> memref<1x64xf32, #tpu.memory_space<vmem>>
      %dma_start3A_306 = arith.constant 0 : i32
      %dma_start3A_307 = tpu.memref_slice %arg6[%squeeze3A_299, %dma_start3A_306] : memref<1000000x64xf32, #tpu.memory_space<hbm>> -> memref<1x64xf32, #tpu.memory_space<hbm>>
      tpu.enqueue_dma source(%dma_start3A_307 : memref<1x64xf32, #tpu.memory_space<hbm>>) target(%dma_start3A_305 : memref<1x64xf32, #tpu.memory_space<vmem>>) target_semaphore(%arg28 : memref<!tpu.dma_semaphore, #tpu.memory_space<semaphore_mem>>)
      %slice3A_308 = vector.extract_strided_slice %get3A_151 {offsets = [6], sizes = [1], strides = [1]} : vector<16xi32> to vector<1xi32>
      %squeeze3A_309 = vector.extract %slice3A_308[0] : i32 from vector<1xi32>
      %dma_start3A_310 = arith.constant 0 : i32
      %dma_start3A_311 = tpu.memref_slice %arg20[%add3A_297, %dma_start3A_310] : memref<128x64xf32, #tpu.memory_space<vmem>> -> memref<1x64xf32, #tpu.memory_space<vmem>>
      %dma_start3A_312 = arith.constant 0 : i32
      %dma_start3A_313 = tpu.memref_slice %arg7[%squeeze3A_309, %dma_start3A_312] : memref<100000x64xf32, #tpu.memory_space<hbm>> -> memref<1x64xf32, #tpu.memory_space<hbm>>
      %dma_start3A_314 = arith.constant 0 : i32
      %dma_start3A_315 = tpu.memref_slice %arg20[%add3A_297, %dma_start3A_314] : memref<128x64xf32, #tpu.memory_space<vmem>> -> memref<1x64xf32, #tpu.memory_space<vmem>>
      %dma_start3A_316 = arith.constant 0 : i32
      %dma_start3A_317 = tpu.memref_slice %arg7[%squeeze3A_309, %dma_start3A_316] : memref<100000x64xf32, #tpu.memory_space<hbm>> -> memref<1x64xf32, #tpu.memory_space<hbm>>
      tpu.enqueue_dma source(%dma_start3A_317 : memref<1x64xf32, #tpu.memory_space<hbm>>) target(%dma_start3A_315 : memref<1x64xf32, #tpu.memory_space<vmem>>) target_semaphore(%arg29 : memref<!tpu.dma_semaphore, #tpu.memory_space<semaphore_mem>>)
      %mul3A_318 = arith.constant 16 : i32
      %mul3A_319 = arith.muli %scan3A_143, %mul3A_318 : i32
      %add3A_320 = arith.constant 7 : i32
      %add3A_321 = arith.addi %mul3A_319, %add3A_320 : i32
      %slice3A_322 = vector.extract_strided_slice %get3A_149 {offsets = [7], sizes = [1], strides = [1]} : vector<16xi32> to vector<1xi32>
      %squeeze3A_323 = vector.extract %slice3A_322[0] : i32 from vector<1xi32>
      %dma_start3A_324 = arith.constant 0 : i32
      %dma_start3A_325 = tpu.memref_slice %arg18[%add3A_321, %dma_start3A_324] : memref<128x64xf32, #tpu.memory_space<vmem>> -> memref<1x64xf32, #tpu.memory_space<vmem>>
      %dma_start3A_326 = arith.constant 0 : i32
      %dma_start3A_327 = tpu.memref_slice %arg6[%squeeze3A_323, %dma_start3A_326] : memref<1000000x64xf32, #tpu.memory_space<hbm>> -> memref<1x64xf32, #tpu.memory_space<hbm>>
      %dma_start3A_328 = arith.constant 0 : i32
      %dma_start3A_329 = tpu.memref_slice %arg18[%add3A_321, %dma_start3A_328] : memref<128x64xf32, #tpu.memory_space<vmem>> -> memref<1x64xf32, #tpu.memory_space<vmem>>
      %dma_start3A_330 = arith.constant 0 : i32
      %dma_start3A_331 = tpu.memref_slice %arg6[%squeeze3A_323, %dma_start3A_330] : memref<1000000x64xf32, #tpu.memory_space<hbm>> -> memref<1x64xf32, #tpu.memory_space<hbm>>
      tpu.enqueue_dma source(%dma_start3A_331 : memref<1x64xf32, #tpu.memory_space<hbm>>) target(%dma_start3A_329 : memref<1x64xf32, #tpu.memory_space<vmem>>) target_semaphore(%arg28 : memref<!tpu.dma_semaphore, #tpu.memory_space<semaphore_mem>>)
      %slice3A_332 = vector.extract_strided_slice %get3A_151 {offsets = [7], sizes = [1], strides = [1]} : vector<16xi32> to vector<1xi32>
      %squeeze3A_333 = vector.extract %slice3A_332[0] : i32 from vector<1xi32>
      %dma_start3A_334 = arith.constant 0 : i32
      %dma_start3A_335 = tpu.memref_slice %arg20[%add3A_321, %dma_start3A_334] : memref<128x64xf32, #tpu.memory_space<vmem>> -> memref<1x64xf32, #tpu.memory_space<vmem>>
      %dma_start3A_336 = arith.constant 0 : i32
      %dma_start3A_337 = tpu.memref_slice %arg7[%squeeze3A_333, %dma_start3A_336] : memref<100000x64xf32, #tpu.memory_space<hbm>> -> memref<1x64xf32, #tpu.memory_space<hbm>>
      %dma_start3A_338 = arith.constant 0 : i32
      %dma_start3A_339 = tpu.memref_slice %arg20[%add3A_321, %dma_start3A_338] : memref<128x64xf32, #tpu.memory_space<vmem>> -> memref<1x64xf32, #tpu.memory_space<vmem>>
      %dma_start3A_340 = arith.constant 0 : i32
      %dma_start3A_341 = tpu.memref_slice %arg7[%squeeze3A_333, %dma_start3A_340] : memref<100000x64xf32, #tpu.memory_space<hbm>> -> memref<1x64xf32, #tpu.memory_space<hbm>>
      tpu.enqueue_dma source(%dma_start3A_341 : memref<1x64xf32, #tpu.memory_space<hbm>>) target(%dma_start3A_339 : memref<1x64xf32, #tpu.memory_space<vmem>>) target_semaphore(%arg29 : memref<!tpu.dma_semaphore, #tpu.memory_space<semaphore_mem>>)
      %mul3A_342 = arith.constant 16 : i32
      %mul3A_343 = arith.muli %scan3A_143, %mul3A_342 : i32
      %add3A_344 = arith.constant 8 : i32
      %add3A_345 = arith.addi %mul3A_343, %add3A_344 : i32
      %slice3A_346 = vector.extract_strided_slice %get3A_149 {offsets = [8], sizes = [1], strides = [1]} : vector<16xi32> to vector<1xi32>
      %squeeze3A_347 = vector.extract %slice3A_346[0] : i32 from vector<1xi32>
      %dma_start3A_348 = arith.constant 0 : i32
      %dma_start3A_349 = tpu.memref_slice %arg18[%add3A_345, %dma_start3A_348] : memref<128x64xf32, #tpu.memory_space<vmem>> -> memref<1x64xf32, #tpu.memory_space<vmem>>
      %dma_start3A_350 = arith.constant 0 : i32
      %dma_start3A_351 = tpu.memref_slice %arg6[%squeeze3A_347, %dma_start3A_350] : memref<1000000x64xf32, #tpu.memory_space<hbm>> -> memref<1x64xf32, #tpu.memory_space<hbm>>
      %dma_start3A_352 = arith.constant 0 : i32
      %dma_start3A_353 = tpu.memref_slice %arg18[%add3A_345, %dma_start3A_352] : memref<128x64xf32, #tpu.memory_space<vmem>> -> memref<1x64xf32, #tpu.memory_space<vmem>>
      %dma_start3A_354 = arith.constant 0 : i32
      %dma_start3A_355 = tpu.memref_slice %arg6[%squeeze3A_347, %dma_start3A_354] : memref<1000000x64xf32, #tpu.memory_space<hbm>> -> memref<1x64xf32, #tpu.memory_space<hbm>>
      tpu.enqueue_dma source(%dma_start3A_355 : memref<1x64xf32, #tpu.memory_space<hbm>>) target(%dma_start3A_353 : memref<1x64xf32, #tpu.memory_space<vmem>>) target_semaphore(%arg28 : memref<!tpu.dma_semaphore, #tpu.memory_space<semaphore_mem>>)
      %slice3A_356 = vector.extract_strided_slice %get3A_151 {offsets = [8], sizes = [1], strides = [1]} : vector<16xi32> to vector<1xi32>
      %squeeze3A_357 = vector.extract %slice3A_356[0] : i32 from vector<1xi32>
      %dma_start3A_358 = arith.constant 0 : i32
      %dma_start3A_359 = tpu.memref_slice %arg20[%add3A_345, %dma_start3A_358] : memref<128x64xf32, #tpu.memory_space<vmem>> -> memref<1x64xf32, #tpu.memory_space<vmem>>
      %dma_start3A_360 = arith.constant 0 : i32
      %dma_start3A_361 = tpu.memref_slice %arg7[%squeeze3A_357, %dma_start3A_360] : memref<100000x64xf32, #tpu.memory_space<hbm>> -> memref<1x64xf32, #tpu.memory_space<hbm>>
      %dma_start3A_362 = arith.constant 0 : i32
      %dma_start3A_363 = tpu.memref_slice %arg20[%add3A_345, %dma_start3A_362] : memref<128x64xf32, #tpu.memory_space<vmem>> -> memref<1x64xf32, #tpu.memory_space<vmem>>
      %dma_start3A_364 = arith.constant 0 : i32
      %dma_start3A_365 = tpu.memref_slice %arg7[%squeeze3A_357, %dma_start3A_364] : memref<100000x64xf32, #tpu.memory_space<hbm>> -> memref<1x64xf32, #tpu.memory_space<hbm>>
      tpu.enqueue_dma source(%dma_start3A_365 : memref<1x64xf32, #tpu.memory_space<hbm>>) target(%dma_start3A_363 : memref<1x64xf32, #tpu.memory_space<vmem>>) target_semaphore(%arg29 : memref<!tpu.dma_semaphore, #tpu.memory_space<semaphore_mem>>)
      %mul3A_366 = arith.constant 16 : i32
      %mul3A_367 = arith.muli %scan3A_143, %mul3A_366 : i32
      %add3A_368 = arith.constant 9 : i32
      %add3A_369 = arith.addi %mul3A_367, %add3A_368 : i32
      %slice3A_370 = vector.extract_strided_slice %get3A_149 {offsets = [9], sizes = [1], strides = [1]} : vector<16xi32> to vector<1xi32>
      %squeeze3A_371 = vector.extract %slice3A_370[0] : i32 from vector<1xi32>
      %dma_start3A_372 = arith.constant 0 : i32
      %dma_start3A_373 = tpu.memref_slice %arg18[%add3A_369, %dma_start3A_372] : memref<128x64xf32, #tpu.memory_space<vmem>> -> memref<1x64xf32, #tpu.memory_space<vmem>>
      %dma_start3A_374 = arith.constant 0 : i32
      %dma_start3A_375 = tpu.memref_slice %arg6[%squeeze3A_371, %dma_start3A_374] : memref<1000000x64xf32, #tpu.memory_space<hbm>> -> memref<1x64xf32, #tpu.memory_space<hbm>>
      %dma_start3A_376 = arith.constant 0 : i32
      %dma_start3A_377 = tpu.memref_slice %arg18[%add3A_369, %dma_start3A_376] : memref<128x64xf32, #tpu.memory_space<vmem>> -> memref<1x64xf32, #tpu.memory_space<vmem>>
      %dma_start3A_378 = arith.constant 0 : i32
      %dma_start3A_379 = tpu.memref_slice %arg6[%squeeze3A_371, %dma_start3A_378] : memref<1000000x64xf32, #tpu.memory_space<hbm>> -> memref<1x64xf32, #tpu.memory_space<hbm>>
      tpu.enqueue_dma source(%dma_start3A_379 : memref<1x64xf32, #tpu.memory_space<hbm>>) target(%dma_start3A_377 : memref<1x64xf32, #tpu.memory_space<vmem>>) target_semaphore(%arg28 : memref<!tpu.dma_semaphore, #tpu.memory_space<semaphore_mem>>)
      %slice3A_380 = vector.extract_strided_slice %get3A_151 {offsets = [9], sizes = [1], strides = [1]} : vector<16xi32> to vector<1xi32>
      %squeeze3A_381 = vector.extract %slice3A_380[0] : i32 from vector<1xi32>
      %dma_start3A_382 = arith.constant 0 : i32
      %dma_start3A_383 = tpu.memref_slice %arg20[%add3A_369, %dma_start3A_382] : memref<128x64xf32, #tpu.memory_space<vmem>> -> memref<1x64xf32, #tpu.memory_space<vmem>>
      %dma_start3A_384 = arith.constant 0 : i32
      %dma_start3A_385 = tpu.memref_slice %arg7[%squeeze3A_381, %dma_start3A_384] : memref<100000x64xf32, #tpu.memory_space<hbm>> -> memref<1x64xf32, #tpu.memory_space<hbm>>
      %dma_start3A_386 = arith.constant 0 : i32
      %dma_start3A_387 = tpu.memref_slice %arg20[%add3A_369, %dma_start3A_386] : memref<128x64xf32, #tpu.memory_space<vmem>> -> memref<1x64xf32, #tpu.memory_space<vmem>>
      %dma_start3A_388 = arith.constant 0 : i32
      %dma_start3A_389 = tpu.memref_slice %arg7[%squeeze3A_381, %dma_start3A_388] : memref<100000x64xf32, #tpu.memory_space<hbm>> -> memref<1x64xf32, #tpu.memory_space<hbm>>
      tpu.enqueue_dma source(%dma_start3A_389 : memref<1x64xf32, #tpu.memory_space<hbm>>) target(%dma_start3A_387 : memref<1x64xf32, #tpu.memory_space<vmem>>) target_semaphore(%arg29 : memref<!tpu.dma_semaphore, #tpu.memory_space<semaphore_mem>>)
      %mul3A_390 = arith.constant 16 : i32
      %mul3A_391 = arith.muli %scan3A_143, %mul3A_390 : i32
      %add3A_392 = arith.constant 10 : i32
      %add3A_393 = arith.addi %mul3A_391, %add3A_392 : i32
      %slice3A_394 = vector.extract_strided_slice %get3A_149 {offsets = [10], sizes = [1], strides = [1]} : vector<16xi32> to vector<1xi32>
      %squeeze3A_395 = vector.extract %slice3A_394[0] : i32 from vector<1xi32>
      %dma_start3A_396 = arith.constant 0 : i32
      %dma_start3A_397 = tpu.memref_slice %arg18[%add3A_393, %dma_start3A_396] : memref<128x64xf32, #tpu.memory_space<vmem>> -> memref<1x64xf32, #tpu.memory_space<vmem>>
      %dma_start3A_398 = arith.constant 0 : i32
      %dma_start3A_399 = tpu.memref_slice %arg6[%squeeze3A_395, %dma_start3A_398] : memref<1000000x64xf32, #tpu.memory_space<hbm>> -> memref<1x64xf32, #tpu.memory_space<hbm>>
      %dma_start3A_400 = arith.constant 0 : i32
      %dma_start3A_401 = tpu.memref_slice %arg18[%add3A_393, %dma_start3A_400] : memref<128x64xf32, #tpu.memory_space<vmem>> -> memref<1x64xf32, #tpu.memory_space<vmem>>
      %dma_start3A_402 = arith.constant 0 : i32
      %dma_start3A_403 = tpu.memref_slice %arg6[%squeeze3A_395, %dma_start3A_402] : memref<1000000x64xf32, #tpu.memory_space<hbm>> -> memref<1x64xf32, #tpu.memory_space<hbm>>
      tpu.enqueue_dma source(%dma_start3A_403 : memref<1x64xf32, #tpu.memory_space<hbm>>) target(%dma_start3A_401 : memref<1x64xf32, #tpu.memory_space<vmem>>) target_semaphore(%arg28 : memref<!tpu.dma_semaphore, #tpu.memory_space<semaphore_mem>>)
      %slice3A_404 = vector.extract_strided_slice %get3A_151 {offsets = [10], sizes = [1], strides = [1]} : vector<16xi32> to vector<1xi32>
      %squeeze3A_405 = vector.extract %slice3A_404[0] : i32 from vector<1xi32>
      %dma_start3A_406 = arith.constant 0 : i32
      %dma_start3A_407 = tpu.memref_slice %arg20[%add3A_393, %dma_start3A_406] : memref<128x64xf32, #tpu.memory_space<vmem>> -> memref<1x64xf32, #tpu.memory_space<vmem>>
      %dma_start3A_408 = arith.constant 0 : i32
      %dma_start3A_409 = tpu.memref_slice %arg7[%squeeze3A_405, %dma_start3A_408] : memref<100000x64xf32, #tpu.memory_space<hbm>> -> memref<1x64xf32, #tpu.memory_space<hbm>>
      %dma_start3A_410 = arith.constant 0 : i32
      %dma_start3A_411 = tpu.memref_slice %arg20[%add3A_393, %dma_start3A_410] : memref<128x64xf32, #tpu.memory_space<vmem>> -> memref<1x64xf32, #tpu.memory_space<vmem>>
      %dma_start3A_412 = arith.constant 0 : i32
      %dma_start3A_413 = tpu.memref_slice %arg7[%squeeze3A_405, %dma_start3A_412] : memref<100000x64xf32, #tpu.memory_space<hbm>> -> memref<1x64xf32, #tpu.memory_space<hbm>>
      tpu.enqueue_dma source(%dma_start3A_413 : memref<1x64xf32, #tpu.memory_space<hbm>>) target(%dma_start3A_411 : memref<1x64xf32, #tpu.memory_space<vmem>>) target_semaphore(%arg29 : memref<!tpu.dma_semaphore, #tpu.memory_space<semaphore_mem>>)
      %mul3A_414 = arith.constant 16 : i32
      %mul3A_415 = arith.muli %scan3A_143, %mul3A_414 : i32
      %add3A_416 = arith.constant 11 : i32
      %add3A_417 = arith.addi %mul3A_415, %add3A_416 : i32
      %slice3A_418 = vector.extract_strided_slice %get3A_149 {offsets = [11], sizes = [1], strides = [1]} : vector<16xi32> to vector<1xi32>
      %squeeze3A_419 = vector.extract %slice3A_418[0] : i32 from vector<1xi32>
      %dma_start3A_420 = arith.constant 0 : i32
      %dma_start3A_421 = tpu.memref_slice %arg18[%add3A_417, %dma_start3A_420] : memref<128x64xf32, #tpu.memory_space<vmem>> -> memref<1x64xf32, #tpu.memory_space<vmem>>
      %dma_start3A_422 = arith.constant 0 : i32
      %dma_start3A_423 = tpu.memref_slice %arg6[%squeeze3A_419, %dma_start3A_422] : memref<1000000x64xf32, #tpu.memory_space<hbm>> -> memref<1x64xf32, #tpu.memory_space<hbm>>
      %dma_start3A_424 = arith.constant 0 : i32
      %dma_start3A_425 = tpu.memref_slice %arg18[%add3A_417, %dma_start3A_424] : memref<128x64xf32, #tpu.memory_space<vmem>> -> memref<1x64xf32, #tpu.memory_space<vmem>>
      %dma_start3A_426 = arith.constant 0 : i32
      %dma_start3A_427 = tpu.memref_slice %arg6[%squeeze3A_419, %dma_start3A_426] : memref<1000000x64xf32, #tpu.memory_space<hbm>> -> memref<1x64xf32, #tpu.memory_space<hbm>>
      tpu.enqueue_dma source(%dma_start3A_427 : memref<1x64xf32, #tpu.memory_space<hbm>>) target(%dma_start3A_425 : memref<1x64xf32, #tpu.memory_space<vmem>>) target_semaphore(%arg28 : memref<!tpu.dma_semaphore, #tpu.memory_space<semaphore_mem>>)
      %slice3A_428 = vector.extract_strided_slice %get3A_151 {offsets = [11], sizes = [1], strides = [1]} : vector<16xi32> to vector<1xi32>
      %squeeze3A_429 = vector.extract %slice3A_428[0] : i32 from vector<1xi32>
      %dma_start3A_430 = arith.constant 0 : i32
      %dma_start3A_431 = tpu.memref_slice %arg20[%add3A_417, %dma_start3A_430] : memref<128x64xf32, #tpu.memory_space<vmem>> -> memref<1x64xf32, #tpu.memory_space<vmem>>
      %dma_start3A_432 = arith.constant 0 : i32
      %dma_start3A_433 = tpu.memref_slice %arg7[%squeeze3A_429, %dma_start3A_432] : memref<100000x64xf32, #tpu.memory_space<hbm>> -> memref<1x64xf32, #tpu.memory_space<hbm>>
      %dma_start3A_434 = arith.constant 0 : i32
      %dma_start3A_435 = tpu.memref_slice %arg20[%add3A_417, %dma_start3A_434] : memref<128x64xf32, #tpu.memory_space<vmem>> -> memref<1x64xf32, #tpu.memory_space<vmem>>
      %dma_start3A_436 = arith.constant 0 : i32
      %dma_start3A_437 = tpu.memref_slice %arg7[%squeeze3A_429, %dma_start3A_436] : memref<100000x64xf32, #tpu.memory_space<hbm>> -> memref<1x64xf32, #tpu.memory_space<hbm>>
      tpu.enqueue_dma source(%dma_start3A_437 : memref<1x64xf32, #tpu.memory_space<hbm>>) target(%dma_start3A_435 : memref<1x64xf32, #tpu.memory_space<vmem>>) target_semaphore(%arg29 : memref<!tpu.dma_semaphore, #tpu.memory_space<semaphore_mem>>)
      %mul3A_438 = arith.constant 16 : i32
      %mul3A_439 = arith.muli %scan3A_143, %mul3A_438 : i32
      %add3A_440 = arith.constant 12 : i32
      %add3A_441 = arith.addi %mul3A_439, %add3A_440 : i32
      %slice3A_442 = vector.extract_strided_slice %get3A_149 {offsets = [12], sizes = [1], strides = [1]} : vector<16xi32> to vector<1xi32>
      %squeeze3A_443 = vector.extract %slice3A_442[0] : i32 from vector<1xi32>
      %dma_start3A_444 = arith.constant 0 : i32
      %dma_start3A_445 = tpu.memref_slice %arg18[%add3A_441, %dma_start3A_444] : memref<128x64xf32, #tpu.memory_space<vmem>> -> memref<1x64xf32, #tpu.memory_space<vmem>>
      %dma_start3A_446 = arith.constant 0 : i32
      %dma_start3A_447 = tpu.memref_slice %arg6[%squeeze3A_443, %dma_start3A_446] : memref<1000000x64xf32, #tpu.memory_space<hbm>> -> memref<1x64xf32, #tpu.memory_space<hbm>>
      %dma_start3A_448 = arith.constant 0 : i32
      %dma_start3A_449 = tpu.memref_slice %arg18[%add3A_441, %dma_start3A_448] : memref<128x64xf32, #tpu.memory_space<vmem>> -> memref<1x64xf32, #tpu.memory_space<vmem>>
      %dma_start3A_450 = arith.constant 0 : i32
      %dma_start3A_451 = tpu.memref_slice %arg6[%squeeze3A_443, %dma_start3A_450] : memref<1000000x64xf32, #tpu.memory_space<hbm>> -> memref<1x64xf32, #tpu.memory_space<hbm>>
      tpu.enqueue_dma source(%dma_start3A_451 : memref<1x64xf32, #tpu.memory_space<hbm>>) target(%dma_start3A_449 : memref<1x64xf32, #tpu.memory_space<vmem>>) target_semaphore(%arg28 : memref<!tpu.dma_semaphore, #tpu.memory_space<semaphore_mem>>)
      %slice3A_452 = vector.extract_strided_slice %get3A_151 {offsets = [12], sizes = [1], strides = [1]} : vector<16xi32> to vector<1xi32>
      %squeeze3A_453 = vector.extract %slice3A_452[0] : i32 from vector<1xi32>
      %dma_start3A_454 = arith.constant 0 : i32
      %dma_start3A_455 = tpu.memref_slice %arg20[%add3A_441, %dma_start3A_454] : memref<128x64xf32, #tpu.memory_space<vmem>> -> memref<1x64xf32, #tpu.memory_space<vmem>>
      %dma_start3A_456 = arith.constant 0 : i32
      %dma_start3A_457 = tpu.memref_slice %arg7[%squeeze3A_453, %dma_start3A_456] : memref<100000x64xf32, #tpu.memory_space<hbm>> -> memref<1x64xf32, #tpu.memory_space<hbm>>
      %dma_start3A_458 = arith.constant 0 : i32
      %dma_start3A_459 = tpu.memref_slice %arg20[%add3A_441, %dma_start3A_458] : memref<128x64xf32, #tpu.memory_space<vmem>> -> memref<1x64xf32, #tpu.memory_space<vmem>>
      %dma_start3A_460 = arith.constant 0 : i32
      %dma_start3A_461 = tpu.memref_slice %arg7[%squeeze3A_453, %dma_start3A_460] : memref<100000x64xf32, #tpu.memory_space<hbm>> -> memref<1x64xf32, #tpu.memory_space<hbm>>
      tpu.enqueue_dma source(%dma_start3A_461 : memref<1x64xf32, #tpu.memory_space<hbm>>) target(%dma_start3A_459 : memref<1x64xf32, #tpu.memory_space<vmem>>) target_semaphore(%arg29 : memref<!tpu.dma_semaphore, #tpu.memory_space<semaphore_mem>>)
      %mul3A_462 = arith.constant 16 : i32
      %mul3A_463 = arith.muli %scan3A_143, %mul3A_462 : i32
      %add3A_464 = arith.constant 13 : i32
      %add3A_465 = arith.addi %mul3A_463, %add3A_464 : i32
      %slice3A_466 = vector.extract_strided_slice %get3A_149 {offsets = [13], sizes = [1], strides = [1]} : vector<16xi32> to vector<1xi32>
      %squeeze3A_467 = vector.extract %slice3A_466[0] : i32 from vector<1xi32>
      %dma_start3A_468 = arith.constant 0 : i32
      %dma_start3A_469 = tpu.memref_slice %arg18[%add3A_465, %dma_start3A_468] : memref<128x64xf32, #tpu.memory_space<vmem>> -> memref<1x64xf32, #tpu.memory_space<vmem>>
      %dma_start3A_470 = arith.constant 0 : i32
      %dma_start3A_471 = tpu.memref_slice %arg6[%squeeze3A_467, %dma_start3A_470] : memref<1000000x64xf32, #tpu.memory_space<hbm>> -> memref<1x64xf32, #tpu.memory_space<hbm>>
      %dma_start3A_472 = arith.constant 0 : i32
      %dma_start3A_473 = tpu.memref_slice %arg18[%add3A_465, %dma_start3A_472] : memref<128x64xf32, #tpu.memory_space<vmem>> -> memref<1x64xf32, #tpu.memory_space<vmem>>
      %dma_start3A_474 = arith.constant 0 : i32
      %dma_start3A_475 = tpu.memref_slice %arg6[%squeeze3A_467, %dma_start3A_474] : memref<1000000x64xf32, #tpu.memory_space<hbm>> -> memref<1x64xf32, #tpu.memory_space<hbm>>
      tpu.enqueue_dma source(%dma_start3A_475 : memref<1x64xf32, #tpu.memory_space<hbm>>) target(%dma_start3A_473 : memref<1x64xf32, #tpu.memory_space<vmem>>) target_semaphore(%arg28 : memref<!tpu.dma_semaphore, #tpu.memory_space<semaphore_mem>>)
      %slice3A_476 = vector.extract_strided_slice %get3A_151 {offsets = [13], sizes = [1], strides = [1]} : vector<16xi32> to vector<1xi32>
      %squeeze3A_477 = vector.extract %slice3A_476[0] : i32 from vector<1xi32>
      %dma_start3A_478 = arith.constant 0 : i32
      %dma_start3A_479 = tpu.memref_slice %arg20[%add3A_465, %dma_start3A_478] : memref<128x64xf32, #tpu.memory_space<vmem>> -> memref<1x64xf32, #tpu.memory_space<vmem>>
      %dma_start3A_480 = arith.constant 0 : i32
      %dma_start3A_481 = tpu.memref_slice %arg7[%squeeze3A_477, %dma_start3A_480] : memref<100000x64xf32, #tpu.memory_space<hbm>> -> memref<1x64xf32, #tpu.memory_space<hbm>>
      %dma_start3A_482 = arith.constant 0 : i32
      %dma_start3A_483 = tpu.memref_slice %arg20[%add3A_465, %dma_start3A_482] : memref<128x64xf32, #tpu.memory_space<vmem>> -> memref<1x64xf32, #tpu.memory_space<vmem>>
      %dma_start3A_484 = arith.constant 0 : i32
      %dma_start3A_485 = tpu.memref_slice %arg7[%squeeze3A_477, %dma_start3A_484] : memref<100000x64xf32, #tpu.memory_space<hbm>> -> memref<1x64xf32, #tpu.memory_space<hbm>>
      tpu.enqueue_dma source(%dma_start3A_485 : memref<1x64xf32, #tpu.memory_space<hbm>>) target(%dma_start3A_483 : memref<1x64xf32, #tpu.memory_space<vmem>>) target_semaphore(%arg29 : memref<!tpu.dma_semaphore, #tpu.memory_space<semaphore_mem>>)
      %mul3A_486 = arith.constant 16 : i32
      %mul3A_487 = arith.muli %scan3A_143, %mul3A_486 : i32
      %add3A_488 = arith.constant 14 : i32
      %add3A_489 = arith.addi %mul3A_487, %add3A_488 : i32
      %slice3A_490 = vector.extract_strided_slice %get3A_149 {offsets = [14], sizes = [1], strides = [1]} : vector<16xi32> to vector<1xi32>
      %squeeze3A_491 = vector.extract %slice3A_490[0] : i32 from vector<1xi32>
      %dma_start3A_492 = arith.constant 0 : i32
      %dma_start3A_493 = tpu.memref_slice %arg18[%add3A_489, %dma_start3A_492] : memref<128x64xf32, #tpu.memory_space<vmem>> -> memref<1x64xf32, #tpu.memory_space<vmem>>
      %dma_start3A_494 = arith.constant 0 : i32
      %dma_start3A_495 = tpu.memref_slice %arg6[%squeeze3A_491, %dma_start3A_494] : memref<1000000x64xf32, #tpu.memory_space<hbm>> -> memref<1x64xf32, #tpu.memory_space<hbm>>
      %dma_start3A_496 = arith.constant 0 : i32
      %dma_start3A_497 = tpu.memref_slice %arg18[%add3A_489, %dma_start3A_496] : memref<128x64xf32, #tpu.memory_space<vmem>> -> memref<1x64xf32, #tpu.memory_space<vmem>>
      %dma_start3A_498 = arith.constant 0 : i32
      %dma_start3A_499 = tpu.memref_slice %arg6[%squeeze3A_491, %dma_start3A_498] : memref<1000000x64xf32, #tpu.memory_space<hbm>> -> memref<1x64xf32, #tpu.memory_space<hbm>>
      tpu.enqueue_dma source(%dma_start3A_499 : memref<1x64xf32, #tpu.memory_space<hbm>>) target(%dma_start3A_497 : memref<1x64xf32, #tpu.memory_space<vmem>>) target_semaphore(%arg28 : memref<!tpu.dma_semaphore, #tpu.memory_space<semaphore_mem>>)
      %slice3A_500 = vector.extract_strided_slice %get3A_151 {offsets = [14], sizes = [1], strides = [1]} : vector<16xi32> to vector<1xi32>
      %squeeze3A_501 = vector.extract %slice3A_500[0] : i32 from vector<1xi32>
      %dma_start3A_502 = arith.constant 0 : i32
      %dma_start3A_503 = tpu.memref_slice %arg20[%add3A_489, %dma_start3A_502] : memref<128x64xf32, #tpu.memory_space<vmem>> -> memref<1x64xf32, #tpu.memory_space<vmem>>
      %dma_start3A_504 = arith.constant 0 : i32
      %dma_start3A_505 = tpu.memref_slice %arg7[%squeeze3A_501, %dma_start3A_504] : memref<100000x64xf32, #tpu.memory_space<hbm>> -> memref<1x64xf32, #tpu.memory_space<hbm>>
      %dma_start3A_506 = arith.constant 0 : i32
      %dma_start3A_507 = tpu.memref_slice %arg20[%add3A_489, %dma_start3A_506] : memref<128x64xf32, #tpu.memory_space<vmem>> -> memref<1x64xf32, #tpu.memory_space<vmem>>
      %dma_start3A_508 = arith.constant 0 : i32
      %dma_start3A_509 = tpu.memref_slice %arg7[%squeeze3A_501, %dma_start3A_508] : memref<100000x64xf32, #tpu.memory_space<hbm>> -> memref<1x64xf32, #tpu.memory_space<hbm>>
      tpu.enqueue_dma source(%dma_start3A_509 : memref<1x64xf32, #tpu.memory_space<hbm>>) target(%dma_start3A_507 : memref<1x64xf32, #tpu.memory_space<vmem>>) target_semaphore(%arg29 : memref<!tpu.dma_semaphore, #tpu.memory_space<semaphore_mem>>)
      %mul3A_510 = arith.constant 16 : i32
      %mul3A_511 = arith.muli %scan3A_143, %mul3A_510 : i32
      %add3A_512 = arith.constant 15 : i32
      %add3A_513 = arith.addi %mul3A_511, %add3A_512 : i32
      %slice3A_514 = vector.extract_strided_slice %get3A_149 {offsets = [15], sizes = [1], strides = [1]} : vector<16xi32> to vector<1xi32>
      %squeeze3A_515 = vector.extract %slice3A_514[0] : i32 from vector<1xi32>
      %dma_start3A_516 = arith.constant 0 : i32
      %dma_start3A_517 = tpu.memref_slice %arg18[%add3A_513, %dma_start3A_516] : memref<128x64xf32, #tpu.memory_space<vmem>> -> memref<1x64xf32, #tpu.memory_space<vmem>>
      %dma_start3A_518 = arith.constant 0 : i32
      %dma_start3A_519 = tpu.memref_slice %arg6[%squeeze3A_515, %dma_start3A_518] : memref<1000000x64xf32, #tpu.memory_space<hbm>> -> memref<1x64xf32, #tpu.memory_space<hbm>>
      %dma_start3A_520 = arith.constant 0 : i32
      %dma_start3A_521 = tpu.memref_slice %arg18[%add3A_513, %dma_start3A_520] : memref<128x64xf32, #tpu.memory_space<vmem>> -> memref<1x64xf32, #tpu.memory_space<vmem>>
      %dma_start3A_522 = arith.constant 0 : i32
      %dma_start3A_523 = tpu.memref_slice %arg6[%squeeze3A_515, %dma_start3A_522] : memref<1000000x64xf32, #tpu.memory_space<hbm>> -> memref<1x64xf32, #tpu.memory_space<hbm>>
      tpu.enqueue_dma source(%dma_start3A_523 : memref<1x64xf32, #tpu.memory_space<hbm>>) target(%dma_start3A_521 : memref<1x64xf32, #tpu.memory_space<vmem>>) target_semaphore(%arg28 : memref<!tpu.dma_semaphore, #tpu.memory_space<semaphore_mem>>)
      %slice3A_524 = vector.extract_strided_slice %get3A_151 {offsets = [15], sizes = [1], strides = [1]} : vector<16xi32> to vector<1xi32>
      %squeeze3A_525 = vector.extract %slice3A_524[0] : i32 from vector<1xi32>
      %dma_start3A_526 = arith.constant 0 : i32
      %dma_start3A_527 = tpu.memref_slice %arg20[%add3A_513, %dma_start3A_526] : memref<128x64xf32, #tpu.memory_space<vmem>> -> memref<1x64xf32, #tpu.memory_space<vmem>>
      %dma_start3A_528 = arith.constant 0 : i32
      %dma_start3A_529 = tpu.memref_slice %arg7[%squeeze3A_525, %dma_start3A_528] : memref<100000x64xf32, #tpu.memory_space<hbm>> -> memref<1x64xf32, #tpu.memory_space<hbm>>
      %dma_start3A_530 = arith.constant 0 : i32
      %dma_start3A_531 = tpu.memref_slice %arg20[%add3A_513, %dma_start3A_530] : memref<128x64xf32, #tpu.memory_space<vmem>> -> memref<1x64xf32, #tpu.memory_space<vmem>>
      %dma_start3A_532 = arith.constant 0 : i32
      %dma_start3A_533 = tpu.memref_slice %arg7[%squeeze3A_525, %dma_start3A_532] : memref<100000x64xf32, #tpu.memory_space<hbm>> -> memref<1x64xf32, #tpu.memory_space<hbm>>
      tpu.enqueue_dma source(%dma_start3A_533 : memref<1x64xf32, #tpu.memory_space<hbm>>) target(%dma_start3A_531 : memref<1x64xf32, #tpu.memory_space<vmem>>) target_semaphore(%arg29 : memref<!tpu.dma_semaphore, #tpu.memory_space<semaphore_mem>>)
    }
    %scan3A_110 = arith.constant 8 : i32
    %scan3A_111 = arith.constant 0 : i32
    %scan3A_112 = arith.constant 0 : i32
    %scan3A_113 = arith.constant 128 : i32
    %scan3A_114 = arith.addi %scan3A_112, %scan3A_113 : i32
    %scan3A_115 = arith.constant 1 : i32
    scf.for %scan3A_143 = %scan3A_112 to %scan3A_114 step %scan3A_115  : i32 {
      %dma_wait3A_144 = arith.constant 0 : i32
      %dma_wait3A_145 = tpu.memref_slice %arg17[%scan3A_143, %dma_wait3A_144] : memref<128x64xf32, #tpu.memory_space<vmem>> -> memref<1x64xf32, #tpu.memory_space<vmem>>
      %dma_wait3A_146 = arith.constant 0 : i32
      %dma_wait3A_147 = arith.constant 0 : i32
      %dma_wait3A_148 = tpu.memref_slice %arg6[%dma_wait3A_146, %dma_wait3A_147] : memref<1000000x64xf32, #tpu.memory_space<hbm>> -> memref<1x64xf32, #tpu.memory_space<hbm>>
      %dma_wait3A_149 = arith.constant 0 : i32
      %dma_wait3A_150 = tpu.memref_slice %arg17[%scan3A_143, %dma_wait3A_149] : memref<128x64xf32, #tpu.memory_space<vmem>> -> memref<1x64xf32, #tpu.memory_space<vmem>>
      %dma_wait3A_151 = arith.constant 0 : i32
      %dma_wait3A_152 = arith.constant 0 : i32
      %dma_wait3A_153 = tpu.memref_slice %arg6[%dma_wait3A_151, %dma_wait3A_152] : memref<1000000x64xf32, #tpu.memory_space<hbm>> -> memref<1x64xf32, #tpu.memory_space<hbm>>
      tpu.wait_dma2 semaphore(%arg28 : memref<!tpu.dma_semaphore, #tpu.memory_space<semaphore_mem>>) src(%dma_wait3A_153 : memref<1x64xf32, #tpu.memory_space<hbm>>) dst(%dma_wait3A_150 : memref<1x64xf32, #tpu.memory_space<vmem>>)
      %dma_wait3A_154 = arith.constant 0 : i32
      %dma_wait3A_155 = tpu.memref_slice %arg19[%scan3A_143, %dma_wait3A_154] : memref<128x64xf32, #tpu.memory_space<vmem>> -> memref<1x64xf32, #tpu.memory_space<vmem>>
      %dma_wait3A_156 = arith.constant 0 : i32
      %dma_wait3A_157 = arith.constant 0 : i32
      %dma_wait3A_158 = tpu.memref_slice %arg7[%dma_wait3A_156, %dma_wait3A_157] : memref<100000x64xf32, #tpu.memory_space<hbm>> -> memref<1x64xf32, #tpu.memory_space<hbm>>
      %dma_wait3A_159 = arith.constant 0 : i32
      %dma_wait3A_160 = tpu.memref_slice %arg19[%scan3A_143, %dma_wait3A_159] : memref<128x64xf32, #tpu.memory_space<vmem>> -> memref<1x64xf32, #tpu.memory_space<vmem>>
      %dma_wait3A_161 = arith.constant 0 : i32
      %dma_wait3A_162 = arith.constant 0 : i32
      %dma_wait3A_163 = tpu.memref_slice %arg7[%dma_wait3A_161, %dma_wait3A_162] : memref<100000x64xf32, #tpu.memory_space<hbm>> -> memref<1x64xf32, #tpu.memory_space<hbm>>
      tpu.wait_dma2 semaphore(%arg29 : memref<!tpu.dma_semaphore, #tpu.memory_space<semaphore_mem>>) src(%dma_wait3A_163 : memref<1x64xf32, #tpu.memory_space<hbm>>) dst(%dma_wait3A_160 : memref<1x64xf32, #tpu.memory_space<vmem>>)
    }
    %scan3A_116 = arith.constant 128 : i32
    %scan3A_117 = arith.constant 0 : i32
    %scan3A_118 = arith.constant 0 : i32
    %scan3A_119 = arith.constant 128 : i32
    %scan3A_120 = arith.addi %scan3A_118, %scan3A_119 : i32
    %scan3A_121 = arith.constant 1 : i32
    scf.for %scan3A_143 = %scan3A_118 to %scan3A_120 step %scan3A_121  : i32 {
      %get3A_144 = arith.index_cast %scan3A_143 : i32 to index
      %get3A_145 = arith.constant 0 : index
      %get3A_146 = tpu.vector_load %arg17[%get3A_144, %get3A_145] {strides = array<i32>} : memref<128x64xf32, #tpu.memory_space<vmem>>, vector<16xf32>,
      %mul3A_147 = arith.mulf %get3A_146, %get3A_14 : vector<16xf32>
      %get3A_148 = arith.index_cast %scan3A_143 : i32 to index
      %get3A_149 = arith.constant 16 : index
      %get3A_150 = tpu.vector_load %arg17[%get3A_148, %get3A_149] {strides = array<i32>} : memref<128x64xf32, #tpu.memory_space<vmem>>, vector<16xf32>,
      %mul3A_151 = arith.mulf %get3A_150, %get3A_16 : vector<16xf32>
      %add3A_152 = arith.addf %mul3A_147, %mul3A_151 : vector<16xf32>
      %get3A_153 = arith.index_cast %scan3A_143 : i32 to index
      %get3A_154 = arith.constant 32 : index
      %get3A_155 = tpu.vector_load %arg17[%get3A_153, %get3A_154] {strides = array<i32>} : memref<128x64xf32, #tpu.memory_space<vmem>>, vector<16xf32>,
      %mul3A_156 = arith.mulf %get3A_155, %get3A_18 : vector<16xf32>
      %add3A_157 = arith.addf %add3A_152, %mul3A_156 : vector<16xf32>
      %get3A_158 = arith.index_cast %scan3A_143 : i32 to index
      %get3A_159 = arith.constant 48 : index
      %get3A_160 = tpu.vector_load %arg17[%get3A_158, %get3A_159] {strides = array<i32>} : memref<128x64xf32, #tpu.memory_space<vmem>>, vector<16xf32>,
      %mul3A_161 = arith.mulf %get3A_160, %get3A_20 : vector<16xf32>
      %add3A_162 = arith.addf %add3A_157, %mul3A_161 : vector<16xf32>
      %get3A_163 = arith.index_cast %scan3A_143 : i32 to index
      %get3A_164 = arith.constant 0 : index
      %get3A_165 = tpu.vector_load %arg19[%get3A_163, %get3A_164] {strides = array<i32>} : memref<128x64xf32, #tpu.memory_space<vmem>>, vector<16xf32>,
      %mul3A_166 = arith.mulf %get3A_165, %get3A_22 : vector<16xf32>
      %add3A_167 = arith.addf %add3A_162, %mul3A_166 : vector<16xf32>
      %get3A_168 = arith.index_cast %scan3A_143 : i32 to index
      %get3A_169 = arith.constant 16 : index
      %get3A_170 = tpu.vector_load %arg19[%get3A_168, %get3A_169] {strides = array<i32>} : memref<128x64xf32, #tpu.memory_space<vmem>>, vector<16xf32>,
      %mul3A_171 = arith.mulf %get3A_170, %get3A_24 : vector<16xf32>
      %add3A_172 = arith.addf %add3A_167, %mul3A_171 : vector<16xf32>
      %get3A_173 = arith.index_cast %scan3A_143 : i32 to index
      %get3A_174 = arith.constant 32 : index
      %get3A_175 = tpu.vector_load %arg19[%get3A_173, %get3A_174] {strides = array<i32>} : memref<128x64xf32, #tpu.memory_space<vmem>>, vector<16xf32>,
      %mul3A_176 = arith.mulf %get3A_175, %get3A_26 : vector<16xf32>
      %add3A_177 = arith.addf %add3A_172, %mul3A_176 : vector<16xf32>
      %get3A_178 = arith.index_cast %scan3A_143 : i32 to index
      %get3A_179 = arith.constant 48 : index
      %get3A_180 = tpu.vector_load %arg19[%get3A_178, %get3A_179] {strides = array<i32>} : memref<128x64xf32, #tpu.memory_space<vmem>>, vector<16xf32>,
      %mul3A_181 = arith.mulf %get3A_180, %get3A_28 : vector<16xf32>
      %add3A_182 = arith.addf %add3A_177, %mul3A_181 : vector<16xf32>
      %add3A_183 = arith.constant 256 : i32
      %add3A_184 = arith.addi %add3A_183, %scan3A_143 : i32
      %mul3A_185 = arith.constant 16 : i32
      %mul3A_186 = arith.muli %add3A_184, %mul3A_185 : i32
      %swap3A_187 = arith.index_cast %mul3A_186 : i32 to index
      %swap3A_188 = tpu.vector_load %arg25[%swap3A_187] {strides = array<i32>} : memref<8192xf32, #tpu.memory_space<vmem>>, vector<16xf32>,
      tpu.vector_store %arg25[%swap3A_187], %add3A_182 {strides = array<i32>} : memref<8192xf32, #tpu.memory_space<vmem>>, vector<16xf32>,
    }
    %scan3A_122 = arith.constant 128 : i32
    %scan3A_123 = arith.constant 0 : i32
    %scan3A_124 = arith.constant 0 : i32
    %scan3A_125 = arith.constant 128 : i32
    %scan3A_126 = arith.addi %scan3A_124, %scan3A_125 : i32
    %scan3A_127 = arith.constant 1 : i32
    scf.for %scan3A_143 = %scan3A_124 to %scan3A_126 step %scan3A_127  : i32 {
      %dma_wait3A_144 = arith.constant 0 : i32
      %dma_wait3A_145 = tpu.memref_slice %arg18[%scan3A_143, %dma_wait3A_144] : memref<128x64xf32, #tpu.memory_space<vmem>> -> memref<1x64xf32, #tpu.memory_space<vmem>>
      %dma_wait3A_146 = arith.constant 0 : i32
      %dma_wait3A_147 = arith.constant 0 : i32
      %dma_wait3A_148 = tpu.memref_slice %arg6[%dma_wait3A_146, %dma_wait3A_147] : memref<1000000x64xf32, #tpu.memory_space<hbm>> -> memref<1x64xf32, #tpu.memory_space<hbm>>
      %dma_wait3A_149 = arith.constant 0 : i32
      %dma_wait3A_150 = tpu.memref_slice %arg18[%scan3A_143, %dma_wait3A_149] : memref<128x64xf32, #tpu.memory_space<vmem>> -> memref<1x64xf32, #tpu.memory_space<vmem>>
      %dma_wait3A_151 = arith.constant 0 : i32
      %dma_wait3A_152 = arith.constant 0 : i32
      %dma_wait3A_153 = tpu.memref_slice %arg6[%dma_wait3A_151, %dma_wait3A_152] : memref<1000000x64xf32, #tpu.memory_space<hbm>> -> memref<1x64xf32, #tpu.memory_space<hbm>>
      tpu.wait_dma2 semaphore(%arg28 : memref<!tpu.dma_semaphore, #tpu.memory_space<semaphore_mem>>) src(%dma_wait3A_153 : memref<1x64xf32, #tpu.memory_space<hbm>>) dst(%dma_wait3A_150 : memref<1x64xf32, #tpu.memory_space<vmem>>)
      %dma_wait3A_154 = arith.constant 0 : i32
      %dma_wait3A_155 = tpu.memref_slice %arg20[%scan3A_143, %dma_wait3A_154] : memref<128x64xf32, #tpu.memory_space<vmem>> -> memref<1x64xf32, #tpu.memory_space<vmem>>
      %dma_wait3A_156 = arith.constant 0 : i32
      %dma_wait3A_157 = arith.constant 0 : i32
      %dma_wait3A_158 = tpu.memref_slice %arg7[%dma_wait3A_156, %dma_wait3A_157] : memref<100000x64xf32, #tpu.memory_space<hbm>> -> memref<1x64xf32, #tpu.memory_space<hbm>>
      %dma_wait3A_159 = arith.constant 0 : i32
      %dma_wait3A_160 = tpu.memref_slice %arg20[%scan3A_143, %dma_wait3A_159] : memref<128x64xf32, #tpu.memory_space<vmem>> -> memref<1x64xf32, #tpu.memory_space<vmem>>
      %dma_wait3A_161 = arith.constant 0 : i32
      %dma_wait3A_162 = arith.constant 0 : i32
      %dma_wait3A_163 = tpu.memref_slice %arg7[%dma_wait3A_161, %dma_wait3A_162] : memref<100000x64xf32, #tpu.memory_space<hbm>> -> memref<1x64xf32, #tpu.memory_space<hbm>>
      tpu.wait_dma2 semaphore(%arg29 : memref<!tpu.dma_semaphore, #tpu.memory_space<semaphore_mem>>) src(%dma_wait3A_163 : memref<1x64xf32, #tpu.memory_space<hbm>>) dst(%dma_wait3A_160 : memref<1x64xf32, #tpu.memory_space<vmem>>)
    }
    %scan3A_128 = arith.constant 128 : i32
    %scan3A_129 = arith.constant 0 : i32
    %scan3A_130 = arith.constant 0 : i32
    %scan3A_131 = arith.constant 128 : i32
    %scan3A_132 = arith.addi %scan3A_130, %scan3A_131 : i32
    %scan3A_133 = arith.constant 1 : i32
    scf.for %scan3A_143 = %scan3A_130 to %scan3A_132 step %scan3A_133  : i32 {
      %get3A_144 = arith.index_cast %scan3A_143 : i32 to index
      %get3A_145 = arith.constant 0 : index
      %get3A_146 = tpu.vector_load %arg18[%get3A_144, %get3A_145] {strides = array<i32>} : memref<128x64xf32, #tpu.memory_space<vmem>>, vector<16xf32>,
      %mul3A_147 = arith.mulf %get3A_146, %get3A_14 : vector<16xf32>
      %get3A_148 = arith.index_cast %scan3A_143 : i32 to index
      %get3A_149 = arith.constant 16 : index
      %get3A_150 = tpu.vector_load %arg18[%get3A_148, %get3A_149] {strides = array<i32>} : memref<128x64xf32, #tpu.memory_space<vmem>>, vector<16xf32>,
      %mul3A_151 = arith.mulf %get3A_150, %get3A_16 : vector<16xf32>
      %add3A_152 = arith.addf %mul3A_147, %mul3A_151 : vector<16xf32>
      %get3A_153 = arith.index_cast %scan3A_143 : i32 to index
      %get3A_154 = arith.constant 32 : index
      %get3A_155 = tpu.vector_load %arg18[%get3A_153, %get3A_154] {strides = array<i32>} : memref<128x64xf32, #tpu.memory_space<vmem>>, vector<16xf32>,
      %mul3A_156 = arith.mulf %get3A_155, %get3A_18 : vector<16xf32>
      %add3A_157 = arith.addf %add3A_152, %mul3A_156 : vector<16xf32>
      %get3A_158 = arith.index_cast %scan3A_143 : i32 to index
      %get3A_159 = arith.constant 48 : index
      %get3A_160 = tpu.vector_load %arg18[%get3A_158, %get3A_159] {strides = array<i32>} : memref<128x64xf32, #tpu.memory_space<vmem>>, vector<16xf32>,
      %mul3A_161 = arith.mulf %get3A_160, %get3A_20 : vector<16xf32>
      %add3A_162 = arith.addf %add3A_157, %mul3A_161 : vector<16xf32>
      %get3A_163 = arith.index_cast %scan3A_143 : i32 to index
      %get3A_164 = arith.constant 0 : index
      %get3A_165 = tpu.vector_load %arg20[%get3A_163, %get3A_164] {strides = array<i32>} : memref<128x64xf32, #tpu.memory_space<vmem>>, vector<16xf32>,
      %mul3A_166 = arith.mulf %get3A_165, %get3A_22 : vector<16xf32>
      %add3A_167 = arith.addf %add3A_162, %mul3A_166 : vector<16xf32>
      %get3A_168 = arith.index_cast %scan3A_143 : i32 to index
      %get3A_169 = arith.constant 16 : index
      %get3A_170 = tpu.vector_load %arg20[%get3A_168, %get3A_169] {strides = array<i32>} : memref<128x64xf32, #tpu.memory_space<vmem>>, vector<16xf32>,
      %mul3A_171 = arith.mulf %get3A_170, %get3A_24 : vector<16xf32>
      %add3A_172 = arith.addf %add3A_167, %mul3A_171 : vector<16xf32>
      %get3A_173 = arith.index_cast %scan3A_143 : i32 to index
      %get3A_174 = arith.constant 32 : index
      %get3A_175 = tpu.vector_load %arg20[%get3A_173, %get3A_174] {strides = array<i32>} : memref<128x64xf32, #tpu.memory_space<vmem>>, vector<16xf32>,
      %mul3A_176 = arith.mulf %get3A_175, %get3A_26 : vector<16xf32>
      %add3A_177 = arith.addf %add3A_172, %mul3A_176 : vector<16xf32>
      %get3A_178 = arith.index_cast %scan3A_143 : i32 to index
      %get3A_179 = arith.constant 48 : index
      %get3A_180 = tpu.vector_load %arg20[%get3A_178, %get3A_179] {strides = array<i32>} : memref<128x64xf32, #tpu.memory_space<vmem>>, vector<16xf32>,
      %mul3A_181 = arith.mulf %get3A_180, %get3A_28 : vector<16xf32>
      %add3A_182 = arith.addf %add3A_177, %mul3A_181 : vector<16xf32>
      %add3A_183 = arith.constant 384 : i32
      %add3A_184 = arith.addi %add3A_183, %scan3A_143 : i32
      %mul3A_185 = arith.constant 16 : i32
      %mul3A_186 = arith.muli %add3A_184, %mul3A_185 : i32
      %swap3A_187 = arith.index_cast %mul3A_186 : i32 to index
      %swap3A_188 = tpu.vector_load %arg25[%swap3A_187] {strides = array<i32>} : memref<8192xf32, #tpu.memory_space<vmem>>, vector<16xf32>,
      tpu.vector_store %arg25[%swap3A_187], %add3A_182 {strides = array<i32>} : memref<8192xf32, #tpu.memory_space<vmem>>, vector<16xf32>,
    }
    %scan3A_134 = arith.constant 128 : i32
    %broadcast_in_dim3A_135 = arith.constant 256 : i32
    %broadcast_in_dim3A_136 = vector.broadcast %broadcast_in_dim3A_135 : i32 to vector<16xi32>
    %gather3A = tpu.vector_load_idx %arg16[%broadcast_in_dim3A_136] : memref<264xf32, #tpu.memory_space<vmem>>[vector<16xi32>], vector<16xf32>,
    %scan3A_137 = arith.constant 0 : i32
    %scan3A_138 = arith.constant 0 : i32
    %scan3A_139 = arith.constant 32 : i32
    %scan3A_140 = arith.addi %scan3A_138, %scan3A_139 : i32
    %scan3A_141 = arith.constant 1 : i32
    scf.for %scan3A_143 = %scan3A_138 to %scan3A_140 step %scan3A_141  : i32 {
      %mul3A_144 = arith.constant 16 : i32
      %mul3A_145 = arith.muli %scan3A_143, %mul3A_144 : i32
      %add3A_146 = vector.broadcast %mul3A_145 : i32 to vector<16xi32>
      %add3A_147 = arith.addi %add3A_146, %iota3A : vector<16xi32>
      %mul3A_148 = arith.constant 16 : i32
      %mul3A_149 = vector.broadcast %mul3A_148 : i32 to vector<16xi32>
      %mul3A_150 = arith.muli %add3A_147, %mul3A_149 : vector<16xi32>
      %add3A_151 = arith.constant 0 : i32
      %add3A_152 = vector.broadcast %add3A_151 : i32 to vector<16xi32>
      %add3A_153 = arith.addi %mul3A_150, %add3A_152 : vector<16xi32>
      %gather3A_154 = tpu.vector_load_idx %arg25[%add3A_153] : memref<8192xf32, #tpu.memory_space<vmem>>[vector<16xi32>], vector<16xf32>,
      %add3A_155 = arith.addf %gather3A, %gather3A_154 : vector<16xf32>
      %add3A_156 = arith.constant 1 : i32
      %add3A_157 = vector.broadcast %add3A_156 : i32 to vector<16xi32>
      %add3A_158 = arith.addi %mul3A_150, %add3A_157 : vector<16xi32>
      %gather3A_159 = tpu.vector_load_idx %arg25[%add3A_158] : memref<8192xf32, #tpu.memory_space<vmem>>[vector<16xi32>], vector<16xf32>,
      %add3A_160 = arith.addf %add3A_155, %gather3A_159 : vector<16xf32>
      %add3A_161 = arith.constant 2 : i32
      %add3A_162 = vector.broadcast %add3A_161 : i32 to vector<16xi32>
      %add3A_163 = arith.addi %mul3A_150, %add3A_162 : vector<16xi32>
      %gather3A_164 = tpu.vector_load_idx %arg25[%add3A_163] : memref<8192xf32, #tpu.memory_space<vmem>>[vector<16xi32>], vector<16xf32>,
      %add3A_165 = arith.addf %add3A_160, %gather3A_164 : vector<16xf32>
      %add3A_166 = arith.constant 3 : i32
      %add3A_167 = vector.broadcast %add3A_166 : i32 to vector<16xi32>
      %add3A_168 = arith.addi %mul3A_150, %add3A_167 : vector<16xi32>
      %gather3A_169 = tpu.vector_load_idx %arg25[%add3A_168] : memref<8192xf32, #tpu.memory_space<vmem>>[vector<16xi32>], vector<16xf32>,
      %add3A_170 = arith.addf %add3A_165, %gather3A_169 : vector<16xf32>
      %add3A_171 = arith.constant 4 : i32
      %add3A_172 = vector.broadcast %add3A_171 : i32 to vector<16xi32>
      %add3A_173 = arith.addi %mul3A_150, %add3A_172 : vector<16xi32>
      %gather3A_174 = tpu.vector_load_idx %arg25[%add3A_173] : memref<8192xf32, #tpu.memory_space<vmem>>[vector<16xi32>], vector<16xf32>,
      %add3A_175 = arith.addf %add3A_170, %gather3A_174 : vector<16xf32>
      %add3A_176 = arith.constant 5 : i32
      %add3A_177 = vector.broadcast %add3A_176 : i32 to vector<16xi32>
      %add3A_178 = arith.addi %mul3A_150, %add3A_177 : vector<16xi32>
      %gather3A_179 = tpu.vector_load_idx %arg25[%add3A_178] : memref<8192xf32, #tpu.memory_space<vmem>>[vector<16xi32>], vector<16xf32>,
      %add3A_180 = arith.addf %add3A_175, %gather3A_179 : vector<16xf32>
      %add3A_181 = arith.constant 6 : i32
      %add3A_182 = vector.broadcast %add3A_181 : i32 to vector<16xi32>
      %add3A_183 = arith.addi %mul3A_150, %add3A_182 : vector<16xi32>
      %gather3A_184 = tpu.vector_load_idx %arg25[%add3A_183] : memref<8192xf32, #tpu.memory_space<vmem>>[vector<16xi32>], vector<16xf32>,
      %add3A_185 = arith.addf %add3A_180, %gather3A_184 : vector<16xf32>
      %add3A_186 = arith.constant 7 : i32
      %add3A_187 = vector.broadcast %add3A_186 : i32 to vector<16xi32>
      %add3A_188 = arith.addi %mul3A_150, %add3A_187 : vector<16xi32>
      %gather3A_189 = tpu.vector_load_idx %arg25[%add3A_188] : memref<8192xf32, #tpu.memory_space<vmem>>[vector<16xi32>], vector<16xf32>,
      %add3A_190 = arith.addf %add3A_185, %gather3A_189 : vector<16xf32>
      %add3A_191 = arith.constant 8 : i32
      %add3A_192 = vector.broadcast %add3A_191 : i32 to vector<16xi32>
      %add3A_193 = arith.addi %mul3A_150, %add3A_192 : vector<16xi32>
      %gather3A_194 = tpu.vector_load_idx %arg25[%add3A_193] : memref<8192xf32, #tpu.memory_space<vmem>>[vector<16xi32>], vector<16xf32>,
      %add3A_195 = arith.addf %add3A_190, %gather3A_194 : vector<16xf32>
      %add3A_196 = arith.constant 9 : i32
      %add3A_197 = vector.broadcast %add3A_196 : i32 to vector<16xi32>
      %add3A_198 = arith.addi %mul3A_150, %add3A_197 : vector<16xi32>
      %gather3A_199 = tpu.vector_load_idx %arg25[%add3A_198] : memref<8192xf32, #tpu.memory_space<vmem>>[vector<16xi32>], vector<16xf32>,
      %add3A_200 = arith.addf %add3A_195, %gather3A_199 : vector<16xf32>
      %add3A_201 = arith.constant 10 : i32
      %add3A_202 = vector.broadcast %add3A_201 : i32 to vector<16xi32>
      %add3A_203 = arith.addi %mul3A_150, %add3A_202 : vector<16xi32>
      %gather3A_204 = tpu.vector_load_idx %arg25[%add3A_203] : memref<8192xf32, #tpu.memory_space<vmem>>[vector<16xi32>], vector<16xf32>,
      %add3A_205 = arith.addf %add3A_200, %gather3A_204 : vector<16xf32>
      %add3A_206 = arith.constant 11 : i32
      %add3A_207 = vector.broadcast %add3A_206 : i32 to vector<16xi32>
      %add3A_208 = arith.addi %mul3A_150, %add3A_207 : vector<16xi32>
      %gather3A_209 = tpu.vector_load_idx %arg25[%add3A_208] : memref<8192xf32, #tpu.memory_space<vmem>>[vector<16xi32>], vector<16xf32>,
      %add3A_210 = arith.addf %add3A_205, %gather3A_209 : vector<16xf32>
      %add3A_211 = arith.constant 12 : i32
      %add3A_212 = vector.broadcast %add3A_211 : i32 to vector<16xi32>
      %add3A_213 = arith.addi %mul3A_150, %add3A_212 : vector<16xi32>
      %gather3A_214 = tpu.vector_load_idx %arg25[%add3A_213] : memref<8192xf32, #tpu.memory_space<vmem>>[vector<16xi32>], vector<16xf32>,
      %add3A_215 = arith.addf %add3A_210, %gather3A_214 : vector<16xf32>
      %add3A_216 = arith.constant 13 : i32
      %add3A_217 = vector.broadcast %add3A_216 : i32 to vector<16xi32>
      %add3A_218 = arith.addi %mul3A_150, %add3A_217 : vector<16xi32>
      %gather3A_219 = tpu.vector_load_idx %arg25[%add3A_218] : memref<8192xf32, #tpu.memory_space<vmem>>[vector<16xi32>], vector<16xf32>,
      %add3A_220 = arith.addf %add3A_215, %gather3A_219 : vector<16xf32>
      %add3A_221 = arith.constant 14 : i32
      %add3A_222 = vector.broadcast %add3A_221 : i32 to vector<16xi32>
      %add3A_223 = arith.addi %mul3A_150, %add3A_222 : vector<16xi32>
      %gather3A_224 = tpu.vector_load_idx %arg25[%add3A_223] : memref<8192xf32, #tpu.memory_space<vmem>>[vector<16xi32>], vector<16xf32>,
      %add3A_225 = arith.addf %add3A_220, %gather3A_224 : vector<16xf32>
      %add3A_226 = arith.constant 15 : i32
      %add3A_227 = vector.broadcast %add3A_226 : i32 to vector<16xi32>
      %add3A_228 = arith.addi %mul3A_150, %add3A_227 : vector<16xi32>
      %gather3A_229 = tpu.vector_load_idx %arg25[%add3A_228] : memref<8192xf32, #tpu.memory_space<vmem>>[vector<16xi32>], vector<16xf32>,
      %add3A_230 = arith.addf %add3A_225, %gather3A_229 : vector<16xf32>
      %get3A_231 = arith.index_cast %mul3A_145 : i32 to index
      %get3A_232 = tpu.vector_load %arg14[%get3A_231] {strides = array<i32>} : memref<512xi32, #tpu.memory_space<vmem>>, vector<16xi32>,
      %get3A_233 = arith.index_cast %mul3A_145 : i32 to index
      %get3A_234 = tpu.vector_load %arg15[%get3A_233] {strides = array<i32>} : memref<512xi32, #tpu.memory_space<vmem>>, vector<16xi32>,
      %gather3A_235 = tpu.vector_load_idx %arg23[%get3A_232] : memref<112xf32, #tpu.memory_space<vmem>>[vector<16xi32>], vector<16xf32>,
      %add3A_236 = arith.addf %add3A_230, %gather3A_235 : vector<16xf32>
      %gather3A_237 = tpu.vector_load_idx %arg24[%get3A_234] : memref<32xf32, #tpu.memory_space<vmem>>[vector<16xi32>], vector<16xf32>,
      %add3A_238 = arith.addf %add3A_236, %gather3A_237 : vector<16xf32>
      %neg3A = arith.constant 0.000000e+00 : f32
      %neg3A_239 = vector.broadcast %neg3A : f32 to vector<16xf32>
      %neg3A_240 = arith.subf %neg3A_239, %add3A_238 : vector<16xf32>
      %exp3A = math.exp %neg3A_240 : vector<16xf32>
      %add3A_241 = arith.constant 1.000000e+00 : f32
      %add3A_242 = vector.broadcast %add3A_241 : f32 to vector<16xf32>
      %add3A_243 = arith.addf %add3A_242, %exp3A : vector<16xf32>
      %div3A = arith.constant 1.000000e+00 : f32
      %div3A_244 = vector.broadcast %div3A : f32 to vector<16xf32>
      %div3A_245 = arith.divf %div3A_244, %add3A_243 : vector<16xf32>
      %swap3A_246 = arith.index_cast %mul3A_145 : i32 to index
      %swap3A_247 = tpu.vector_load %arg26[%swap3A_246] {strides = array<i32>} : memref<512xf32, #tpu.memory_space<vmem>>, vector<16xf32>,
      tpu.vector_store %arg26[%swap3A_246], %div3A_245 {strides = array<i32>} : memref<512xf32, #tpu.memory_space<vmem>>, vector<16xf32>,
    }
    %scan3A_142 = arith.constant 32 : i32
    "tpu.region"() ({
      %run_scoped3A = tpu.sem_alloc : memref<!tpu.dma_semaphore, #tpu.memory_space<semaphore_mem>>
      %dma_start3A_143 = tpu.memref_slice %arg11[%mul3A_2] : memref<16384xf32, #tpu.memory_space<hbm>> -> memref<512xf32, #tpu.memory_space<hbm>>
      %dma_start3A_144 = tpu.memref_slice %arg11[%mul3A_2] : memref<16384xf32, #tpu.memory_space<hbm>> -> memref<512xf32, #tpu.memory_space<hbm>>
      tpu.enqueue_dma source(%arg26 : memref<512xf32, #tpu.memory_space<vmem>>) target(%dma_start3A_144 : memref<512xf32, #tpu.memory_space<hbm>>) target_semaphore(%run_scoped3A : memref<!tpu.dma_semaphore, #tpu.memory_space<semaphore_mem>>)
      %dma_wait3A_145 = tpu.memref_slice %arg11[%mul3A_2] : memref<16384xf32, #tpu.memory_space<hbm>> -> memref<512xf32, #tpu.memory_space<hbm>>
      %dma_wait3A_146 = tpu.memref_slice %arg11[%mul3A_2] : memref<16384xf32, #tpu.memory_space<hbm>> -> memref<512xf32, #tpu.memory_space<hbm>>
      tpu.wait_dma2 semaphore(%run_scoped3A : memref<!tpu.dma_semaphore, #tpu.memory_space<semaphore_mem>>) src(%arg26 : memref<512xf32, #tpu.memory_space<vmem>>) dst(%dma_wait3A_146 : memref<512xf32, #tpu.memory_space<hbm>>)
      tpu.yield
    }) : () -> ()
    return
  }
}

module attributes {stable_mosaic.version = 14 : i64} {
  func.func @_tp_body(%arg0: i32, %arg1: memref<64x2048xf32, #tpu.memory_space<vmem>>, %arg2: memref<2048x64xf32, #tpu.memory_space<vmem>>) attributes {dimension_semantics = [#tpu.dimension_semantics<arbitrary>], iteration_bounds = array<i64: 489>, scalar_prefetch = 0 : i64, scratch_operands = 0 : i64, tpu.core_type = #tpu.core_type<tc>, window_params = [{transform_indices = @transform_0, window_bounds = array<i64: 64, 2048>}, {transform_indices = @transform_1, window_bounds = array<i64: 2048, 64>}]} {
    %get3A = arith.constant 0 : index
    %get3A_0 = arith.constant 0 : index
    %get3A_1 = vector.load %arg1[%get3A, %get3A_0] : memref<64x2048xf32, #tpu.memory_space<vmem>>, vector<64x2048xf32>
    %transpose3A = tpu.transpose %get3A_1, [1, 0] : vector<64x2048xf32> -> vector<2048x64xf32>
    %swap3A = arith.constant 0 : index
    %swap3A_2 = arith.constant 0 : index
    %swap3A_3 = vector.load %arg2[%swap3A, %swap3A_2] : memref<2048x64xf32, #tpu.memory_space<vmem>>, vector<2048x64xf32>
    tpu.vector_store %arg2[%swap3A, %swap3A_2], %transpose3A {strides = array<i32>} : memref<2048x64xf32, #tpu.memory_space<vmem>>, vector<2048x64xf32>,
    return
  }
  func.func @transform_0(%arg0: i32) -> (i32, i32) {
    %c0_i32 = arith.constant 0 : i32
    %c0_i32_0 = arith.constant 0 : i32
    return %c0_i32, %arg0 : i32, i32
  }
  func.func @transform_1(%arg0: i32) -> (i32, i32) {
    %c0_i32 = arith.constant 0 : i32
    %c0_i32_0 = arith.constant 0 : i32
    return %arg0, %c0_i32 : i32, i32
  }
}

module attributes {stable_mosaic.version = 14 : i64} {
  func.func @_tp_body(%arg0: i32, %arg1: memref<64x2048xf32, #tpu.memory_space<vmem>>, %arg2: memref<2048x64xf32, #tpu.memory_space<vmem>>) attributes {dimension_semantics = [#tpu.dimension_semantics<arbitrary>], iteration_bounds = array<i64: 49>, scalar_prefetch = 0 : i64, scratch_operands = 0 : i64, tpu.core_type = #tpu.core_type<tc>, window_params = [{transform_indices = @transform_0, window_bounds = array<i64: 64, 2048>}, {transform_indices = @transform_1, window_bounds = array<i64: 2048, 64>}]} {
    %get3A = arith.constant 0 : index
    %get3A_0 = arith.constant 0 : index
    %get3A_1 = vector.load %arg1[%get3A, %get3A_0] : memref<64x2048xf32, #tpu.memory_space<vmem>>, vector<64x2048xf32>
    %transpose3A = tpu.transpose %get3A_1, [1, 0] : vector<64x2048xf32> -> vector<2048x64xf32>
    %swap3A = arith.constant 0 : index
    %swap3A_2 = arith.constant 0 : index
    %swap3A_3 = vector.load %arg2[%swap3A, %swap3A_2] : memref<2048x64xf32, #tpu.memory_space<vmem>>, vector<2048x64xf32>
    tpu.vector_store %arg2[%swap3A, %swap3A_2], %transpose3A {strides = array<i32>} : memref<2048x64xf32, #tpu.memory_space<vmem>>, vector<2048x64xf32>,
    return
  }
  func.func @transform_0(%arg0: i32) -> (i32, i32) {
    %c0_i32 = arith.constant 0 : i32
    %c0_i32_0 = arith.constant 0 : i32
    return %c0_i32, %arg0 : i32, i32
  }
  func.func @transform_1(%arg0: i32) -> (i32, i32) {
    %c0_i32 = arith.constant 0 : i32
    %c0_i32_0 = arith.constant 0 : i32
    return %arg0, %c0_i32 : i32, i32
  }
}

</mosaic_0001>

<sc_bundles>
// kernel: kernel.5.cloned.1.call-start
scs
__scs_entry_jumppad:
0x0: {  	(pc) =	sbr.rel $0x88, $3  }
0x1: {  	(tag) =	ssettag $0x0;
	lr =	simm.s32 $0x1  }
0x2: {  	[smem:$0x3F97] =	sst lr;
	_ =	strace $0xD0000000  }
0x3: {  	_ = 	snop  }
0x4: {  	_ = 	snop  }
0x5: {  	_ = 	snop  }
0x6: {  	_ = 	snop  }
0x7: {  	_ = 	snop  }
__scs_overlays_trampoline_lowered:
0x8: {  	[smem:$0x3FA6] =	sst s0  }
0x9: {  	[smem:$0x3FA7] =	sst s1  }
0xa: {  	[smem:$0x3FA8] =	sst s2  }
0xb: {  	[smem:$0x3FA9] =	sst s3  }
0xc: {  	[smem:$0x3FAA] =	sst s4  }
0xd: {  	[smem:$0x3FAB] =	sst s5  }
0xe: {  	[smem:$0x3FAC] =	sst s6  }
0xf: {  	[smem:$0x3FAD] =	sst s7  }
0x10: {  	[smem:$0x3FAE] =	sst s8  }
0x11: {  	[smem:$0x3FAF] =	sst s9;
	s0 =	simm.s32 @!p0 $0x0  }
0x12: {  	s1 =	sld [smem:$0x3F95];
	s0 =	simm.s32 @p0 $0x1  }
0x13: {  	[smem:$0x3FB0] =	sst s0;
	s0 =	simm.s32 @!p1 $0x0  }
0x14: {  	s2 =	sld [smem:$0x3F94];
	s0 =	simm.s32 @p1 $0x1  }
0x15: {  	[smem:$0x3FB1] =	sst s0;
	s0 =	simm.s32 @!p2 $0x0  }
0x16: {  	s3 =	sld [smem:$0x3FDB];
	s0 =	simm.s32 @p2 $0x1  }
0x17: {  	s4 =	simm.s32 $0x1BF5;
	[smem:$0x3FB3] =	sst s0  }
0x18: {  	s0 =	sld [smem:$0x3F96];
	_ =	swait.ge [sflag:s4], $0x0  }
0x19: {  	s7 =	sld [smem:$0x3F97]  }
0x1a: {  	s8 =	sadd.s32 $0xFFFFE003, lr  }
0x1b: {  	s9 =	sadd.s32 $0xFFFFFEF7, lr;
	s5 =	simm.s32 $0xFFFFFFFF;
	p2 =	slt.u32 s8, $0xFFFFF086  }
0x1c: {  	p1 =	slt.u32 s9, $0xF7A;
	s5 =	simm.s32 @!p2 $0x0  }
0x1d: {  	s5 =	simm.s32 @p1 $0x1;
	p0 =	seq.s32 s7, s2  }
0x1e: {  	s7 =	smul.u32 @!p0 $0xF7A, s2;
	p2 =	seq.s32 @!p0 s5, $0x0  }
0x1f: {  	s9 =	smul.u32 $0xF7A, s1;
	s8 =	simm.s32 @!p0 $0x1BF5;
	p2 =	por !p2, p0  }
0x20: {  	[sflag:s8] =	ssyncset.s32 @!p0 $0xFFFFF086;
	s6 =	sadd.s32 @!p0 s3, s7;
	s7 =	simm.s32 @!p0 $0x108  }
0x21: {  	s3 =	sadd.s32 s3, s9;
	s6 =	sadd.s32 @!p0 $0x88, s6;
	s7 =	simm.s32 @p2 $0x1082  }
0x22: {  	[simem:s7], [sflag:s8] =	dma.local @!p0 [hbm:s6], $0xF7A  }
0x23: {  	s9 =	sor.u32 $0xD0000000, s2;
	s6 =	simm.s32 $0x108;
	_ =	swait.ge @!p0 [sflag:s8], $0x0  }
0x24: {  	s3 =	sadd.s32 $0x88, s3;
	s6 =	simm.s32 @!p1 $0x1082;
	[sflag:s4] =	ssyncset.s32 $0xFFFFF086  }
0x25: {  	[simem:s6], [sflag:s4] =	dma.local [hbm:s3], $0xF7A  }
0x26: {  	[smem:$0x3F97] =	sst s1;
	(tag) =	ssettag s2;
	_ =	strace s9  }
0x27: {  	s1 =	sld [smem:$0x3FA7]  }
0x28: {  	s2 =	sld [smem:$0x3FA8]  }
0x29: {  	s4 =	sld [smem:$0x3FAA]  }
0x2a: {  	p0 =	seq.s32 s5, $0x0;
	s5 =	sld [smem:$0x3FAB]  }
0x2b: {  	s6 =	sld [smem:$0x3FAC]  }
0x2c: {  	s7 =	sld [smem:$0x3FAD]  }
0x2d: {  	s3 =	simm.s32 $0x108;
	s8 =	sld [smem:$0x3FAE]  }
0x2e: {  	s3 =	simm.s32 @!p0 $0x1082;
	s9 =	sld [smem:$0x3FAF]  }
0x2f: {  	lr =	sadd.s32 s0, s3;
	s0 =	sld [smem:$0x3FA6]  }
0x30: {  	s3 =	sld [smem:$0x3FA9]  }
0x31: {  	[smem:$0x3FB2] =	sst s10  }
0x32: {  	s10 =	sld [smem:$0x3FB0];
	_ =	sdelay $0x3  }
0x33: {  	p0 =	seq.s32 s10, $0x1;
	s10 =	sld [smem:$0x3FB2];
	_ =	sdelay $0x3  }
0x34: {  	[smem:$0x3FB2] =	sst s10  }
0x35: {  	s10 =	sld [smem:$0x3FB1];
	_ =	sdelay $0x3  }
0x36: {  	p1 =	seq.s32 s10, $0x1;
	s10 =	sld [smem:$0x3FB2];
	_ =	sdelay $0x3  }
0x37: {  	[smem:$0x3FB2] =	sst s10  }
0x38: {  	s10 =	sld [smem:$0x3FB3]  }
0x39: {  	_ = 	snop;
	(pc) =	sbr.ind lr, $3  }
0x3a: {  	_ = 	snop  }
0x3b: {  	_ = 	snop  }
0x3c: {  	p2 =	seq.s32 s10, $0x1;
	s10 =	sld [smem:$0x3FB2]  }
0x3d: {  	_ =	shalt  }
0x3e: {  	_ =	shalt  }
0x3f: {  	_ =	shalt  }
0x40: {  	_ =	shalt  }
0x41: {  	_ =	shalt  }
0x42: {  	_ =	shalt  }
0x43: {  	_ =	shalt  }
0x44: {  	_ =	shalt  }
0x45: {  	_ =	shalt  }
0x46: {  	_ =	shalt  }
0x47: {  	_ =	shalt  }
0x48: {  	_ =	shalt  }
0x49: {  	_ =	shalt  }
0x4a: {  	_ =	shalt  }
0x4b: {  	_ =	shalt  }
0x4c: {  	_ =	shalt  }
0x4d: {  	_ =	shalt  }
0x4e: {  	_ =	shalt  }
0x4f: {  	_ =	shalt  }
0x50: {  	_ =	shalt  }
0x51: {  	_ =	shalt  }
0x52: {  	_ =	shalt  }
0x53: {  	_ =	shalt  }
0x54: {  	_ =	shalt  }
0x55: {  	_ =	shalt  }
0x56: {  	_ =	shalt  }
0x57: {  	_ =	shalt  }
0x58: {  	_ =	shalt  }
0x59: {  	_ =	shalt  }
0x5a: {  	_ =	shalt  }
0x5b: {  	_ =	shalt  }
0x5c: {  	_ =	shalt  }
0x5d: {  	_ =	shalt  }
0x5e: {  	_ =	shalt  }
0x5f: {  	_ =	shalt  }
0x60: {  	_ =	shalt  }
0x61: {  	_ =	shalt  }
0x62: {  	_ =	shalt  }
0x63: {  	_ =	shalt  }
0x64: {  	_ =	shalt  }
0x65: {  	_ =	shalt  }
0x66: {  	_ =	shalt  }
0x67: {  	_ =	shalt  }
0x68: {  	_ =	shalt  }
0x69: {  	_ =	shalt  }
0x6a: {  	_ =	shalt  }
0x6b: {  	_ =	shalt  }
0x6c: {  	_ =	shalt  }
0x6d: {  	_ =	shalt  }
0x6e: {  	_ =	shalt  }
0x6f: {  	_ =	shalt  }
0x70: {  	_ =	shalt  }
0x71: {  	_ =	shalt  }
0x72: {  	_ =	shalt  }
0x73: {  	_ =	shalt  }
0x74: {  	_ =	shalt  }
0x75: {  	_ =	shalt  }
0x76: {  	_ =	shalt  }
0x77: {  	_ =	shalt  }
0x78: {  	_ =	shalt  }
0x79: {  	_ =	shalt  }
0x7a: {  	_ =	shalt  }
0x7b: {  	_ =	shalt  }
0x7c: {  	_ =	shalt  }
0x7d: {  	_ =	shalt  }
0x7e: {  	_ =	shalt  }
0x7f: {  	_ =	shalt  }
0x80: {  	_ =	shalt  }
0x81: {  	_ =	shalt  }
0x82: {  	_ =	shalt  }
0x83: {  	_ =	shalt  }
0x84: {  	_ =	shalt  }
0x85: {  	_ =	shalt  }
0x86: {  	_ =	shalt  }
0x87: {  	_ =	shalt  }
.Lfunc_end0:
.L_simem_size_0:
called_computation_lowered:
.L_overlay_start_0:
0x88: {  	s2 =	sld [smem:$0x3FD9]  }
0x89: {  	s3 =	sld [smem:$0x3FFE];
	_ =	sdelay $0x1  }
0x8a: {  	s1 =	srdreg.scid  }
0x8b: {  	s0 =	sand.u32 $0x1, s1  }
0x8c: {  	s17 =	sshll.u32 s0, $0xA;
	s2 =	sadd.s32 s3, s2  }
0x8d: {  	s2 =	sadd.s32 s2, s17  }
0x8e: {  	[smem:$0x3FBE] =	sst s2  }
0x8f: {  	_ = 	snop  }
0x90: {  	s2 =	sld [smem:$0x3FC9]  }
0x91: {  	s18 =	sld [smem:$0x3FC8]  }
0x92: {  	s4 =	sld [smem:$0x3FC7]  }
0x93: {  	s5 =	sld [smem:$0x3FC6]  }
0x94: {  	s6 =	sld [smem:$0x3FC2]  }
0x95: {  	s7 =	sld [smem:$0x3FD0];
	(tm) =	ssettm $0x1  }
0x96: {  	s8 =	sld [smem:$0x3FFB];
	_ =	sdelay $0x3  }
0x97: {  	_ =	strace s8  }
0x98: {  	s8 =	sld [smem:$0x3FFC];
	_ =	sdelay $0x3  }
0x99: {  	_ =	strace s8  }
0x9a: {  	s8 =	sld [smem:$0x3FFD];
	_ =	sdelay $0x3  }
0x9b: {  	_ =	strace s8  }
0x9c: {  	_ =	strace $0x8FFFFFFF  }
0x9d: {  	s19 =	sld [smem:$0x3FDB];
	_ =	sdelay $0x1  }
0x9e: {  	s9 =	simm.s32 $_scs_section_size  }
0x9f: {  	s10 =	simm.s32 $_size__tile_overlayer_lowered;
	s11 =	simm.s32 $_tile_overlayer_lowered  }
0xa0: {  	s22 =	simm.s32 $0x1BFF;
	s21 =	sshll.u32 s11, $0x1;
	s8 =	sadd.s32 s9, s19  }
0xa1: {  	s12 =	simm.s32 $0x0;
	s20 =	sshll.u32 s10, $0x1;
	s10 =	sadd.s32 s21, s8  }
0xa2: {  	[timem:s12], [sflag:s22] =	dma.local [hbm:s10], s20  }
0xa3: {  	_ =	swait.ge [sflag:s22], s20  }
0xa4: {  	s9 =	ssub.s32 $0x0, s20;
	[sflag:s22] =	ssyncset.done $0x0  }
0xa5: {  	[sflag:s22] =	ssyncadd.s32 s9;
	_ =	sdelay $0x1  }
0xa6: {  	s23 =	simm.s32 $0x1B8B  }
0xa7: {  	_ =	swait.ge [sflag:s23], $0x1  }
0xa8: {  	[sflag:s23] =	ssyncset.done $0x0  }
0xa9: {  	s25 =	simm.s32 $0x1B8E;
	s24 =	sld [smem:$0x3FFE];
	[sflag:s23] =	ssyncadd.s32 $0xFFFFFFFF  }
0xaa: {  	s26 =	simm.s32 $execute0_lowered;
	[smem:$0x3FD2] =	sst s25  }
0xab: {  	s10 =	sshll.u32 s26, $0x1;
	_ =	strace $0x80000046;
	[dreg:$0x1] =	wrdreg $0xFFFFFFFF  }
0xac: {  	s28 =	simm.s32 $_size_execute0_lowered;
	s8 =	sadd.s32 s8, s10;
	[dreg:$0x0] =	wrdreg $0x0  }
0xad: {  	s10 =	sshll.u32 s28, $0x1;
	[dreg:$0x2] =	wrdreg s8  }
0xae: {  	[dreg:$0x3] =	wrdreg s10  }
0xaf: {  	[dreg:$0x4] =	wrdreg $0xC0  }
0xb0: {  	_ =	task [dreg:s12], $0x5FFFF  }
0xb1: {  	[dreg:$0x1] =	wrdreg $0xFFFFFFFF  }
0xb2: {  	[dreg:$0x0] =	wrdreg $0x60  }
0xb3: {  	[dreg:$0x2] =	wrdreg s2  }
0xb4: {  	[dreg:$0x3] =	wrdreg s18  }
0xb5: {  	[dreg:$0x4] =	wrdreg s4  }
0xb6: {  	[dreg:$0x5] =	wrdreg s5  }
0xb7: {  	[dreg:$0x6] =	wrdreg s24  }
0xb8: {  	[dreg:$0x7] =	wrdreg s6  }
0xb9: {  	[dreg:$0x8] =	wrdreg s7  }
0xba: {  	[dreg:$0x9] =	wrdreg $0x9  }
0xbb: {  	_ =	task.clear_ibuf [dreg:s12], $0xAFFFF;
	_ =	strace $0x90000046  }
0xbc: {  	s29 =	simm.s32 $0x9;
	_ =	strace $0x80000048  }
0xbd: {  	_ =	swait.ge [sflag:s29], $0x1  }
0xbe: {  	[sflag:s29] =	ssyncadd.s32 $0xFFFFFFFF  }
0xbf: {  	_ =	strace $0x90000048  }
0xc0: {  	_ =	sfence  }
0xc1: {  	s30 =	sld [smem:$0x0];
	_ =	sdelay $0x2  }
0xc2: {  	s31 =	sshll.u32 s1, $0xD;
	s1 =	sshrl.u32 s1, $0x2  }
0xc3: {  	s3 =	sand.u32 $0x4000, s31;
	s1 =	sadd.s32 s1, s30  }
0xc4: {  	s0 =	sor.u32 s3, s0;
	s1 =	sshll.u32 s1, $0x11  }
0xc5: {  	s0 =	sor.u32 s1, s0  }
0xc6: {  	s0 =	sadd.s32 $0x8F2B, s0  }
0xc7: {  	[sflag:s0] =	ssyncadd.remote.s32 $0x1  }
0xc8: {  	_ =	sfence.sel $0xFFFF  }
0xc9: {  	[dreg:$0x0] =	wrdreg $0xFFFFFFFF;
	(pc) =	sbr.abs _section_cstart, $3  }
0xca: {  	[dreg:$0x1] =	wrdreg $0xFFFFFFFF  }
0xcb: {  	_ =	task.clear_ibuf [dreg:s12], $0x2FFFF;
	_ =	strace $0x9FFFFFFF  }
0xcc: {  	(tm) =	ssettm $0x7FFFFFFF  }
0xcd: {  	_ =	shalt  }
tec
execute0_lowered:
.L_overlay_start_1:
0x0: {  	(tag) =	ssettag $0x1  }
0x1: {  	s0 =	rddreg [dreg:$0x0]  }
0x2: {  	s1 =	rddreg [dreg:$0x1]  }
0x3: {  	s3 =	rddreg [dreg:$0x2]  }
0x4: {  	s6 =	rddreg [dreg:$0x3]  }
0x5: {  	s7 =	rddreg [dreg:$0x4]  }
0x6: {  	s8 =	rddreg [dreg:$0x6]  }
0x7: {  	s22 =	simm.s32 $0x0;
	s9 =	srdreg.scid;
	s11 =	stileid.u32  }
0x8: {  	[smem:$0x7FF] =	sst s22;
	s4 =	sadd.s32 $0x187800, s7;
	s5 =	sadd.s32 $0xE00, s7  }
0x9: {  	s10 =	sadd.s32 $0x600, s7;
	s9 =	sand.u32 $0x1, s9;
	s11 =	sshll.u32 s11, $0x7  }
0xa: {  	s7 =	sadd.s32 $0x10C9C00, s7;
	s24 =	ssub.s32 $0x2, s9;
	s9 =	sshll.u32 s9, $0x6  }
0xb: {  	_ =	strace $0x80000047;
	[smem:$0x7F6] =	sst s10;
	s9 =	sor.u32 s9, s11  }
0xc: {  	[smem:$0x7F7] =	sst s7;
	s0 =	sadd.s32 s0, s9  }
0xd: {  	s25 =	sshrl.u32 s24, $0x1;
	s26 =	sadd.s32 s1, s9;
	[smem:$0x7F8] =	sst s0  }
0xe: {  	v8 =	vlaneseq.u32;
	s7 =	ssub.s32 s24, s25;
	s28 =	sadd.s32 s3, s9;
	[smem:$0x7F9] =	sst s26  }
0xf: {  	v0 =	vmul.u32 $0x80, v8;
	s29 =	sadd.s32 s6, s9;
	s30 =	sadd.s32 s8, s9;
	[smem:$0x7FA] =	sst s28  }
0x10: {  	v7 =	vimm.s32 $0x100;
	v8 =	vmul.u32 $0x10, v8;
	s1 =	simm.s32 $0x10980;
	s3 =	simm.s32 $0x14180;
	[smem:$0x7FB] =	sst s29  }
0x11: {  	v1 =	vor.u32 $0x800, v0;
	v2 =	vor.u32 $0x1000, v0;
	v3 =	vor.u32 $0x1800, v0;
	s6 =	simm.s32 $0x4;
	[smem:$0x7FC] =	sst s30;
	s31 =	smax.u32 s7, $0x1  }
0x12: {  	v4 =	vor.u32 $0x2000, v0;
	v5 =	vor.u32 $0x2800, v0;
	v6 =	vor.u32 $0x3000, v0;
	s8 =	simm.s32 $0x800;
	s7 =	simm.s32 $0x0;
	[smem:$0x7FD] =	sst s31  }
.LBB2_1:
0x13: {  	s0 =	sld [smem:$0x7F6];
	_ =	sdelay $0x1  }
0x14: {  	s19 =	rddreg [dreg:$0x5]  }
0x15: {  	[tilespmem:s1], [sflag:$0x1] =	stream.linear.gather [hbm4b:s0+s22], $0x3200, $0x38;
	[tilespmem:$0x17480] =	vst v63  }
0x16: {  	s20 =	sld [smem:$0x7F8]  }
0x17: {  	[tilespmem:s3], [sflag:$0x1] =	stream.linear.gather [hbm4b:s19+s22], $0xA00, $0x38;
	[tilespmem:$0x17480] =	vst v63  }
0x18: {  	[smem:$0x7F5] =	sst s7  }
0x19: {  	[tilespmem:s22], [sflag:$0x4] =	stream.linear.gather [hbm4b:s20+s22], $0x200, $0x38;
	[tilespmem:$0x17480] =	vst v63  }
0x1a: {  	_ =	swait.ge [sflag:s6], $0x200  }
0x1b: {  	s23 =	sld [smem:$0x7F9]  }
0x1c: {  	[sflag:s6] =	ssyncset.done $0x0  }
0x1d: {  	s21 =	simm.s32 $0x200;
	[sflag:s6] =	ssyncadd.s32 $0xFFFFFE00  }
0x1e: {  	[tilespmem:s21], [sflag:$0x4] =	stream.linear.gather [hbm4b:s23+s22], $0x200, $0x38;
	[tilespmem:$0x17480] =	vst v63  }
0x1f: {  	_ =	swait.ge [sflag:s6], $0x200  }
0x20: {  	s24 =	sld [smem:$0x7FA]  }
0x21: {  	[sflag:s6] =	ssyncset.done $0x0  }
0x22: {  	s25 =	simm.s32 $0x400;
	[sflag:s6] =	ssyncadd.s32 $0xFFFFFE00  }
0x23: {  	[tilespmem:s25], [sflag:$0x4] =	stream.linear.gather [hbm4b:s24+s22], $0x200, $0x38;
	[tilespmem:$0x17480] =	vst v63  }
0x24: {  	_ =	swait.ge [sflag:s6], $0x200  }
0x25: {  	s26 =	sld [smem:$0x7FB]  }
0x26: {  	[sflag:s6] =	ssyncset.done $0x0  }
0x27: {  	s28 =	simm.s32 $0x600;
	[sflag:s6] =	ssyncadd.s32 $0xFFFFFE00  }
0x28: {  	[tilespmem:s28], [sflag:$0x4] =	stream.linear.gather [hbm4b:s26+s22], $0x200, $0x38;
	[tilespmem:$0x17480] =	vst v63  }
0x29: {  	_ =	swait.ge [sflag:s6], $0x200  }
0x2a: {  	s31 =	sld [smem:$0x7F7]  }
0x2b: {  	[sflag:s6] =	ssyncset.done $0x0  }
0x2c: {  	[sflag:s6] =	ssyncadd.s32 $0xFFFFFE00  }
0x2d: {  	[tilespmem:s8], [sflag:$0x4] =	stream.linear.gather [hbm4b:s31+s22], $0x180, $0x38;
	[tilespmem:$0x17480] =	vst v63  }
0x2e: {  	_ =	swait.ge [sflag:s6], $0x180  }
0x2f: {  	[sflag:s6] =	ssyncset.done $0x0  }
0x30: {  	[sflag:s6] =	ssyncadd.s32 $0xFFFFFE80  }
0x31: {  	v9 =	vld [tilespmem:s22+$0x0];
	_ =	sdelay $0x1  }
0x32: {  	v10 =	vld [tilespmem:s21+$0x0];
	_ =	sdelay $0x2  }
0x33: {  	v17 =	vshll.u32 v9, $0x4  }
0x34: {  	(v2sf) =	vpush v17, $0x0  }
0x35: {  	v18 =	vshll.u32 v10, $0x4  }
0x36: {  	(v2sf) =	vpush v18, $0x0  }
0x37: {  	(v2sf) =	vpush v17, $0x1;
	_ =	sdelay $0x1  }
0x38: {  	(v2sf) =	vpush v18, $0x1;
	_ =	sdelay $0x1  }
0x39: {  	(v2sf) =	vpush v17, $0x2;
	_ =	sdelay $0x1  }
0x3a: {  	(v2sf) =	vpush v18, $0x2;
	_ =	sdelay $0x1  }
0x3b: {  	(v2sf) =	vpush v17, $0x3  }
0x3c: {  	s30 =	simm.s32 $0x2000;
	s29 =	simm.s32 $0x0;
	v13 =	vld [tilespmem:$0x800]  }
0x3d: {  	s2 =	simm.s32 $0x8980;
	s13 =	simm.s32 $0x980;
	s10 =	simm.s32 $0xB00;
	v14 =	vld [tilespmem:$0x810]  }
0x3e: {  	s12 =	simm.s32 $0x8B00;
	s16 =	simm.s32 $0x8F80;
	s18 =	simm.s32 $0xA00;
	v11 =	vld [tilespmem:$0x820]  }
0x3f: {  	s1 =	simm.s32 $0x8E80;
	s3 =	simm.s32 $0xC00;
	v12 =	vld [tilespmem:$0x850];
	s9 =	spop (v2sf);
	(v2sf) =	vpush v18, $0x3  }
0x40: {  	s24 =	simm.s32 $0xA80;
	s28 =	simm.s32 $0x8A80;
	s8 =	simm.s32 $0xB80;
	v15 =	vld [tilespmem:$0x860]  }
0x41: {  	v16 =	vld [tilespmem:$0x870];
	s21 =	simm.s32 $0x8A00;
	s9 =	sand.u32 $0x1FFFFFF0, s9;
	s11 =	spop (v2sf);
	(v2sf) =	vpush v17, $0x4  }
0x42: {  	v9 =	vld [tilespmem:$0x830];
	s9 =	sadd.s32 s4, s9;
	s14 =	sand.u32 $0x1FFFFFF0, s11;
	s15 =	spop (v2sf)  }
0x43: {  	v10 =	vld [tilespmem:$0x840];
	[tilespmem:s13], [sflag:$0x2] =	stream.linear.gather [hbm4b:s9+s22], $0x80, $0x38  }
0x44: {  	(v2sf) =	vpush v18, $0x4;
	s7 =	sadd.s32 s5, s14;
	s9 =	sand.u32 $0x1FFFFFF0, s15;
	s17 =	spop (v2sf)  }
0x45: {  	(v2sf) =	vpush v17, $0x5;
	[tilespmem:s2], [sflag:$0x3] =	stream.linear.gather [hbm4b:s7+s22], $0x80, $0x38;
	[tilespmem:$0x17480] =	vst v63  }
0x46: {  	s19 =	sadd.s32 s4, s9;
	s20 =	sand.u32 $0x1FFFFFF0, s17;
	s23 =	spop (v2sf)  }
0x47: {  	[tilespmem:s18], [sflag:$0x2] =	stream.linear.gather [hbm4b:s19+s22], $0x80, $0x38;
	[tilespmem:$0x17480] =	vst v63  }
0x48: {  	(v2sf) =	vpush v18, $0x5;
	s9 =	sadd.s32 s5, s20;
	s7 =	sand.u32 $0x1FFFFFF0, s23;
	s25 =	spop (v2sf)  }
0x49: {  	[tilespmem:s21], [sflag:$0x3] =	stream.linear.gather [hbm4b:s9+s22], $0x80, $0x38;
	[tilespmem:$0x17480] =	vst v63  }
0x4a: {  	(v2sf) =	vpush v17, $0x6;
	s7 =	sadd.s32 s4, s7;
	s26 =	spop (v2sf);
	s9 =	sand.u32 $0x1FFFFFF0, s25  }
0x4b: {  	[tilespmem:s24], [sflag:$0x2] =	stream.linear.gather [hbm4b:s7+s22], $0x80, $0x38;
	[tilespmem:$0x17480] =	vst v63  }
0x4c: {  	s6 =	simm.s32 $0xE00;
	(v2sf) =	vpush v18, $0x6;
	s2 =	sand.u32 $0x1FFFFFF0, s26;
	s31 =	sadd.s32 s5, s9  }
0x4d: {  	[tilespmem:s28], [sflag:$0x3] =	stream.linear.gather [hbm4b:s31+s22], $0x80, $0x38;
	[tilespmem:$0x17480] =	vst v63  }
0x4e: {  	s11 =	simm.s32 $0x8B80;
	s9 =	sadd.s32 s4, s2;
	s13 =	spop (v2sf)  }
0x4f: {  	[tilespmem:s10], [sflag:$0x2] =	stream.linear.gather [hbm4b:s9+s22], $0x80, $0x38;
	[tilespmem:$0x17480] =	vst v63  }
0x50: {  	s17 =	simm.s32 $0x8C00;
	(v2sf) =	vpush v17, $0x7;
	s7 =	sand.u32 $0x1FFFFFF0, s13;
	s14 =	spop (v2sf)  }
0x51: {  	s20 =	simm.s32 $0xC80;
	s7 =	sadd.s32 s5, s7;
	s9 =	sand.u32 $0x1FFFFFF0, s14  }
0x52: {  	(v2sf) =	vpush v18, $0x7;
	[tilespmem:s12], [sflag:$0x3] =	stream.linear.gather [hbm4b:s7+s22], $0x80, $0x38;
	[tilespmem:$0x17480] =	vst v63  }
0x53: {  	s2 =	simm.s32 $0x1000;
	s15 =	spop (v2sf);
	(v2sf) =	vpush v17, $0x8;
	s18 =	sadd.s32 s4, s9  }
0x54: {  	s19 =	sand.u32 $0x1FFFFFF0, s15;
	s21 =	spop (v2sf);
	s7 =	simm.s32 $0x8F00  }
0x55: {  	(v2sf) =	vpush v18, $0x8;
	s15 =	simm.s32 $0xD00;
	s23 =	sadd.s32 s5, s19;
	s24 =	sand.u32 $0x1FFFFFF0, s21  }
0x56: {  	(v2sf) =	vpush v17, $0x9;
	[tilespmem:s8], [sflag:$0x2] =	stream.linear.gather [hbm4b:s18+s22], $0x80, $0x38;
	[tilespmem:$0x17480] =	vst v63  }
0x57: {  	s25 =	spop (v2sf);
	s19 =	simm.s32 $0x9000;
	s0 =	sadd.s32 s4, s24  }
0x58: {  	(v2sf) =	vpush v18, $0x9;
	[tilespmem:s11], [sflag:$0x3] =	stream.linear.gather [hbm4b:s23+s22], $0x80, $0x38;
	[tilespmem:$0x17480] =	vst v63  }
0x59: {  	s9 =	sand.u32 $0x1FFFFFF0, s25;
	s26 =	spop (v2sf);
	s8 =	simm.s32 $0x8E00;
	(v2sf) =	vpush v17, $0xA  }
0x5a: {  	[tilespmem:s3], [sflag:$0x2] =	stream.linear.gather [hbm4b:s0+s22], $0x80, $0x38;
	[tilespmem:$0x17480] =	vst v63  }
0x5b: {  	s28 =	sadd.s32 s5, s9;
	s31 =	sand.u32 $0x1FFFFFF0, s26;
	s11 =	spop (v2sf);
	(v2sf) =	vpush v18, $0xA  }
0x5c: {  	[tilespmem:s17], [sflag:$0x3] =	stream.linear.gather [hbm4b:s28+s22], $0x80, $0x38;
	[tilespmem:$0x17480] =	vst v63  }
0x5d: {  	s26 =	simm.s32 $0x8D80;
	s9 =	sadd.s32 s4, s31;
	s12 =	sand.u32 $0x1FFFFFF0, s11  }
0x5e: {  	[tilespmem:s20], [sflag:$0x2] =	stream.linear.gather [hbm4b:s9+s22], $0x80, $0x38;
	[tilespmem:$0x17480] =	vst v63  }
0x5f: {  	s3 =	simm.s32 $0x8C80;
	s9 =	sadd.s32 s5, s12;
	s13 =	spop (v2sf)  }
0x60: {  	[tilespmem:s3], [sflag:$0x3] =	stream.linear.gather [hbm4b:s9+s22], $0x80, $0x38;
	[tilespmem:$0x17480] =	vst v63  }
0x61: {  	s23 =	simm.s32 $0xD80;
	(v2sf) =	vpush v17, $0xB;
	s10 =	sand.u32 $0x1FFFFFF0, s13;
	s14 =	spop (v2sf)  }
0x62: {  	s20 =	simm.s32 $0x8D00;
	s17 =	sadd.s32 s4, s10;
	s21 =	spop (v2sf)  }
0x63: {  	(v2sf) =	vpush v18, $0xB;
	[tilespmem:s15], [sflag:$0x2] =	stream.linear.gather [hbm4b:s17+s22], $0x80, $0x38;
	[tilespmem:$0x17480] =	vst v63  }
0x64: {  	s3 =	simm.s32 $0xE80;
	s18 =	sand.u32 $0x1FFFFFF0, s14;
	s24 =	spop (v2sf)  }
0x65: {  	s10 =	sadd.s32 s5, s18;
	s9 =	sand.u32 $0x1FFFFFF0, s21;
	s25 =	spop (v2sf)  }
0x66: {  	[tilespmem:s20], [sflag:$0x3] =	stream.linear.gather [hbm4b:s10+s22], $0x80, $0x38;
	[tilespmem:$0x17480] =	vst v63  }
0x67: {  	(v2sf) =	vpush v17, $0xC;
	s9 =	sadd.s32 s4, s9;
	s10 =	sand.u32 $0x1FFFFFF0, s24;
	s12 =	spop (v2sf)  }
0x68: {  	s31 =	sand.u32 $0x1FFFFFF0, s25;
	s24 =	simm.s32 $0xF00;
	s13 =	spop (v2sf)  }
0x69: {  	(v2sf) =	vpush v18, $0xC;
	[tilespmem:s23], [sflag:$0x2] =	stream.linear.gather [hbm4b:s9+s22], $0x80, $0x38;
	[tilespmem:$0x17480] =	vst v63  }
0x6a: {  	s28 =	sadd.s32 s5, s10;
	s9 =	sand.u32 $0x1FFFFFF0, s12;
	s14 =	spop (v2sf)  }
0x6b: {  	[tilespmem:s26], [sflag:$0x3] =	stream.linear.gather [hbm4b:s28+s22], $0x80, $0x38;
	[tilespmem:$0x17480] =	vst v63  }
0x6c: {  	s10 =	sadd.s32 s4, s31;
	s9 =	sadd.s32 s5, s9;
	s17 =	sand.u32 $0x1FFFFFF0, s14  }
0x6d: {  	[tilespmem:s6], [sflag:$0x2] =	stream.linear.gather [hbm4b:s10+s22], $0x80, $0x38;
	[tilespmem:$0x17480] =	vst v63  }
0x6e: {  	s20 =	sadd.s32 s5, s17;
	s17 =	simm.s32 $0x10;
	s10 =	sand.u32 $0x1FFFFFF0, s13  }
0x6f: {  	[tilespmem:s8], [sflag:$0x3] =	stream.linear.gather [hbm4b:s9+s22], $0x80, $0x38;
	[tilespmem:$0x17480] =	vst v63  }
0x70: {  	s6 =	simm.s32 $0xF80;
	s15 =	sadd.s32 s4, s10;
	s18 =	spop (v2sf)  }
0x71: {  	[tilespmem:s3], [sflag:$0x2] =	stream.linear.gather [hbm4b:s15+s22], $0x80, $0x38;
	[tilespmem:$0x17480] =	vst v63  }
0x72: {  	s21 =	sand.u32 $0x1FFFFFF0, s18;
	s23 =	spop (v2sf);
	s18 =	simm.s32 $0x210  }
0x73: {  	(v2sf) =	vpush v17, $0xD;
	[tilespmem:s1], [sflag:$0x3] =	stream.linear.gather [hbm4b:s20+s22], $0x80, $0x38;
	[tilespmem:$0x17480] =	vst v63  }
0x74: {  	(v2sf) =	vpush v18, $0xD;
	s25 =	sadd.s32 s4, s21;
	s26 =	sand.u32 $0x1FFFFFF0, s23;
	s1 =	simm.s32 $0x0  }
0x75: {  	(v2sf) =	vpush v17, $0xE;
	[tilespmem:s24], [sflag:$0x2] =	stream.linear.gather [hbm4b:s25+s22], $0x80, $0x38;
	[tilespmem:$0x17480] =	vst v63  }
0x76: {  	s28 =	sadd.s32 s5, s26;
	(v2sf) =	vpush v18, $0xE;
	s26 =	simm.s32 $0x9080;
	s31 =	spop (v2sf)  }
0x77: {  	(v2sf) =	vpush v17, $0xF;
	[tilespmem:s7], [sflag:$0x3] =	stream.linear.gather [hbm4b:s28+s22], $0x80, $0x38;
	[tilespmem:$0x17480] =	vst v63  }
0x78: {  	s0 =	sand.u32 $0x1FFFFFF0, s31;
	s8 =	spop (v2sf);
	(v2sf) =	vpush v18, $0xF;
	s7 =	simm.s32 $0x1080  }
.LBB2_2:
0x79: {  	_ =	sdelay $0x4  }
0x7a: {  	s0 =	sadd.s32 s4, s0;
	s8 =	sand.u32 $0x1FFFFFF0, s8  }
0x7b: {  	[tilespmem:s6], [sflag:$0x2] =	stream.linear.gather [hbm4b:s0+s1], $0x80, $0x38;
	[tilespmem:$0x17480] =	vst v63  }
0x7c: {  	s23 =	sadd.s32 s5, s8  }
0x7d: {  	[tilespmem:s16], [sflag:$0x3] =	stream.linear.gather [hbm4b:s23+s1], $0x80, $0x38;
	[tilespmem:$0x17480] =	vst v63  }
0x7e: {  	s9 =	spop (v2sf)  }
0x7f: {  	s24 =	sand.u32 $0x1FFFFFF0, s9;
	s25 =	spop (v2sf)  }
0x80: {  	s28 =	sadd.s32 s4, s24;
	s31 =	sand.u32 $0x1FFFFFF0, s25;
	s3 =	spop (v2sf)  }
0x81: {  	[tilespmem:s2], [sflag:$0x2] =	stream.linear.gather [hbm4b:s28+s1], $0x80, $0x38;
	[tilespmem:$0x17480] =	vst v63  }
0x82: {  	s6 =	sadd.s32 s5, s31;
	s9 =	sand.u32 $0x1FFFFFF0, s3;
	s10 =	spop (v2sf)  }
0x83: {  	[tilespmem:s19], [sflag:$0x3] =	stream.linear.gather [hbm4b:s6+s1], $0x80, $0x38;
	[tilespmem:$0x17480] =	vst v63  }
0x84: {  	s11 =	sadd.s32 s4, s9;
	s3 =	sand.u32 $0x1FFFFFF0, s10;
	s12 =	spop (v2sf)  }
0x85: {  	[tilespmem:s7], [sflag:$0x2] =	stream.linear.gather [hbm4b:s11+s1], $0x80, $0x38;
	[tilespmem:$0x17480] =	vst v63  }
0x86: {  	s13 =	sadd.s32 s5, s3;
	s14 =	sand.u32 $0x1FFFFFF0, s12;
	s15 =	spop (v2sf)  }
0x87: {  	[tilespmem:s26], [sflag:$0x3] =	stream.linear.gather [hbm4b:s13+s1], $0x80, $0x38;
	[tilespmem:$0x17480] =	vst v63  }
0x88: {  	s16 =	sadd.s32 $0x1100, s29;
	s3 =	sadd.s32 s4, s14;
	s6 =	sand.u32 $0x1FFFFFF0, s15  }
0x89: {  	[tilespmem:s16], [sflag:$0x2] =	stream.linear.gather [hbm4b:s3+s1], $0x80, $0x38;
	[tilespmem:$0x17480] =	vst v63  }
0x8a: {  	s19 =	sadd.s32 $0x9100, s29;
	s20 =	sadd.s32 s5, s6  }
0x8b: {  	[tilespmem:s19], [sflag:$0x3] =	stream.linear.gather [hbm4b:s20+s1], $0x80, $0x38;
	[tilespmem:$0x17480] =	vst v63  }
0x8c: {  	v17 =	vld [tilespmem:s17+$0x0]  }
0x8d: {  	v19 =	vld [tilespmem:s18+$0x0];
	_ =	sdelay $0x3  }
0x8e: {  	v18 =	vshll.u32 v17, $0x4  }
0x8f: {  	v17 =	vshll.u32 v19, $0x4;
	(v2sf) =	vpush v18, $0x0  }
0x90: {  	s21 =	smov.u32 s30;
	(v2sf) =	vpush v17, $0x0  }
0x91: {  	p0 =	sne.s32 s30, $0xE000;
	s30 =	sadd.s32 $0x2000, s30;
	s29 =	sshra.s32 s21, $0x2;
	(v2sf) =	vpush v18, $0x1  }
0x92: {  	s10 =	sadd.s32 $0x8980, s29;
	s0 =	sadd.s32 $0xC00, s29;
	s23 =	sadd.s32 $0xE00, s29  }
0x93: {  	s14 =	sadd.s32 $0xB80, s29;
	s24 =	sadd.s32 $0x8E80, s29;
	s31 =	sadd.s32 $0xB00, s29;
	(v2sf) =	vpush v17, $0x1  }
0x94: {  	s9 =	sadd.s32 $0xA80, s29;
	s21 =	sadd.s32 $0x8B80, s29;
	s2 =	sadd.s32 $0x1000, s29  }
0x95: {  	s8 =	sadd.s32 $0x8A80, s29;
	s15 =	sadd.s32 $0x8C00, s29;
	[smem:$0x7F1] =	sst s0;
	(v2sf) =	vpush v18, $0x2  }
0x96: {  	s25 =	sadd.s32 $0x8F00, s29;
	s28 =	sadd.s32 $0xE80, s29;
	[dreg:$0x10] =	wrdreg s23  }
0x97: {  	s12 =	sadd.s32 $0xA00, s29;
	s11 =	sadd.s32 $0x980, s29;
	[dreg:$0x8] =	wrdreg s24;
	(v2sf) =	vpush v17, $0x2  }
0x98: {  	s23 =	sadd.s32 $0x8B00, s29;
	s0 =	sadd.s32 $0x8A00, s29;
	[dreg:$0xc] =	wrdreg s25;
	(v2sf) =	vpush v18, $0x3  }
0x99: {  	s24 =	sadd.s32 $0xC80, s29;
	[dreg:$0x14] =	wrdreg s28;
	s6 =	sadd.s32 $0x8D80, s29  }
0x9a: {  	s25 =	sadd.s32 $0x8C80, s29;
	s7 =	sadd.s32 $0x8D00, s29;
	[smem:$0x7F4] =	sst s6;
	(v2sf) =	vpush v17, $0x3  }
0x9b: {  	s28 =	sadd.s32 $0xD00, s29;
	[smem:$0x7F2] =	sst s7;
	s26 =	sadd.s32 $0x8E00, s29  }
0x9c: {  	s6 =	sadd.s32 $0xF80, s29;
	s13 =	sadd.s32 $0xD80, s29;
	[dreg:$0x18] =	wrdreg s26  }
0x9d: {  	s7 =	sadd.s32 $0x1080, s29;
	[smem:$0x7F3] =	sst s13;
	s26 =	sadd.s32 $0x9080, s29  }
0x9e: {  	s1 =	simm.s32 $0x0;
	s20 =	sadd.s32 $0xF00, s29;
	(v2sf) =	vpush v18, $0x4;
	s13 =	spop (v2sf)  }
0x9f: {  	[dreg:$0x1c] =	wrdreg s20;
	s13 =	sand.u32 $0x1FFFFFF0, s13;
	s20 =	spop (v2sf)  }
0xa0: {  	(v2sf) =	vpush v17, $0x4;
	s13 =	sadd.s32 s4, s13;
	s3 =	sand.u32 $0x1FFFFFF0, s20;
	s20 =	spop (v2sf)  }
0xa1: {  	[tilespmem:s11], [sflag:$0x2] =	stream.linear.gather [hbm4b:s13+s1], $0x80, $0x38;
	[tilespmem:$0x17480] =	vst v63  }
0xa2: {  	(v2sf) =	vpush v18, $0x5;
	s3 =	sadd.s32 s5, s3;
	s13 =	sand.u32 $0x1FFFFFF0, s20;
	s20 =	spop (v2sf)  }
0xa3: {  	(v2sf) =	vpush v17, $0x5;
	[tilespmem:s10], [sflag:$0x3] =	stream.linear.gather [hbm4b:s3+s1], $0x80, $0x38;
	[tilespmem:$0x17480] =	vst v63  }
0xa4: {  	s11 =	sadd.s32 s4, s13;
	s13 =	sand.u32 $0x1FFFFFF0, s20;
	s20 =	spop (v2sf)  }
0xa5: {  	(v2sf) =	vpush v18, $0x6;
	[tilespmem:s12], [sflag:$0x2] =	stream.linear.gather [hbm4b:s11+s1], $0x80, $0x38;
	[tilespmem:$0x17480] =	vst v63  }
0xa6: {  	s12 =	sadd.s32 s5, s13;
	s13 =	sand.u32 $0x1FFFFFF0, s20;
	s20 =	spop (v2sf)  }
0xa7: {  	s16 =	sadd.s32 $0x8F80, s29;
	s19 =	sadd.s32 $0x9000, s29;
	(v2sf) =	vpush v17, $0x6;
	s11 =	spop (v2sf)  }
0xa8: {  	[tilespmem:s0], [sflag:$0x3] =	stream.linear.gather [hbm4b:s12+s1], $0x80, $0x38;
	[tilespmem:$0x17480] =	vst v63  }
0xa9: {  	s3 =	sadd.s32 s4, s13;
	s10 =	sand.u32 $0x1FFFFFF0, s20;
	(v2sf) =	vpush v18, $0x7;
	s20 =	spop (v2sf)  }
0xaa: {  	(v2sf) =	vpush v17, $0x7;
	[tilespmem:s9], [sflag:$0x2] =	stream.linear.gather [hbm4b:s3+s1], $0x80, $0x38;
	[tilespmem:$0x17480] =	vst v63  }
0xab: {  	s17 =	sadd.s32 $0x10, s17;
	s12 =	sadd.s32 s5, s10;
	s13 =	sand.u32 $0x1FFFFFF0, s11  }
0xac: {  	[tilespmem:s8], [sflag:$0x3] =	stream.linear.gather [hbm4b:s12+s1], $0x80, $0x38;
	[tilespmem:$0x17480] =	vst v63  }
0xad: {  	s10 =	spop (v2sf);
	s9 =	sand.u32 $0x1FFFFFF0, s20;
	s8 =	sadd.s32 s4, s13  }
0xae: {  	(v2sf) =	vpush v18, $0x8;
	[tilespmem:s31], [sflag:$0x2] =	stream.linear.gather [hbm4b:s8+s1], $0x80, $0x38;
	[tilespmem:$0x17480] =	vst v63  }
0xaf: {  	s18 =	sadd.s32 $0x10, s18;
	s11 =	sadd.s32 s5, s9;
	s13 =	spop (v2sf)  }
0xb0: {  	[tilespmem:s23], [sflag:$0x3] =	stream.linear.gather [hbm4b:s11+s1], $0x80, $0x38;
	[tilespmem:$0x17480] =	vst v63  }
0xb1: {  	s12 =	sand.u32 $0x1FFFFFF0, s10;
	s23 =	sand.u32 $0x1FFFFFF0, s13;
	s31 =	spop (v2sf)  }
0xb2: {  	s20 =	sadd.s32 s4, s12;
	(v2sf) =	vpush v17, $0x8;
	s9 =	sadd.s32 s5, s23;
	s11 =	spop (v2sf)  }
0xb3: {  	(v2sf) =	vpush v18, $0x9;
	[tilespmem:s14], [sflag:$0x2] =	stream.linear.gather [hbm4b:s20+s1], $0x80, $0x38;
	[tilespmem:$0x17480] =	vst v63  }
0xb4: {  	s10 =	sand.u32 $0x1FFFFFF0, s31;
	s14 =	spop (v2sf);
	s20 =	sld [smem:$0x7F1]  }
0xb5: {  	(v2sf) =	vpush v17, $0x9;
	[tilespmem:s21], [sflag:$0x3] =	stream.linear.gather [hbm4b:s9+s1], $0x80, $0x38;
	[tilespmem:$0x17480] =	vst v63  }
0xb6: {  	s12 =	sadd.s32 s4, s10;
	s13 =	sand.u32 $0x1FFFFFF0, s11;
	s31 =	spop (v2sf)  }
0xb7: {  	[tilespmem:s20], [sflag:$0x2] =	stream.linear.gather [hbm4b:s12+s1], $0x80, $0x38;
	[tilespmem:$0x17480] =	vst v63  }
0xb8: {  	s23 =	sand.u32 $0x1FFFFFF0, s14;
	s21 =	sadd.s32 s5, s13;
	s9 =	spop (v2sf)  }
0xb9: {  	(v2sf) =	vpush v18, $0xA;
	s3 =	sadd.s32 s4, s23;
	s8 =	sand.u32 $0x1FFFFFF0, s31;
	s12 =	spop (v2sf)  }
0xba: {  	[tilespmem:s15], [sflag:$0x3] =	stream.linear.gather [hbm4b:s21+s1], $0x80, $0x38;
	[tilespmem:$0x17480] =	vst v63  }
0xbb: {  	(v2sf) =	vpush v17, $0xA;
	s10 =	sadd.s32 s5, s8;
	s11 =	sand.u32 $0x1FFFFFF0, s9;
	s14 =	sand.u32 $0x1FFFFFF0, s12  }
0xbc: {  	[tilespmem:s24], [sflag:$0x2] =	stream.linear.gather [hbm4b:s3+s1], $0x80, $0x38;
	[tilespmem:$0x17480] =	vst v63  }
0xbd: {  	(v2sf) =	vpush v18, $0xB;
	s15 =	spop (v2sf);
	s20 =	sadd.s32 s5, s14;
	s14 =	sld [smem:$0x7F4]  }
0xbe: {  	[tilespmem:s25], [sflag:$0x3] =	stream.linear.gather [hbm4b:s10+s1], $0x80, $0x38;
	[tilespmem:$0x17480] =	vst v63  }
0xbf: {  	(v2sf) =	vpush v17, $0xB;
	s13 =	sadd.s32 s4, s11;
	s21 =	sand.u32 $0x1FFFFFF0, s15;
	s24 =	sld [smem:$0x7F2]  }
0xc0: {  	[tilespmem:s28], [sflag:$0x2] =	stream.linear.gather [hbm4b:s13+s1], $0x80, $0x38;
	[tilespmem:$0x17480] =	vst v63  }
0xc1: {  	(v2sf) =	vpush v18, $0xC;
	s25 =	sadd.s32 s4, s21;
	s10 =	sld [smem:$0x7F3];
	s23 =	spop (v2sf)  }
0xc2: {  	s28 =	sand.u32 $0x1FFFFFF0, s23;
	s31 =	spop (v2sf);
	s23 =	rddreg [dreg:$0x10]  }
0xc3: {  	[tilespmem:s24], [sflag:$0x3] =	stream.linear.gather [hbm4b:s20+s1], $0x80, $0x38;
	[tilespmem:$0x17480] =	vst v63  }
0xc4: {  	(v2sf) =	vpush v17, $0xC;
	s11 =	sadd.s32 s5, s28;
	s12 =	sand.u32 $0x1FFFFFF0, s31;
	s13 =	spop (v2sf)  }
0xc5: {  	[tilespmem:s10], [sflag:$0x2] =	stream.linear.gather [hbm4b:s25+s1], $0x80, $0x38;
	[tilespmem:$0x17480] =	vst v63  }
0xc6: {  	s31 =	rddreg [dreg:$0x18];
	s15 =	sadd.s32 s4, s12;
	s20 =	sand.u32 $0x1FFFFFF0, s13  }
0xc7: {  	[tilespmem:s14], [sflag:$0x3] =	stream.linear.gather [hbm4b:s11+s1], $0x80, $0x38;
	[tilespmem:$0x17480] =	vst v63  }
0xc8: {  	s21 =	spop (v2sf);
	s13 =	rddreg [dreg:$0x14];
	s24 =	sadd.s32 s5, s20  }
0xc9: {  	[tilespmem:s23], [sflag:$0x2] =	stream.linear.gather [hbm4b:s15+s1], $0x80, $0x38;
	[tilespmem:$0x17480] =	vst v63  }
0xca: {  	s25 =	sand.u32 $0x1FFFFFF0, s21;
	s21 =	rddreg [dreg:$0x8];
	s28 =	spop (v2sf)  }
0xcb: {  	[tilespmem:s31], [sflag:$0x3] =	stream.linear.gather [hbm4b:s24+s1], $0x80, $0x38;
	[tilespmem:$0x17480] =	vst v63  }
0xcc: {  	s10 =	sadd.s32 s4, s25;
	s11 =	sand.u32 $0x1FFFFFF0, s28;
	s12 =	spop (v2sf)  }
0xcd: {  	[tilespmem:s13], [sflag:$0x2] =	stream.linear.gather [hbm4b:s10+s1], $0x80, $0x38;
	[tilespmem:$0x17480] =	vst v63  }
0xce: {  	s28 =	rddreg [dreg:$0x1c];
	s14 =	sadd.s32 s5, s11;
	s20 =	spop (v2sf)  }
0xcf: {  	(v2sf) =	vpush v18, $0xD;
	[tilespmem:s21], [sflag:$0x3] =	stream.linear.gather [hbm4b:s14+s1], $0x80, $0x38;
	[tilespmem:$0x17480] =	vst v63  }
.Ltmp0:
0xd0: {  	(v2sf) =	vpush v17, $0xD;
	s15 =	sand.u32 $0x1FFFFFF0, s12;
	s25 =	spop (v2sf);
	(pc) =	sbr.rel @p0 .LBB2_2-.Ltmp0, $4  }
0xd1: {  	(v2sf) =	vpush v18, $0xE;
	s23 =	sadd.s32 s4, s15;
	s24 =	sand.u32 $0x1FFFFFF0, s20;
	s0 =	sand.u32 $0x1FFFFFF0, s25  }
0xd2: {  	(v2sf) =	vpush v17, $0xE;
	[tilespmem:s28], [sflag:$0x2] =	stream.linear.gather [hbm4b:s23+s1], $0x80, $0x38;
	[tilespmem:$0x17480] =	vst v63  }
0xd3: {  	(v2sf) =	vpush v18, $0xF;
	s31 =	rddreg [dreg:$0xc];
	s3 =	sadd.s32 s5, s24;
	s8 =	spop (v2sf)  }
0xd4: {  	(v2sf) =	vpush v17, $0xF;
	[tilespmem:s31], [sflag:$0x3] =	stream.linear.gather [hbm4b:s3+s1], $0x80, $0x38;
	[tilespmem:$0x17480] =	vst v63  }
0xd5: {  	_ =	sdelay $0x4  }
0xd6: {  	s0 =	sadd.s32 s4, s0;
	s3 =	sand.u32 $0x1FFFFFF0, s8  }
0xd7: {  	[tilespmem:s6], [sflag:$0x2] =	stream.linear.gather [hbm4b:s0+s1], $0x80, $0x38;
	[tilespmem:$0x17480] =	vst v63  }
0xd8: {  	s14 =	sadd.s32 s5, s3  }
0xd9: {  	[tilespmem:s16], [sflag:$0x3] =	stream.linear.gather [hbm4b:s14+s1], $0x80, $0x38;
	[tilespmem:$0x17480] =	vst v63  }
0xda: {  	s13 =	spop (v2sf)  }
0xdb: {  	s15 =	sand.u32 $0x1FFFFFF0, s13;
	s17 =	spop (v2sf)  }
0xdc: {  	s18 =	sadd.s32 s4, s15;
	s20 =	sand.u32 $0x1FFFFFF0, s17;
	s21 =	spop (v2sf)  }
0xdd: {  	[tilespmem:s2], [sflag:$0x2] =	stream.linear.gather [hbm4b:s18+s1], $0x80, $0x38;
	[tilespmem:$0x17480] =	vst v63  }
0xde: {  	s23 =	sadd.s32 s5, s20;
	s24 =	sand.u32 $0x1FFFFFF0, s21;
	s25 =	spop (v2sf)  }
0xdf: {  	[tilespmem:s19], [sflag:$0x3] =	stream.linear.gather [hbm4b:s23+s1], $0x80, $0x38;
	[tilespmem:$0x17480] =	vst v63  }
0xe0: {  	s28 =	sadd.s32 s4, s24;
	s31 =	sand.u32 $0x1FFFFFF0, s25;
	s2 =	spop (v2sf)  }
0xe1: {  	[tilespmem:s7], [sflag:$0x2] =	stream.linear.gather [hbm4b:s28+s1], $0x80, $0x38;
	[tilespmem:$0x17480] =	vst v63  }
0xe2: {  	s8 =	sadd.s32 s5, s31;
	s9 =	sand.u32 $0x1FFFFFF0, s2;
	s10 =	spop (v2sf)  }
0xe3: {  	[tilespmem:s26], [sflag:$0x3] =	stream.linear.gather [hbm4b:s8+s1], $0x80, $0x38;
	[tilespmem:$0x17480] =	vst v63  }
0xe4: {  	s11 =	sadd.s32 $0x1100, s29;
	s3 =	sadd.s32 s4, s9;
	s6 =	sand.u32 $0x1FFFFFF0, s10  }
0xe5: {  	[tilespmem:s11], [sflag:$0x2] =	stream.linear.gather [hbm4b:s3+s1], $0x80, $0x38;
	[tilespmem:$0x17480] =	vst v63  }
0xe6: {  	s12 =	sadd.s32 $0x9100, s29;
	s14 =	simm.s32 $0x80;
	s13 =	sadd.s32 s5, s6  }
0xe7: {  	[tilespmem:s12], [sflag:$0x3] =	stream.linear.gather [hbm4b:s13+s1], $0x80, $0x38;
	[tilespmem:$0x17480] =	vst v63  }
0xe8: {  	s15 =	simm.s32 $0x280;
	v17 =	vld [tilespmem:s14+$0x0]  }
0xe9: {  	v19 =	vld [tilespmem:s15+$0x0];
	_ =	sdelay $0x3  }
0xea: {  	v18 =	vshll.u32 v17, $0x4  }
0xeb: {  	v17 =	vshll.u32 v19, $0x4;
	(v2sf) =	vpush v18, $0x0  }
0xec: {  	(v2sf) =	vpush v17, $0x0  }
0xed: {  	(v2sf) =	vpush v18, $0x1;
	_ =	sdelay $0x1  }
0xee: {  	(v2sf) =	vpush v17, $0x1  }
0xef: {  	(v2sf) =	vpush v18, $0x2;
	_ =	sdelay $0x1  }
0xf0: {  	(v2sf) =	vpush v17, $0x2;
	_ =	sdelay $0x1  }
0xf1: {  	(v2sf) =	vpush v18, $0x3;
	_ =	sdelay $0x1  }
0xf2: {  	s30 =	simm.s32 $0x2000  }
0xf3: {  	s29 =	simm.s32 $0x0;
	s16 =	simm.s32 $0xC980;
	s17 =	simm.s32 $0x4980  }
0xf4: {  	s21 =	simm.s32 $0x4A00;
	s25 =	simm.s32 $0xCA00;
	s9 =	simm.s32 $0x4B80;
	(v2sf) =	vpush v17, $0x3  }
0xf5: {  	s10 =	simm.s32 $0x4B00;
	s6 =	simm.s32 $0x4E00;
	s7 =	simm.s32 $0xCB00  }
0xf6: {  	s28 =	simm.s32 $0x4A80;
	s3 =	simm.s32 $0x4C00;
	s18 =	spop (v2sf)  }
0xf7: {  	s1 =	simm.s32 $0xCE80;
	s8 =	sand.u32 $0x1FFFFFF0, s18;
	s11 =	spop (v2sf)  }
0xf8: {  	s15 =	simm.s32 $0xCF80;
	(v2sf) =	vpush v18, $0x4;
	s8 =	sadd.s32 s4, s8;
	s20 =	spop (v2sf)  }
0xf9: {  	(v2sf) =	vpush v17, $0x4;
	[tilespmem:s17], [sflag:$0x2] =	stream.linear.gather [hbm4b:s8+s22], $0x80, $0x38;
	[tilespmem:$0x17480] =	vst v63  }
0xfa: {  	s18 =	simm.s32 $0xCB80;
	s19 =	sand.u32 $0x1FFFFFF0, s11;
	s12 =	spop (v2sf)  }
0xfb: {  	s8 =	sadd.s32 s5, s19;
	s11 =	sand.u32 $0x1FFFFFF0, s20;
	s26 =	spop (v2sf)  }
0xfc: {  	(v2sf) =	vpush v18, $0x5;
	[tilespmem:s16], [sflag:$0x3] =	stream.linear.gather [hbm4b:s8+s22], $0x80, $0x38;
	[tilespmem:$0x17480] =	vst v63  }
0xfd: {  	s23 =	sadd.s32 s4, s11;
	s24 =	sand.u32 $0x1FFFFFF0, s12;
	s31 =	spop (v2sf)  }
0xfe: {  	(v2sf) =	vpush v17, $0x5;
	[tilespmem:s21], [sflag:$0x2] =	stream.linear.gather [hbm4b:s23+s22], $0x80, $0x38;
	[tilespmem:$0x17480] =	vst v63  }
0xff: {  	s11 =	sadd.s32 s5, s24;
	(v2sf) =	vpush v18, $0x6;
	s8 =	sand.u32 $0x1FFFFFF0, s26;
	s2 =	spop (v2sf)  }
0x100: {  	[tilespmem:s25], [sflag:$0x3] =	stream.linear.gather [hbm4b:s11+s22], $0x80, $0x38;
	[tilespmem:$0x17480] =	vst v63  }
0x101: {  	s8 =	sadd.s32 s4, s8;
	(v2sf) =	vpush v17, $0x6;
	s14 =	sand.u32 $0x1FFFFFF0, s2;
	s11 =	sand.u32 $0x1FFFFFF0, s31  }
0x102: {  	[tilespmem:s28], [sflag:$0x2] =	stream.linear.gather [hbm4b:s8+s22], $0x80, $0x38;
	[tilespmem:$0x17480] =	vst v63  }
0x103: {  	s16 =	spop (v2sf);
	s13 =	sadd.s32 s5, s11;
	s8 =	simm.s32 $0xCA80  }
0x104: {  	(v2sf) =	vpush v18, $0x7;
	[tilespmem:s8], [sflag:$0x3] =	stream.linear.gather [hbm4b:s13+s22], $0x80, $0x38;
	[tilespmem:$0x17480] =	vst v63  }
0x105: {  	s24 =	simm.s32 $0x5000;
	s17 =	sadd.s32 s4, s14;
	s0 =	sand.u32 $0x1FFFFFF0, s16  }
0x106: {  	(v2sf) =	vpush v17, $0x7;
	[tilespmem:s10], [sflag:$0x2] =	stream.linear.gather [hbm4b:s17+s22], $0x80, $0x38;
	[tilespmem:$0x17480] =	vst v63  }
0x107: {  	s14 =	simm.s32 $0xD000;
	s0 =	sadd.s32 s5, s0;
	s19 =	spop (v2sf)  }
0x108: {  	s25 =	simm.s32 $0xCC00;
	s28 =	simm.s32 $0x4C80;
	s20 =	spop (v2sf)  }
0x109: {  	[tilespmem:s7], [sflag:$0x3] =	stream.linear.gather [hbm4b:s0+s22], $0x80, $0x38;
	[tilespmem:$0x17480] =	vst v63  }
0x10a: {  	s13 =	simm.s32 $0xCC80;
	(v2sf) =	vpush v18, $0x8;
	s10 =	sand.u32 $0x1FFFFFF0, s19;
	s23 =	sand.u32 $0x1FFFFFF0, s20  }
0x10b: {  	s21 =	sadd.s32 s4, s10;
	s26 =	spop (v2sf);
	s10 =	sadd.s32 s5, s23  }
0x10c: {  	(v2sf) =	vpush v17, $0x8;
	[tilespmem:s9], [sflag:$0x2] =	stream.linear.gather [hbm4b:s21+s22], $0x80, $0x38;
	[tilespmem:$0x17480] =	vst v63  }
0x10d: {  	s31 =	sand.u32 $0x1FFFFFF0, s26;
	s0 =	spop (v2sf);
	s21 =	simm.s32 $0xCD00  }
0x10e: {  	(v2sf) =	vpush v18, $0x9;
	s8 =	sadd.s32 s4, s31;
	s9 =	sand.u32 $0x1FFFFFF0, s0;
	s2 =	spop (v2sf)  }
0x10f: {  	(v2sf) =	vpush v17, $0x9;
	[tilespmem:s18], [sflag:$0x3] =	stream.linear.gather [hbm4b:s10+s22], $0x80, $0x38;
	[tilespmem:$0x17480] =	vst v63  }
0x110: {  	s31 =	simm.s32 $0xCD80;
	s9 =	sadd.s32 s5, s9;
	s12 =	spop (v2sf)  }
0x111: {  	(v2sf) =	vpush v18, $0xA;
	s11 =	sand.u32 $0x1FFFFFF0, s2;
	s18 =	simm.s32 $0x4D00;
	s7 =	sand.u32 $0x1FFFFFF0, s12  }
0x112: {  	[tilespmem:s3], [sflag:$0x2] =	stream.linear.gather [hbm4b:s8+s22], $0x80, $0x38;
	[tilespmem:$0x17480] =	vst v63  }
0x113: {  	(v2sf) =	vpush v17, $0xA;
	s16 =	spop (v2sf);
	s12 =	simm.s32 $0x4E80;
	s8 =	simm.s32 $0xCF00  }
0x114: {  	[tilespmem:s25], [sflag:$0x3] =	stream.linear.gather [hbm4b:s9+s22], $0x80, $0x38;
	[tilespmem:$0x17480] =	vst v63  }
0x115: {  	s7 =	sadd.s32 s5, s7;
	s17 =	spop (v2sf);
	s9 =	sadd.s32 s4, s11  }
0x116: {  	[tilespmem:s28], [sflag:$0x2] =	stream.linear.gather [hbm4b:s9+s22], $0x80, $0x38;
	[tilespmem:$0x17480] =	vst v63  }
0x117: {  	(v2sf) =	vpush v18, $0xB;
	s10 =	sand.u32 $0x1FFFFFF0, s16;
	s3 =	simm.s32 $0xCE00;
	s20 =	sand.u32 $0x1FFFFFF0, s17  }
0x118: {  	[tilespmem:s13], [sflag:$0x3] =	stream.linear.gather [hbm4b:s7+s22], $0x80, $0x38;
	[tilespmem:$0x17480] =	vst v63  }
0x119: {  	(v2sf) =	vpush v17, $0xB;
	s19 =	sadd.s32 s4, s10;
	s10 =	sadd.s32 s5, s20;
	s23 =	spop (v2sf)  }
0x11a: {  	[tilespmem:s18], [sflag:$0x2] =	stream.linear.gather [hbm4b:s19+s22], $0x80, $0x38;
	[tilespmem:$0x17480] =	vst v63  }
0x11b: {  	s25 =	simm.s32 $0x4D80;
	s9 =	sand.u32 $0x1FFFFFF0, s23;
	s26 =	spop (v2sf)  }
0x11c: {  	[tilespmem:s21], [sflag:$0x3] =	stream.linear.gather [hbm4b:s10+s22], $0x80, $0x38;
	[tilespmem:$0x17480] =	vst v63  }
0x11d: {  	s7 =	simm.s32 $0x4F80;
	(v2sf) =	vpush v18, $0xC;
	s9 =	sadd.s32 s4, s9;
	s28 =	spop (v2sf)  }
0x11e: {  	s10 =	sand.u32 $0x1FFFFFF0, s26;
	s2 =	sand.u32 $0x1FFFFFF0, s28;
	s11 =	spop (v2sf)  }
0x11f: {  	(v2sf) =	vpush v17, $0xC;
	[tilespmem:s25], [sflag:$0x2] =	stream.linear.gather [hbm4b:s9+s22], $0x80, $0x38;
	[tilespmem:$0x17480] =	vst v63  }
0x120: {  	s0 =	sadd.s32 s5, s10;
	s10 =	sadd.s32 s4, s2;
	s13 =	spop (v2sf)  }
0x121: {  	[tilespmem:s31], [sflag:$0x3] =	stream.linear.gather [hbm4b:s0+s22], $0x80, $0x38;
	[tilespmem:$0x17480] =	vst v63  }
0x122: {  	s9 =	sand.u32 $0x1FFFFFF0, s11;
	s25 =	simm.s32 $0x4F00;
	s16 =	spop (v2sf)  }
0x123: {  	[tilespmem:s6], [sflag:$0x2] =	stream.linear.gather [hbm4b:s10+s22], $0x80, $0x38;
	[tilespmem:$0x17480] =	vst v63  }
0x124: {  	s9 =	sadd.s32 s5, s9;
	s18 =	sand.u32 $0x1FFFFFF0, s16;
	s10 =	sand.u32 $0x1FFFFFF0, s13  }
0x125: {  	[tilespmem:s3], [sflag:$0x3] =	stream.linear.gather [hbm4b:s9+s22], $0x80, $0x38;
	[tilespmem:$0x17480] =	vst v63  }
0x126: {  	s19 =	spop (v2sf);
	s20 =	sadd.s32 s5, s18;
	s17 =	sadd.s32 s4, s10  }
0x127: {  	[tilespmem:s12], [sflag:$0x2] =	stream.linear.gather [hbm4b:s17+s22], $0x80, $0x38;
	[tilespmem:$0x17480] =	vst v63  }
0x128: {  	s21 =	sand.u32 $0x1FFFFFF0, s19;
	s23 =	spop (v2sf);
	s18 =	simm.s32 $0xD080  }
0x129: {  	(v2sf) =	vpush v18, $0xD;
	[tilespmem:s1], [sflag:$0x3] =	stream.linear.gather [hbm4b:s20+s22], $0x80, $0x38;
	[tilespmem:$0x17480] =	vst v63  }
0x12a: {  	(v2sf) =	vpush v17, $0xD;
	s26 =	sadd.s32 s4, s21;
	s6 =	simm.s32 $0x5080;
	s9 =	sand.u32 $0x1FFFFFF0, s23  }
0x12b: {  	(v2sf) =	vpush v18, $0xE;
	[tilespmem:s25], [sflag:$0x2] =	stream.linear.gather [hbm4b:s26+s22], $0x80, $0x38;
	[tilespmem:$0x17480] =	vst v63  }
0x12c: {  	(v2sf) =	vpush v17, $0xE;
	s28 =	sadd.s32 s5, s9;
	s17 =	simm.s32 $0x90;
	s31 =	spop (v2sf)  }
0x12d: {  	(v2sf) =	vpush v18, $0xF;
	[tilespmem:s8], [sflag:$0x3] =	stream.linear.gather [hbm4b:s28+s22], $0x80, $0x38;
	[tilespmem:$0x17480] =	vst v63  }
0x12e: {  	(v2sf) =	vpush v17, $0xF;
	s1 =	simm.s32 $0x290;
	s9 =	spop (v2sf);
	s8 =	sand.u32 $0x1FFFFFF0, s31  }
.LBB2_4:
0x12f: {  	_ =	sdelay $0x4  }
0x130: {  	s8 =	sadd.s32 s4, s8;
	s9 =	sand.u32 $0x1FFFFFF0, s9  }
0x131: {  	[tilespmem:s7], [sflag:$0x2] =	stream.linear.gather [hbm4b:s8+s22], $0x80, $0x38;
	[tilespmem:$0x17480] =	vst v63  }
0x132: {  	s8 =	sadd.s32 s5, s9  }
0x133: {  	[tilespmem:s15], [sflag:$0x3] =	stream.linear.gather [hbm4b:s8+s22], $0x80, $0x38;
	[tilespmem:$0x17480] =	vst v63  }
0x134: {  	s10 =	spop (v2sf)  }
0x135: {  	s9 =	sand.u32 $0x1FFFFFF0, s10;
	s10 =	spop (v2sf)  }
0x136: {  	s11 =	sadd.s32 s4, s9;
	s12 =	sand.u32 $0x1FFFFFF0, s10;
	s13 =	spop (v2sf)  }
0x137: {  	[tilespmem:s24], [sflag:$0x2] =	stream.linear.gather [hbm4b:s11+s22], $0x80, $0x38;
	[tilespmem:$0x17480] =	vst v63  }
0x138: {  	s0 =	sadd.s32 s5, s12;
	s15 =	sand.u32 $0x1FFFFFF0, s13;
	s16 =	spop (v2sf)  }
0x139: {  	[tilespmem:s14], [sflag:$0x3] =	stream.linear.gather [hbm4b:s0+s22], $0x80, $0x38;
	[tilespmem:$0x17480] =	vst v63  }
0x13a: {  	s19 =	sadd.s32 s4, s15;
	s3 =	sand.u32 $0x1FFFFFF0, s16;
	s20 =	spop (v2sf)  }
0x13b: {  	[tilespmem:s6], [sflag:$0x2] =	stream.linear.gather [hbm4b:s19+s22], $0x80, $0x38;
	[tilespmem:$0x17480] =	vst v63  }
0x13c: {  	s21 =	sadd.s32 s5, s3;
	s23 =	sand.u32 $0x1FFFFFF0, s20;
	s24 =	spop (v2sf)  }
0x13d: {  	[tilespmem:s18], [sflag:$0x3] =	stream.linear.gather [hbm4b:s21+s22], $0x80, $0x38;
	[tilespmem:$0x17480] =	vst v63  }
0x13e: {  	s25 =	sadd.s32 $0x5100, s29;
	s3 =	sadd.s32 s4, s23;
	s6 =	sand.u32 $0x1FFFFFF0, s24  }
0x13f: {  	[tilespmem:s25], [sflag:$0x2] =	stream.linear.gather [hbm4b:s3+s22], $0x80, $0x38;
	[tilespmem:$0x17480] =	vst v63  }
0x140: {  	s26 =	sadd.s32 $0xD100, s29;
	s28 =	sadd.s32 s5, s6  }
0x141: {  	[tilespmem:s26], [sflag:$0x3] =	stream.linear.gather [hbm4b:s28+s22], $0x80, $0x38;
	[tilespmem:$0x17480] =	vst v63  }
0x142: {  	v17 =	vld [tilespmem:s17+$0x0]  }
0x143: {  	v19 =	vld [tilespmem:s1+$0x0];
	_ =	sdelay $0x3  }
0x144: {  	v18 =	vshll.u32 v17, $0x4  }
0x145: {  	v17 =	vshll.u32 v19, $0x4;
	(v2sf) =	vpush v18, $0x0  }
0x146: {  	s31 =	smov.u32 s30;
	(v2sf) =	vpush v17, $0x0  }
0x147: {  	p0 =	sne.s32 s30, $0xE000;
	s30 =	sadd.s32 $0x2000, s30;
	s29 =	sshra.s32 s31, $0x2;
	(v2sf) =	vpush v18, $0x1  }
0x148: {  	s2 =	sadd.s32 $0x4E00, s29;
	s31 =	sadd.s32 $0xCA80, s29;
	s7 =	sadd.s32 $0xCE00, s29  }
0x149: {  	[dreg:$0x11] =	wrdreg s2;
	s2 =	sadd.s32 $0x4B80, s29;
	s8 =	sadd.s32 $0x4A80, s29;
	(v2sf) =	vpush v17, $0x1  }
0x14a: {  	[dreg:$0x19] =	wrdreg s7;
	s7 =	sadd.s32 $0x4F80, s29;
	s9 =	sadd.s32 $0xC980, s29  }
0x14b: {  	s10 =	sadd.s32 $0xCA00, s29;
	s11 =	sadd.s32 $0x4980, s29;
	s12 =	sadd.s32 $0x4E80, s29;
	(v2sf) =	vpush v18, $0x2  }
0x14c: {  	s13 =	sadd.s32 $0xCD80, s29;
	s15 =	sadd.s32 $0xCF80, s29;
	[dreg:$0x15] =	wrdreg s12  }
0x14d: {  	s16 =	sadd.s32 $0x4C80, s29;
	[smem:$0x7F0] =	sst s13;
	s12 =	sadd.s32 $0x4A00, s29;
	(v2sf) =	vpush v17, $0x2  }
0x14e: {  	s0 =	sadd.s32 $0x4C00, s29;
	s14 =	sadd.s32 $0xD000, s29;
	s20 =	sadd.s32 $0x4D00, s29  }
0x14f: {  	[smem:$0x7EE] =	sst s0;
	s23 =	sadd.s32 $0xCB00, s29;
	s24 =	sadd.s32 $0x5000, s29;
	(v2sf) =	vpush v18, $0x3  }
0x150: {  	s19 =	sadd.s32 $0xCC00, s29;
	s6 =	sadd.s32 $0xCF00, s29;
	s21 =	sadd.s32 $0xCB80, s29  }
0x151: {  	[dreg:$0xd] =	wrdreg s6;
	s18 =	sadd.s32 $0x4D80, s29;
	s6 =	sadd.s32 $0x5080, s29;
	(v2sf) =	vpush v17, $0x3  }
0x152: {  	[smem:$0x7EF] =	sst s18;
	s18 =	sadd.s32 $0xD080, s29;
	s3 =	sadd.s32 $0xCE80, s29  }
0x153: {  	s25 =	sadd.s32 $0xCC80, s29;
	[dreg:$0x9] =	wrdreg s3;
	s3 =	sadd.s32 $0x4F00, s29;
	(v2sf) =	vpush v18, $0x4  }
0x154: {  	s28 =	sadd.s32 $0x4B00, s29;
	s26 =	sadd.s32 $0xCD00, s29;
	s13 =	spop (v2sf)  }
0x155: {  	[dreg:$0x1d] =	wrdreg s3;
	s13 =	sand.u32 $0x1FFFFFF0, s13;
	s3 =	spop (v2sf);
	(v2sf) =	vpush v17, $0x4  }
0x156: {  	s13 =	sadd.s32 s4, s13;
	s0 =	sand.u32 $0x1FFFFFF0, s3;
	s3 =	spop (v2sf)  }
0x157: {  	(v2sf) =	vpush v18, $0x5;
	[tilespmem:s11], [sflag:$0x2] =	stream.linear.gather [hbm4b:s13+s22], $0x80, $0x38;
	[tilespmem:$0x17480] =	vst v63  }
0x158: {  	s0 =	sadd.s32 s5, s0;
	s3 =	sand.u32 $0x1FFFFFF0, s3;
	s13 =	spop (v2sf);
	(v2sf) =	vpush v17, $0x5  }
0x159: {  	[tilespmem:s9], [sflag:$0x3] =	stream.linear.gather [hbm4b:s0+s22], $0x80, $0x38;
	[tilespmem:$0x17480] =	vst v63  }
0x15a: {  	s11 =	sand.u32 $0x1FFFFFF0, s13;
	s13 =	spop (v2sf);
	s9 =	sadd.s32 s4, s3  }
0x15b: {  	(v2sf) =	vpush v18, $0x6;
	[tilespmem:s12], [sflag:$0x2] =	stream.linear.gather [hbm4b:s9+s22], $0x80, $0x38;
	[tilespmem:$0x17480] =	vst v63  }
0x15c: {  	s11 =	sadd.s32 s5, s11;
	s12 =	sand.u32 $0x1FFFFFF0, s13;
	s13 =	spop (v2sf)  }
0x15d: {  	(v2sf) =	vpush v17, $0x6;
	[tilespmem:s10], [sflag:$0x3] =	stream.linear.gather [hbm4b:s11+s22], $0x80, $0x38;
	[tilespmem:$0x17480] =	vst v63  }
0x15e: {  	s11 =	sadd.s32 s4, s12;
	s12 =	sand.u32 $0x1FFFFFF0, s13;
	s13 =	spop (v2sf)  }
0x15f: {  	(v2sf) =	vpush v18, $0x7;
	[tilespmem:s8], [sflag:$0x2] =	stream.linear.gather [hbm4b:s11+s22], $0x80, $0x38;
	[tilespmem:$0x17480] =	vst v63  }
0x160: {  	s3 =	sadd.s32 s5, s12;
	s9 =	spop (v2sf);
	s8 =	sand.u32 $0x1FFFFFF0, s13  }
0x161: {  	(v2sf) =	vpush v17, $0x7;
	[tilespmem:s31], [sflag:$0x3] =	stream.linear.gather [hbm4b:s3+s22], $0x80, $0x38;
	[tilespmem:$0x17480] =	vst v63  }
0x162: {  	s11 =	sand.u32 $0x1FFFFFF0, s9;
	s12 =	spop (v2sf);
	s10 =	sadd.s32 s4, s8  }
0x163: {  	[tilespmem:s28], [sflag:$0x2] =	stream.linear.gather [hbm4b:s10+s22], $0x80, $0x38;
	[tilespmem:$0x17480] =	vst v63  }
0x164: {  	s1 =	sadd.s32 $0x10, s1;
	s13 =	sadd.s32 s5, s11;
	s31 =	spop (v2sf)  }
0x165: {  	(v2sf) =	vpush v18, $0x8;
	[tilespmem:s23], [sflag:$0x3] =	stream.linear.gather [hbm4b:s13+s22], $0x80, $0x38;
	[tilespmem:$0x17480] =	vst v63  }
0x166: {  	s17 =	sadd.s32 $0x10, s17;
	s28 =	sand.u32 $0x1FFFFFF0, s12;
	s10 =	spop (v2sf)  }
0x167: {  	(v2sf) =	vpush v17, $0x8;
	s3 =	sadd.s32 s4, s28;
	s9 =	sand.u32 $0x1FFFFFF0, s31;
	s13 =	spop (v2sf)  }
0x168: {  	(v2sf) =	vpush v18, $0x9;
	[tilespmem:s2], [sflag:$0x2] =	stream.linear.gather [hbm4b:s3+s22], $0x80, $0x38;
	[tilespmem:$0x17480] =	vst v63  }
0x169: {  	s31 =	sld [smem:$0x7EE];
	s11 =	sadd.s32 s5, s9;
	s23 =	sand.u32 $0x1FFFFFF0, s13  }
0x16a: {  	s12 =	sand.u32 $0x1FFFFFF0, s10;
	(v2sf) =	vpush v17, $0x9;
	s28 =	spop (v2sf);
	s3 =	sadd.s32 s5, s23  }
0x16b: {  	[tilespmem:s21], [sflag:$0x3] =	stream.linear.gather [hbm4b:s11+s22], $0x80, $0x38;
	[tilespmem:$0x17480] =	vst v63  }
0x16c: {  	(v2sf) =	vpush v18, $0xA;
	s8 =	sand.u32 $0x1FFFFFF0, s28;
	s21 =	sadd.s32 s4, s12;
	s9 =	spop (v2sf)  }
0x16d: {  	[tilespmem:s31], [sflag:$0x2] =	stream.linear.gather [hbm4b:s21+s22], $0x80, $0x38;
	[tilespmem:$0x17480] =	vst v63  }
0x16e: {  	s10 =	sadd.s32 s4, s8;
	s11 =	sand.u32 $0x1FFFFFF0, s9;
	s12 =	spop (v2sf)  }
0x16f: {  	[tilespmem:s19], [sflag:$0x3] =	stream.linear.gather [hbm4b:s3+s22], $0x80, $0x38;
	[tilespmem:$0x17480] =	vst v63  }
0x170: {  	(v2sf) =	vpush v17, $0xA;
	s13 =	sadd.s32 s5, s11;
	s11 =	sld [smem:$0x7EF];
	s19 =	spop (v2sf)  }
0x171: {  	[tilespmem:s16], [sflag:$0x2] =	stream.linear.gather [hbm4b:s10+s22], $0x80, $0x38;
	[tilespmem:$0x17480] =	vst v63  }
0x172: {  	(v2sf) =	vpush v18, $0xB;
	s23 =	sand.u32 $0x1FFFFFF0, s19;
	s19 =	sld [smem:$0x7F0];
	s16 =	sand.u32 $0x1FFFFFF0, s12  }
0x173: {  	[tilespmem:s25], [sflag:$0x3] =	stream.linear.gather [hbm4b:s13+s22], $0x80, $0x38;
	[tilespmem:$0x17480] =	vst v63  }
0x174: {  	s28 =	sadd.s32 s5, s23;
	s21 =	sadd.s32 s4, s16;
	s25 =	spop (v2sf)  }
0x175: {  	[tilespmem:s20], [sflag:$0x2] =	stream.linear.gather [hbm4b:s21+s22], $0x80, $0x38;
	[tilespmem:$0x17480] =	vst v63  }
0x176: {  	(v2sf) =	vpush v17, $0xB;
	s31 =	sand.u32 $0x1FFFFFF0, s25;
	s25 =	rddreg [dreg:$0x11];
	s2 =	spop (v2sf)  }
0x177: {  	(v2sf) =	vpush v18, $0xC;
	s3 =	sadd.s32 s4, s31;
	s8 =	sand.u32 $0x1FFFFFF0, s2;
	s10 =	spop (v2sf)  }
0x178: {  	[tilespmem:s26], [sflag:$0x3] =	stream.linear.gather [hbm4b:s28+s22], $0x80, $0x38;
	[tilespmem:$0x17480] =	vst v63  }
0x179: {  	(v2sf) =	vpush v17, $0xC;
	s2 =	rddreg [dreg:$0x19];
	s12 =	sadd.s32 s5, s8;
	s16 =	spop (v2sf)  }
0x17a: {  	[tilespmem:s11], [sflag:$0x2] =	stream.linear.gather [hbm4b:s3+s22], $0x80, $0x38;
	[tilespmem:$0x17480] =	vst v63  }
0x17b: {  	s13 =	sand.u32 $0x1FFFFFF0, s10;
	s21 =	sand.u32 $0x1FFFFFF0, s16;
	s23 =	spop (v2sf)  }
0x17c: {  	[tilespmem:s19], [sflag:$0x3] =	stream.linear.gather [hbm4b:s12+s22], $0x80, $0x38;
	[tilespmem:$0x17480] =	vst v63  }
0x17d: {  	s20 =	sadd.s32 s4, s13;
	s26 =	sadd.s32 s5, s21;
	s28 =	sand.u32 $0x1FFFFFF0, s23  }
0x17e: {  	[tilespmem:s25], [sflag:$0x2] =	stream.linear.gather [hbm4b:s20+s22], $0x80, $0x38;
	[tilespmem:$0x17480] =	vst v63  }
0x17f: {  	s9 =	sadd.s32 s4, s28;
	s31 =	spop (v2sf);
	s12 =	rddreg [dreg:$0x15]  }
0x180: {  	[tilespmem:s2], [sflag:$0x3] =	stream.linear.gather [hbm4b:s26+s22], $0x80, $0x38;
	[tilespmem:$0x17480] =	vst v63  }
0x181: {  	s10 =	sand.u32 $0x1FFFFFF0, s31;
	s31 =	rddreg [dreg:$0xd];
	s11 =	spop (v2sf)  }
0x182: {  	[tilespmem:s12], [sflag:$0x2] =	stream.linear.gather [hbm4b:s9+s22], $0x80, $0x38;
	[tilespmem:$0x17480] =	vst v63  }
0x183: {  	s13 =	sadd.s32 s5, s10;
	s20 =	rddreg [dreg:$0x9];
	s16 =	sand.u32 $0x1FFFFFF0, s11  }
0x184: {  	(v2sf) =	vpush v18, $0xD;
	[tilespmem:s20], [sflag:$0x3] =	stream.linear.gather [hbm4b:s13+s22], $0x80, $0x38;
	[tilespmem:$0x17480] =	vst v63  }
.Ltmp1:
0x185: {  	(v2sf) =	vpush v17, $0xD;
	s19 =	spop (v2sf);
	s21 =	sadd.s32 s4, s16;
	(pc) =	sbr.rel @p0 .LBB2_4-.Ltmp1, $4  }
0x186: {  	(v2sf) =	vpush v18, $0xE;
	s23 =	sand.u32 $0x1FFFFFF0, s19;
	s26 =	rddreg [dreg:$0x1d];
	s25 =	spop (v2sf)  }
0x187: {  	(v2sf) =	vpush v17, $0xE;
	[tilespmem:s26], [sflag:$0x2] =	stream.linear.gather [hbm4b:s21+s22], $0x80, $0x38;
	[tilespmem:$0x17480] =	vst v63  }
0x188: {  	(v2sf) =	vpush v18, $0xF;
	s28 =	sadd.s32 s5, s23;
	s8 =	sand.u32 $0x1FFFFFF0, s25;
	s9 =	spop (v2sf)  }
0x189: {  	(v2sf) =	vpush v17, $0xF;
	[tilespmem:s31], [sflag:$0x3] =	stream.linear.gather [hbm4b:s28+s22], $0x80, $0x38;
	[tilespmem:$0x17480] =	vst v63  }
0x18a: {  	_ =	sdelay $0x4  }
0x18b: {  	s0 =	sadd.s32 s4, s8;
	s1 =	sand.u32 $0x1FFFFFF0, s9  }
0x18c: {  	[tilespmem:s7], [sflag:$0x2] =	stream.linear.gather [hbm4b:s0+s22], $0x80, $0x38;
	[tilespmem:$0x17480] =	vst v63  }
0x18d: {  	s30 =	sadd.s32 s5, s1  }
0x18e: {  	[tilespmem:s15], [sflag:$0x3] =	stream.linear.gather [hbm4b:s30+s22], $0x80, $0x38;
	[tilespmem:$0x17480] =	vst v63  }
0x18f: {  	s3 =	spop (v2sf)  }
0x190: {  	s20 =	sadd.s32 $0x5100, s29;
	s31 =	sand.u32 $0x1FFFFFF0, s3;
	s2 =	spop (v2sf)  }
0x191: {  	s7 =	sadd.s32 s4, s31;
	s8 =	sand.u32 $0x1FFFFFF0, s2;
	s9 =	spop (v2sf)  }
0x192: {  	[tilespmem:s24], [sflag:$0x2] =	stream.linear.gather [hbm4b:s7+s22], $0x80, $0x38;
	[tilespmem:$0x17480] =	vst v63  }
0x193: {  	s10 =	sadd.s32 s5, s8;
	s11 =	sand.u32 $0x1FFFFFF0, s9;
	s12 =	spop (v2sf)  }
0x194: {  	[tilespmem:s14], [sflag:$0x3] =	stream.linear.gather [hbm4b:s10+s22], $0x80, $0x38;
	[tilespmem:$0x17480] =	vst v63  }
0x195: {  	s13 =	sadd.s32 s4, s11;
	s15 =	spop (v2sf);
	s14 =	sand.u32 $0x1FFFFFF0, s12  }
0x196: {  	[tilespmem:s6], [sflag:$0x2] =	stream.linear.gather [hbm4b:s13+s22], $0x80, $0x38;
	[tilespmem:$0x17480] =	vst v63  }
0x197: {  	s17 =	sand.u32 $0x1FFFFFF0, s15;
	s19 =	spop (v2sf);
	s16 =	sadd.s32 s5, s14  }
0x198: {  	[tilespmem:s18], [sflag:$0x3] =	stream.linear.gather [hbm4b:s16+s22], $0x80, $0x38;
	[tilespmem:$0x17480] =	vst v63  }
0x199: {  	s21 =	sadd.s32 $0xD100, s29;
	s1 =	sadd.s32 s4, s17;
	s3 =	sand.u32 $0x1FFFFFF0, s19  }
0x19a: {  	[tilespmem:s20], [sflag:$0x2] =	stream.linear.gather [hbm4b:s1+s22], $0x80, $0x38;
	[tilespmem:$0x17480] =	vst v63  }
0x19b: {  	s25 =	simm.s32 $0x1;
	s24 =	simm.s32 $0x0;
	s23 =	sadd.s32 s5, s3  }
0x19c: {  	v17 =	vmov s24;
	[tilespmem:s21], [sflag:$0x3] =	stream.linear.gather [hbm4b:s23+s22], $0x80, $0x38;
	[tilespmem:$0x17480] =	vst v63  }
0x19d: {  	s26 =	simm.s32 $0x80;
	v17 =	vand.u32 $0x7F, v17;
	_ =	swait.ge [sflag:s25], $0x3200  }
0x19e: {  	s28 =	simm.s32 $0xC0;
	v18 =	vmov s26;
	v17 =	vbroadcast v17, $0x0;
	[sflag:s25] =	ssyncset.done $0x0  }
0x19f: {  	v19 =	vmov s28;
	[sflag:s25] =	ssyncadd.s32 $0xFFFFCE00  }
0x1a0: {  	v20 =	vor.u32 v1, v17;
	_ =	swait.ge [sflag:s25], $0xA00  }
0x1a1: {  	v21 =	vor.u32 v0, v17;
	[sflag:s25] =	ssyncset.done $0x0  }
0x1a2: {  	s8 =	simm.s32 $0x800;
	[sflag:s25] =	ssyncadd.s32 $0xFFFFF600  }
0x1a3: {  	v22 =	vor.u32 v2, v17;
	v28 =	vld.idx.msk [tilespmem:v18+s8+$0x0], $0xffff  }
0x1a4: {  	s7 =	simm.s32 $0x14180;
	v23 =	vor.u32 v4, v17;
	v19 =	vld.idx.msk [tilespmem:v19+s8+$0x0], $0xffff  }
0x1a5: {  	s6 =	simm.s32 $0x10980;
	v25 =	vor.u32 v5, v17;
	v24 =	vld.idx.msk [tilespmem:v20+s7+$0x0], $0xffff  }
0x1a6: {  	s29 =	simm.s32 $0x1;
	v18 =	vor.u32 v3, v17;
	v26 =	vld.idx.msk [tilespmem:v21+s6+$0x0], $0xffff  }
0x1a7: {  	v27 =	vmov s29;
	v17 =	vor.u32 v6, v17;
	v20 =	vld.idx.msk [tilespmem:v20+s6+$0x0], $0xffff  }
0x1a8: {  	v27 =	vand.u32 $0x7F, v27;
	s30 =	simm.s32 $0x81;
	v22 =	vld.idx.msk [tilespmem:v22+s6+$0x0], $0xffff  }
0x1a9: {  	s0 =	simm.s32 $0x2;
	v32 =	vbroadcast v27, $0x0;
	v29 =	vmov s30;
	s31 =	simm.s32 $0xC1;
	v37 =	vld.idx.msk [tilespmem:v23+s6+$0x0], $0xffff  }
0x1aa: {  	v41 =	vmov s0;
	v36 =	vmov s31;
	v39 =	vld.idx.msk [tilespmem:v25+s6+$0x0], $0xffff  }
0x1ab: {  	v27 =	vor.u32 v0, v32;
	v40 =	vor.u32 v1, v32;
	v38 =	vor.u32 v2, v32;
	v33 =	vld.idx.msk [tilespmem:v18+s6+$0x0], $0xffff  }
0x1ac: {  	v35 =	vor.u32 v3, v32;
	v31 =	vor.u32 v4, v32;
	v23 =	vmul.f32 v24, v19;
	v42 =	vld.idx.msk [tilespmem:v17+s6+$0x0], $0xffff  }
0x1ad: {  	v30 =	vor.u32 v5, v32;
	v34 =	vld.idx.msk [tilespmem:v21+s7+$0x0], $0xffff;
	v21 =	vmul.f32 v26, v28;
	v24 =	vmul.f32 v20, v28  }
0x1ae: {  	v25 =	vld.idx.msk [tilespmem:v29+s8+$0x0], $0xffff;
	v18 =	vimm.f32 $0.0e+00;
	v22 =	vmul.f32 v22, v28;
	v37 =	vmul.f32 v37, v28  }
0x1af: {  	v20 =	vld.idx.msk [tilespmem:v36+s8+$0x0], $0xffff;
	v39 =	vmul.f32 v39, v28;
	v17 =	vadd.f32 v23, v18;
	v23 =	vadd.f32 v24, v18  }
0x1b0: {  	v24 =	vadd.f32 v22, v18;
	v22 =	vadd.f32 v37, v18;
	v37 =	vld.idx.msk [tilespmem:v40+s6+$0x0], $0xffff;
	v29 =	vmul.f32 v33, v28  }
0x1b1: {  	v26 =	vadd.f32 v21, v18;
	v33 =	vor.u32 v6, v32;
	v32 =	vld.idx.msk [tilespmem:v40+s7+$0x0], $0xffff;
	v40 =	vmul.f32 v42, v28  }
0x1b2: {  	s1 =	simm.s32 $0x3;
	v36 =	vld.idx.msk [tilespmem:v27+s6+$0x0], $0xffff;
	v28 =	vimm.f32 $0.0e+00;
	v21 =	vadd.f32 v29, v18;
	v29 =	vimm.f32 $0.0e+00  }
.LBB2_6:
0x1b3: {  	p0 =	sne.s32 s1, $0x3F;
	s3 =	sadd.s32 $0x80, s0;
	v41 =	vand.u32 $0x7F, v41;
	v42 =	vld.idx.msk [tilespmem:v38+s6+$0x0], $0xffff;
	v18 =	vadd.f32 v39, v18;
	v38 =	vmul.f32 v34, v19  }
0x1b4: {  	v39 =	vmov s3;
	s3 =	sadd.s32 $0xC0, s0;
	v34 =	vbroadcast v41, $0x0;
	v41 =	vld.idx.msk [tilespmem:v35+s6+$0x0], $0xffff;
	v29 =	vadd.f32 v40, v29;
	v40 =	vmovc v25;
	s0 =	smov.u32 s1  }
0x1b5: {  	v19 =	vmov v20;
	v43 =	vmov s3;
	v44 =	vld.idx.msk [tilespmem:v31+s6+$0x0], $0xffff;
	v28 =	vadd.f32 v38, v28  }
0x1b6: {  	v20 =	vmul.f32 v32, v19;
	v45 =	vor.u32 v0, v34;
	v46 =	vor.u32 v1, v34;
	v47 =	vld.idx.msk [tilespmem:v30+s6+$0x0], $0xffff  }
0x1b7: {  	v38 =	vor.u32 v2, v34;
	v35 =	vor.u32 v3, v34;
	v31 =	vor.u32 v4, v34;
	v48 =	vld.idx.msk [tilespmem:v33+s6+$0x0], $0xffff  }
0x1b8: {  	v30 =	vor.u32 v5, v34;
	v33 =	vor.u32 v6, v34;
	v17 =	vadd.f32 v20, v17;
	v34 =	vld.idx.msk [tilespmem:v27+s7+$0x0], $0xffff  }
.Ltmp2:
0x1b9: {  	v36 =	vmul.f32 v36, v40;
	v37 =	vmul.f32 v37, v40;
	v27 =	vmov v45;
	v25 =	vld.idx.msk [tilespmem:v39+s8+$0x0], $0xffff;
	(pc) =	sbr.rel @p0 .LBB2_6-.Ltmp2, $4  }
0x1ba: {  	v39 =	vmul.f32 v42, v40;
	v41 =	vmul.f32 v41, v40;
	v20 =	vld.idx.msk [tilespmem:v43+s8+$0x0], $0xffff  }
0x1bb: {  	v26 =	vadd.f32 v36, v26;
	v23 =	vadd.f32 v37, v23;
	v42 =	vmul.f32 v44, v40;
	v32 =	vld.idx.msk [tilespmem:v46+s7+$0x0], $0xffff  }
0x1bc: {  	v24 =	vadd.f32 v39, v24;
	v21 =	vadd.f32 v41, v21;
	v39 =	vmul.f32 v47, v40;
	v36 =	vld.idx.msk [tilespmem:v45+s6+$0x0], $0xffff  }
0x1bd: {  	s1 =	sadd.s32 $0x1, s1;
	v41 =	vmov s0;
	v22 =	vadd.f32 v42, v22;
	v40 =	vmul.f32 v48, v40;
	v37 =	vld.idx.msk [tilespmem:v46+s6+$0x0], $0xffff  }
0x1be: {  	_ =	sdelay $0x3  }
0x1bf: {  	s1 =	sadd.s32 $0x80, s0;
	v41 =	vand.u32 $0x7F, v41;
	v38 =	vld.idx.msk [tilespmem:v38+s6+$0x0], $0xffff  }
0x1c0: {  	s31 =	sadd.s32 $0xC0, s0;
	v35 =	vld.idx.msk [tilespmem:v35+s6+$0x0], $0xffff;
	v42 =	vmov s1;
	v41 =	vbroadcast v41, $0x0  }
0x1c1: {  	v31 =	vld.idx.msk [tilespmem:v31+s6+$0x0], $0xffff;
	v43 =	vmov s31  }
0x1c2: {  	v30 =	vld.idx.msk [tilespmem:v30+s6+$0x0], $0xffff;
	v44 =	vor.u32 v0, v41  }
0x1c3: {  	v33 =	vld.idx.msk [tilespmem:v33+s6+$0x0], $0xffff;
	v45 =	vor.u32 v1, v41  }
0x1c4: {  	v27 =	vld.idx.msk [tilespmem:v27+s7+$0x0], $0xffff;
	v46 =	vor.u32 v2, v41  }
0x1c5: {  	v47 =	vor.u32 v3, v41;
	v42 =	vld.idx.msk [tilespmem:v42+s8+$0x0], $0xffff  }
0x1c6: {  	v48 =	vor.u32 v4, v41;
	v43 =	vld.idx.msk [tilespmem:v43+s8+$0x0], $0xffff  }
0x1c7: {  	v49 =	vor.u32 v5, v41;
	v50 =	vld.idx.msk [tilespmem:v44+s6+$0x0], $0xffff  }
0x1c8: {  	v19 =	vmul.f32 v34, v19;
	v18 =	vadd.f32 v39, v18;
	v32 =	vmul.f32 v32, v20;
	v62 =	vld.idx.msk [tilespmem:v45+s6+$0x0], $0xffff  }
0x1c9: {  	v29 =	vadd.f32 v40, v29;
	v36 =	vmul.f32 v36, v25;
	v37 =	vmul.f32 v37, v25;
	v63 =	vld.idx.msk [tilespmem:v46+s6+$0x0], $0xffff  }
0x1ca: {  	v61 =	vor.u32 v6, v41;
	v35 =	vmul.f32 v35, v25;
	v31 =	vmul.f32 v31, v25;
	v47 =	vld.idx.msk [tilespmem:v47+s6+$0x0], $0xffff  }
0x1cb: {  	v19 =	vadd.f32 v19, v28;
	v30 =	vmul.f32 v30, v25;
	v55 =	vmul.f32 v33, v25;
	v48 =	vld.idx.msk [tilespmem:v48+s6+$0x0], $0xffff  }
0x1cc: {  	v26 =	vadd.f32 v36, v26;
	v46 =	vmul.f32 v38, v25;
	v49 =	vld.idx.msk [tilespmem:v49+s6+$0x0], $0xffff;
	v51 =	vmul.f32 v50, v42  }
0x1cd: {  	v58 =	vmul.f32 v27, v20;
	v23 =	vadd.f32 v37, v23;
	v53 =	vld.idx.msk [tilespmem:v44+s7+$0x0], $0xffff;
	v52 =	vmul.f32 v62, v42  }
0x1ce: {  	v54 =	vld.idx.msk [tilespmem:v45+s7+$0x0], $0xffff;
	v24 =	vadd.f32 v46, v24;
	v39 =	vmul.f32 v63, v42;
	v26 =	vadd.f32 v51, v26  }
0x1cf: {  	v21 =	vadd.f32 v35, v21;
	v34 =	vld.idx.msk [tilespmem:v61+s6+$0x0], $0xffff;
	v56 =	vmul.f32 v47, v42;
	v23 =	vadd.f32 v52, v23  }
0x1d0: {  	v22 =	vadd.f32 v31, v22;
	v57 =	vmul.f32 v48, v42;
	v24 =	vadd.f32 v39, v24;
	[tilespmem:$0x15180] =	vst v26  }
0x1d1: {  	v18 =	vadd.f32 v30, v18;
	v59 =	vmul.f32 v49, v42;
	v21 =	vadd.f32 v56, v21;
	[tilespmem:$0x15190] =	vst v23  }
0x1d2: {  	v19 =	vadd.f32 v58, v19;
	v62 =	vmul.f32 v53, v43;
	v22 =	vadd.f32 v57, v22;
	[tilespmem:$0x151A0] =	vst v24  }
0x1d3: {  	v17 =	vadd.f32 v32, v17;
	v63 =	vmul.f32 v54, v43;
	v18 =	vadd.f32 v59, v18;
	[tilespmem:$0x151B0] =	vst v21  }
0x1d4: {  	v60 =	vadd.f32 v55, v29;
	v61 =	vmul.f32 v34, v42;
	v19 =	vadd.f32 v62, v19;
	[tilespmem:$0x151C0] =	vst v22  }
0x1d5: {  	v17 =	vadd.f32 v63, v17;
	[tilespmem:$0x151D0] =	vst v18  }
0x1d6: {  	v23 =	vadd.f32 v61, v60;
	[tilespmem:$0x15200] =	vst v19  }
0x1d7: {  	[tilespmem:$0x15210] =	vst v17  }
0x1d8: {  	s1 =	simm.s32 $0x2;
	[tilespmem:$0x151E0] =	vst v23  }
0x1d9: {  	_ =	swait.ge [sflag:s1], $0x80  }
0x1da: {  	[sflag:s1] =	ssyncset.done $0x0  }
0x1db: {  	s3 =	simm.s32 $0x3;
	[sflag:s1] =	ssyncadd.s32 $0xFFFFFF80  }
0x1dc: {  	_ =	swait.ge [sflag:s3], $0x80  }
0x1dd: {  	s0 =	simm.s32 $0x7F;
	[sflag:s3] =	ssyncset.done $0x0  }
.LBB2_8:
0x1de: {  	p0 =	sne.s32 s0, $0x1;
	s0 =	sadd.s32 $0xFFFFFFFF, s0;
	[sflag:s3] =	ssyncadd.s32 $0xFFFFFF80  }
.Ltmp3:
0x1df: {  	_ =	swait.ge [sflag:s1], $0x80;
	(pc) =	sbr.rel @p0 .LBB2_8-.Ltmp3, $4  }
0x1e0: {  	[sflag:s1] =	ssyncset.done $0x0  }
0x1e1: {  	[sflag:s1] =	ssyncadd.s32 $0xFFFFFF80  }
0x1e2: {  	_ =	swait.ge [sflag:s3], $0x80  }
0x1e3: {  	[sflag:s3] =	ssyncset.done $0x0  }
0x1e4: {  	[sflag:s3] =	ssyncadd.s32 $0xFFFFFF80;
	s0 =	simm.s32 $0x0  }
0x1e5: {  	v17 =	vld [tilespmem:s0+$0x980]  }
0x1e6: {  	v18 =	vld [tilespmem:s0+$0x990];
	_ =	sdelay $0x1  }
0x1e7: {  	v19 =	vld [tilespmem:s0+$0x9A0];
	_ =	sdelay $0x1  }
0x1e8: {  	v20 =	vld [tilespmem:s0+$0x9B0]  }
0x1e9: {  	v17 =	vmul.f32 v17, v13;
	v18 =	vmul.f32 v18, v14  }
0x1ea: {  	v21 =	vld [tilespmem:s0+$0x8980]  }
0x1eb: {  	v17 =	vadd.f32 v18, v17;
	v18 =	vmul.f32 v19, v11  }
0x1ec: {  	v19 =	vld [tilespmem:s0+$0x8990]  }
0x1ed: {  	v17 =	vadd.f32 v18, v17;
	v18 =	vmul.f32 v20, v9  }
0x1ee: {  	v62 =	vld [tilespmem:s0+$0x89A0]  }
0x1ef: {  	v17 =	vadd.f32 v18, v17;
	v18 =	vmul.f32 v21, v10  }
0x1f0: {  	v63 =	vld [tilespmem:s0+$0x89B0]  }
0x1f1: {  	v17 =	vadd.f32 v18, v17;
	v18 =	vmul.f32 v19, v12;
	_ =	sdelay $0x1  }
0x1f2: {  	v17 =	vadd.f32 v18, v17;
	v18 =	vmul.f32 v62, v15;
	_ =	sdelay $0x1  }
0x1f3: {  	v17 =	vadd.f32 v18, v17;
	v18 =	vmul.f32 v63, v16;
	_ =	sdelay $0x1  }
0x1f4: {  	v17 =	vadd.f32 v18, v17  }
0x1f5: {  	s0 =	simm.s32 $0x15280  }
0x1f6: {  	s1 =	simm.s32 $0x80;
	[tilespmem:s0+$0x0] =	vst v17  }
0x1f7: {  	s3 =	simm.s32 $0x400;
	v17 =	vld [tilespmem:s1+$0x980]  }
.LBB2_10:
0x1f8: {  	p0 =	sne.s32 s3, $0xFE00;
	v18 =	vld [tilespmem:s1+$0x990];
	_ =	sdelay $0x1  }
0x1f9: {  	v19 =	vld [tilespmem:s1+$0x9A0];
	_ =	sdelay $0x1  }
0x1fa: {  	v20 =	vld [tilespmem:s1+$0x9B0]  }
0x1fb: {  	v17 =	vmul.f32 v17, v13;
	v18 =	vmul.f32 v18, v14  }
0x1fc: {  	v21 =	vld [tilespmem:s1+$0x8980]  }
0x1fd: {  	v17 =	vadd.f32 v18, v17;
	v18 =	vmul.f32 v19, v11  }
0x1fe: {  	v19 =	vld [tilespmem:s1+$0x8990]  }
0x1ff: {  	v17 =	vadd.f32 v18, v17;
	v18 =	vmul.f32 v20, v9  }
0x200: {  	v20 =	vld [tilespmem:s1+$0x89A0]  }
0x201: {  	v17 =	vadd.f32 v18, v17;
	v18 =	vmul.f32 v21, v10  }
0x202: {  	v21 =	vld [tilespmem:s1+$0x89B0]  }
0x203: {  	v17 =	vadd.f32 v18, v17;
	v18 =	vmul.f32 v19, v12;
	_ =	sdelay $0x1  }
0x204: {  	v17 =	vadd.f32 v18, v17;
	v18 =	vmul.f32 v20, v15;
	_ =	sdelay $0x1  }
0x205: {  	v17 =	vadd.f32 v18, v17;
	v18 =	vmul.f32 v21, v16  }
.Ltmp4:
0x206: {  	(pc) =	sbr.rel @p0 .LBB2_10-.Ltmp4, $4  }
0x207: {  	v17 =	vadd.f32 v18, v17  }
0x208: {  	s0 =	sadd.s32 $0x10, s0  }
0x209: {  	s1 =	sshra.s32 s3, $0x2;
	[tilespmem:s0+$0x0] =	vst v17  }
0x20a: {  	s3 =	sadd.s32 $0x200, s3;
	v17 =	vld [tilespmem:s1+$0x980]  }
0x20b: {  	v18 =	vld [tilespmem:s1+$0x990];
	_ =	sdelay $0x1  }
0x20c: {  	v19 =	vld [tilespmem:s1+$0x9A0];
	_ =	sdelay $0x1  }
0x20d: {  	v20 =	vld [tilespmem:s1+$0x9B0]  }
0x20e: {  	v17 =	vmul.f32 v17, v13;
	v18 =	vmul.f32 v18, v14  }
0x20f: {  	v21 =	vld [tilespmem:s1+$0x8980]  }
0x210: {  	v17 =	vadd.f32 v18, v17;
	v18 =	vmul.f32 v19, v11  }
0x211: {  	v19 =	vld [tilespmem:s1+$0x8990]  }
0x212: {  	v17 =	vadd.f32 v18, v17;
	v18 =	vmul.f32 v20, v9  }
0x213: {  	v62 =	vld [tilespmem:s1+$0x89A0]  }
0x214: {  	v17 =	vadd.f32 v18, v17;
	v18 =	vmul.f32 v21, v10  }
0x215: {  	v63 =	vld [tilespmem:s1+$0x89B0]  }
0x216: {  	v17 =	vadd.f32 v18, v17;
	v18 =	vmul.f32 v19, v12;
	_ =	sdelay $0x1  }
0x217: {  	v17 =	vadd.f32 v18, v17;
	v18 =	vmul.f32 v62, v15;
	_ =	sdelay $0x1  }
0x218: {  	v17 =	vadd.f32 v18, v17;
	v18 =	vmul.f32 v63, v16;
	_ =	sdelay $0x1  }
0x219: {  	v17 =	vadd.f32 v18, v17  }
0x21a: {  	s0 =	sadd.s32 $0x10, s0  }
0x21b: {  	s17 =	simm.s32 $0x100;
	[tilespmem:s0+$0x0] =	vst v17  }
0x21c: {  	s18 =	simm.s32 $0x300;
	v17 =	vld [tilespmem:s17+$0x0]  }
0x21d: {  	v19 =	vld [tilespmem:s18+$0x0];
	_ =	sdelay $0x3  }
0x21e: {  	v18 =	vshll.u32 v17, $0x4  }
0x21f: {  	v17 =	vshll.u32 v19, $0x4;
	(v2sf) =	vpush v18, $0x0  }
0x220: {  	(v2sf) =	vpush v17, $0x0  }
0x221: {  	(v2sf) =	vpush v18, $0x1;
	_ =	sdelay $0x1  }
0x222: {  	(v2sf) =	vpush v17, $0x1;
	_ =	sdelay $0x2  }
0x223: {  	(v2sf) =	vpush v18, $0x2;
	_ =	sdelay $0x1  }
0x224: {  	(v2sf) =	vpush v17, $0x2;
	_ =	sdelay $0x1  }
0x225: {  	s30 =	simm.s32 $0x2000;
	(v2sf) =	vpush v18, $0x3  }
0x226: {  	s29 =	simm.s32 $0x0;
	s3 =	simm.s32 $0x8980;
	s6 =	simm.s32 $0xE00  }
0x227: {  	s7 =	simm.s32 $0x980;
	s9 =	simm.s32 $0xB80;
	s10 =	simm.s32 $0xB00  }
0x228: {  	s21 =	simm.s32 $0xA00;
	s25 =	simm.s32 $0x8A00;
	s28 =	simm.s32 $0xA80  }
0x229: {  	s15 =	simm.s32 $0x8F80;
	s1 =	simm.s32 $0x8E80;
	s8 =	spop (v2sf);
	(v2sf) =	vpush v17, $0x3  }
0x22a: {  	s0 =	simm.s32 $0xC00;
	s8 =	sand.u32 $0x1FFFFFF0, s8;
	s11 =	spop (v2sf)  }
0x22b: {  	s17 =	simm.s32 $0x8B80;
	(v2sf) =	vpush v18, $0x4;
	s8 =	sadd.s32 s4, s8;
	s20 =	spop (v2sf)  }
0x22c: {  	(v2sf) =	vpush v17, $0x4;
	[tilespmem:s7], [sflag:$0x2] =	stream.linear.gather [hbm4b:s8+s22], $0x80, $0x38;
	[tilespmem:$0x17480] =	vst v63  }
0x22d: {  	s19 =	sand.u32 $0x1FFFFFF0, s11;
	s7 =	simm.s32 $0x8B00;
	s12 =	spop (v2sf)  }
0x22e: {  	s8 =	sadd.s32 s5, s19;
	s11 =	sand.u32 $0x1FFFFFF0, s20;
	s24 =	sand.u32 $0x1FFFFFF0, s12  }
0x22f: {  	(v2sf) =	vpush v18, $0x5;
	[tilespmem:s3], [sflag:$0x3] =	stream.linear.gather [hbm4b:s8+s22], $0x80, $0x38;
	[tilespmem:$0x17480] =	vst v63  }
0x230: {  	s23 =	sadd.s32 s4, s11;
	s26 =	spop (v2sf);
	(v2sf) =	vpush v17, $0x5;
	s11 =	sadd.s32 s5, s24  }
0x231: {  	[tilespmem:s21], [sflag:$0x2] =	stream.linear.gather [hbm4b:s23+s22], $0x80, $0x38;
	[tilespmem:$0x17480] =	vst v63  }
0x232: {  	s8 =	sand.u32 $0x1FFFFFF0, s26;
	s31 =	spop (v2sf);
	s26 =	simm.s32 $0xC80  }
0x233: {  	[tilespmem:s25], [sflag:$0x3] =	stream.linear.gather [hbm4b:s11+s22], $0x80, $0x38;
	[tilespmem:$0x17480] =	vst v63  }
0x234: {  	(v2sf) =	vpush v18, $0x6;
	s8 =	sadd.s32 s4, s8;
	s2 =	spop (v2sf);
	s11 =	sand.u32 $0x1FFFFFF0, s31  }
0x235: {  	[tilespmem:s28], [sflag:$0x2] =	stream.linear.gather [hbm4b:s8+s22], $0x80, $0x38;
	[tilespmem:$0x17480] =	vst v63  }
0x236: {  	(v2sf) =	vpush v17, $0x6;
	s13 =	sand.u32 $0x1FFFFFF0, s2;
	s11 =	sadd.s32 s5, s11;
	s8 =	simm.s32 $0x8A80  }
0x237: {  	[tilespmem:s8], [sflag:$0x3] =	stream.linear.gather [hbm4b:s11+s22], $0x80, $0x38;
	[tilespmem:$0x17480] =	vst v63  }
0x238: {  	s23 =	simm.s32 $0x8C00;
	s16 =	sadd.s32 s4, s13;
	s14 =	spop (v2sf)  }
0x239: {  	[tilespmem:s10], [sflag:$0x2] =	stream.linear.gather [hbm4b:s16+s22], $0x80, $0x38;
	[tilespmem:$0x17480] =	vst v63  }
0x23a: {  	s13 =	simm.s32 $0x8C80;
	(v2sf) =	vpush v18, $0x7;
	s3 =	sand.u32 $0x1FFFFFF0, s14;
	s18 =	spop (v2sf)  }
0x23b: {  	s3 =	sadd.s32 s5, s3;
	s10 =	sand.u32 $0x1FFFFFF0, s18;
	s19 =	spop (v2sf)  }
0x23c: {  	(v2sf) =	vpush v17, $0x7;
	[tilespmem:s7], [sflag:$0x3] =	stream.linear.gather [hbm4b:s3+s22], $0x80, $0x38;
	[tilespmem:$0x17480] =	vst v63  }
0x23d: {  	s25 =	simm.s32 $0x1000;
	(v2sf) =	vpush v18, $0x8;
	s20 =	sadd.s32 s4, s10;
	s21 =	sand.u32 $0x1FFFFFF0, s19  }
0x23e: {  	s24 =	spop (v2sf);
	s10 =	simm.s32 $0x8E00;
	s7 =	sadd.s32 s5, s21  }
0x23f: {  	(v2sf) =	vpush v17, $0x8;
	s28 =	sand.u32 $0x1FFFFFF0, s24;
	s31 =	spop (v2sf);
	s21 =	simm.s32 $0x9000  }
0x240: {  	(v2sf) =	vpush v18, $0x9;
	[tilespmem:s9], [sflag:$0x2] =	stream.linear.gather [hbm4b:s20+s22], $0x80, $0x38;
	[tilespmem:$0x17480] =	vst v63  }
0x241: {  	s24 =	simm.s32 $0xD80;
	s8 =	sadd.s32 s4, s28;
	s9 =	sand.u32 $0x1FFFFFF0, s31  }
0x242: {  	(v2sf) =	vpush v17, $0x9;
	[tilespmem:s17], [sflag:$0x3] =	stream.linear.gather [hbm4b:s7+s22], $0x80, $0x38;
	[tilespmem:$0x17480] =	vst v63  }
0x243: {  	s2 =	spop (v2sf);
	s20 =	simm.s32 $0x8D00;
	s31 =	simm.s32 $0x8D80  }
0x244: {  	(v2sf) =	vpush v18, $0xA;
	[tilespmem:s0], [sflag:$0x2] =	stream.linear.gather [hbm4b:s8+s22], $0x80, $0x38;
	[tilespmem:$0x17480] =	vst v63  }
0x245: {  	s9 =	sadd.s32 s5, s9;
	s11 =	sand.u32 $0x1FFFFFF0, s2;
	s12 =	spop (v2sf)  }
0x246: {  	(v2sf) =	vpush v17, $0xA;
	[tilespmem:s23], [sflag:$0x3] =	stream.linear.gather [hbm4b:s9+s22], $0x80, $0x38;
	[tilespmem:$0x17480] =	vst v63  }
0x247: {  	s17 =	simm.s32 $0xD00;
	s8 =	sand.u32 $0x1FFFFFF0, s12;
	s9 =	sadd.s32 s4, s11  }
0x248: {  	[tilespmem:s26], [sflag:$0x2] =	stream.linear.gather [hbm4b:s9+s22], $0x80, $0x38;
	[tilespmem:$0x17480] =	vst v63  }
0x249: {  	s7 =	simm.s32 $0xF80;
	s8 =	sadd.s32 s5, s8;
	s14 =	spop (v2sf)  }
0x24a: {  	(v2sf) =	vpush v18, $0xB;
	[tilespmem:s13], [sflag:$0x3] =	stream.linear.gather [hbm4b:s8+s22], $0x80, $0x38;
	[tilespmem:$0x17480] =	vst v63  }
0x24b: {  	s0 =	simm.s32 $0x8F00;
	s9 =	sand.u32 $0x1FFFFFF0, s14;
	s16 =	spop (v2sf)  }
0x24c: {  	s12 =	simm.s32 $0xE80;
	(v2sf) =	vpush v17, $0xB;
	s18 =	sadd.s32 s4, s9;
	s23 =	spop (v2sf)  }
0x24d: {  	[tilespmem:s17], [sflag:$0x2] =	stream.linear.gather [hbm4b:s18+s22], $0x80, $0x38;
	[tilespmem:$0x17480] =	vst v63  }
0x24e: {  	s19 =	sand.u32 $0x1FFFFFF0, s16;
	s8 =	sand.u32 $0x1FFFFFF0, s23;
	s26 =	spop (v2sf)  }
0x24f: {  	s9 =	sadd.s32 s5, s19;
	s8 =	sadd.s32 s4, s8;
	s28 =	spop (v2sf)  }
0x250: {  	(v2sf) =	vpush v18, $0xC;
	[tilespmem:s20], [sflag:$0x3] =	stream.linear.gather [hbm4b:s9+s22], $0x80, $0x38;
	[tilespmem:$0x17480] =	vst v63  }
0x251: {  	s9 =	sand.u32 $0x1FFFFFF0, s26;
	s3 =	sand.u32 $0x1FFFFFF0, s28;
	s11 =	spop (v2sf)  }
0x252: {  	(v2sf) =	vpush v17, $0xC;
	[tilespmem:s24], [sflag:$0x2] =	stream.linear.gather [hbm4b:s8+s22], $0x80, $0x38;
	[tilespmem:$0x17480] =	vst v63  }
0x253: {  	s2 =	sadd.s32 s5, s9;
	s9 =	sadd.s32 s4, s3;
	s13 =	spop (v2sf)  }
0x254: {  	[tilespmem:s31], [sflag:$0x3] =	stream.linear.gather [hbm4b:s2+s22], $0x80, $0x38;
	[tilespmem:$0x17480] =	vst v63  }
0x255: {  	s8 =	sand.u32 $0x1FFFFFF0, s11;
	s14 =	spop (v2sf);
	s24 =	simm.s32 $0xF00  }
0x256: {  	[tilespmem:s6], [sflag:$0x2] =	stream.linear.gather [hbm4b:s9+s22], $0x80, $0x38;
	[tilespmem:$0x17480] =	vst v63  }
0x257: {  	s8 =	sadd.s32 s5, s8;
	s17 =	sand.u32 $0x1FFFFFF0, s14;
	s9 =	sand.u32 $0x1FFFFFF0, s13  }
0x258: {  	[tilespmem:s10], [sflag:$0x3] =	stream.linear.gather [hbm4b:s8+s22], $0x80, $0x38;
	[tilespmem:$0x17480] =	vst v63  }
0x259: {  	s19 =	sadd.s32 s5, s17;
	s16 =	sadd.s32 s4, s9;
	s18 =	spop (v2sf)  }
0x25a: {  	[tilespmem:s12], [sflag:$0x2] =	stream.linear.gather [hbm4b:s16+s22], $0x80, $0x38;
	[tilespmem:$0x17480] =	vst v63  }
0x25b: {  	s17 =	simm.s32 $0x110;
	s20 =	sand.u32 $0x1FFFFFF0, s18;
	s23 =	spop (v2sf)  }
0x25c: {  	(v2sf) =	vpush v18, $0xD;
	[tilespmem:s1], [sflag:$0x3] =	stream.linear.gather [hbm4b:s19+s22], $0x80, $0x38;
	[tilespmem:$0x17480] =	vst v63  }
0x25d: {  	s6 =	simm.s32 $0x1080;
	(v2sf) =	vpush v17, $0xD;
	s26 =	sadd.s32 s4, s20;
	s8 =	sand.u32 $0x1FFFFFF0, s23  }
0x25e: {  	(v2sf) =	vpush v18, $0xE;
	[tilespmem:s24], [sflag:$0x2] =	stream.linear.gather [hbm4b:s26+s22], $0x80, $0x38;
	[tilespmem:$0x17480] =	vst v63  }
0x25f: {  	s18 =	simm.s32 $0x9080;
	s28 =	sadd.s32 s5, s8;
	(v2sf) =	vpush v17, $0xE;
	s31 =	spop (v2sf)  }
0x260: {  	(v2sf) =	vpush v18, $0xF;
	[tilespmem:s0], [sflag:$0x3] =	stream.linear.gather [hbm4b:s28+s22], $0x80, $0x38;
	[tilespmem:$0x17480] =	vst v63  }
0x261: {  	s1 =	simm.s32 $0x310;
	s8 =	spop (v2sf);
	(v2sf) =	vpush v17, $0xF;
	s0 =	sand.u32 $0x1FFFFFF0, s31  }
.LBB2_12:
0x262: {  	_ =	sdelay $0x4  }
0x263: {  	s0 =	sadd.s32 s4, s0;
	s8 =	sand.u32 $0x1FFFFFF0, s8  }
0x264: {  	[tilespmem:s7], [sflag:$0x2] =	stream.linear.gather [hbm4b:s0+s22], $0x80, $0x38;
	[tilespmem:$0x17480] =	vst v63  }
0x265: {  	s8 =	sadd.s32 s5, s8  }
0x266: {  	[tilespmem:s15], [sflag:$0x3] =	stream.linear.gather [hbm4b:s8+s22], $0x80, $0x38;
	[tilespmem:$0x17480] =	vst v63  }
0x267: {  	s9 =	spop (v2sf)  }
0x268: {  	s9 =	sand.u32 $0x1FFFFFF0, s9;
	s10 =	spop (v2sf)  }
0x269: {  	s11 =	sadd.s32 s4, s9;
	s12 =	sand.u32 $0x1FFFFFF0, s10;
	s13 =	spop (v2sf)  }
0x26a: {  	[tilespmem:s25], [sflag:$0x2] =	stream.linear.gather [hbm4b:s11+s22], $0x80, $0x38;
	[tilespmem:$0x17480] =	vst v63  }
0x26b: {  	s14 =	sadd.s32 s5, s12;
	s15 =	sand.u32 $0x1FFFFFF0, s13;
	s16 =	spop (v2sf)  }
0x26c: {  	[tilespmem:s21], [sflag:$0x3] =	stream.linear.gather [hbm4b:s14+s22], $0x80, $0x38;
	[tilespmem:$0x17480] =	vst v63  }
0x26d: {  	s19 =	sadd.s32 s4, s15;
	s3 =	sand.u32 $0x1FFFFFF0, s16;
	s20 =	spop (v2sf)  }
0x26e: {  	[tilespmem:s6], [sflag:$0x2] =	stream.linear.gather [hbm4b:s19+s22], $0x80, $0x38;
	[tilespmem:$0x17480] =	vst v63  }
0x26f: {  	s21 =	sadd.s32 s5, s3;
	s23 =	sand.u32 $0x1FFFFFF0, s20;
	s24 =	spop (v2sf)  }
0x270: {  	[tilespmem:s18], [sflag:$0x3] =	stream.linear.gather [hbm4b:s21+s22], $0x80, $0x38;
	[tilespmem:$0x17480] =	vst v63  }
0x271: {  	s25 =	sadd.s32 $0x1100, s29;
	s3 =	sadd.s32 s4, s23;
	s6 =	sand.u32 $0x1FFFFFF0, s24  }
0x272: {  	[tilespmem:s25], [sflag:$0x2] =	stream.linear.gather [hbm4b:s3+s22], $0x80, $0x38;
	[tilespmem:$0x17480] =	vst v63  }
0x273: {  	s26 =	sadd.s32 $0x9100, s29;
	s28 =	sadd.s32 s5, s6  }
0x274: {  	[tilespmem:s26], [sflag:$0x3] =	stream.linear.gather [hbm4b:s28+s22], $0x80, $0x38;
	[tilespmem:$0x17480] =	vst v63  }
0x275: {  	v17 =	vld [tilespmem:s17+$0x0]  }
0x276: {  	v19 =	vld [tilespmem:s1+$0x0];
	_ =	sdelay $0x3  }
0x277: {  	v18 =	vshll.u32 v17, $0x4  }
0x278: {  	v17 =	vshll.u32 v19, $0x4;
	(v2sf) =	vpush v18, $0x0  }
0x279: {  	s31 =	smov.u32 s30;
	(v2sf) =	vpush v17, $0x0  }
0x27a: {  	p0 =	sne.s32 s30, $0xE000;
	s30 =	sadd.s32 $0x2000, s30;
	s29 =	sshra.s32 s31, $0x2;
	(v2sf) =	vpush v18, $0x1  }
0x27b: {  	s9 =	sadd.s32 $0x8980, s29;
	s0 =	sadd.s32 $0xC00, s29;
	s2 =	sadd.s32 $0xE00, s29  }
0x27c: {  	s11 =	sadd.s32 $0x980, s29;
	s15 =	sadd.s32 $0x8F80, s29;
	s8 =	sadd.s32 $0xA80, s29;
	(v2sf) =	vpush v17, $0x1  }
0x27d: {  	s10 =	sadd.s32 $0x8A00, s29;
	s16 =	sadd.s32 $0xC80, s29;
	[smem:$0x7EB] =	sst s0  }
0x27e: {  	s7 =	sadd.s32 $0x8E00, s29;
	s12 =	sadd.s32 $0xE80, s29;
	[dreg:$0x12] =	wrdreg s2;
	(v2sf) =	vpush v18, $0x2  }
0x27f: {  	s13 =	sadd.s32 $0x8D80, s29;
	s31 =	sadd.s32 $0xF00, s29;
	[dreg:$0x1a] =	wrdreg s7  }
0x280: {  	s14 =	sadd.s32 $0xB80, s29;
	s2 =	sadd.s32 $0x8B80, s29;
	[dreg:$0x16] =	wrdreg s12;
	(v2sf) =	vpush v17, $0x2  }
0x281: {  	s0 =	sadd.s32 $0x8A80, s29;
	s20 =	sadd.s32 $0x8C80, s29;
	[smem:$0x7ED] =	sst s13  }
0x282: {  	s7 =	sadd.s32 $0xF80, s29;
	s12 =	sadd.s32 $0xA00, s29;
	[dreg:$0x1e] =	wrdreg s31;
	(v2sf) =	vpush v18, $0x3  }
0x283: {  	s23 =	sadd.s32 $0x8B00, s29;
	s19 =	sadd.s32 $0x8C00, s29;
	s6 =	sadd.s32 $0x8F00, s29  }
0x284: {  	s24 =	sadd.s32 $0xD00, s29;
	[dreg:$0xe] =	wrdreg s6;
	s18 =	sadd.s32 $0xD80, s29;
	(v2sf) =	vpush v17, $0x3  }
0x285: {  	s21 =	sadd.s32 $0x9000, s29;
	s6 =	sadd.s32 $0x1080, s29;
	[smem:$0x7EC] =	sst s18  }
0x286: {  	s18 =	sadd.s32 $0x9080, s29;
	s3 =	sadd.s32 $0x8E80, s29;
	s25 =	sadd.s32 $0x1000, s29;
	(v2sf) =	vpush v18, $0x4  }
0x287: {  	[dreg:$0xa] =	wrdreg s3;
	s28 =	sadd.s32 $0xB00, s29;
	s13 =	spop (v2sf)  }
0x288: {  	s26 =	sadd.s32 $0x8D00, s29;
	s13 =	sand.u32 $0x1FFFFFF0, s13;
	s31 =	spop (v2sf)  }
0x289: {  	(v2sf) =	vpush v17, $0x4;
	s13 =	sadd.s32 s4, s13;
	s31 =	sand.u32 $0x1FFFFFF0, s31;
	s3 =	spop (v2sf)  }
0x28a: {  	[tilespmem:s11], [sflag:$0x2] =	stream.linear.gather [hbm4b:s13+s22], $0x80, $0x38;
	[tilespmem:$0x17480] =	vst v63  }
0x28b: {  	(v2sf) =	vpush v18, $0x5;
	s13 =	sadd.s32 s5, s31;
	s3 =	sand.u32 $0x1FFFFFF0, s3;
	s31 =	spop (v2sf)  }
0x28c: {  	[tilespmem:s9], [sflag:$0x3] =	stream.linear.gather [hbm4b:s13+s22], $0x80, $0x38;
	[tilespmem:$0x17480] =	vst v63  }
0x28d: {  	(v2sf) =	vpush v17, $0x5;
	s3 =	sadd.s32 s4, s3;
	s13 =	sand.u32 $0x1FFFFFF0, s31;
	s31 =	spop (v2sf)  }
0x28e: {  	[tilespmem:s12], [sflag:$0x2] =	stream.linear.gather [hbm4b:s3+s22], $0x80, $0x38;
	[tilespmem:$0x17480] =	vst v63  }
0x28f: {  	(v2sf) =	vpush v18, $0x6;
	s12 =	sadd.s32 s5, s13;
	s13 =	sand.u32 $0x1FFFFFF0, s31;
	s31 =	spop (v2sf)  }
0x290: {  	[tilespmem:s10], [sflag:$0x3] =	stream.linear.gather [hbm4b:s12+s22], $0x80, $0x38;
	[tilespmem:$0x17480] =	vst v63  }
0x291: {  	(v2sf) =	vpush v17, $0x6;
	s9 =	sadd.s32 s4, s13;
	s11 =	spop (v2sf);
	s10 =	sand.u32 $0x1FFFFFF0, s31  }
0x292: {  	[tilespmem:s8], [sflag:$0x2] =	stream.linear.gather [hbm4b:s9+s22], $0x80, $0x38;
	[tilespmem:$0x17480] =	vst v63  }
0x293: {  	(v2sf) =	vpush v18, $0x7;
	s13 =	sand.u32 $0x1FFFFFF0, s11;
	s31 =	spop (v2sf);
	s12 =	sadd.s32 s5, s10  }
0x294: {  	[tilespmem:s0], [sflag:$0x3] =	stream.linear.gather [hbm4b:s12+s22], $0x80, $0x38;
	[tilespmem:$0x17480] =	vst v63  }
0x295: {  	s1 =	sadd.s32 $0x10, s1;
	(v2sf) =	vpush v17, $0x7;
	s10 =	sadd.s32 s4, s13;
	s12 =	spop (v2sf)  }
0x296: {  	(v2sf) =	vpush v18, $0x8;
	[tilespmem:s28], [sflag:$0x2] =	stream.linear.gather [hbm4b:s10+s22], $0x80, $0x38;
	[tilespmem:$0x17480] =	vst v63  }
0x297: {  	s17 =	sadd.s32 $0x10, s17;
	s11 =	sand.u32 $0x1FFFFFF0, s31;
	s28 =	sand.u32 $0x1FFFFFF0, s12  }
0x298: {  	s13 =	sadd.s32 s5, s11;
	s31 =	spop (v2sf);
	s3 =	sadd.s32 s4, s28  }
0x299: {  	[tilespmem:s23], [sflag:$0x3] =	stream.linear.gather [hbm4b:s13+s22], $0x80, $0x38;
	[tilespmem:$0x17480] =	vst v63  }
0x29a: {  	(v2sf) =	vpush v17, $0x8;
	s9 =	sand.u32 $0x1FFFFFF0, s31;
	s10 =	spop (v2sf);
	s31 =	sld [smem:$0x7EB]  }
0x29b: {  	(v2sf) =	vpush v18, $0x9;
	[tilespmem:s14], [sflag:$0x2] =	stream.linear.gather [hbm4b:s3+s22], $0x80, $0x38;
	[tilespmem:$0x17480] =	vst v63  }
0x29c: {  	s11 =	sadd.s32 s5, s9;
	s12 =	sand.u32 $0x1FFFFFF0, s10;
	s13 =	spop (v2sf)  }
0x29d: {  	(v2sf) =	vpush v17, $0x9;
	[tilespmem:s2], [sflag:$0x3] =	stream.linear.gather [hbm4b:s11+s22], $0x80, $0x38;
	[tilespmem:$0x17480] =	vst v63  }
0x29e: {  	s14 =	sadd.s32 s4, s12;
	s23 =	sand.u32 $0x1FFFFFF0, s13;
	s28 =	spop (v2sf)  }
0x29f: {  	[tilespmem:s31], [sflag:$0x2] =	stream.linear.gather [hbm4b:s14+s22], $0x80, $0x38;
	[tilespmem:$0x17480] =	vst v63  }
0x2a0: {  	s3 =	sadd.s32 s5, s23;
	s8 =	sand.u32 $0x1FFFFFF0, s28;
	s9 =	spop (v2sf)  }
0x2a1: {  	(v2sf) =	vpush v18, $0xA;
	[tilespmem:s19], [sflag:$0x3] =	stream.linear.gather [hbm4b:s3+s22], $0x80, $0x38;
	[tilespmem:$0x17480] =	vst v63  }
0x2a2: {  	s10 =	sadd.s32 s4, s8;
	s11 =	sand.u32 $0x1FFFFFF0, s9;
	s12 =	spop (v2sf)  }
0x2a3: {  	(v2sf) =	vpush v17, $0xA;
	[tilespmem:s16], [sflag:$0x2] =	stream.linear.gather [hbm4b:s10+s22], $0x80, $0x38;
	[tilespmem:$0x17480] =	vst v63  }
0x2a4: {  	s13 =	sadd.s32 s5, s11;
	s14 =	sand.u32 $0x1FFFFFF0, s12;
	s16 =	spop (v2sf)  }
0x2a5: {  	s11 =	sld [smem:$0x7EC];
	s19 =	sadd.s32 s4, s14;
	s23 =	spop (v2sf)  }
0x2a6: {  	[tilespmem:s20], [sflag:$0x3] =	stream.linear.gather [hbm4b:s13+s22], $0x80, $0x38;
	[tilespmem:$0x17480] =	vst v63  }
0x2a7: {  	(v2sf) =	vpush v18, $0xB;
	s20 =	sand.u32 $0x1FFFFFF0, s16;
	s31 =	sand.u32 $0x1FFFFFF0, s23;
	s16 =	sld [smem:$0x7ED]  }
0x2a8: {  	[tilespmem:s24], [sflag:$0x2] =	stream.linear.gather [hbm4b:s19+s22], $0x80, $0x38;
	[tilespmem:$0x17480] =	vst v63  }
0x2a9: {  	(v2sf) =	vpush v17, $0xB;
	s28 =	sadd.s32 s5, s20;
	s3 =	sadd.s32 s4, s31;
	s2 =	spop (v2sf)  }
0x2aa: {  	(v2sf) =	vpush v18, $0xC;
	s24 =	rddreg [dreg:$0x12];
	s8 =	sand.u32 $0x1FFFFFF0, s2;
	s10 =	spop (v2sf)  }
0x2ab: {  	[tilespmem:s26], [sflag:$0x3] =	stream.linear.gather [hbm4b:s28+s22], $0x80, $0x38;
	[tilespmem:$0x17480] =	vst v63  }
0x2ac: {  	(v2sf) =	vpush v17, $0xC;
	s2 =	rddreg [dreg:$0x1a];
	s13 =	sand.u32 $0x1FFFFFF0, s10;
	s14 =	spop (v2sf)  }
0x2ad: {  	[tilespmem:s11], [sflag:$0x2] =	stream.linear.gather [hbm4b:s3+s22], $0x80, $0x38;
	[tilespmem:$0x17480] =	vst v63  }
0x2ae: {  	s12 =	sadd.s32 s5, s8;
	s19 =	sadd.s32 s4, s13;
	s20 =	sand.u32 $0x1FFFFFF0, s14  }
0x2af: {  	[tilespmem:s16], [sflag:$0x3] =	stream.linear.gather [hbm4b:s12+s22], $0x80, $0x38;
	[tilespmem:$0x17480] =	vst v63  }
0x2b0: {  	s13 =	rddreg [dreg:$0x16];
	s23 =	spop (v2sf);
	s26 =	sadd.s32 s5, s20  }
0x2b1: {  	[tilespmem:s24], [sflag:$0x2] =	stream.linear.gather [hbm4b:s19+s22], $0x80, $0x38;
	[tilespmem:$0x17480] =	vst v63  }
0x2b2: {  	s20 =	rddreg [dreg:$0xa];
	s28 =	sand.u32 $0x1FFFFFF0, s23;
	s31 =	spop (v2sf)  }
0x2b3: {  	[tilespmem:s2], [sflag:$0x3] =	stream.linear.gather [hbm4b:s26+s22], $0x80, $0x38;
	[tilespmem:$0x17480] =	vst v63  }
0x2b4: {  	s10 =	sadd.s32 s4, s28;
	s28 =	rddreg [dreg:$0x1e];
	s11 =	sand.u32 $0x1FFFFFF0, s31  }
0x2b5: {  	[tilespmem:s13], [sflag:$0x2] =	stream.linear.gather [hbm4b:s10+s22], $0x80, $0x38;
	[tilespmem:$0x17480] =	vst v63  }
0x2b6: {  	s12 =	spop (v2sf);
	s31 =	rddreg [dreg:$0xe];
	s14 =	sadd.s32 s5, s11  }
0x2b7: {  	(v2sf) =	vpush v18, $0xD;
	[tilespmem:s20], [sflag:$0x3] =	stream.linear.gather [hbm4b:s14+s22], $0x80, $0x38;
	[tilespmem:$0x17480] =	vst v63  }
.Ltmp5:
0x2b8: {  	(v2sf) =	vpush v17, $0xD;
	s16 =	sand.u32 $0x1FFFFFF0, s12;
	s19 =	spop (v2sf);
	(pc) =	sbr.rel @p0 .LBB2_12-.Ltmp5, $4  }
0x2b9: {  	(v2sf) =	vpush v18, $0xE;
	s23 =	sadd.s32 s4, s16;
	s24 =	sand.u32 $0x1FFFFFF0, s19;
	s26 =	spop (v2sf)  }
0x2ba: {  	(v2sf) =	vpush v17, $0xE;
	[tilespmem:s28], [sflag:$0x2] =	stream.linear.gather [hbm4b:s23+s22], $0x80, $0x38;
	[tilespmem:$0x17480] =	vst v63  }
0x2bb: {  	(v2sf) =	vpush v18, $0xF;
	s3 =	sadd.s32 s5, s24;
	s0 =	sand.u32 $0x1FFFFFF0, s26;
	s8 =	spop (v2sf)  }
0x2bc: {  	(v2sf) =	vpush v17, $0xF;
	[tilespmem:s31], [sflag:$0x3] =	stream.linear.gather [hbm4b:s3+s22], $0x80, $0x38;
	[tilespmem:$0x17480] =	vst v63  }
0x2bd: {  	_ =	sdelay $0x4  }
0x2be: {  	s0 =	sadd.s32 s4, s0;
	s1 =	sand.u32 $0x1FFFFFF0, s8  }
0x2bf: {  	[tilespmem:s7], [sflag:$0x2] =	stream.linear.gather [hbm4b:s0+s22], $0x80, $0x38;
	[tilespmem:$0x17480] =	vst v63  }
0x2c0: {  	s10 =	sadd.s32 s5, s1  }
0x2c1: {  	[tilespmem:s15], [sflag:$0x3] =	stream.linear.gather [hbm4b:s10+s22], $0x80, $0x38;
	[tilespmem:$0x17480] =	vst v63  }
0x2c2: {  	s3 =	spop (v2sf)  }
0x2c3: {  	s11 =	sand.u32 $0x1FFFFFF0, s3;
	s12 =	spop (v2sf)  }
0x2c4: {  	s13 =	sadd.s32 s4, s11;
	s14 =	sand.u32 $0x1FFFFFF0, s12;
	s15 =	spop (v2sf)  }
0x2c5: {  	[tilespmem:s25], [sflag:$0x2] =	stream.linear.gather [hbm4b:s13+s22], $0x80, $0x38;
	[tilespmem:$0x17480] =	vst v63  }
0x2c6: {  	s16 =	sadd.s32 s5, s14;
	s17 =	sand.u32 $0x1FFFFFF0, s15;
	s19 =	spop (v2sf)  }
0x2c7: {  	[tilespmem:s21], [sflag:$0x3] =	stream.linear.gather [hbm4b:s16+s22], $0x80, $0x38;
	[tilespmem:$0x17480] =	vst v63  }
0x2c8: {  	s20 =	sadd.s32 s4, s17;
	s23 =	spop (v2sf);
	s21 =	sand.u32 $0x1FFFFFF0, s19  }
0x2c9: {  	[tilespmem:s6], [sflag:$0x2] =	stream.linear.gather [hbm4b:s20+s22], $0x80, $0x38;
	[tilespmem:$0x17480] =	vst v63  }
0x2ca: {  	s25 =	sand.u32 $0x1FFFFFF0, s23;
	s26 =	spop (v2sf);
	s24 =	sadd.s32 s5, s21  }
0x2cb: {  	[tilespmem:s18], [sflag:$0x3] =	stream.linear.gather [hbm4b:s24+s22], $0x80, $0x38;
	[tilespmem:$0x17480] =	vst v63  }
0x2cc: {  	s28 =	sadd.s32 $0x1100, s29;
	s1 =	sadd.s32 s4, s25;
	s3 =	sand.u32 $0x1FFFFFF0, s26  }
0x2cd: {  	[tilespmem:s28], [sflag:$0x2] =	stream.linear.gather [hbm4b:s1+s22], $0x80, $0x38;
	[tilespmem:$0x17480] =	vst v63  }
0x2ce: {  	s30 =	sadd.s32 $0x9100, s29;
	s31 =	sadd.s32 s5, s3;
	s1 =	simm.s32 $0x2  }
0x2cf: {  	[tilespmem:s30], [sflag:$0x3] =	stream.linear.gather [hbm4b:s31+s22], $0x80, $0x38;
	[tilespmem:$0x17480] =	vst v63  }
0x2d0: {  	_ =	swait.ge [sflag:s1], $0x80  }
0x2d1: {  	[sflag:s1] =	ssyncset.done $0x0  }
0x2d2: {  	s3 =	simm.s32 $0x3;
	[sflag:s1] =	ssyncadd.s32 $0xFFFFFF80  }
0x2d3: {  	_ =	swait.ge [sflag:s3], $0x80  }
0x2d4: {  	s0 =	simm.s32 $0x7F;
	[sflag:s3] =	ssyncset.done $0x0  }
.LBB2_14:
0x2d5: {  	p0 =	sne.s32 s0, $0x1;
	s0 =	sadd.s32 $0xFFFFFFFF, s0;
	[sflag:s3] =	ssyncadd.s32 $0xFFFFFF80  }
.Ltmp6:
0x2d6: {  	_ =	swait.ge [sflag:s1], $0x80;
	(pc) =	sbr.rel @p0 .LBB2_14-.Ltmp6, $4  }
0x2d7: {  	[sflag:s1] =	ssyncset.done $0x0  }
0x2d8: {  	[sflag:s1] =	ssyncadd.s32 $0xFFFFFF80  }
0x2d9: {  	_ =	swait.ge [sflag:s3], $0x80  }
0x2da: {  	[sflag:s3] =	ssyncset.done $0x0  }
0x2db: {  	[sflag:s3] =	ssyncadd.s32 $0xFFFFFF80;
	s0 =	simm.s32 $0x49A0  }
0x2dc: {  	v17 =	vld [tilespmem:s0+$0xFFFFFFE0]  }
0x2dd: {  	v18 =	vld [tilespmem:s0+$0xFFFFFFF0];
	_ =	sdelay $0x1  }
0x2de: {  	v19 =	vld [tilespmem:s0+$0x0];
	_ =	sdelay $0x1  }
0x2df: {  	v20 =	vld [tilespmem:s0+$0x10]  }
0x2e0: {  	s0 =	simm.s32 $0xC9A0;
	v17 =	vmul.f32 v17, v13;
	v18 =	vmul.f32 v18, v14  }
0x2e1: {  	v21 =	vld [tilespmem:s0+$0xFFFFFFE0]  }
0x2e2: {  	v17 =	vadd.f32 v18, v17;
	v18 =	vmul.f32 v19, v11  }
0x2e3: {  	v19 =	vld [tilespmem:s0+$0xFFFFFFF0]  }
0x2e4: {  	v17 =	vadd.f32 v18, v17;
	v18 =	vmul.f32 v20, v9  }
0x2e5: {  	v20 =	vld [tilespmem:s0+$0x0]  }
0x2e6: {  	v17 =	vadd.f32 v18, v17;
	v18 =	vmul.f32 v21, v10  }
0x2e7: {  	v63 =	vld [tilespmem:s0+$0x10]  }
0x2e8: {  	v17 =	vadd.f32 v18, v17;
	v18 =	vmul.f32 v19, v12;
	_ =	sdelay $0x1  }
0x2e9: {  	v17 =	vadd.f32 v18, v17;
	v18 =	vmul.f32 v20, v15;
	_ =	sdelay $0x1  }
0x2ea: {  	v17 =	vadd.f32 v18, v17;
	v18 =	vmul.f32 v63, v16;
	_ =	sdelay $0x1  }
0x2eb: {  	s1 =	simm.s32 $0x0;
	v17 =	vadd.f32 v18, v17  }
0x2ec: {  	s1 =	sand.u32 $0x7F0, s1  }
0x2ed: {  	s3 =	simm.s32 $0x4A20;
	[tilespmem:s1+$0x15A80] =	vst v17  }
0x2ee: {  	v17 =	vld [tilespmem:s3+$0xFFFFFFE0]  }
0x2ef: {  	s6 =	simm.s32 $0x20;
	s1 =	simm.s32 $0x10;
	v18 =	vld [tilespmem:s3+$0xFFFFFFF0]  }
.LBB2_16:
0x2f0: {  	p0 =	sne.s32 s6, $0x7F0  }
0x2f1: {  	v19 =	vld [tilespmem:s3+$0x0];
	_ =	sdelay $0x1  }
0x2f2: {  	v20 =	vld [tilespmem:s3+$0x10]  }
0x2f3: {  	s0 =	sadd.s32 $0x80, s0;
	v17 =	vmul.f32 v17, v13;
	v18 =	vmul.f32 v18, v14  }
0x2f4: {  	v21 =	vld [tilespmem:s0+$0xFFFFFFE0]  }
0x2f5: {  	v17 =	vadd.f32 v18, v17;
	v18 =	vmul.f32 v19, v11  }
0x2f6: {  	v19 =	vld [tilespmem:s0+$0xFFFFFFF0]  }
0x2f7: {  	v17 =	vadd.f32 v18, v17;
	v18 =	vmul.f32 v20, v9  }
0x2f8: {  	v20 =	vld [tilespmem:s0+$0x0]  }
0x2f9: {  	v17 =	vadd.f32 v18, v17;
	v18 =	vmul.f32 v21, v10  }
0x2fa: {  	v21 =	vld [tilespmem:s0+$0x10]  }
0x2fb: {  	v17 =	vadd.f32 v18, v17;
	v18 =	vmul.f32 v19, v12;
	_ =	sdelay $0x1  }
0x2fc: {  	v17 =	vadd.f32 v18, v17;
	v18 =	vmul.f32 v20, v15;
	_ =	sdelay $0x1  }
0x2fd: {  	v17 =	vadd.f32 v18, v17;
	v18 =	vmul.f32 v21, v16;
	_ =	sdelay $0x1  }
.Ltmp7:
0x2fe: {  	v17 =	vadd.f32 v18, v17;
	(pc) =	sbr.rel @p0 .LBB2_16-.Ltmp7, $4  }
0x2ff: {  	s7 =	sand.u32 $0x7F0, s1;
	s1 =	smov.u32 s6  }
0x300: {  	s3 =	sadd.s32 $0x80, s3;
	[tilespmem:s7+$0x15A80] =	vst v17  }
0x301: {  	v17 =	vld [tilespmem:s3+$0xFFFFFFE0]  }
0x302: {  	s6 =	sadd.s32 $0x10, s6;
	v18 =	vld [tilespmem:s3+$0xFFFFFFF0]  }
0x303: {  	_ = 	snop  }
0x304: {  	v19 =	vld [tilespmem:s3+$0x0];
	_ =	sdelay $0x1  }
0x305: {  	v20 =	vld [tilespmem:s3+$0x10]  }
0x306: {  	s0 =	sadd.s32 $0x80, s0;
	v17 =	vmul.f32 v17, v13;
	v18 =	vmul.f32 v18, v14  }
0x307: {  	v21 =	vld [tilespmem:s0+$0xFFFFFFE0]  }
0x308: {  	v17 =	vadd.f32 v18, v17;
	v18 =	vmul.f32 v19, v11  }
0x309: {  	v19 =	vld [tilespmem:s0+$0xFFFFFFF0]  }
0x30a: {  	v17 =	vadd.f32 v18, v17;
	v18 =	vmul.f32 v20, v9  }
0x30b: {  	v62 =	vld [tilespmem:s0+$0x0]  }
0x30c: {  	v17 =	vadd.f32 v18, v17;
	v18 =	vmul.f32 v21, v10  }
0x30d: {  	v63 =	vld [tilespmem:s0+$0x10]  }
0x30e: {  	v17 =	vadd.f32 v18, v17;
	v18 =	vmul.f32 v19, v12;
	_ =	sdelay $0x1  }
0x30f: {  	v17 =	vadd.f32 v18, v17;
	v18 =	vmul.f32 v62, v15;
	_ =	sdelay $0x1  }
0x310: {  	v17 =	vadd.f32 v18, v17;
	v18 =	vmul.f32 v63, v16;
	_ =	sdelay $0x1  }
0x311: {  	v17 =	vadd.f32 v18, v17  }
0x312: {  	s18 =	sand.u32 $0x7F0, s1  }
0x313: {  	s19 =	simm.s32 $0x180;
	[tilespmem:s18+$0x15A80] =	vst v17  }
0x314: {  	s20 =	simm.s32 $0x380;
	v17 =	vld [tilespmem:s19+$0x0]  }
0x315: {  	v19 =	vld [tilespmem:s20+$0x0];
	_ =	sdelay $0x3  }
0x316: {  	v18 =	vshll.u32 v17, $0x4  }
0x317: {  	v17 =	vshll.u32 v19, $0x4;
	(v2sf) =	vpush v18, $0x0  }
0x318: {  	(v2sf) =	vpush v17, $0x0  }
0x319: {  	(v2sf) =	vpush v18, $0x1;
	_ =	sdelay $0x1  }
0x31a: {  	(v2sf) =	vpush v17, $0x1;
	_ =	sdelay $0x2  }
0x31b: {  	(v2sf) =	vpush v18, $0x2;
	_ =	sdelay $0x1  }
0x31c: {  	(v2sf) =	vpush v17, $0x2;
	_ =	sdelay $0x1  }
0x31d: {  	s30 =	simm.s32 $0x2000;
	(v2sf) =	vpush v18, $0x3  }
0x31e: {  	s29 =	simm.s32 $0x0;
	s21 =	simm.s32 $0xC980;
	s6 =	simm.s32 $0x4E00  }
0x31f: {  	s7 =	simm.s32 $0x4980;
	s9 =	simm.s32 $0x4B80;
	s1 =	simm.s32 $0xCE80  }
0x320: {  	s10 =	simm.s32 $0x4B00;
	s25 =	simm.s32 $0x4A00;
	s31 =	simm.s32 $0xCA00  }
0x321: {  	s15 =	simm.s32 $0xCA80;
	s0 =	simm.s32 $0x4C00;
	s8 =	spop (v2sf);
	(v2sf) =	vpush v17, $0x3  }
0x322: {  	s20 =	simm.s32 $0xCB80;
	s8 =	sand.u32 $0x1FFFFFF0, s8;
	s11 =	spop (v2sf)  }
0x323: {  	(v2sf) =	vpush v18, $0x4;
	s8 =	sadd.s32 s4, s8;
	s23 =	sand.u32 $0x1FFFFFF0, s11;
	s24 =	spop (v2sf)  }
0x324: {  	(v2sf) =	vpush v17, $0x4;
	[tilespmem:s7], [sflag:$0x2] =	stream.linear.gather [hbm4b:s8+s22], $0x80, $0x38;
	[tilespmem:$0x17480] =	vst v63  }
0x325: {  	s7 =	simm.s32 $0xCB00;
	s11 =	sand.u32 $0x1FFFFFF0, s24;
	s12 =	spop (v2sf)  }
0x326: {  	s8 =	sadd.s32 s5, s23;
	s26 =	sadd.s32 s4, s11;
	s28 =	sand.u32 $0x1FFFFFF0, s12  }
0x327: {  	(v2sf) =	vpush v18, $0x5;
	[tilespmem:s21], [sflag:$0x3] =	stream.linear.gather [hbm4b:s8+s22], $0x80, $0x38;
	[tilespmem:$0x17480] =	vst v63  }
0x328: {  	s2 =	spop (v2sf);
	(v2sf) =	vpush v17, $0x5;
	s12 =	simm.s32 $0x4A80;
	s11 =	sadd.s32 s5, s28  }
0x329: {  	[tilespmem:s25], [sflag:$0x2] =	stream.linear.gather [hbm4b:s26+s22], $0x80, $0x38;
	[tilespmem:$0x17480] =	vst v63  }
0x32a: {  	s8 =	sand.u32 $0x1FFFFFF0, s2;
	s13 =	spop (v2sf);
	s2 =	simm.s32 $0xCF80  }
0x32b: {  	[tilespmem:s31], [sflag:$0x3] =	stream.linear.gather [hbm4b:s11+s22], $0x80, $0x38;
	[tilespmem:$0x17480] =	vst v63  }
0x32c: {  	(v2sf) =	vpush v18, $0x6;
	s8 =	sadd.s32 s4, s8;
	s14 =	spop (v2sf);
	s11 =	sand.u32 $0x1FFFFFF0, s13  }
0x32d: {  	[tilespmem:s12], [sflag:$0x2] =	stream.linear.gather [hbm4b:s8+s22], $0x80, $0x38;
	[tilespmem:$0x17480] =	vst v63  }
0x32e: {  	(v2sf) =	vpush v17, $0x6;
	s17 =	sand.u32 $0x1FFFFFF0, s14;
	s26 =	simm.s32 $0xCC00;
	s16 =	sadd.s32 s5, s11  }
0x32f: {  	[tilespmem:s15], [sflag:$0x3] =	stream.linear.gather [hbm4b:s16+s22], $0x80, $0x38;
	[tilespmem:$0x17480] =	vst v63  }
0x330: {  	s19 =	sadd.s32 s4, s17;
	s31 =	simm.s32 $0x4C80;
	s18 =	spop (v2sf)  }
0x331: {  	[tilespmem:s10], [sflag:$0x2] =	stream.linear.gather [hbm4b:s19+s22], $0x80, $0x38;
	[tilespmem:$0x17480] =	vst v63  }
0x332: {  	s15 =	simm.s32 $0x5000;
	(v2sf) =	vpush v18, $0x7;
	s3 =	sand.u32 $0x1FFFFFF0, s18;
	s21 =	spop (v2sf)  }
0x333: {  	s18 =	simm.s32 $0xCC80;
	s3 =	sadd.s32 s5, s3;
	s23 =	spop (v2sf)  }
0x334: {  	(v2sf) =	vpush v17, $0x7;
	[tilespmem:s7], [sflag:$0x3] =	stream.linear.gather [hbm4b:s3+s22], $0x80, $0x38;
	[tilespmem:$0x17480] =	vst v63  }
0x335: {  	s10 =	sand.u32 $0x1FFFFFF0, s21;
	(v2sf) =	vpush v18, $0x8;
	s21 =	simm.s32 $0x4D00;
	s25 =	sand.u32 $0x1FFFFFF0, s23  }
0x336: {  	s24 =	sadd.s32 s4, s10;
	s28 =	spop (v2sf);
	s7 =	sadd.s32 s5, s25  }
0x337: {  	(v2sf) =	vpush v17, $0x8;
	s11 =	sand.u32 $0x1FFFFFF0, s28;
	s12 =	spop (v2sf);
	s25 =	simm.s32 $0xCD00  }
0x338: {  	[tilespmem:s9], [sflag:$0x2] =	stream.linear.gather [hbm4b:s24+s22], $0x80, $0x38;
	[tilespmem:$0x17480] =	vst v63  }
0x339: {  	(v2sf) =	vpush v18, $0x9;
	s28 =	simm.s32 $0x4D80;
	s8 =	sadd.s32 s4, s11;
	s9 =	sand.u32 $0x1FFFFFF0, s12  }
0x33a: {  	(v2sf) =	vpush v17, $0x9;
	[tilespmem:s20], [sflag:$0x3] =	stream.linear.gather [hbm4b:s7+s22], $0x80, $0x38;
	[tilespmem:$0x17480] =	vst v63  }
0x33b: {  	s13 =	spop (v2sf);
	s11 =	simm.s32 $0xD000;
	s12 =	simm.s32 $0xCE00  }
0x33c: {  	(v2sf) =	vpush v18, $0xA;
	[tilespmem:s0], [sflag:$0x2] =	stream.linear.gather [hbm4b:s8+s22], $0x80, $0x38;
	[tilespmem:$0x17480] =	vst v63  }
0x33d: {  	s14 =	sadd.s32 s5, s9;
	s16 =	sand.u32 $0x1FFFFFF0, s13;
	s17 =	spop (v2sf)  }
0x33e: {  	(v2sf) =	vpush v17, $0xA;
	[tilespmem:s26], [sflag:$0x3] =	stream.linear.gather [hbm4b:s14+s22], $0x80, $0x38;
	[tilespmem:$0x17480] =	vst v63  }
0x33f: {  	s9 =	sadd.s32 s4, s16;
	s7 =	simm.s32 $0x4F80;
	s8 =	sand.u32 $0x1FFFFFF0, s17  }
0x340: {  	[tilespmem:s31], [sflag:$0x2] =	stream.linear.gather [hbm4b:s9+s22], $0x80, $0x38;
	[tilespmem:$0x17480] =	vst v63  }
0x341: {  	s0 =	simm.s32 $0xCF00;
	s8 =	sadd.s32 s5, s8;
	s19 =	spop (v2sf)  }
0x342: {  	(v2sf) =	vpush v18, $0xB;
	[tilespmem:s18], [sflag:$0x3] =	stream.linear.gather [hbm4b:s8+s22], $0x80, $0x38;
	[tilespmem:$0x17480] =	vst v63  }
0x343: {  	s14 =	simm.s32 $0x4E80;
	s9 =	sand.u32 $0x1FFFFFF0, s19;
	s20 =	spop (v2sf)  }
0x344: {  	(v2sf) =	vpush v17, $0xB;
	s23 =	sadd.s32 s4, s9;
	s24 =	sand.u32 $0x1FFFFFF0, s20;
	s26 =	spop (v2sf)  }
0x345: {  	[tilespmem:s21], [sflag:$0x2] =	stream.linear.gather [hbm4b:s23+s22], $0x80, $0x38;
	[tilespmem:$0x17480] =	vst v63  }
0x346: {  	s9 =	sadd.s32 s5, s24;
	s8 =	sand.u32 $0x1FFFFFF0, s26;
	s31 =	spop (v2sf)  }
0x347: {  	[tilespmem:s25], [sflag:$0x3] =	stream.linear.gather [hbm4b:s9+s22], $0x80, $0x38;
	[tilespmem:$0x17480] =	vst v63  }
0x348: {  	(v2sf) =	vpush v18, $0xC;
	s8 =	sadd.s32 s4, s8;
	s3 =	spop (v2sf);
	s9 =	sand.u32 $0x1FFFFFF0, s31  }
0x349: {  	s10 =	sand.u32 $0x1FFFFFF0, s3;
	s13 =	spop (v2sf);
	s25 =	simm.s32 $0x4F00  }
0x34a: {  	(v2sf) =	vpush v17, $0xC;
	[tilespmem:s28], [sflag:$0x2] =	stream.linear.gather [hbm4b:s8+s22], $0x80, $0x38;
	[tilespmem:$0x17480] =	vst v63  }
0x34b: {  	s9 =	sadd.s32 s5, s9;
	s16 =	spop (v2sf);
	s8 =	simm.s32 $0xCD80  }
0x34c: {  	[tilespmem:s8], [sflag:$0x3] =	stream.linear.gather [hbm4b:s9+s22], $0x80, $0x38;
	[tilespmem:$0x17480] =	vst v63  }
0x34d: {  	s17 =	spop (v2sf);
	s9 =	sadd.s32 s4, s10;
	s8 =	sand.u32 $0x1FFFFFF0, s13  }
0x34e: {  	[tilespmem:s6], [sflag:$0x2] =	stream.linear.gather [hbm4b:s9+s22], $0x80, $0x38;
	[tilespmem:$0x17480] =	vst v63  }
0x34f: {  	s19 =	sand.u32 $0x1FFFFFF0, s17;
	s8 =	sadd.s32 s5, s8;
	s9 =	sand.u32 $0x1FFFFFF0, s16  }
0x350: {  	[tilespmem:s12], [sflag:$0x3] =	stream.linear.gather [hbm4b:s8+s22], $0x80, $0x38;
	[tilespmem:$0x17480] =	vst v63  }
0x351: {  	s17 =	simm.s32 $0x190;
	s18 =	sadd.s32 s4, s9;
	s20 =	spop (v2sf)  }
0x352: {  	[tilespmem:s14], [sflag:$0x2] =	stream.linear.gather [hbm4b:s18+s22], $0x80, $0x38;
	[tilespmem:$0x17480] =	vst v63  }
0x353: {  	s21 =	sadd.s32 s5, s19;
	s23 =	sand.u32 $0x1FFFFFF0, s20;
	s24 =	spop (v2sf)  }
0x354: {  	(v2sf) =	vpush v18, $0xD;
	[tilespmem:s1], [sflag:$0x3] =	stream.linear.gather [hbm4b:s21+s22], $0x80, $0x38;
	[tilespmem:$0x17480] =	vst v63  }
0x355: {  	s6 =	simm.s32 $0x5080;
	(v2sf) =	vpush v17, $0xD;
	s26 =	sadd.s32 s4, s23;
	s8 =	sand.u32 $0x1FFFFFF0, s24  }
0x356: {  	(v2sf) =	vpush v18, $0xE;
	[tilespmem:s25], [sflag:$0x2] =	stream.linear.gather [hbm4b:s26+s22], $0x80, $0x38;
	[tilespmem:$0x17480] =	vst v63  }
0x357: {  	s1 =	simm.s32 $0x390;
	s28 =	sadd.s32 s5, s8;
	(v2sf) =	vpush v17, $0xE;
	s31 =	spop (v2sf)  }
0x358: {  	(v2sf) =	vpush v18, $0xF;
	[tilespmem:s0], [sflag:$0x3] =	stream.linear.gather [hbm4b:s28+s22], $0x80, $0x38;
	[tilespmem:$0x17480] =	vst v63  }
0x359: {  	s26 =	simm.s32 $0xD080;
	s8 =	spop (v2sf);
	(v2sf) =	vpush v17, $0xF;
	s0 =	sand.u32 $0x1FFFFFF0, s31  }
.LBB2_18:
0x35a: {  	_ =	sdelay $0x4  }
0x35b: {  	s0 =	sadd.s32 s4, s0;
	s8 =	sand.u32 $0x1FFFFFF0, s8  }
0x35c: {  	[tilespmem:s7], [sflag:$0x2] =	stream.linear.gather [hbm4b:s0+s22], $0x80, $0x38;
	[tilespmem:$0x17480] =	vst v63  }
0x35d: {  	s8 =	sadd.s32 s5, s8  }
0x35e: {  	[tilespmem:s2], [sflag:$0x3] =	stream.linear.gather [hbm4b:s8+s22], $0x80, $0x38;
	[tilespmem:$0x17480] =	vst v63  }
0x35f: {  	s9 =	spop (v2sf)  }
0x360: {  	s9 =	sand.u32 $0x1FFFFFF0, s9;
	s10 =	spop (v2sf)  }
0x361: {  	s12 =	sadd.s32 s4, s9;
	s13 =	sand.u32 $0x1FFFFFF0, s10;
	s14 =	spop (v2sf)  }
0x362: {  	[tilespmem:s15], [sflag:$0x2] =	stream.linear.gather [hbm4b:s12+s22], $0x80, $0x38;
	[tilespmem:$0x17480] =	vst v63  }
0x363: {  	s16 =	sadd.s32 s5, s13;
	s18 =	sand.u32 $0x1FFFFFF0, s14;
	s19 =	spop (v2sf)  }
0x364: {  	[tilespmem:s11], [sflag:$0x3] =	stream.linear.gather [hbm4b:s16+s22], $0x80, $0x38;
	[tilespmem:$0x17480] =	vst v63  }
0x365: {  	s20 =	sadd.s32 s4, s18;
	s3 =	sand.u32 $0x1FFFFFF0, s19;
	s21 =	spop (v2sf)  }
0x366: {  	[tilespmem:s6], [sflag:$0x2] =	stream.linear.gather [hbm4b:s20+s22], $0x80, $0x38;
	[tilespmem:$0x17480] =	vst v63  }
0x367: {  	s23 =	sadd.s32 s5, s3;
	s24 =	sand.u32 $0x1FFFFFF0, s21;
	s25 =	spop (v2sf)  }
0x368: {  	[tilespmem:s26], [sflag:$0x3] =	stream.linear.gather [hbm4b:s23+s22], $0x80, $0x38;
	[tilespmem:$0x17480] =	vst v63  }
0x369: {  	s3 =	sadd.s32 s4, s24;
	s6 =	sand.u32 $0x1FFFFFF0, s25;
	s26 =	sadd.s32 $0x5100, s29  }
0x36a: {  	[tilespmem:s26], [sflag:$0x2] =	stream.linear.gather [hbm4b:s3+s22], $0x80, $0x38;
	[tilespmem:$0x17480] =	vst v63  }
0x36b: {  	s28 =	sadd.s32 $0xD100, s29;
	s31 =	sadd.s32 s5, s6  }
0x36c: {  	[tilespmem:s28], [sflag:$0x3] =	stream.linear.gather [hbm4b:s31+s22], $0x80, $0x38;
	[tilespmem:$0x17480] =	vst v63  }
0x36d: {  	v17 =	vld [tilespmem:s17+$0x0]  }
0x36e: {  	v19 =	vld [tilespmem:s1+$0x0];
	_ =	sdelay $0x3  }
0x36f: {  	v18 =	vshll.u32 v17, $0x4  }
0x370: {  	v17 =	vshll.u32 v19, $0x4;
	(v2sf) =	vpush v18, $0x0  }
0x371: {  	s2 =	smov.u32 s30;
	(v2sf) =	vpush v17, $0x0  }
0x372: {  	p0 =	sne.s32 s30, $0xE000;
	s30 =	sadd.s32 $0x2000, s30;
	s29 =	sshra.s32 s2, $0x2;
	(v2sf) =	vpush v18, $0x1  }
0x373: {  	s18 =	simm.s32 $0x0;
	s9 =	sadd.s32 $0xC980, s29;
	s0 =	sadd.s32 $0x4C00, s29  }
0x374: {  	s11 =	sadd.s32 $0x4980, s29;
	s14 =	sadd.s32 $0x4B80, s29;
	s6 =	sadd.s32 $0xCE80, s29  }
0x375: {  	s23 =	sadd.s32 $0xCB00, s29;
	s2 =	sadd.s32 $0xCF80, s29;
	s8 =	sadd.s32 $0x4A80, s29;
	(v2sf) =	vpush v17, $0x1  }
0x376: {  	s21 =	sadd.s32 $0xCB80, s29;
	s15 =	sadd.s32 $0x5000, s29;
	s10 =	sadd.s32 $0xCA00, s29  }
0x377: {  	s19 =	sadd.s32 $0xCC00, s29;
	s16 =	sadd.s32 $0x4C80, s29;
	[smem:$0x7E8] =	sst s0;
	(v2sf) =	vpush v18, $0x2  }
0x378: {  	s7 =	sadd.s32 $0xCF00, s29;
	s25 =	sadd.s32 $0xCC80, s29;
	[dreg:$0xb] =	wrdreg s6  }
0x379: {  	s12 =	sadd.s32 $0xCE00, s29;
	s13 =	sadd.s32 $0x4E80, s29;
	[dreg:$0xf] =	wrdreg s7;
	(v2sf) =	vpush v17, $0x2  }
0x37a: {  	s24 =	sadd.s32 $0x4D00, s29;
	s20 =	sadd.s32 $0xCD80, s29;
	[dreg:$0x1b] =	wrdreg s12  }
0x37b: {  	s3 =	sadd.s32 $0x4E00, s29;
	s0 =	sadd.s32 $0xCA80, s29;
	[dreg:$0x17] =	wrdreg s13;
	(v2sf) =	vpush v18, $0x3  }
0x37c: {  	[smem:$0x7EA] =	sst s20;
	s7 =	sadd.s32 $0x4F80, s29;
	s12 =	sadd.s32 $0x4A00, s29  }
0x37d: {  	s20 =	sadd.s32 $0xCD00, s29;
	s26 =	sadd.s32 $0x4D80, s29;
	[dreg:$0x13] =	wrdreg s3;
	(v2sf) =	vpush v17, $0x3  }
0x37e: {  	s6 =	sadd.s32 $0x5080, s29;
	[smem:$0x7E9] =	sst s26;
	s26 =	sadd.s32 $0xD080, s29  }
0x37f: {  	s28 =	sadd.s32 $0x4B00, s29;
	s31 =	sadd.s32 $0x4F00, s29;
	(v2sf) =	vpush v18, $0x4;
	s13 =	spop (v2sf)  }
0x380: {  	[dreg:$0x1f] =	wrdreg s31;
	s13 =	sand.u32 $0x1FFFFFF0, s13;
	s31 =	spop (v2sf)  }
0x381: {  	(v2sf) =	vpush v17, $0x4;
	s13 =	sadd.s32 s4, s13;
	s31 =	sand.u32 $0x1FFFFFF0, s31;
	s3 =	spop (v2sf)  }
0x382: {  	[tilespmem:s11], [sflag:$0x2] =	stream.linear.gather [hbm4b:s13+s18], $0x80, $0x38;
	[tilespmem:$0x17480] =	vst v63  }
0x383: {  	s22 =	sadd.s32 $0xD000, s29;
	(v2sf) =	vpush v18, $0x5;
	s13 =	sadd.s32 s5, s31;
	s3 =	sand.u32 $0x1FFFFFF0, s3  }
0x384: {  	s31 =	spop (v2sf);
	(v2sf) =	vpush v17, $0x5;
	s11 =	smov.u32 s22;
	s22 =	simm.s32 $0x0  }
0x385: {  	[tilespmem:s9], [sflag:$0x3] =	stream.linear.gather [hbm4b:s13+s18], $0x80, $0x38;
	[tilespmem:$0x17480] =	vst v63  }
0x386: {  	s3 =	sadd.s32 s4, s3;
	s13 =	sand.u32 $0x1FFFFFF0, s31;
	s31 =	spop (v2sf);
	(v2sf) =	vpush v18, $0x6  }
0x387: {  	[tilespmem:s12], [sflag:$0x2] =	stream.linear.gather [hbm4b:s3+s18], $0x80, $0x38;
	[tilespmem:$0x17480] =	vst v63  }
0x388: {  	s12 =	sadd.s32 s5, s13;
	s13 =	sand.u32 $0x1FFFFFF0, s31;
	s31 =	spop (v2sf);
	(v2sf) =	vpush v17, $0x6  }
0x389: {  	[tilespmem:s10], [sflag:$0x3] =	stream.linear.gather [hbm4b:s12+s18], $0x80, $0x38;
	[tilespmem:$0x17480] =	vst v63  }
0x38a: {  	s9 =	sadd.s32 s4, s13;
	s10 =	sand.u32 $0x1FFFFFF0, s31;
	s12 =	spop (v2sf);
	(v2sf) =	vpush v18, $0x7  }
0x38b: {  	[tilespmem:s8], [sflag:$0x2] =	stream.linear.gather [hbm4b:s9+s22], $0x80, $0x38;
	[tilespmem:$0x17480] =	vst v63  }
0x38c: {  	s13 =	sadd.s32 s5, s10;
	s18 =	sand.u32 $0x1FFFFFF0, s12;
	s31 =	spop (v2sf);
	(v2sf) =	vpush v17, $0x7  }
0x38d: {  	[tilespmem:s0], [sflag:$0x3] =	stream.linear.gather [hbm4b:s13+s22], $0x80, $0x38;
	[tilespmem:$0x17480] =	vst v63  }
0x38e: {  	s10 =	sadd.s32 s4, s18;
	s12 =	sand.u32 $0x1FFFFFF0, s31;
	s13 =	spop (v2sf)  }
0x38f: {  	(v2sf) =	vpush v18, $0x8;
	[tilespmem:s28], [sflag:$0x2] =	stream.linear.gather [hbm4b:s10+s22], $0x80, $0x38;
	[tilespmem:$0x17480] =	vst v63  }
0x390: {  	s18 =	sadd.s32 s5, s12;
	s28 =	sand.u32 $0x1FFFFFF0, s13;
	s31 =	spop (v2sf)  }
0x391: {  	[tilespmem:s23], [sflag:$0x3] =	stream.linear.gather [hbm4b:s18+s22], $0x80, $0x38;
	[tilespmem:$0x17480] =	vst v63  }
0x392: {  	s1 =	sadd.s32 $0x10, s1;
	s9 =	sadd.s32 s4, s28;
	s12 =	spop (v2sf)  }
0x393: {  	(v2sf) =	vpush v17, $0x8;
	s10 =	sand.u32 $0x1FFFFFF0, s31;
	s31 =	sld [smem:$0x7E8];
	s18 =	spop (v2sf)  }
0x394: {  	(v2sf) =	vpush v18, $0x9;
	[tilespmem:s14], [sflag:$0x2] =	stream.linear.gather [hbm4b:s9+s22], $0x80, $0x38;
	[tilespmem:$0x17480] =	vst v63  }
0x395: {  	s13 =	sadd.s32 s5, s10;
	s14 =	sand.u32 $0x1FFFFFF0, s12;
	s28 =	spop (v2sf)  }
0x396: {  	(v2sf) =	vpush v17, $0x9;
	[tilespmem:s21], [sflag:$0x3] =	stream.linear.gather [hbm4b:s13+s22], $0x80, $0x38;
	[tilespmem:$0x17480] =	vst v63  }
0x397: {  	s23 =	sand.u32 $0x1FFFFFF0, s18;
	s21 =	sadd.s32 s4, s14;
	s9 =	spop (v2sf)  }
0x398: {  	[tilespmem:s31], [sflag:$0x2] =	stream.linear.gather [hbm4b:s21+s22], $0x80, $0x38;
	[tilespmem:$0x17480] =	vst v63  }
0x399: {  	s17 =	sadd.s32 $0x10, s17;
	s3 =	sadd.s32 s5, s23;
	s13 =	spop (v2sf)  }
0x39a: {  	(v2sf) =	vpush v18, $0xA;
	[tilespmem:s19], [sflag:$0x3] =	stream.linear.gather [hbm4b:s3+s22], $0x80, $0x38;
	[tilespmem:$0x17480] =	vst v63  }
0x39b: {  	s8 =	sand.u32 $0x1FFFFFF0, s28;
	s12 =	sand.u32 $0x1FFFFFF0, s9;
	s18 =	spop (v2sf)  }
0x39c: {  	(v2sf) =	vpush v17, $0xA;
	s10 =	sadd.s32 s4, s8;
	s14 =	sadd.s32 s5, s12;
	s21 =	sand.u32 $0x1FFFFFF0, s18  }
0x39d: {  	[tilespmem:s16], [sflag:$0x2] =	stream.linear.gather [hbm4b:s10+s22], $0x80, $0x38;
	[tilespmem:$0x17480] =	vst v63  }
0x39e: {  	s16 =	sand.u32 $0x1FFFFFF0, s13;
	s13 =	sld [smem:$0x7E9];
	s23 =	spop (v2sf)  }
0x39f: {  	[tilespmem:s25], [sflag:$0x3] =	stream.linear.gather [hbm4b:s14+s22], $0x80, $0x38;
	[tilespmem:$0x17480] =	vst v63  }
0x3a0: {  	(v2sf) =	vpush v18, $0xB;
	s19 =	sadd.s32 s4, s16;
	s25 =	sadd.s32 s5, s21;
	s28 =	sand.u32 $0x1FFFFFF0, s23  }
0x3a1: {  	[tilespmem:s24], [sflag:$0x2] =	stream.linear.gather [hbm4b:s19+s22], $0x80, $0x38;
	[tilespmem:$0x17480] =	vst v63  }
0x3a2: {  	(v2sf) =	vpush v17, $0xB;
	s9 =	sadd.s32 s4, s28;
	s31 =	spop (v2sf);
	s19 =	sld [smem:$0x7EA]  }
0x3a3: {  	(v2sf) =	vpush v18, $0xC;
	s24 =	rddreg [dreg:$0x13];
	s10 =	sand.u32 $0x1FFFFFF0, s31;
	s12 =	spop (v2sf)  }
0x3a4: {  	[tilespmem:s20], [sflag:$0x3] =	stream.linear.gather [hbm4b:s25+s22], $0x80, $0x38;
	[tilespmem:$0x17480] =	vst v63  }
0x3a5: {  	(v2sf) =	vpush v17, $0xC;
	s14 =	sadd.s32 s5, s10;
	s16 =	sand.u32 $0x1FFFFFF0, s12;
	s18 =	spop (v2sf)  }
0x3a6: {  	[tilespmem:s13], [sflag:$0x2] =	stream.linear.gather [hbm4b:s9+s22], $0x80, $0x38;
	[tilespmem:$0x17480] =	vst v63  }
0x3a7: {  	s10 =	rddreg [dreg:$0x1b];
	s20 =	sadd.s32 s4, s16;
	s21 =	sand.u32 $0x1FFFFFF0, s18  }
0x3a8: {  	[tilespmem:s19], [sflag:$0x3] =	stream.linear.gather [hbm4b:s14+s22], $0x80, $0x38;
	[tilespmem:$0x17480] =	vst v63  }
0x3a9: {  	s16 =	rddreg [dreg:$0x17];
	s23 =	spop (v2sf);
	s25 =	sadd.s32 s5, s21  }
0x3aa: {  	[tilespmem:s24], [sflag:$0x2] =	stream.linear.gather [hbm4b:s20+s22], $0x80, $0x38;
	[tilespmem:$0x17480] =	vst v63  }
0x3ab: {  	s21 =	rddreg [dreg:$0xb];
	s28 =	sand.u32 $0x1FFFFFF0, s23;
	s31 =	spop (v2sf)  }
0x3ac: {  	[tilespmem:s10], [sflag:$0x3] =	stream.linear.gather [hbm4b:s25+s22], $0x80, $0x38;
	[tilespmem:$0x17480] =	vst v63  }
0x3ad: {  	s12 =	sadd.s32 s4, s28;
	s28 =	rddreg [dreg:$0x1f];
	s13 =	sand.u32 $0x1FFFFFF0, s31  }
0x3ae: {  	[tilespmem:s16], [sflag:$0x2] =	stream.linear.gather [hbm4b:s12+s22], $0x80, $0x38;
	[tilespmem:$0x17480] =	vst v63  }
0x3af: {  	s31 =	rddreg [dreg:$0xf];
	s14 =	spop (v2sf);
	s18 =	sadd.s32 s5, s13  }
0x3b0: {  	(v2sf) =	vpush v18, $0xD;
	[tilespmem:s21], [sflag:$0x3] =	stream.linear.gather [hbm4b:s18+s22], $0x80, $0x38;
	[tilespmem:$0x17480] =	vst v63  }
.Ltmp8:
0x3b1: {  	(v2sf) =	vpush v17, $0xD;
	s19 =	sand.u32 $0x1FFFFFF0, s14;
	s20 =	spop (v2sf);
	(pc) =	sbr.rel @p0 .LBB2_18-.Ltmp8, $4  }
0x3b2: {  	(v2sf) =	vpush v18, $0xE;
	s23 =	sadd.s32 s4, s19;
	s24 =	sand.u32 $0x1FFFFFF0, s20;
	s25 =	spop (v2sf)  }
0x3b3: {  	(v2sf) =	vpush v17, $0xE;
	[tilespmem:s28], [sflag:$0x2] =	stream.linear.gather [hbm4b:s23+s22], $0x80, $0x38;
	[tilespmem:$0x17480] =	vst v63  }
0x3b4: {  	(v2sf) =	vpush v18, $0xF;
	s3 =	sadd.s32 s5, s24;
	s0 =	sand.u32 $0x1FFFFFF0, s25;
	s8 =	spop (v2sf)  }
0x3b5: {  	(v2sf) =	vpush v17, $0xF;
	[tilespmem:s31], [sflag:$0x3] =	stream.linear.gather [hbm4b:s3+s22], $0x80, $0x38;
	[tilespmem:$0x17480] =	vst v63  }
0x3b6: {  	_ =	sdelay $0x4  }
0x3b7: {  	s0 =	sadd.s32 s4, s0;
	s1 =	sand.u32 $0x1FFFFFF0, s8  }
0x3b8: {  	[tilespmem:s7], [sflag:$0x2] =	stream.linear.gather [hbm4b:s0+s22], $0x80, $0x38;
	[tilespmem:$0x17480] =	vst v63  }
0x3b9: {  	s8 =	sadd.s32 s5, s1  }
0x3ba: {  	[tilespmem:s2], [sflag:$0x3] =	stream.linear.gather [hbm4b:s8+s22], $0x80, $0x38;
	[tilespmem:$0x17480] =	vst v63  }
0x3bb: {  	s3 =	spop (v2sf)  }
0x3bc: {  	s9 =	sand.u32 $0x1FFFFFF0, s3;
	s10 =	spop (v2sf)  }
0x3bd: {  	s12 =	sadd.s32 s4, s9;
	s13 =	sand.u32 $0x1FFFFFF0, s10;
	s14 =	spop (v2sf)  }
0x3be: {  	[tilespmem:s15], [sflag:$0x2] =	stream.linear.gather [hbm4b:s12+s22], $0x80, $0x38;
	[tilespmem:$0x17480] =	vst v63  }
0x3bf: {  	s16 =	sadd.s32 s5, s13;
	s17 =	sand.u32 $0x1FFFFFF0, s14;
	s18 =	spop (v2sf)  }
0x3c0: {  	[tilespmem:s11], [sflag:$0x3] =	stream.linear.gather [hbm4b:s16+s22], $0x80, $0x38;
	[tilespmem:$0x17480] =	vst v63  }
0x3c1: {  	s19 =	sadd.s32 s4, s17;
	s20 =	sand.u32 $0x1FFFFFF0, s18;
	s21 =	spop (v2sf)  }
0x3c2: {  	[tilespmem:s6], [sflag:$0x2] =	stream.linear.gather [hbm4b:s19+s22], $0x80, $0x38;
	[tilespmem:$0x17480] =	vst v63  }
0x3c3: {  	s23 =	sadd.s32 s5, s20;
	s24 =	sand.u32 $0x1FFFFFF0, s21;
	s25 =	spop (v2sf)  }
0x3c4: {  	[tilespmem:s26], [sflag:$0x3] =	stream.linear.gather [hbm4b:s23+s22], $0x80, $0x38;
	[tilespmem:$0x17480] =	vst v63  }
0x3c5: {  	s28 =	sadd.s32 $0x5100, s29;
	s1 =	sadd.s32 s4, s24;
	s3 =	sand.u32 $0x1FFFFFF0, s25  }
0x3c6: {  	[tilespmem:s28], [sflag:$0x2] =	stream.linear.gather [hbm4b:s1+s22], $0x80, $0x38;
	[tilespmem:$0x17480] =	vst v63  }
0x3c7: {  	s30 =	sadd.s32 $0xD100, s29;
	s9 =	simm.s32 $0x2;
	s31 =	sadd.s32 s5, s3  }
0x3c8: {  	[tilespmem:s30], [sflag:$0x3] =	stream.linear.gather [hbm4b:s31+s22], $0x80, $0x38;
	[tilespmem:$0x17480] =	vst v63  }
0x3c9: {  	_ =	swait.ge [sflag:s9], $0x80  }
0x3ca: {  	[sflag:s9] =	ssyncset.done $0x0  }
0x3cb: {  	s10 =	simm.s32 $0x3;
	[sflag:s9] =	ssyncadd.s32 $0xFFFFFF80  }
0x3cc: {  	_ =	swait.ge [sflag:s10], $0x80  }
0x3cd: {  	s0 =	simm.s32 $0x7F;
	[sflag:s10] =	ssyncset.done $0x0  }
.LBB2_20:
0x3ce: {  	p0 =	sne.s32 s0, $0x1;
	s0 =	sadd.s32 $0xFFFFFFFF, s0;
	[sflag:s10] =	ssyncadd.s32 $0xFFFFFF80  }
.Ltmp9:
0x3cf: {  	_ =	swait.ge [sflag:s9], $0x80;
	(pc) =	sbr.rel @p0 .LBB2_20-.Ltmp9, $4  }
0x3d0: {  	[sflag:s9] =	ssyncset.done $0x0  }
0x3d1: {  	[sflag:s9] =	ssyncadd.s32 $0xFFFFFF80  }
0x3d2: {  	_ =	swait.ge [sflag:s10], $0x80  }
0x3d3: {  	[sflag:s10] =	ssyncset.done $0x0  }
0x3d4: {  	[sflag:s10] =	ssyncadd.s32 $0xFFFFFF80;
	s0 =	simm.s32 $0x9A0  }
0x3d5: {  	v17 =	vld [tilespmem:s0+$0xFFFFFFE0]  }
0x3d6: {  	v18 =	vld [tilespmem:s0+$0xFFFFFFF0];
	_ =	sdelay $0x1  }
0x3d7: {  	v19 =	vld [tilespmem:s0+$0x0];
	_ =	sdelay $0x1  }
0x3d8: {  	v20 =	vld [tilespmem:s0+$0x10]  }
0x3d9: {  	s0 =	simm.s32 $0x89A0;
	v17 =	vmul.f32 v17, v13;
	v18 =	vmul.f32 v18, v14  }
0x3da: {  	v21 =	vld [tilespmem:s0+$0xFFFFFFE0]  }
0x3db: {  	v17 =	vadd.f32 v18, v17;
	v18 =	vmul.f32 v19, v11  }
0x3dc: {  	v19 =	vld [tilespmem:s0+$0xFFFFFFF0]  }
0x3dd: {  	v17 =	vadd.f32 v18, v17;
	v18 =	vmul.f32 v20, v9  }
0x3de: {  	v20 =	vld [tilespmem:s0+$0x0]  }
0x3df: {  	v17 =	vadd.f32 v18, v17;
	v18 =	vmul.f32 v21, v10  }
0x3e0: {  	v63 =	vld [tilespmem:s0+$0x10]  }
0x3e1: {  	v17 =	vadd.f32 v18, v17;
	v18 =	vmul.f32 v19, v12;
	_ =	sdelay $0x1  }
0x3e2: {  	v17 =	vadd.f32 v18, v17;
	v18 =	vmul.f32 v20, v15;
	_ =	sdelay $0x1  }
0x3e3: {  	v17 =	vadd.f32 v18, v17;
	v18 =	vmul.f32 v63, v16;
	_ =	sdelay $0x1  }
0x3e4: {  	s1 =	simm.s32 $0x0;
	v17 =	vadd.f32 v18, v17  }
0x3e5: {  	s1 =	sand.u32 $0x7F0, s1  }
0x3e6: {  	s3 =	simm.s32 $0xA20;
	[tilespmem:s1+$0x16280] =	vst v17  }
0x3e7: {  	v17 =	vld [tilespmem:s3+$0xFFFFFFE0]  }
0x3e8: {  	s6 =	simm.s32 $0x20;
	s8 =	simm.s32 $0x800;
	s1 =	simm.s32 $0x10;
	v18 =	vld [tilespmem:s3+$0xFFFFFFF0]  }
.LBB2_22:
0x3e9: {  	p0 =	sne.s32 s6, $0x7F0  }
0x3ea: {  	v19 =	vld [tilespmem:s3+$0x0];
	_ =	sdelay $0x1  }
0x3eb: {  	v20 =	vld [tilespmem:s3+$0x10]  }
0x3ec: {  	s0 =	sadd.s32 $0x80, s0;
	v17 =	vmul.f32 v17, v13;
	v18 =	vmul.f32 v18, v14  }
0x3ed: {  	v21 =	vld [tilespmem:s0+$0xFFFFFFE0]  }
0x3ee: {  	v17 =	vadd.f32 v18, v17;
	v18 =	vmul.f32 v19, v11  }
0x3ef: {  	v19 =	vld [tilespmem:s0+$0xFFFFFFF0]  }
0x3f0: {  	v17 =	vadd.f32 v18, v17;
	v18 =	vmul.f32 v20, v9  }
0x3f1: {  	v20 =	vld [tilespmem:s0+$0x0]  }
0x3f2: {  	v17 =	vadd.f32 v18, v17;
	v18 =	vmul.f32 v21, v10  }
0x3f3: {  	v21 =	vld [tilespmem:s0+$0x10]  }
0x3f4: {  	v17 =	vadd.f32 v18, v17;
	v18 =	vmul.f32 v19, v12;
	_ =	sdelay $0x1  }
0x3f5: {  	v17 =	vadd.f32 v18, v17;
	v18 =	vmul.f32 v20, v15;
	_ =	sdelay $0x1  }
0x3f6: {  	v17 =	vadd.f32 v18, v17;
	v18 =	vmul.f32 v21, v16;
	_ =	sdelay $0x1  }
.Ltmp10:
0x3f7: {  	v17 =	vadd.f32 v18, v17;
	(pc) =	sbr.rel @p0 .LBB2_22-.Ltmp10, $4  }
0x3f8: {  	s7 =	sand.u32 $0x7F0, s1;
	s1 =	smov.u32 s6  }
0x3f9: {  	s3 =	sadd.s32 $0x80, s3;
	[tilespmem:s7+$0x16280] =	vst v17  }
0x3fa: {  	v17 =	vld [tilespmem:s3+$0xFFFFFFE0]  }
0x3fb: {  	s6 =	sadd.s32 $0x10, s6;
	v18 =	vld [tilespmem:s3+$0xFFFFFFF0]  }
0x3fc: {  	_ = 	snop  }
0x3fd: {  	v19 =	vld [tilespmem:s3+$0x0];
	_ =	sdelay $0x1  }
0x3fe: {  	v20 =	vld [tilespmem:s3+$0x10]  }
0x3ff: {  	s0 =	sadd.s32 $0x80, s0;
	v17 =	vmul.f32 v17, v13;
	v18 =	vmul.f32 v18, v14  }
0x400: {  	v21 =	vld [tilespmem:s0+$0xFFFFFFE0]  }
0x401: {  	v17 =	vadd.f32 v18, v17;
	v18 =	vmul.f32 v19, v11  }
0x402: {  	v19 =	vld [tilespmem:s0+$0xFFFFFFF0]  }
0x403: {  	v17 =	vadd.f32 v18, v17;
	v18 =	vmul.f32 v20, v9  }
0x404: {  	v62 =	vld [tilespmem:s0+$0x0]  }
0x405: {  	v17 =	vadd.f32 v18, v17;
	v18 =	vmul.f32 v21, v10  }
0x406: {  	v63 =	vld [tilespmem:s0+$0x10]  }
0x407: {  	v17 =	vadd.f32 v18, v17;
	v18 =	vmul.f32 v19, v12;
	_ =	sdelay $0x1  }
0x408: {  	v17 =	vadd.f32 v18, v17;
	v18 =	vmul.f32 v62, v15;
	_ =	sdelay $0x1  }
0x409: {  	v17 =	vadd.f32 v18, v17;
	v18 =	vmul.f32 v63, v16;
	_ =	sdelay $0x1  }
0x40a: {  	v17 =	vadd.f32 v18, v17  }
0x40b: {  	s31 =	sand.u32 $0x7F0, s1  }
0x40c: {  	[tilespmem:s31+$0x16280] =	vst v17  }
0x40d: {  	_ =	swait.ge [sflag:s9], $0x80  }
0x40e: {  	[sflag:s9] =	ssyncset.done $0x0  }
0x40f: {  	[sflag:s9] =	ssyncadd.s32 $0xFFFFFF80  }
0x410: {  	_ =	swait.ge [sflag:s10], $0x80  }
0x411: {  	s0 =	simm.s32 $0x7F;
	[sflag:s10] =	ssyncset.done $0x0  }
.LBB2_24:
0x412: {  	p0 =	sne.s32 s0, $0x1;
	s0 =	sadd.s32 $0xFFFFFFFF, s0;
	[sflag:s10] =	ssyncadd.s32 $0xFFFFFF80  }
.Ltmp11:
0x413: {  	_ =	swait.ge [sflag:s9], $0x80;
	(pc) =	sbr.rel @p0 .LBB2_24-.Ltmp11, $4  }
0x414: {  	[sflag:s9] =	ssyncset.done $0x0  }
0x415: {  	[sflag:s9] =	ssyncadd.s32 $0xFFFFFF80  }
0x416: {  	_ =	swait.ge [sflag:s10], $0x80  }
0x417: {  	[sflag:s10] =	ssyncset.done $0x0  }
0x418: {  	[sflag:s10] =	ssyncadd.s32 $0xFFFFFF80;
	s0 =	simm.s32 $0x49A0  }
0x419: {  	v17 =	vld [tilespmem:s0+$0xFFFFFFE0]  }
0x41a: {  	v18 =	vld [tilespmem:s0+$0xFFFFFFF0];
	_ =	sdelay $0x1  }
0x41b: {  	v19 =	vld [tilespmem:s0+$0x0];
	_ =	sdelay $0x1  }
0x41c: {  	v20 =	vld [tilespmem:s0+$0x10]  }
0x41d: {  	s0 =	simm.s32 $0xC9A0;
	v17 =	vmul.f32 v17, v13;
	v18 =	vmul.f32 v18, v14  }
0x41e: {  	v21 =	vld [tilespmem:s0+$0xFFFFFFE0]  }
0x41f: {  	v17 =	vadd.f32 v18, v17;
	v18 =	vmul.f32 v19, v11  }
0x420: {  	v19 =	vld [tilespmem:s0+$0xFFFFFFF0]  }
0x421: {  	v17 =	vadd.f32 v18, v17;
	v18 =	vmul.f32 v20, v9  }
0x422: {  	v20 =	vld [tilespmem:s0+$0x0]  }
0x423: {  	v17 =	vadd.f32 v18, v17;
	v18 =	vmul.f32 v21, v10  }
0x424: {  	v63 =	vld [tilespmem:s0+$0x10]  }
0x425: {  	v17 =	vadd.f32 v18, v17;
	v18 =	vmul.f32 v19, v12;
	_ =	sdelay $0x1  }
0x426: {  	v17 =	vadd.f32 v18, v17;
	v18 =	vmul.f32 v20, v15;
	_ =	sdelay $0x1  }
0x427: {  	v17 =	vadd.f32 v18, v17;
	v18 =	vmul.f32 v63, v16;
	_ =	sdelay $0x1  }
0x428: {  	s1 =	simm.s32 $0x0;
	v17 =	vadd.f32 v18, v17  }
0x429: {  	s1 =	sand.u32 $0x7F0, s1  }
0x42a: {  	s3 =	simm.s32 $0x4A20;
	[tilespmem:s1+$0x16A80] =	vst v17  }
0x42b: {  	v17 =	vld [tilespmem:s3+$0xFFFFFFE0]  }
0x42c: {  	s6 =	simm.s32 $0x20;
	s1 =	simm.s32 $0x10;
	v18 =	vld [tilespmem:s3+$0xFFFFFFF0]  }
.LBB2_26:
0x42d: {  	p0 =	sne.s32 s6, $0x7F0  }
0x42e: {  	v19 =	vld [tilespmem:s3+$0x0];
	_ =	sdelay $0x1  }
0x42f: {  	v20 =	vld [tilespmem:s3+$0x10]  }
0x430: {  	s0 =	sadd.s32 $0x80, s0;
	v17 =	vmul.f32 v17, v13;
	v18 =	vmul.f32 v18, v14  }
0x431: {  	v21 =	vld [tilespmem:s0+$0xFFFFFFE0]  }
0x432: {  	v17 =	vadd.f32 v18, v17;
	v18 =	vmul.f32 v19, v11  }
0x433: {  	v19 =	vld [tilespmem:s0+$0xFFFFFFF0]  }
0x434: {  	v17 =	vadd.f32 v18, v17;
	v18 =	vmul.f32 v20, v9  }
0x435: {  	v20 =	vld [tilespmem:s0+$0x0]  }
0x436: {  	v17 =	vadd.f32 v18, v17;
	v18 =	vmul.f32 v21, v10  }
0x437: {  	v21 =	vld [tilespmem:s0+$0x10]  }
0x438: {  	v17 =	vadd.f32 v18, v17;
	v18 =	vmul.f32 v19, v12;
	_ =	sdelay $0x1  }
0x439: {  	v17 =	vadd.f32 v18, v17;
	v18 =	vmul.f32 v20, v15;
	_ =	sdelay $0x1  }
0x43a: {  	v17 =	vadd.f32 v18, v17;
	v18 =	vmul.f32 v21, v16;
	_ =	sdelay $0x1  }
.Ltmp12:
0x43b: {  	v17 =	vadd.f32 v18, v17;
	(pc) =	sbr.rel @p0 .LBB2_26-.Ltmp12, $4  }
0x43c: {  	s7 =	sand.u32 $0x7F0, s1;
	s1 =	smov.u32 s6  }
0x43d: {  	s3 =	sadd.s32 $0x80, s3;
	[tilespmem:s7+$0x16A80] =	vst v17  }
0x43e: {  	v17 =	vld [tilespmem:s3+$0xFFFFFFE0]  }
0x43f: {  	s6 =	sadd.s32 $0x10, s6;
	v18 =	vld [tilespmem:s3+$0xFFFFFFF0]  }
0x440: {  	_ = 	snop  }
0x441: {  	v19 =	vld [tilespmem:s3+$0x0];
	_ =	sdelay $0x1  }
0x442: {  	v20 =	vld [tilespmem:s3+$0x10]  }
0x443: {  	s0 =	sadd.s32 $0x80, s0;
	v13 =	vmul.f32 v17, v13;
	v14 =	vmul.f32 v18, v14  }
0x444: {  	v46 =	vld [tilespmem:s0+$0xFFFFFFE0]  }
0x445: {  	v11 =	vmul.f32 v19, v11;
	v13 =	vadd.f32 v14, v13  }
0x446: {  	v47 =	vld [tilespmem:s0+$0xFFFFFFF0]  }
0x447: {  	v9 =	vmul.f32 v20, v9;
	v11 =	vadd.f32 v11, v13  }
0x448: {  	v48 =	vld [tilespmem:s0+$0x0]  }
0x449: {  	v10 =	vmul.f32 v46, v10;
	v9 =	vadd.f32 v9, v11  }
0x44a: {  	v11 =	vld [tilespmem:s0+$0x10]  }
0x44b: {  	v9 =	vadd.f32 v10, v9;
	v10 =	vmul.f32 v47, v12;
	_ =	sdelay $0x1  }
0x44c: {  	s26 =	simm.s32 $0x0;
	v9 =	vadd.f32 v10, v9;
	v10 =	vmul.f32 v48, v15  }
0x44d: {  	v49 =	vmov s26  }
0x44e: {  	v9 =	vadd.f32 v10, v9;
	v10 =	vmul.f32 v11, v16;
	v11 =	vshll.u32 v49, $0x4  }
0x44f: {  	v11 =	vor.u32 v8, v11  }
0x450: {  	v9 =	vadd.f32 v10, v9  }
0x451: {  	s28 =	sand.u32 $0x7F0, s1;
	v10 =	vor.u32 $0x1, v11  }
0x452: {  	[tilespmem:s28+$0x16A80] =	vst v9  }
0x453: {  	s7 =	simm.s32 $0x15280;
	v50 =	vor.u32 $0x2, v11;
	v9 =	vld.idx.msk [tilespmem:v7+s8+$0x0], $0xffff  }
0x454: {  	v51 =	vld.idx.msk [tilespmem:v11+s7+$0x0], $0xffff  }
0x455: {  	v52 =	vor.u32 $0x3, v11  }
0x456: {  	v10 =	vld.idx.msk [tilespmem:v10+s7+$0x0], $0xffff  }
0x457: {  	v53 =	vor.u32 $0x4, v11  }
0x458: {  	v12 =	vld.idx.msk [tilespmem:v50+s7+$0x0], $0xffff  }
0x459: {  	v54 =	vor.u32 $0x5, v11;
	v13 =	vadd.f32 v51, v9  }
0x45a: {  	v14 =	vld.idx.msk [tilespmem:v52+s7+$0x0], $0xffff  }
0x45b: {  	v55 =	vor.u32 $0x6, v11;
	v10 =	vadd.f32 v10, v13  }
0x45c: {  	v56 =	vld.idx.msk [tilespmem:v53+s7+$0x0], $0xffff  }
0x45d: {  	v57 =	vor.u32 $0x7, v11;
	v10 =	vadd.f32 v12, v10  }
0x45e: {  	v58 =	vld.idx.msk [tilespmem:v54+s7+$0x0], $0xffff  }
0x45f: {  	v59 =	vor.u32 $0x8, v11;
	v10 =	vadd.f32 v14, v10  }
0x460: {  	v60 =	vld.idx.msk [tilespmem:v55+s7+$0x0], $0xffff  }
0x461: {  	v61 =	vor.u32 $0x9, v11;
	v10 =	vadd.f32 v56, v10  }
0x462: {  	v62 =	vld.idx.msk [tilespmem:v57+s7+$0x0], $0xffff  }
0x463: {  	v63 =	vor.u32 $0xA, v11;
	v10 =	vadd.f32 v58, v10  }
0x464: {  	v20 =	vld.idx.msk [tilespmem:v59+s7+$0x0], $0xffff  }
0x465: {  	v21 =	vor.u32 $0xB, v11;
	v10 =	vadd.f32 v60, v10  }
0x466: {  	v22 =	vld.idx.msk [tilespmem:v61+s7+$0x0], $0xffff  }
0x467: {  	v23 =	vor.u32 $0xC, v11;
	v10 =	vadd.f32 v62, v10  }
0x468: {  	v24 =	vld.idx.msk [tilespmem:v63+s7+$0x0], $0xffff  }
0x469: {  	v25 =	vor.u32 $0xD, v11;
	v10 =	vadd.f32 v20, v10  }
0x46a: {  	s29 =	simm.s32 $0x400;
	v26 =	vld.idx.msk [tilespmem:v21+s7+$0x0], $0xffff  }
0x46b: {  	v27 =	vor.u32 $0xE, v11;
	v28 =	vld [tilespmem:s29+$0x0];
	v10 =	vadd.f32 v22, v10  }
0x46c: {  	s30 =	simm.s32 $0x600;
	v29 =	vld.idx.msk [tilespmem:v23+s7+$0x0], $0xffff  }
0x46d: {  	v30 =	vld [tilespmem:s30+$0x0];
	v11 =	vor.u32 $0xF, v11;
	v10 =	vadd.f32 v24, v10  }
0x46e: {  	v31 =	vld.idx.msk [tilespmem:v25+s7+$0x0], $0xffff  }
0x46f: {  	v10 =	vadd.f32 v26, v10  }
0x470: {  	v32 =	vld.idx.msk [tilespmem:v27+s7+$0x0], $0xffff  }
0x471: {  	v10 =	vadd.f32 v29, v10  }
0x472: {  	v11 =	vld.idx.msk [tilespmem:v11+s7+$0x0], $0xffff  }
0x473: {  	s9 =	simm.s32 $0x15180;
	v10 =	vadd.f32 v31, v10  }
0x474: {  	v33 =	vld.idx.msk [tilespmem:v28+s9+$0x0], $0xffff  }
0x475: {  	s10 =	simm.s32 $0x15200;
	v10 =	vadd.f32 v32, v10  }
0x476: {  	v34 =	vld.idx.msk [tilespmem:v30+s10+$0x0], $0xffff  }
0x477: {  	v10 =	vadd.f32 v11, v10;
	_ =	sdelay $0x1  }
0x478: {  	v10 =	vadd.f32 v33, v10;
	_ =	sdelay $0x1  }
0x479: {  	v10 =	vadd.f32 v34, v10;
	_ =	sdelay $0x1  }
0x47a: {  	v10 =	vsub.f32 $0.0e+00, v10;
	_ =	sdelay $0x1  }
0x47b: {  	v10 =	vmul.f32 $1.442695020e+00, v10;
	_ =	sdelay $0x1  }
0x47c: {  	(erf) = vpow2.f32 v10;
	_ =	sdelay $0x8  }
0x47d: {  	v10 =	vpop (erf)  }
0x47e: {  	v10 =	vadd.f32 $1.000000000e+00, v10;
	_ =	sdelay $0x1  }
0x47f: {  	(erf) = vrcp.f32 v10;
	_ =	sdelay $0x2  }
0x480: {  	s31 =	simm.s32 $0x10  }
0x481: {  	v10 =	vmov s31  }
0x482: {  	v10 =	vshll.u32 v10, $0x4  }
0x483: {  	v10 =	vor.u32 v8, v10;
	_ =	sdelay $0x1  }
0x484: {  	v11 =	vor.u32 $0x1, v10  }
0x485: {  	s0 =	simm.s32 $0x17280;
	v35 =	vpop (erf)  }
0x486: {  	v36 =	vor.u32 $0x2, v10;
	[tilespmem:s0+$0x0] =	vst v35  }
0x487: {  	v12 =	vld.idx.msk [tilespmem:v10+s7+$0x0], $0xffff  }
0x488: {  	v37 =	vor.u32 $0x3, v10  }
0x489: {  	v11 =	vld.idx.msk [tilespmem:v11+s7+$0x0], $0xffff  }
0x48a: {  	v38 =	vor.u32 $0x4, v10  }
0x48b: {  	v13 =	vld.idx.msk [tilespmem:v36+s7+$0x0], $0xffff  }
0x48c: {  	v39 =	vor.u32 $0x5, v10;
	v12 =	vadd.f32 v12, v9  }
0x48d: {  	v14 =	vld.idx.msk [tilespmem:v37+s7+$0x0], $0xffff  }
0x48e: {  	v40 =	vor.u32 $0x6, v10;
	v11 =	vadd.f32 v11, v12  }
0x48f: {  	v41 =	vld.idx.msk [tilespmem:v38+s7+$0x0], $0xffff  }
0x490: {  	v42 =	vor.u32 $0x7, v10;
	v11 =	vadd.f32 v13, v11  }
0x491: {  	v43 =	vld.idx.msk [tilespmem:v39+s7+$0x0], $0xffff  }
0x492: {  	v44 =	vor.u32 $0x8, v10;
	v11 =	vadd.f32 v14, v11  }
0x493: {  	v45 =	vld.idx.msk [tilespmem:v40+s7+$0x0], $0xffff  }
0x494: {  	v46 =	vor.u32 $0x9, v10;
	v11 =	vadd.f32 v41, v11  }
0x495: {  	v47 =	vld.idx.msk [tilespmem:v42+s7+$0x0], $0xffff  }
0x496: {  	v48 =	vor.u32 $0xA, v10;
	v11 =	vadd.f32 v43, v11  }
0x497: {  	v49 =	vld.idx.msk [tilespmem:v44+s7+$0x0], $0xffff  }
0x498: {  	v50 =	vor.u32 $0xB, v10;
	v11 =	vadd.f32 v45, v11  }
0x499: {  	v51 =	vld.idx.msk [tilespmem:v46+s7+$0x0], $0xffff  }
0x49a: {  	v52 =	vor.u32 $0xC, v10;
	v11 =	vadd.f32 v47, v11  }
0x49b: {  	v53 =	vld.idx.msk [tilespmem:v48+s7+$0x0], $0xffff  }
0x49c: {  	v54 =	vor.u32 $0xD, v10;
	v11 =	vadd.f32 v49, v11  }
0x49d: {  	s1 =	simm.s32 $0x410;
	v55 =	vld.idx.msk [tilespmem:v50+s7+$0x0], $0xffff  }
0x49e: {  	v56 =	vor.u32 $0xE, v10;
	v57 =	vld [tilespmem:s1+$0x0];
	v11 =	vadd.f32 v51, v11  }
0x49f: {  	s3 =	simm.s32 $0x610;
	v58 =	vld.idx.msk [tilespmem:v52+s7+$0x0], $0xffff  }
0x4a0: {  	v10 =	vor.u32 $0xF, v10;
	v59 =	vld [tilespmem:s3+$0x0];
	v11 =	vadd.f32 v53, v11  }
0x4a1: {  	v60 =	vld.idx.msk [tilespmem:v54+s7+$0x0], $0xffff  }
0x4a2: {  	v11 =	vadd.f32 v55, v11  }
0x4a3: {  	v61 =	vld.idx.msk [tilespmem:v56+s7+$0x0], $0xffff  }
0x4a4: {  	v11 =	vadd.f32 v58, v11  }
0x4a5: {  	v10 =	vld.idx.msk [tilespmem:v10+s7+$0x0], $0xffff  }
0x4a6: {  	v11 =	vadd.f32 v60, v11  }
0x4a7: {  	v62 =	vld.idx.msk [tilespmem:v57+s9+$0x0], $0xffff  }
0x4a8: {  	v11 =	vadd.f32 v61, v11  }
0x4a9: {  	v63 =	vld.idx.msk [tilespmem:v59+s10+$0x0], $0xffff  }
0x4aa: {  	v10 =	vadd.f32 v10, v11;
	_ =	sdelay $0x1  }
0x4ab: {  	v10 =	vadd.f32 v62, v10;
	_ =	sdelay $0x1  }
0x4ac: {  	v10 =	vadd.f32 v63, v10;
	_ =	sdelay $0x1  }
0x4ad: {  	v10 =	vsub.f32 $0.0e+00, v10;
	_ =	sdelay $0x1  }
0x4ae: {  	v10 =	vmul.f32 $1.442695020e+00, v10;
	_ =	sdelay $0x1  }
0x4af: {  	(erf) = vpow2.f32 v10;
	_ =	sdelay $0x8  }
0x4b0: {  	v10 =	vpop (erf)  }
0x4b1: {  	v10 =	vadd.f32 $1.000000000e+00, v10;
	_ =	sdelay $0x1  }
0x4b2: {  	(erf) = vrcp.f32 v10;
	_ =	sdelay $0x2  }
0x4b3: {  	s6 =	simm.s32 $0x20  }
0x4b4: {  	v10 =	vmov s6;
	s6 =	simm.s32 $0x30  }
.LBB2_28:
0x4b5: {  	p0 =	sne.s32 s6, $0x1F0;
	v10 =	vshll.u32 v10, $0x4  }
0x4b6: {  	v10 =	vor.u32 v8, v10;
	_ =	sdelay $0x1  }
0x4b7: {  	v11 =	vor.u32 $0x1, v10  }
0x4b8: {  	s0 =	sadd.s32 $0x10, s0;
	v12 =	vpop (erf)  }
0x4b9: {  	v13 =	vor.u32 $0x2, v10;
	[tilespmem:s0+$0x0] =	vst v12  }
0x4ba: {  	v12 =	vld.idx.msk [tilespmem:v10+s7+$0x0], $0xffff  }
0x4bb: {  	v14 =	vor.u32 $0x3, v10  }
0x4bc: {  	v11 =	vld.idx.msk [tilespmem:v11+s7+$0x0], $0xffff  }
0x4bd: {  	v15 =	vor.u32 $0x4, v10  }
0x4be: {  	v13 =	vld.idx.msk [tilespmem:v13+s7+$0x0], $0xffff  }
0x4bf: {  	v16 =	vor.u32 $0x5, v10  }
0x4c0: {  	v12 =	vadd.f32 v12, v9;
	v14 =	vld.idx.msk [tilespmem:v14+s7+$0x0], $0xffff  }
0x4c1: {  	v17 =	vor.u32 $0x6, v10  }
0x4c2: {  	v11 =	vadd.f32 v11, v12;
	v12 =	vld.idx.msk [tilespmem:v15+s7+$0x0], $0xffff  }
0x4c3: {  	v15 =	vor.u32 $0x7, v10  }
0x4c4: {  	v11 =	vadd.f32 v13, v11;
	v13 =	vld.idx.msk [tilespmem:v16+s7+$0x0], $0xffff  }
0x4c5: {  	v16 =	vor.u32 $0x8, v10  }
0x4c6: {  	v11 =	vadd.f32 v14, v11;
	v14 =	vld.idx.msk [tilespmem:v17+s7+$0x0], $0xffff  }
0x4c7: {  	v17 =	vor.u32 $0x9, v10  }
0x4c8: {  	v11 =	vadd.f32 v12, v11;
	v12 =	vld.idx.msk [tilespmem:v15+s7+$0x0], $0xffff  }
0x4c9: {  	v15 =	vor.u32 $0xA, v10  }
0x4ca: {  	v11 =	vadd.f32 v13, v11;
	v13 =	vld.idx.msk [tilespmem:v16+s7+$0x0], $0xffff  }
0x4cb: {  	v16 =	vor.u32 $0xB, v10  }
0x4cc: {  	v11 =	vadd.f32 v14, v11;
	v14 =	vld.idx.msk [tilespmem:v17+s7+$0x0], $0xffff  }
0x4cd: {  	v17 =	vor.u32 $0xC, v10  }
0x4ce: {  	v11 =	vadd.f32 v12, v11;
	v12 =	vld.idx.msk [tilespmem:v15+s7+$0x0], $0xffff  }
0x4cf: {  	v15 =	vor.u32 $0xD, v10  }
0x4d0: {  	s1 =	sadd.s32 $0x10, s1;
	v11 =	vadd.f32 v13, v11;
	v13 =	vld.idx.msk [tilespmem:v16+s7+$0x0], $0xffff  }
0x4d1: {  	v16 =	vor.u32 $0xE, v10;
	v18 =	vld [tilespmem:s1+$0x0]  }
0x4d2: {  	s3 =	sadd.s32 $0x10, s3;
	v11 =	vadd.f32 v14, v11;
	v14 =	vld.idx.msk [tilespmem:v17+s7+$0x0], $0xffff  }
0x4d3: {  	v10 =	vor.u32 $0xF, v10;
	v17 =	vld [tilespmem:s3+$0x0]  }
0x4d4: {  	v11 =	vadd.f32 v12, v11;
	v12 =	vld.idx.msk [tilespmem:v15+s7+$0x0], $0xffff;
	_ =	sdelay $0x1  }
0x4d5: {  	v11 =	vadd.f32 v13, v11;
	v13 =	vld.idx.msk [tilespmem:v16+s7+$0x0], $0xffff;
	_ =	sdelay $0x1  }
0x4d6: {  	v11 =	vadd.f32 v14, v11;
	v10 =	vld.idx.msk [tilespmem:v10+s7+$0x0], $0xffff;
	_ =	sdelay $0x1  }
0x4d7: {  	v11 =	vadd.f32 v12, v11;
	v12 =	vld.idx.msk [tilespmem:v18+s9+$0x0], $0xffff;
	_ =	sdelay $0x1  }
0x4d8: {  	v11 =	vadd.f32 v13, v11;
	v13 =	vld.idx.msk [tilespmem:v17+s10+$0x0], $0xffff;
	_ =	sdelay $0x1  }
0x4d9: {  	v10 =	vadd.f32 v10, v11;
	_ =	sdelay $0x1  }
0x4da: {  	v10 =	vadd.f32 v12, v10;
	_ =	sdelay $0x1  }
0x4db: {  	v10 =	vadd.f32 v13, v10;
	_ =	sdelay $0x1  }
0x4dc: {  	v10 =	vsub.f32 $0.0e+00, v10;
	_ =	sdelay $0x1  }
0x4dd: {  	v10 =	vmul.f32 $1.442695020e+00, v10;
	_ =	sdelay $0x1  }
0x4de: {  	(erf) = vpow2.f32 v10;
	_ =	sdelay $0x8  }
0x4df: {  	v10 =	vpop (erf)  }
0x4e0: {  	v10 =	vadd.f32 $1.000000000e+00, v10;
	_ =	sdelay $0x1  }
.Ltmp13:
0x4e1: {  	(erf) = vrcp.f32 v10;
	(pc) =	sbr.rel @p0 .LBB2_28-.Ltmp13, $2  }
0x4e2: {  	_ =	sdelay $0x2  }
0x4e3: {  	v10 =	vmov s6;
	s6 =	sadd.s32 $0x10, s6  }
0x4e4: {  	v10 =	vshll.u32 v10, $0x4  }
0x4e5: {  	v10 =	vor.u32 v8, v10;
	_ =	sdelay $0x1  }
0x4e6: {  	v11 =	vor.u32 $0x1, v10  }
0x4e7: {  	s0 =	sadd.s32 $0x10, s0;
	v12 =	vpop (erf)  }
0x4e8: {  	v13 =	vor.u32 $0x2, v10;
	[tilespmem:s0+$0x0] =	vst v12  }
0x4e9: {  	v12 =	vld.idx.msk [tilespmem:v10+s7+$0x0], $0xffff  }
0x4ea: {  	v14 =	vor.u32 $0x3, v10  }
0x4eb: {  	v11 =	vld.idx.msk [tilespmem:v11+s7+$0x0], $0xffff  }
0x4ec: {  	v15 =	vor.u32 $0x4, v10  }
0x4ed: {  	v13 =	vld.idx.msk [tilespmem:v13+s7+$0x0], $0xffff  }
0x4ee: {  	v16 =	vor.u32 $0x5, v10;
	v9 =	vadd.f32 v12, v9  }
0x4ef: {  	v45 =	vld.idx.msk [tilespmem:v14+s7+$0x0], $0xffff  }
0x4f0: {  	v46 =	vor.u32 $0x6, v10;
	v9 =	vadd.f32 v11, v9  }
0x4f1: {  	v11 =	vld.idx.msk [tilespmem:v15+s7+$0x0], $0xffff  }
0x4f2: {  	v47 =	vor.u32 $0x7, v10;
	v9 =	vadd.f32 v13, v9  }
0x4f3: {  	v48 =	vld.idx.msk [tilespmem:v16+s7+$0x0], $0xffff  }
0x4f4: {  	v49 =	vor.u32 $0x8, v10;
	v9 =	vadd.f32 v45, v9  }
0x4f5: {  	v50 =	vld.idx.msk [tilespmem:v46+s7+$0x0], $0xffff  }
0x4f6: {  	v51 =	vor.u32 $0x9, v10;
	v9 =	vadd.f32 v11, v9  }
0x4f7: {  	v11 =	vld.idx.msk [tilespmem:v47+s7+$0x0], $0xffff  }
0x4f8: {  	v52 =	vor.u32 $0xA, v10;
	v9 =	vadd.f32 v48, v9  }
0x4f9: {  	v53 =	vld.idx.msk [tilespmem:v49+s7+$0x0], $0xffff  }
0x4fa: {  	v54 =	vor.u32 $0xB, v10;
	v9 =	vadd.f32 v50, v9  }
0x4fb: {  	v55 =	vld.idx.msk [tilespmem:v51+s7+$0x0], $0xffff  }
0x4fc: {  	v56 =	vor.u32 $0xC, v10;
	v9 =	vadd.f32 v11, v9  }
0x4fd: {  	v11 =	vld.idx.msk [tilespmem:v52+s7+$0x0], $0xffff  }
0x4fe: {  	v57 =	vor.u32 $0xD, v10;
	v9 =	vadd.f32 v53, v9  }
0x4ff: {  	s1 =	sadd.s32 $0x10, s1;
	v58 =	vld.idx.msk [tilespmem:v54+s7+$0x0], $0xffff  }
0x500: {  	v59 =	vor.u32 $0xE, v10;
	v17 =	vld [tilespmem:s1+$0x0];
	v9 =	vadd.f32 v55, v9  }
0x501: {  	s26 =	sadd.s32 $0x10, s3;
	v60 =	vld.idx.msk [tilespmem:v56+s7+$0x0], $0xffff  }
0x502: {  	v10 =	vor.u32 $0xF, v10;
	v61 =	vld [tilespmem:s26+$0x0];
	v9 =	vadd.f32 v11, v9  }
0x503: {  	v11 =	vld.idx.msk [tilespmem:v57+s7+$0x0], $0xffff  }
0x504: {  	v9 =	vadd.f32 v58, v9  }
0x505: {  	v62 =	vld.idx.msk [tilespmem:v59+s7+$0x0], $0xffff  }
0x506: {  	v9 =	vadd.f32 v60, v9  }
0x507: {  	v10 =	vld.idx.msk [tilespmem:v10+s7+$0x0], $0xffff  }
0x508: {  	v9 =	vadd.f32 v11, v9  }
0x509: {  	v11 =	vld.idx.msk [tilespmem:v17+s9+$0x0], $0xffff  }
0x50a: {  	v9 =	vadd.f32 v62, v9  }
0x50b: {  	v63 =	vld.idx.msk [tilespmem:v61+s10+$0x0], $0xffff  }
0x50c: {  	v9 =	vadd.f32 v10, v9;
	_ =	sdelay $0x1  }
0x50d: {  	v9 =	vadd.f32 v11, v9;
	_ =	sdelay $0x1  }
0x50e: {  	v9 =	vadd.f32 v63, v9;
	_ =	sdelay $0x1  }
0x50f: {  	v9 =	vsub.f32 $0.0e+00, v9;
	_ =	sdelay $0x1  }
0x510: {  	v9 =	vmul.f32 $1.442695020e+00, v9;
	_ =	sdelay $0x1  }
0x511: {  	(erf) = vpow2.f32 v9;
	_ =	sdelay $0x8  }
0x512: {  	v9 =	vpop (erf)  }
0x513: {  	v9 =	vadd.f32 $1.000000000e+00, v9;
	_ =	sdelay $0x1  }
0x514: {  	(erf) = vrcp.f32 v9;
	_ =	sdelay $0x7  }
0x515: {  	s28 =	sld [smem:$0x7FC]  }
0x516: {  	s0 =	sadd.s32 $0x10, s0;
	v9 =	vpop (erf)  }
0x517: {  	s29 =	simm.s32 $0x17280;
	s6 =	simm.s32 $0x4;
	[tilespmem:s0+$0x0] =	vst v9  }
0x518: {  	[hbm4b:s28+s22] =	stream.linear.scatter [tilespmem:s29], [sflag:$0x4], $0x200, $0x38;
	[tilespmem:$0x17480] =	vst v63  }
0x519: {  	_ =	swait.ge [sflag:s6], $0x200  }
0x51a: {  	s30 =	sld [smem:$0x7F5]  }
0x51b: {  	s31 =	sld [smem:$0x7FD];
	_ =	sdelay $0x1  }
0x51c: {  	s7 =	sadd.s32 $0x1, s30  }
0x51d: {  	p0 =	sne.s32 s7, s31  }
.Ltmp14:
0x51e: {  	_ = 	snop;
	(pc) =	sbr.rel @p0 .LBB2_1-.Ltmp14, $3  }
0x51f: {  	_ =	sdelay $0x1  }
0x520: {  	[sflag:s6] =	ssyncset.done $0x0  }
0x521: {  	s3 =	simm.s32 $0x14180;
	s1 =	simm.s32 $0x10980;
	[sflag:s6] =	ssyncadd.s32 $0xFFFFFE00  }
0x522: {  	_ =	sfence.sel $0x180000  }
0x523: {  	[bflag:$0x0] =	sbarrier.arrive $0xFFFF  }
0x524: {  	_ =	strace $0x90000047  }
0x525: {  	s0 =	stileid.u32;
	[bflag:$0x2] =	sbarrier.arrive $0xFFFF  }
0x526: {  	p0 =	sne.s32 s0, $0x0;
	s0 =	rddreg [dreg:$0x7]  }
0x527: {  	s0 =	sadd.s32 @!p0 $0x100000, s0  }
0x528: {  	[sflag:s0] =	ssyncadd.tile.s32 @!p0 $0x1;
	_ =	shalt  }
.Lfunc_end2:
_tile_overlayer_lowered:
.L_overlay_start_2:
0x529: {  	(tag) =	ssettag $0x2  }
0x52a: {  	s0 =	rddreg [dreg:$0x0];
	s2 =	stileid.u32  }
0x52b: {  	s1 =	rddreg [dreg:$0x1];
	p0 =	sne.s32 s2, $0x0  }
0x52c: {  	s3 =	rddreg [dreg:$0x2];
	[bflag:$0x3] =	sbarrier.arrive $0xFFFF;
	s2 =	simm.s32 @!p0 $0x1C04  }
0x52d: {  	[timem:s3], [sflag:s2] =	dma.local @!p0 [hbm:s0], s1  }
0x52e: {  	s0 =	simm.s32 @!p0 $0x4  }
0x52f: {  	_ =	swait.ge @!p0 [sflag:s0], s1  }
0x530: {  	s1 =	ssub.s32 @!p0 $0x0, s1;
	[sflag:s0] =	ssyncset.done @!p0 $0x0  }
0x531: {  	[sflag:s0] =	ssyncadd.s32 @!p0 s1  }
0x532: {  	[bflag:$0x3] =	sbarrier.arrive $0xFFFF  }
0x533: {  	_ =	shalt  }

</sc_bundles>
